<compile_context>
chip_gen: v7x
topology: tpu7x:2x2x1
jax: 0.10.2.dev20260603
libtpu: 0.0.44.dev20260713+nightly
codegen_flags: <defaults>
</compile_context>

<pallas_src>
import functools

import jax
import jax.numpy as jnp
from jax import lax
from jax.experimental import pallas as pl
from jax.experimental.pallas import tpu as pltpu
from jax.experimental.pallas import tpu_sc as plsc

_N = 10000
_E = 320000
_D = 128

_NC = 2
_NS = 16
_NW = _NC * _NS
_GROUP = 128
_NGROUPS = _E // _GROUP
_RPT = 632
_NPAD = _NS * _RPT


def _sc_spmm(x, packed, w, zeros):
    mesh = plsc.VectorSubcoreMesh(core_axis_name="c", subcore_axis_name="s")

    @functools.partial(
        pl.kernel,
        mesh=mesh,
        out_type=jax.ShapeDtypeStruct((_NC, _NPAD, _D), jnp.float32),
        scratch_types=[
            pltpu.VMEM((2, _GROUP), jnp.int32),
            pltpu.VMEM((_GROUP,), jnp.float32),
            pltpu.VMEM((_GROUP, _D), jnp.float32),
            pltpu.VMEM_SHARED((_NPAD, _D), jnp.float32),
            pltpu.SemaphoreType.DMA,
        ],
    )
    def k(x_hbm, pk_hbm, w_hbm, z_hbm, out_hbm,
          pk_v, w_v, rows_v, acc_sh, sem):
        cid = lax.axis_index("c")
        sid = lax.axis_index("s")
        wid = sid * _NC + cid

        pltpu.sync_copy(z_hbm, acc_sh.at[pl.ds(sid * _RPT, _RPT)])
        plsc.subcore_barrier()

        n_mine = (_NGROUPS - wid + _NW - 1) // _NW

        def group_body(t, carry):
            g = wid + t * _NW
            pltpu.sync_copy(pk_hbm.at[g], pk_v)
            pltpu.sync_copy(w_hbm.at[pl.ds(g * _GROUP, _GROUP)], w_v)
            pltpu.async_copy(x_hbm.at[pk_v.at[0]], rows_v, sem).wait()

            def escale(s, c2):
                wv16 = w_v[pl.ds(s * 16, 16)]
                for j in range(16):
                    e = s * 16 + j
                    wv = jnp.full((16,), wv16[j], dtype=jnp.float32)
                    for dd in range(_D // 16):
                        sl = pl.ds(dd * 16, 16)
                        rows_v[e, sl] = rows_v[e, sl] * wv
                return c2

            lax.fori_loop(0, _GROUP // 16, escale, 0)
            pltpu.sync_copy(rows_v, acc_sh.at[pk_v.at[1]], add=True)
            return carry

        lax.fori_loop(0, n_mine, group_body, 0)
        plsc.subcore_barrier()
        pltpu.sync_copy(acc_sh.at[pl.ds(sid * _RPT, _RPT)],
                        out_hbm.at[cid, pl.ds(sid * _RPT, _RPT)])

    return k(x, packed, w, zeros)


def _add_body(a_ref, o_ref):
    o_ref[...] = a_ref[0] + a_ref[1]


def _combine(partials):
    blk = 1000
    return pl.pallas_call(
        _add_body,
        grid=(_N // blk,),
        in_specs=[pl.BlockSpec((_NC, blk, _D), lambda i: (0, i, 0))],
        out_specs=pl.BlockSpec((blk, _D), lambda i: (i, 0)),
        out_shape=jax.ShapeDtypeStruct((_N, _D), jnp.float32),
    )(partials)


def kernel(x, edge_index, edge_weight):
    packed = jnp.stack([
        edge_index[1].reshape(_NGROUPS, _GROUP),
        edge_index[0].reshape(_NGROUPS, _GROUP)],
        axis=1)
    zeros = jnp.zeros((_RPT, _D), jnp.float32)
    partials = _sc_spmm(x, packed, edge_weight, zeros)
    return _combine(partials)

# --- scband reference (transcript-rebuilt; emitter-appended) ---
"""Pipeline reference for scband-graph-convolution-82858509075200 (READ-ONLY COPY).

The authoritative reference and input builder live on the scoring server;
editing this copy changes nothing except your own understanding.
"""

import jax, jax.numpy as jnp
import numpy as np

N = 10000
E = 320000
D = 128


def setup_inputs(seed: int = 0) -> dict:
    key = jax.random.key(seed)
    k1, k2, k3 = jax.random.split(key, 3)
    x = jax.random.normal(k1, (N, D), dtype=jnp.float32)
    edge_index = jax.random.randint(k2, (2, E), 0, N, dtype=jnp.int32)
    edge_weight = jax.random.uniform(k3, (E,), dtype=jnp.float32)
    return {"x": x, "edge_index": edge_index, "edge_weight": edge_weight}


def reference(x, edge_index, edge_weight):
    # GraphConvolution.forward: outputs = torch_sparse.matmul(adj, x)
    # adj is a sparse [N, N] matrix in COO form: row = edge_index[0] (dst),
    # col = edge_index[1] (src), values = edge_weight.
    # dropout = 0.0 so the dropout branch is a no-op.
    row = edge_index[0]
    col = edge_index[1]
    msgs = jnp.take(x, col, axis=0) * edge_weight[:, None]
    out = jax.ops.segment_sum(msgs, row, num_segments=N)
    return out

if __name__ == "__main__":
    import jax
    _d = setup_inputs()
    print(jax.jit(kernel)(*tuple(_d.values())))

</pallas_src>

<mosaic_0001>
#map = affine_map<(d0, d1) -> (0, 0)>
#map1 = affine_map<(d0, d1) -> (0, 0, 0)>
#map2 = affine_map<(d0, d1) -> (0)>
module attributes {stable_mosaic.version = 14 : i64} {
  func.func @k(%arg0: i32, %arg1: i32, %arg2: memref<10000x128xf32, #tpu.memory_space<hbm>>, %arg3: memref<2500x2x128xi32, #tpu.memory_space<hbm>>, %arg4: memref<320000xf32, #tpu.memory_space<hbm>>, %arg5: memref<632x128xf32, #tpu.memory_space<hbm>>, %arg6: memref<2x10112x128xf32, #tpu.memory_space<hbm>>, %arg7: memref<2x128xi32, #tpu.memory_space<vmem>>, %arg8: memref<128xf32, #tpu.memory_space<vmem>>, %arg9: memref<128x128xf32, #tpu.memory_space<vmem>>, %arg10: memref<10112x128xf32, #tpu.memory_space<vmem_shared>>, %arg11: memref<!tpu.dma_semaphore, #tpu.memory_space<semaphore_mem>>) attributes {dimension_semantics = [#tpu.dimension_semantics<core_parallel>, #tpu.dimension_semantics<subcore_parallel>], iteration_bounds = array<i64: 2, 16>, scalar_prefetch = 0 : i64, scratch_operands = 5 : i64, tpu.core_type = #tpu.core_type<sc_vector_subcore>, window_params = [{transform_indices = #map}, {transform_indices = #map1}, {transform_indices = #map2}, {transform_indices = #map}, {transform_indices = #map1}]} {
    %mul3A = arith.constant 2 : i32
    %mul3A_0 = arith.muli %arg1, %mul3A : i32
    %add3A = arith.addi %mul3A_0, %arg0 : i32
    %mul3A_1 = arith.constant 632 : i32
    %mul3A_2 = arith.muli %arg1, %mul3A_1 : i32
    "tpu.region"() ({
      %run_scoped3A = tpu.sem_alloc : memref<!tpu.dma_semaphore, #tpu.memory_space<semaphore_mem>>
      %dma_start3A = arith.constant 0 : i32
      %dma_start3A_39 = tpu.memref_slice %arg10[%mul3A_2, %dma_start3A] : memref<10112x128xf32, #tpu.memory_space<vmem_shared>> -> memref<632x128xf32, #tpu.memory_space<vmem_shared>>
      tpu.enqueue_dma source(%arg5 : memref<632x128xf32, #tpu.memory_space<hbm>>) target(%dma_start3A_39 : memref<632x128xf32, #tpu.memory_space<vmem_shared>>) target_semaphore(%run_scoped3A : memref<!tpu.dma_semaphore, #tpu.memory_space<semaphore_mem>>)
      %dma_wait3A = arith.constant 0 : i32
      %dma_wait3A_40 = tpu.memref_slice %arg10[%mul3A_2, %dma_wait3A] : memref<10112x128xf32, #tpu.memory_space<vmem_shared>> -> memref<632x128xf32, #tpu.memory_space<vmem_shared>>
      tpu.wait_dma2 semaphore(%run_scoped3A : memref<!tpu.dma_semaphore, #tpu.memory_space<semaphore_mem>>) src(%arg5 : memref<632x128xf32, #tpu.memory_space<hbm>>) dst(%dma_wait3A_40 : memref<632x128xf32, #tpu.memory_space<vmem_shared>>)
      tpu.yield
    }) : () -> ()
    %barrier3A = arith.constant 0 : index
    tpu.barrier barrier_id(%barrier3A)
    %sub3A = arith.constant 2500 : i32
    %sub3A_3 = arith.subi %sub3A, %add3A : i32
    %add3A_4 = arith.constant 32 : i32
    %add3A_5 = arith.addi %sub3A_3, %add3A_4 : i32
    %sub3A_6 = arith.constant 1 : i32
    %sub3A_7 = arith.subi %add3A_5, %sub3A_6 : i32
    %jit3A = arith.constant 32 : i32
    %div3A = arith.divsi %sub3A_7, %jit3A : i32
    %sign3A = arith.constant 0 : i32
    %sign3A_8 = arith.cmpi sgt, %sub3A_7, %sign3A : i32
    %sign3A_9 = arith.extui %sign3A_8 : i1 to i32
    %sign3A_10 = arith.constant 0 : i32
    %sign3A_11 = arith.cmpi slt, %sub3A_7, %sign3A_10 : i32
    %sign3A_12 = arith.extui %sign3A_11 : i1 to i32
    %sign3A_13 = arith.subi %sign3A_9, %sign3A_12 : i32
    %sign3A_14 = arith.constant 0 : i32
    %sign3A_15 = arith.cmpi sgt, %jit3A, %sign3A_14 : i32
    %sign3A_16 = arith.extui %sign3A_15 : i1 to i32
    %sign3A_17 = arith.constant 0 : i32
    %sign3A_18 = arith.cmpi slt, %jit3A, %sign3A_17 : i32
    %sign3A_19 = arith.extui %sign3A_18 : i1 to i32
    %sign3A_20 = arith.subi %sign3A_16, %sign3A_19 : i32
    %ne3A = arith.cmpi ne, %sign3A_13, %sign3A_20 : i32
    %rem3A = arith.remsi %sub3A_7, %jit3A : i32
    %ne3A_21 = arith.constant 0 : i32
    %ne3A_22 = arith.cmpi ne, %rem3A, %ne3A_21 : i32
    %and3A = arith.andi %ne3A, %ne3A_22 : i1
    %sub3A_23 = arith.constant 1 : i32
    %sub3A_24 = arith.subi %div3A, %sub3A_23 : i32
    %select_n3A = arith.select %and3A, %sub3A_24, %div3A : i32
    %while3A = arith.constant 0 : i32
    %while3A_25 = arith.constant 0 : i32
    %while3A_26 = arith.subi %select_n3A, %while3A_25 : i32
    %while3A_27 = arith.addi %while3A_25, %while3A_26 : i32
    %while3A_28 = arith.constant 1 : i32
    %while3A_29 = arith.divsi %while3A_26, %while3A_28 : i32
    %while3A_30 = arith.muli %while3A_29, %while3A_28 : i32
    %while3A_31 = arith.addi %while3A_25, %while3A_30 : i32
    %while3A_32 = arith.constant 1 : i32
    scf.for %while3A_39 = %while3A_25 to %while3A_31 step %while3A_32  : i32 {
      %mul3A_40 = arith.constant 32 : i32
      %mul3A_41 = arith.muli %while3A_39, %mul3A_40 : i32
      %add3A_42 = arith.addi %add3A, %mul3A_41 : i32
      "tpu.region"() ({
        %run_scoped3A_62 = tpu.sem_alloc : memref<!tpu.dma_semaphore, #tpu.memory_space<semaphore_mem>>
        %dma_start3A_63 = arith.constant 0 : i32
        %dma_start3A_64 = arith.constant 0 : i32
        %dma_start3A_65 = tpu.memref_slice %arg3[%add3A_42, %dma_start3A_63, %dma_start3A_64] : memref<2500x2x128xi32, #tpu.memory_space<hbm>> -> memref<1x2x128xi32, #tpu.memory_space<hbm>>
        %dma_start3A_66 = tpu.memref_squeeze %dma_start3A_65 : memref<1x2x128xi32, #tpu.memory_space<hbm>> -> memref<2x128xi32, #tpu.memory_space<hbm>>
        %dma_start3A_67 = arith.constant 0 : i32
        %dma_start3A_68 = arith.constant 0 : i32
        %dma_start3A_69 = tpu.memref_slice %arg3[%add3A_42, %dma_start3A_67, %dma_start3A_68] : memref<2500x2x128xi32, #tpu.memory_space<hbm>> -> memref<1x2x128xi32, #tpu.memory_space<hbm>>
        %dma_start3A_70 = tpu.memref_squeeze %dma_start3A_69 : memref<1x2x128xi32, #tpu.memory_space<hbm>> -> memref<2x128xi32, #tpu.memory_space<hbm>>
        tpu.enqueue_dma source(%dma_start3A_70 : memref<2x128xi32, #tpu.memory_space<hbm>>) target(%arg7 : memref<2x128xi32, #tpu.memory_space<vmem>>) target_semaphore(%run_scoped3A_62 : memref<!tpu.dma_semaphore, #tpu.memory_space<semaphore_mem>>)
        %dma_wait3A_71 = arith.constant 0 : i32
        %dma_wait3A_72 = arith.constant 0 : i32
        %dma_wait3A_73 = tpu.memref_slice %arg3[%add3A_42, %dma_wait3A_71, %dma_wait3A_72] : memref<2500x2x128xi32, #tpu.memory_space<hbm>> -> memref<1x2x128xi32, #tpu.memory_space<hbm>>
        %dma_wait3A_74 = tpu.memref_squeeze %dma_wait3A_73 : memref<1x2x128xi32, #tpu.memory_space<hbm>> -> memref<2x128xi32, #tpu.memory_space<hbm>>
        %dma_wait3A_75 = arith.constant 0 : i32
        %dma_wait3A_76 = arith.constant 0 : i32
        %dma_wait3A_77 = tpu.memref_slice %arg3[%add3A_42, %dma_wait3A_75, %dma_wait3A_76] : memref<2500x2x128xi32, #tpu.memory_space<hbm>> -> memref<1x2x128xi32, #tpu.memory_space<hbm>>
        %dma_wait3A_78 = tpu.memref_squeeze %dma_wait3A_77 : memref<1x2x128xi32, #tpu.memory_space<hbm>> -> memref<2x128xi32, #tpu.memory_space<hbm>>
        tpu.wait_dma2 semaphore(%run_scoped3A_62 : memref<!tpu.dma_semaphore, #tpu.memory_space<semaphore_mem>>) src(%dma_wait3A_78 : memref<2x128xi32, #tpu.memory_space<hbm>>) dst(%arg7 : memref<2x128xi32, #tpu.memory_space<vmem>>)
        tpu.yield
      }) : () -> ()
      %mul3A_43 = arith.constant 128 : i32
      %mul3A_44 = arith.muli %add3A_42, %mul3A_43 : i32
      "tpu.region"() ({
        %run_scoped3A_62 = tpu.sem_alloc : memref<!tpu.dma_semaphore, #tpu.memory_space<semaphore_mem>>
        %dma_start3A_63 = tpu.memref_slice %arg4[%mul3A_44] : memref<320000xf32, #tpu.memory_space<hbm>> -> memref<128xf32, #tpu.memory_space<hbm>>
        %dma_start3A_64 = tpu.memref_slice %arg4[%mul3A_44] : memref<320000xf32, #tpu.memory_space<hbm>> -> memref<128xf32, #tpu.memory_space<hbm>>
        tpu.enqueue_dma source(%dma_start3A_64 : memref<128xf32, #tpu.memory_space<hbm>>) target(%arg8 : memref<128xf32, #tpu.memory_space<vmem>>) target_semaphore(%run_scoped3A_62 : memref<!tpu.dma_semaphore, #tpu.memory_space<semaphore_mem>>)
        %dma_wait3A_65 = tpu.memref_slice %arg4[%mul3A_44] : memref<320000xf32, #tpu.memory_space<hbm>> -> memref<128xf32, #tpu.memory_space<hbm>>
        %dma_wait3A_66 = tpu.memref_slice %arg4[%mul3A_44] : memref<320000xf32, #tpu.memory_space<hbm>> -> memref<128xf32, #tpu.memory_space<hbm>>
        tpu.wait_dma2 semaphore(%run_scoped3A_62 : memref<!tpu.dma_semaphore, #tpu.memory_space<semaphore_mem>>) src(%dma_wait3A_66 : memref<128xf32, #tpu.memory_space<hbm>>) dst(%arg8 : memref<128xf32, #tpu.memory_space<vmem>>)
        tpu.yield
      }) : () -> ()
      %dma_start3A = arith.constant 0 : i32
      %dma_start3A_45 = arith.constant 0 : i32
      %dma_start3A_46 = tpu.memref_slice %arg7[%dma_start3A, %dma_start3A_45] : memref<2x128xi32, #tpu.memory_space<vmem>> -> memref<1x128xi32, #tpu.memory_space<vmem>>
      %dma_start3A_47 = tpu.memref_squeeze %dma_start3A_46 : memref<1x128xi32, #tpu.memory_space<vmem>> -> memref<128xi32, #tpu.memory_space<vmem>>
      %dma_start3A_48 = arith.constant 0 : i32
      %dma_start3A_49 = arith.constant 0 : i32
      %dma_start3A_50 = tpu.memref_slice %arg2[%dma_start3A_48, %dma_start3A_49] : memref<10000x128xf32, #tpu.memory_space<hbm>> -> memref<10000x128xf32, #tpu.memory_space<hbm>>
      tpu.enqueue_indirect_dma source(%dma_start3A_50 : memref<10000x128xf32, #tpu.memory_space<hbm>>) target(%arg9 : memref<128x128xf32, #tpu.memory_space<vmem>>) offsets(%dma_start3A_47 : memref<128xi32, #tpu.memory_space<vmem>>) semaphore(%arg11 : memref<!tpu.dma_semaphore, #tpu.memory_space<semaphore_mem>>)
      %dma_wait3A = arith.constant 0 : i32
      %dma_wait3A_51 = arith.constant 0 : i32
      %dma_wait3A_52 = tpu.memref_slice %arg7[%dma_wait3A, %dma_wait3A_51] : memref<2x128xi32, #tpu.memory_space<vmem>> -> memref<1x128xi32, #tpu.memory_space<vmem>>
      %dma_wait3A_53 = tpu.memref_squeeze %dma_wait3A_52 : memref<1x128xi32, #tpu.memory_space<vmem>> -> memref<128xi32, #tpu.memory_space<vmem>>
      %dma_wait3A_54 = arith.constant 0 : i32
      %dma_wait3A_55 = arith.constant 0 : i32
      %dma_wait3A_56 = tpu.memref_slice %arg2[%dma_wait3A_54, %dma_wait3A_55] : memref<10000x128xf32, #tpu.memory_space<hbm>> -> memref<10000x128xf32, #tpu.memory_space<hbm>>
      tpu.wait_indirect_dma semaphore(%arg11 : memref<!tpu.dma_semaphore, #tpu.memory_space<semaphore_mem>>) src(%dma_wait3A_56 : memref<10000x128xf32, #tpu.memory_space<hbm>>) dst(%arg9 : memref<128x128xf32, #tpu.memory_space<vmem>>)
      %scan3A = arith.constant 0 : i32
      %scan3A_57 = arith.constant 0 : i32
      %scan3A_58 = arith.constant 8 : i32
      %scan3A_59 = arith.addi %scan3A_57, %scan3A_58 : i32
      %scan3A_60 = arith.constant 1 : i32
      scf.for %scan3A_62 = %scan3A_57 to %scan3A_59 step %scan3A_60  : i32 {
        %mul3A_63 = arith.constant 16 : i32
        %mul3A_64 = arith.muli %scan3A_62, %mul3A_63 : i32
        %get3A = arith.index_cast %mul3A_64 : i32 to index
        %get3A_65 = tpu.vector_load %arg8[%get3A] {strides = array<i32>} : memref<128xf32, #tpu.memory_space<vmem>>, vector<16xf32>,
        %get3A_66 = vector.shape_cast %get3A_65 : vector<16xf32> to vector<16xf32>
        %mul3A_67 = arith.constant 16 : i32
        %mul3A_68 = arith.muli %scan3A_62, %mul3A_67 : i32
        %add3A_69 = arith.constant 0 : i32
        %add3A_70 = arith.addi %mul3A_68, %add3A_69 : i32
        %slice3A = vector.extract_strided_slice %get3A_66 {offsets = [0], sizes = [1], strides = [1]} : vector<16xf32> to vector<1xf32>
        %squeeze3A = vector.extract %slice3A[0] : f32 from vector<1xf32>
        %broadcast_in_dim3A = vector.broadcast %squeeze3A : f32 to vector<16xf32>
        %get3A_71 = arith.index_cast %add3A_70 : i32 to index
        %get3A_72 = arith.constant 0 : index
        %get3A_73 = tpu.vector_load %arg9[%get3A_71, %get3A_72] {strides = array<i32>} : memref<128x128xf32, #tpu.memory_space<vmem>>, vector<1x16xf32>,
        %get3A_74 = vector.shape_cast %get3A_73 : vector<1x16xf32> to vector<16xf32>
        %mul3A_75 = arith.mulf %get3A_74, %broadcast_in_dim3A : vector<16xf32>
        %swap3A = arith.index_cast %add3A_70 : i32 to index
        %swap3A_76 = arith.constant 0 : index
        %swap3A_77 = tpu.vector_load %arg9[%swap3A, %swap3A_76] {strides = array<i32>} : memref<128x128xf32, #tpu.memory_space<vmem>>, vector<1x16xf32>,
        %swap3A_78 = vector.shape_cast %swap3A_77 : vector<1x16xf32> to vector<16xf32>
        %swap3A_79 = vector.shape_cast %mul3A_75 : vector<16xf32> to vector<1x16xf32>
        tpu.vector_store %arg9[%swap3A, %swap3A_76], %swap3A_79 {strides = array<i32>} : memref<128x128xf32, #tpu.memory_space<vmem>>, vector<1x16xf32>,
        %get3A_80 = arith.index_cast %add3A_70 : i32 to index
        %get3A_81 = arith.constant 16 : index
        %get3A_82 = tpu.vector_load %arg9[%get3A_80, %get3A_81] {strides = array<i32>} : memref<128x128xf32, #tpu.memory_space<vmem>>, vector<1x16xf32>,
        %get3A_83 = vector.shape_cast %get3A_82 : vector<1x16xf32> to vector<16xf32>
        %mul3A_84 = arith.mulf %get3A_83, %broadcast_in_dim3A : vector<16xf32>
        %swap3A_85 = arith.index_cast %add3A_70 : i32 to index
        %swap3A_86 = arith.constant 16 : index
        %swap3A_87 = tpu.vector_load %arg9[%swap3A_85, %swap3A_86] {strides = array<i32>} : memref<128x128xf32, #tpu.memory_space<vmem>>, vector<1x16xf32>,
        %swap3A_88 = vector.shape_cast %swap3A_87 : vector<1x16xf32> to vector<16xf32>
        %swap3A_89 = vector.shape_cast %mul3A_84 : vector<16xf32> to vector<1x16xf32>
        tpu.vector_store %arg9[%swap3A_85, %swap3A_86], %swap3A_89 {strides = array<i32>} : memref<128x128xf32, #tpu.memory_space<vmem>>, vector<1x16xf32>,
        %get3A_90 = arith.index_cast %add3A_70 : i32 to index
        %get3A_91 = arith.constant 32 : index
        %get3A_92 = tpu.vector_load %arg9[%get3A_90, %get3A_91] {strides = array<i32>} : memref<128x128xf32, #tpu.memory_space<vmem>>, vector<1x16xf32>,
        %get3A_93 = vector.shape_cast %get3A_92 : vector<1x16xf32> to vector<16xf32>
        %mul3A_94 = arith.mulf %get3A_93, %broadcast_in_dim3A : vector<16xf32>
        %swap3A_95 = arith.index_cast %add3A_70 : i32 to index
        %swap3A_96 = arith.constant 32 : index
        %swap3A_97 = tpu.vector_load %arg9[%swap3A_95, %swap3A_96] {strides = array<i32>} : memref<128x128xf32, #tpu.memory_space<vmem>>, vector<1x16xf32>,
        %swap3A_98 = vector.shape_cast %swap3A_97 : vector<1x16xf32> to vector<16xf32>
        %swap3A_99 = vector.shape_cast %mul3A_94 : vector<16xf32> to vector<1x16xf32>
        tpu.vector_store %arg9[%swap3A_95, %swap3A_96], %swap3A_99 {strides = array<i32>} : memref<128x128xf32, #tpu.memory_space<vmem>>, vector<1x16xf32>,
        %get3A_100 = arith.index_cast %add3A_70 : i32 to index
        %get3A_101 = arith.constant 48 : index
        %get3A_102 = tpu.vector_load %arg9[%get3A_100, %get3A_101] {strides = array<i32>} : memref<128x128xf32, #tpu.memory_space<vmem>>, vector<1x16xf32>,
        %get3A_103 = vector.shape_cast %get3A_102 : vector<1x16xf32> to vector<16xf32>
        %mul3A_104 = arith.mulf %get3A_103, %broadcast_in_dim3A : vector<16xf32>
        %swap3A_105 = arith.index_cast %add3A_70 : i32 to index
        %swap3A_106 = arith.constant 48 : index
        %swap3A_107 = tpu.vector_load %arg9[%swap3A_105, %swap3A_106] {strides = array<i32>} : memref<128x128xf32, #tpu.memory_space<vmem>>, vector<1x16xf32>,
        %swap3A_108 = vector.shape_cast %swap3A_107 : vector<1x16xf32> to vector<16xf32>
        %swap3A_109 = vector.shape_cast %mul3A_104 : vector<16xf32> to vector<1x16xf32>
        tpu.vector_store %arg9[%swap3A_105, %swap3A_106], %swap3A_109 {strides = array<i32>} : memref<128x128xf32, #tpu.memory_space<vmem>>, vector<1x16xf32>,
        %get3A_110 = arith.index_cast %add3A_70 : i32 to index
        %get3A_111 = arith.constant 64 : index
        %get3A_112 = tpu.vector_load %arg9[%get3A_110, %get3A_111] {strides = array<i32>} : memref<128x128xf32, #tpu.memory_space<vmem>>, vector<1x16xf32>,
        %get3A_113 = vector.shape_cast %get3A_112 : vector<1x16xf32> to vector<16xf32>
        %mul3A_114 = arith.mulf %get3A_113, %broadcast_in_dim3A : vector<16xf32>
        %swap3A_115 = arith.index_cast %add3A_70 : i32 to index
        %swap3A_116 = arith.constant 64 : index
        %swap3A_117 = tpu.vector_load %arg9[%swap3A_115, %swap3A_116] {strides = array<i32>} : memref<128x128xf32, #tpu.memory_space<vmem>>, vector<1x16xf32>,
        %swap3A_118 = vector.shape_cast %swap3A_117 : vector<1x16xf32> to vector<16xf32>
        %swap3A_119 = vector.shape_cast %mul3A_114 : vector<16xf32> to vector<1x16xf32>
        tpu.vector_store %arg9[%swap3A_115, %swap3A_116], %swap3A_119 {strides = array<i32>} : memref<128x128xf32, #tpu.memory_space<vmem>>, vector<1x16xf32>,
        %get3A_120 = arith.index_cast %add3A_70 : i32 to index
        %get3A_121 = arith.constant 80 : index
        %get3A_122 = tpu.vector_load %arg9[%get3A_120, %get3A_121] {strides = array<i32>} : memref<128x128xf32, #tpu.memory_space<vmem>>, vector<1x16xf32>,
        %get3A_123 = vector.shape_cast %get3A_122 : vector<1x16xf32> to vector<16xf32>
        %mul3A_124 = arith.mulf %get3A_123, %broadcast_in_dim3A : vector<16xf32>
        %swap3A_125 = arith.index_cast %add3A_70 : i32 to index
        %swap3A_126 = arith.constant 80 : index
        %swap3A_127 = tpu.vector_load %arg9[%swap3A_125, %swap3A_126] {strides = array<i32>} : memref<128x128xf32, #tpu.memory_space<vmem>>, vector<1x16xf32>,
        %swap3A_128 = vector.shape_cast %swap3A_127 : vector<1x16xf32> to vector<16xf32>
        %swap3A_129 = vector.shape_cast %mul3A_124 : vector<16xf32> to vector<1x16xf32>
        tpu.vector_store %arg9[%swap3A_125, %swap3A_126], %swap3A_129 {strides = array<i32>} : memref<128x128xf32, #tpu.memory_space<vmem>>, vector<1x16xf32>,
        %get3A_130 = arith.index_cast %add3A_70 : i32 to index
        %get3A_131 = arith.constant 96 : index
        %get3A_132 = tpu.vector_load %arg9[%get3A_130, %get3A_131] {strides = array<i32>} : memref<128x128xf32, #tpu.memory_space<vmem>>, vector<1x16xf32>,
        %get3A_133 = vector.shape_cast %get3A_132 : vector<1x16xf32> to vector<16xf32>
        %mul3A_134 = arith.mulf %get3A_133, %broadcast_in_dim3A : vector<16xf32>
        %swap3A_135 = arith.index_cast %add3A_70 : i32 to index
        %swap3A_136 = arith.constant 96 : index
        %swap3A_137 = tpu.vector_load %arg9[%swap3A_135, %swap3A_136] {strides = array<i32>} : memref<128x128xf32, #tpu.memory_space<vmem>>, vector<1x16xf32>,
        %swap3A_138 = vector.shape_cast %swap3A_137 : vector<1x16xf32> to vector<16xf32>
        %swap3A_139 = vector.shape_cast %mul3A_134 : vector<16xf32> to vector<1x16xf32>
        tpu.vector_store %arg9[%swap3A_135, %swap3A_136], %swap3A_139 {strides = array<i32>} : memref<128x128xf32, #tpu.memory_space<vmem>>, vector<1x16xf32>,
        %get3A_140 = arith.index_cast %add3A_70 : i32 to index
        %get3A_141 = arith.constant 112 : index
        %get3A_142 = tpu.vector_load %arg9[%get3A_140, %get3A_141] {strides = array<i32>} : memref<128x128xf32, #tpu.memory_space<vmem>>, vector<1x16xf32>,
        %get3A_143 = vector.shape_cast %get3A_142 : vector<1x16xf32> to vector<16xf32>
        %mul3A_144 = arith.mulf %get3A_143, %broadcast_in_dim3A : vector<16xf32>
        %swap3A_145 = arith.index_cast %add3A_70 : i32 to index
        %swap3A_146 = arith.constant 112 : index
        %swap3A_147 = tpu.vector_load %arg9[%swap3A_145, %swap3A_146] {strides = array<i32>} : memref<128x128xf32, #tpu.memory_space<vmem>>, vector<1x16xf32>,
        %swap3A_148 = vector.shape_cast %swap3A_147 : vector<1x16xf32> to vector<16xf32>
        %swap3A_149 = vector.shape_cast %mul3A_144 : vector<16xf32> to vector<1x16xf32>
        tpu.vector_store %arg9[%swap3A_145, %swap3A_146], %swap3A_149 {strides = array<i32>} : memref<128x128xf32, #tpu.memory_space<vmem>>, vector<1x16xf32>,
        %mul3A_150 = arith.constant 16 : i32
        %mul3A_151 = arith.muli %scan3A_62, %mul3A_150 : i32
        %add3A_152 = arith.constant 1 : i32
        %add3A_153 = arith.addi %mul3A_151, %add3A_152 : i32
        %slice3A_154 = vector.extract_strided_slice %get3A_66 {offsets = [1], sizes = [1], strides = [1]} : vector<16xf32> to vector<1xf32>
        %squeeze3A_155 = vector.extract %slice3A_154[0] : f32 from vector<1xf32>
        %broadcast_in_dim3A_156 = vector.broadcast %squeeze3A_155 : f32 to vector<16xf32>
        %get3A_157 = arith.index_cast %add3A_153 : i32 to index
        %get3A_158 = arith.constant 0 : index
        %get3A_159 = tpu.vector_load %arg9[%get3A_157, %get3A_158] {strides = array<i32>} : memref<128x128xf32, #tpu.memory_space<vmem>>, vector<1x16xf32>,
        %get3A_160 = vector.shape_cast %get3A_159 : vector<1x16xf32> to vector<16xf32>
        %mul3A_161 = arith.mulf %get3A_160, %broadcast_in_dim3A_156 : vector<16xf32>
        %swap3A_162 = arith.index_cast %add3A_153 : i32 to index
        %swap3A_163 = arith.constant 0 : index
        %swap3A_164 = tpu.vector_load %arg9[%swap3A_162, %swap3A_163] {strides = array<i32>} : memref<128x128xf32, #tpu.memory_space<vmem>>, vector<1x16xf32>,
        %swap3A_165 = vector.shape_cast %swap3A_164 : vector<1x16xf32> to vector<16xf32>
        %swap3A_166 = vector.shape_cast %mul3A_161 : vector<16xf32> to vector<1x16xf32>
        tpu.vector_store %arg9[%swap3A_162, %swap3A_163], %swap3A_166 {strides = array<i32>} : memref<128x128xf32, #tpu.memory_space<vmem>>, vector<1x16xf32>,
        %get3A_167 = arith.index_cast %add3A_153 : i32 to index
        %get3A_168 = arith.constant 16 : index
        %get3A_169 = tpu.vector_load %arg9[%get3A_167, %get3A_168] {strides = array<i32>} : memref<128x128xf32, #tpu.memory_space<vmem>>, vector<1x16xf32>,
        %get3A_170 = vector.shape_cast %get3A_169 : vector<1x16xf32> to vector<16xf32>
        %mul3A_171 = arith.mulf %get3A_170, %broadcast_in_dim3A_156 : vector<16xf32>
        %swap3A_172 = arith.index_cast %add3A_153 : i32 to index
        %swap3A_173 = arith.constant 16 : index
        %swap3A_174 = tpu.vector_load %arg9[%swap3A_172, %swap3A_173] {strides = array<i32>} : memref<128x128xf32, #tpu.memory_space<vmem>>, vector<1x16xf32>,
        %swap3A_175 = vector.shape_cast %swap3A_174 : vector<1x16xf32> to vector<16xf32>
        %swap3A_176 = vector.shape_cast %mul3A_171 : vector<16xf32> to vector<1x16xf32>
        tpu.vector_store %arg9[%swap3A_172, %swap3A_173], %swap3A_176 {strides = array<i32>} : memref<128x128xf32, #tpu.memory_space<vmem>>, vector<1x16xf32>,
        %get3A_177 = arith.index_cast %add3A_153 : i32 to index
        %get3A_178 = arith.constant 32 : index
        %get3A_179 = tpu.vector_load %arg9[%get3A_177, %get3A_178] {strides = array<i32>} : memref<128x128xf32, #tpu.memory_space<vmem>>, vector<1x16xf32>,
        %get3A_180 = vector.shape_cast %get3A_179 : vector<1x16xf32> to vector<16xf32>
        %mul3A_181 = arith.mulf %get3A_180, %broadcast_in_dim3A_156 : vector<16xf32>
        %swap3A_182 = arith.index_cast %add3A_153 : i32 to index
        %swap3A_183 = arith.constant 32 : index
        %swap3A_184 = tpu.vector_load %arg9[%swap3A_182, %swap3A_183] {strides = array<i32>} : memref<128x128xf32, #tpu.memory_space<vmem>>, vector<1x16xf32>,
        %swap3A_185 = vector.shape_cast %swap3A_184 : vector<1x16xf32> to vector<16xf32>
        %swap3A_186 = vector.shape_cast %mul3A_181 : vector<16xf32> to vector<1x16xf32>
        tpu.vector_store %arg9[%swap3A_182, %swap3A_183], %swap3A_186 {strides = array<i32>} : memref<128x128xf32, #tpu.memory_space<vmem>>, vector<1x16xf32>,
        %get3A_187 = arith.index_cast %add3A_153 : i32 to index
        %get3A_188 = arith.constant 48 : index
        %get3A_189 = tpu.vector_load %arg9[%get3A_187, %get3A_188] {strides = array<i32>} : memref<128x128xf32, #tpu.memory_space<vmem>>, vector<1x16xf32>,
        %get3A_190 = vector.shape_cast %get3A_189 : vector<1x16xf32> to vector<16xf32>
        %mul3A_191 = arith.mulf %get3A_190, %broadcast_in_dim3A_156 : vector<16xf32>
        %swap3A_192 = arith.index_cast %add3A_153 : i32 to index
        %swap3A_193 = arith.constant 48 : index
        %swap3A_194 = tpu.vector_load %arg9[%swap3A_192, %swap3A_193] {strides = array<i32>} : memref<128x128xf32, #tpu.memory_space<vmem>>, vector<1x16xf32>,
        %swap3A_195 = vector.shape_cast %swap3A_194 : vector<1x16xf32> to vector<16xf32>
        %swap3A_196 = vector.shape_cast %mul3A_191 : vector<16xf32> to vector<1x16xf32>
        tpu.vector_store %arg9[%swap3A_192, %swap3A_193], %swap3A_196 {strides = array<i32>} : memref<128x128xf32, #tpu.memory_space<vmem>>, vector<1x16xf32>,
        %get3A_197 = arith.index_cast %add3A_153 : i32 to index
        %get3A_198 = arith.constant 64 : index
        %get3A_199 = tpu.vector_load %arg9[%get3A_197, %get3A_198] {strides = array<i32>} : memref<128x128xf32, #tpu.memory_space<vmem>>, vector<1x16xf32>,
        %get3A_200 = vector.shape_cast %get3A_199 : vector<1x16xf32> to vector<16xf32>
        %mul3A_201 = arith.mulf %get3A_200, %broadcast_in_dim3A_156 : vector<16xf32>
        %swap3A_202 = arith.index_cast %add3A_153 : i32 to index
        %swap3A_203 = arith.constant 64 : index
        %swap3A_204 = tpu.vector_load %arg9[%swap3A_202, %swap3A_203] {strides = array<i32>} : memref<128x128xf32, #tpu.memory_space<vmem>>, vector<1x16xf32>,
        %swap3A_205 = vector.shape_cast %swap3A_204 : vector<1x16xf32> to vector<16xf32>
        %swap3A_206 = vector.shape_cast %mul3A_201 : vector<16xf32> to vector<1x16xf32>
        tpu.vector_store %arg9[%swap3A_202, %swap3A_203], %swap3A_206 {strides = array<i32>} : memref<128x128xf32, #tpu.memory_space<vmem>>, vector<1x16xf32>,
        %get3A_207 = arith.index_cast %add3A_153 : i32 to index
        %get3A_208 = arith.constant 80 : index
        %get3A_209 = tpu.vector_load %arg9[%get3A_207, %get3A_208] {strides = array<i32>} : memref<128x128xf32, #tpu.memory_space<vmem>>, vector<1x16xf32>,
        %get3A_210 = vector.shape_cast %get3A_209 : vector<1x16xf32> to vector<16xf32>
        %mul3A_211 = arith.mulf %get3A_210, %broadcast_in_dim3A_156 : vector<16xf32>
        %swap3A_212 = arith.index_cast %add3A_153 : i32 to index
        %swap3A_213 = arith.constant 80 : index
        %swap3A_214 = tpu.vector_load %arg9[%swap3A_212, %swap3A_213] {strides = array<i32>} : memref<128x128xf32, #tpu.memory_space<vmem>>, vector<1x16xf32>,
        %swap3A_215 = vector.shape_cast %swap3A_214 : vector<1x16xf32> to vector<16xf32>
        %swap3A_216 = vector.shape_cast %mul3A_211 : vector<16xf32> to vector<1x16xf32>
        tpu.vector_store %arg9[%swap3A_212, %swap3A_213], %swap3A_216 {strides = array<i32>} : memref<128x128xf32, #tpu.memory_space<vmem>>, vector<1x16xf32>,
        %get3A_217 = arith.index_cast %add3A_153 : i32 to index
        %get3A_218 = arith.constant 96 : index
        %get3A_219 = tpu.vector_load %arg9[%get3A_217, %get3A_218] {strides = array<i32>} : memref<128x128xf32, #tpu.memory_space<vmem>>, vector<1x16xf32>,
        %get3A_220 = vector.shape_cast %get3A_219 : vector<1x16xf32> to vector<16xf32>
        %mul3A_221 = arith.mulf %get3A_220, %broadcast_in_dim3A_156 : vector<16xf32>
        %swap3A_222 = arith.index_cast %add3A_153 : i32 to index
        %swap3A_223 = arith.constant 96 : index
        %swap3A_224 = tpu.vector_load %arg9[%swap3A_222, %swap3A_223] {strides = array<i32>} : memref<128x128xf32, #tpu.memory_space<vmem>>, vector<1x16xf32>,
        %swap3A_225 = vector.shape_cast %swap3A_224 : vector<1x16xf32> to vector<16xf32>
        %swap3A_226 = vector.shape_cast %mul3A_221 : vector<16xf32> to vector<1x16xf32>
        tpu.vector_store %arg9[%swap3A_222, %swap3A_223], %swap3A_226 {strides = array<i32>} : memref<128x128xf32, #tpu.memory_space<vmem>>, vector<1x16xf32>,
        %get3A_227 = arith.index_cast %add3A_153 : i32 to index
        %get3A_228 = arith.constant 112 : index
        %get3A_229 = tpu.vector_load %arg9[%get3A_227, %get3A_228] {strides = array<i32>} : memref<128x128xf32, #tpu.memory_space<vmem>>, vector<1x16xf32>,
        %get3A_230 = vector.shape_cast %get3A_229 : vector<1x16xf32> to vector<16xf32>
        %mul3A_231 = arith.mulf %get3A_230, %broadcast_in_dim3A_156 : vector<16xf32>
        %swap3A_232 = arith.index_cast %add3A_153 : i32 to index
        %swap3A_233 = arith.constant 112 : index
        %swap3A_234 = tpu.vector_load %arg9[%swap3A_232, %swap3A_233] {strides = array<i32>} : memref<128x128xf32, #tpu.memory_space<vmem>>, vector<1x16xf32>,
        %swap3A_235 = vector.shape_cast %swap3A_234 : vector<1x16xf32> to vector<16xf32>
        %swap3A_236 = vector.shape_cast %mul3A_231 : vector<16xf32> to vector<1x16xf32>
        tpu.vector_store %arg9[%swap3A_232, %swap3A_233], %swap3A_236 {strides = array<i32>} : memref<128x128xf32, #tpu.memory_space<vmem>>, vector<1x16xf32>,
        %mul3A_237 = arith.constant 16 : i32
        %mul3A_238 = arith.muli %scan3A_62, %mul3A_237 : i32
        %add3A_239 = arith.constant 2 : i32
        %add3A_240 = arith.addi %mul3A_238, %add3A_239 : i32
        %slice3A_241 = vector.extract_strided_slice %get3A_66 {offsets = [2], sizes = [1], strides = [1]} : vector<16xf32> to vector<1xf32>
        %squeeze3A_242 = vector.extract %slice3A_241[0] : f32 from vector<1xf32>
        %broadcast_in_dim3A_243 = vector.broadcast %squeeze3A_242 : f32 to vector<16xf32>
        %get3A_244 = arith.index_cast %add3A_240 : i32 to index
        %get3A_245 = arith.constant 0 : index
        %get3A_246 = tpu.vector_load %arg9[%get3A_244, %get3A_245] {strides = array<i32>} : memref<128x128xf32, #tpu.memory_space<vmem>>, vector<1x16xf32>,
        %get3A_247 = vector.shape_cast %get3A_246 : vector<1x16xf32> to vector<16xf32>
        %mul3A_248 = arith.mulf %get3A_247, %broadcast_in_dim3A_243 : vector<16xf32>
        %swap3A_249 = arith.index_cast %add3A_240 : i32 to index
        %swap3A_250 = arith.constant 0 : index
        %swap3A_251 = tpu.vector_load %arg9[%swap3A_249, %swap3A_250] {strides = array<i32>} : memref<128x128xf32, #tpu.memory_space<vmem>>, vector<1x16xf32>,
        %swap3A_252 = vector.shape_cast %swap3A_251 : vector<1x16xf32> to vector<16xf32>
        %swap3A_253 = vector.shape_cast %mul3A_248 : vector<16xf32> to vector<1x16xf32>
        tpu.vector_store %arg9[%swap3A_249, %swap3A_250], %swap3A_253 {strides = array<i32>} : memref<128x128xf32, #tpu.memory_space<vmem>>, vector<1x16xf32>,
        %get3A_254 = arith.index_cast %add3A_240 : i32 to index
        %get3A_255 = arith.constant 16 : index
        %get3A_256 = tpu.vector_load %arg9[%get3A_254, %get3A_255] {strides = array<i32>} : memref<128x128xf32, #tpu.memory_space<vmem>>, vector<1x16xf32>,
        %get3A_257 = vector.shape_cast %get3A_256 : vector<1x16xf32> to vector<16xf32>
        %mul3A_258 = arith.mulf %get3A_257, %broadcast_in_dim3A_243 : vector<16xf32>
        %swap3A_259 = arith.index_cast %add3A_240 : i32 to index
        %swap3A_260 = arith.constant 16 : index
        %swap3A_261 = tpu.vector_load %arg9[%swap3A_259, %swap3A_260] {strides = array<i32>} : memref<128x128xf32, #tpu.memory_space<vmem>>, vector<1x16xf32>,
        %swap3A_262 = vector.shape_cast %swap3A_261 : vector<1x16xf32> to vector<16xf32>
        %swap3A_263 = vector.shape_cast %mul3A_258 : vector<16xf32> to vector<1x16xf32>
        tpu.vector_store %arg9[%swap3A_259, %swap3A_260], %swap3A_263 {strides = array<i32>} : memref<128x128xf32, #tpu.memory_space<vmem>>, vector<1x16xf32>,
        %get3A_264 = arith.index_cast %add3A_240 : i32 to index
        %get3A_265 = arith.constant 32 : index
        %get3A_266 = tpu.vector_load %arg9[%get3A_264, %get3A_265] {strides = array<i32>} : memref<128x128xf32, #tpu.memory_space<vmem>>, vector<1x16xf32>,
        %get3A_267 = vector.shape_cast %get3A_266 : vector<1x16xf32> to vector<16xf32>
        %mul3A_268 = arith.mulf %get3A_267, %broadcast_in_dim3A_243 : vector<16xf32>
        %swap3A_269 = arith.index_cast %add3A_240 : i32 to index
        %swap3A_270 = arith.constant 32 : index
        %swap3A_271 = tpu.vector_load %arg9[%swap3A_269, %swap3A_270] {strides = array<i32>} : memref<128x128xf32, #tpu.memory_space<vmem>>, vector<1x16xf32>,
        %swap3A_272 = vector.shape_cast %swap3A_271 : vector<1x16xf32> to vector<16xf32>
        %swap3A_273 = vector.shape_cast %mul3A_268 : vector<16xf32> to vector<1x16xf32>
        tpu.vector_store %arg9[%swap3A_269, %swap3A_270], %swap3A_273 {strides = array<i32>} : memref<128x128xf32, #tpu.memory_space<vmem>>, vector<1x16xf32>,
        %get3A_274 = arith.index_cast %add3A_240 : i32 to index
        %get3A_275 = arith.constant 48 : index
        %get3A_276 = tpu.vector_load %arg9[%get3A_274, %get3A_275] {strides = array<i32>} : memref<128x128xf32, #tpu.memory_space<vmem>>, vector<1x16xf32>,
        %get3A_277 = vector.shape_cast %get3A_276 : vector<1x16xf32> to vector<16xf32>
        %mul3A_278 = arith.mulf %get3A_277, %broadcast_in_dim3A_243 : vector<16xf32>
        %swap3A_279 = arith.index_cast %add3A_240 : i32 to index
        %swap3A_280 = arith.constant 48 : index
        %swap3A_281 = tpu.vector_load %arg9[%swap3A_279, %swap3A_280] {strides = array<i32>} : memref<128x128xf32, #tpu.memory_space<vmem>>, vector<1x16xf32>,
        %swap3A_282 = vector.shape_cast %swap3A_281 : vector<1x16xf32> to vector<16xf32>
        %swap3A_283 = vector.shape_cast %mul3A_278 : vector<16xf32> to vector<1x16xf32>
        tpu.vector_store %arg9[%swap3A_279, %swap3A_280], %swap3A_283 {strides = array<i32>} : memref<128x128xf32, #tpu.memory_space<vmem>>, vector<1x16xf32>,
        %get3A_284 = arith.index_cast %add3A_240 : i32 to index
        %get3A_285 = arith.constant 64 : index
        %get3A_286 = tpu.vector_load %arg9[%get3A_284, %get3A_285] {strides = array<i32>} : memref<128x128xf32, #tpu.memory_space<vmem>>, vector<1x16xf32>,
        %get3A_287 = vector.shape_cast %get3A_286 : vector<1x16xf32> to vector<16xf32>
        %mul3A_288 = arith.mulf %get3A_287, %broadcast_in_dim3A_243 : vector<16xf32>
        %swap3A_289 = arith.index_cast %add3A_240 : i32 to index
        %swap3A_290 = arith.constant 64 : index
        %swap3A_291 = tpu.vector_load %arg9[%swap3A_289, %swap3A_290] {strides = array<i32>} : memref<128x128xf32, #tpu.memory_space<vmem>>, vector<1x16xf32>,
        %swap3A_292 = vector.shape_cast %swap3A_291 : vector<1x16xf32> to vector<16xf32>
        %swap3A_293 = vector.shape_cast %mul3A_288 : vector<16xf32> to vector<1x16xf32>
        tpu.vector_store %arg9[%swap3A_289, %swap3A_290], %swap3A_293 {strides = array<i32>} : memref<128x128xf32, #tpu.memory_space<vmem>>, vector<1x16xf32>,
        %get3A_294 = arith.index_cast %add3A_240 : i32 to index
        %get3A_295 = arith.constant 80 : index
        %get3A_296 = tpu.vector_load %arg9[%get3A_294, %get3A_295] {strides = array<i32>} : memref<128x128xf32, #tpu.memory_space<vmem>>, vector<1x16xf32>,
        %get3A_297 = vector.shape_cast %get3A_296 : vector<1x16xf32> to vector<16xf32>
        %mul3A_298 = arith.mulf %get3A_297, %broadcast_in_dim3A_243 : vector<16xf32>
        %swap3A_299 = arith.index_cast %add3A_240 : i32 to index
        %swap3A_300 = arith.constant 80 : index
        %swap3A_301 = tpu.vector_load %arg9[%swap3A_299, %swap3A_300] {strides = array<i32>} : memref<128x128xf32, #tpu.memory_space<vmem>>, vector<1x16xf32>,
        %swap3A_302 = vector.shape_cast %swap3A_301 : vector<1x16xf32> to vector<16xf32>
        %swap3A_303 = vector.shape_cast %mul3A_298 : vector<16xf32> to vector<1x16xf32>
        tpu.vector_store %arg9[%swap3A_299, %swap3A_300], %swap3A_303 {strides = array<i32>} : memref<128x128xf32, #tpu.memory_space<vmem>>, vector<1x16xf32>,
        %get3A_304 = arith.index_cast %add3A_240 : i32 to index
        %get3A_305 = arith.constant 96 : index
        %get3A_306 = tpu.vector_load %arg9[%get3A_304, %get3A_305] {strides = array<i32>} : memref<128x128xf32, #tpu.memory_space<vmem>>, vector<1x16xf32>,
        %get3A_307 = vector.shape_cast %get3A_306 : vector<1x16xf32> to vector<16xf32>
        %mul3A_308 = arith.mulf %get3A_307, %broadcast_in_dim3A_243 : vector<16xf32>
        %swap3A_309 = arith.index_cast %add3A_240 : i32 to index
        %swap3A_310 = arith.constant 96 : index
        %swap3A_311 = tpu.vector_load %arg9[%swap3A_309, %swap3A_310] {strides = array<i32>} : memref<128x128xf32, #tpu.memory_space<vmem>>, vector<1x16xf32>,
        %swap3A_312 = vector.shape_cast %swap3A_311 : vector<1x16xf32> to vector<16xf32>
        %swap3A_313 = vector.shape_cast %mul3A_308 : vector<16xf32> to vector<1x16xf32>
        tpu.vector_store %arg9[%swap3A_309, %swap3A_310], %swap3A_313 {strides = array<i32>} : memref<128x128xf32, #tpu.memory_space<vmem>>, vector<1x16xf32>,
        %get3A_314 = arith.index_cast %add3A_240 : i32 to index
        %get3A_315 = arith.constant 112 : index
        %get3A_316 = tpu.vector_load %arg9[%get3A_314, %get3A_315] {strides = array<i32>} : memref<128x128xf32, #tpu.memory_space<vmem>>, vector<1x16xf32>,
        %get3A_317 = vector.shape_cast %get3A_316 : vector<1x16xf32> to vector<16xf32>
        %mul3A_318 = arith.mulf %get3A_317, %broadcast_in_dim3A_243 : vector<16xf32>
        %swap3A_319 = arith.index_cast %add3A_240 : i32 to index
        %swap3A_320 = arith.constant 112 : index
        %swap3A_321 = tpu.vector_load %arg9[%swap3A_319, %swap3A_320] {strides = array<i32>} : memref<128x128xf32, #tpu.memory_space<vmem>>, vector<1x16xf32>,
        %swap3A_322 = vector.shape_cast %swap3A_321 : vector<1x16xf32> to vector<16xf32>
        %swap3A_323 = vector.shape_cast %mul3A_318 : vector<16xf32> to vector<1x16xf32>
        tpu.vector_store %arg9[%swap3A_319, %swap3A_320], %swap3A_323 {strides = array<i32>} : memref<128x128xf32, #tpu.memory_space<vmem>>, vector<1x16xf32>,
        %mul3A_324 = arith.constant 16 : i32
        %mul3A_325 = arith.muli %scan3A_62, %mul3A_324 : i32
        %add3A_326 = arith.constant 3 : i32
        %add3A_327 = arith.addi %mul3A_325, %add3A_326 : i32
        %slice3A_328 = vector.extract_strided_slice %get3A_66 {offsets = [3], sizes = [1], strides = [1]} : vector<16xf32> to vector<1xf32>
        %squeeze3A_329 = vector.extract %slice3A_328[0] : f32 from vector<1xf32>
        %broadcast_in_dim3A_330 = vector.broadcast %squeeze3A_329 : f32 to vector<16xf32>
        %get3A_331 = arith.index_cast %add3A_327 : i32 to index
        %get3A_332 = arith.constant 0 : index
        %get3A_333 = tpu.vector_load %arg9[%get3A_331, %get3A_332] {strides = array<i32>} : memref<128x128xf32, #tpu.memory_space<vmem>>, vector<1x16xf32>,
        %get3A_334 = vector.shape_cast %get3A_333 : vector<1x16xf32> to vector<16xf32>
        %mul3A_335 = arith.mulf %get3A_334, %broadcast_in_dim3A_330 : vector<16xf32>
        %swap3A_336 = arith.index_cast %add3A_327 : i32 to index
        %swap3A_337 = arith.constant 0 : index
        %swap3A_338 = tpu.vector_load %arg9[%swap3A_336, %swap3A_337] {strides = array<i32>} : memref<128x128xf32, #tpu.memory_space<vmem>>, vector<1x16xf32>,
        %swap3A_339 = vector.shape_cast %swap3A_338 : vector<1x16xf32> to vector<16xf32>
        %swap3A_340 = vector.shape_cast %mul3A_335 : vector<16xf32> to vector<1x16xf32>
        tpu.vector_store %arg9[%swap3A_336, %swap3A_337], %swap3A_340 {strides = array<i32>} : memref<128x128xf32, #tpu.memory_space<vmem>>, vector<1x16xf32>,
        %get3A_341 = arith.index_cast %add3A_327 : i32 to index
        %get3A_342 = arith.constant 16 : index
        %get3A_343 = tpu.vector_load %arg9[%get3A_341, %get3A_342] {strides = array<i32>} : memref<128x128xf32, #tpu.memory_space<vmem>>, vector<1x16xf32>,
        %get3A_344 = vector.shape_cast %get3A_343 : vector<1x16xf32> to vector<16xf32>
        %mul3A_345 = arith.mulf %get3A_344, %broadcast_in_dim3A_330 : vector<16xf32>
        %swap3A_346 = arith.index_cast %add3A_327 : i32 to index
        %swap3A_347 = arith.constant 16 : index
        %swap3A_348 = tpu.vector_load %arg9[%swap3A_346, %swap3A_347] {strides = array<i32>} : memref<128x128xf32, #tpu.memory_space<vmem>>, vector<1x16xf32>,
        %swap3A_349 = vector.shape_cast %swap3A_348 : vector<1x16xf32> to vector<16xf32>
        %swap3A_350 = vector.shape_cast %mul3A_345 : vector<16xf32> to vector<1x16xf32>
        tpu.vector_store %arg9[%swap3A_346, %swap3A_347], %swap3A_350 {strides = array<i32>} : memref<128x128xf32, #tpu.memory_space<vmem>>, vector<1x16xf32>,
        %get3A_351 = arith.index_cast %add3A_327 : i32 to index
        %get3A_352 = arith.constant 32 : index
        %get3A_353 = tpu.vector_load %arg9[%get3A_351, %get3A_352] {strides = array<i32>} : memref<128x128xf32, #tpu.memory_space<vmem>>, vector<1x16xf32>,
        %get3A_354 = vector.shape_cast %get3A_353 : vector<1x16xf32> to vector<16xf32>
        %mul3A_355 = arith.mulf %get3A_354, %broadcast_in_dim3A_330 : vector<16xf32>
        %swap3A_356 = arith.index_cast %add3A_327 : i32 to index
        %swap3A_357 = arith.constant 32 : index
        %swap3A_358 = tpu.vector_load %arg9[%swap3A_356, %swap3A_357] {strides = array<i32>} : memref<128x128xf32, #tpu.memory_space<vmem>>, vector<1x16xf32>,
        %swap3A_359 = vector.shape_cast %swap3A_358 : vector<1x16xf32> to vector<16xf32>
        %swap3A_360 = vector.shape_cast %mul3A_355 : vector<16xf32> to vector<1x16xf32>
        tpu.vector_store %arg9[%swap3A_356, %swap3A_357], %swap3A_360 {strides = array<i32>} : memref<128x128xf32, #tpu.memory_space<vmem>>, vector<1x16xf32>,
        %get3A_361 = arith.index_cast %add3A_327 : i32 to index
        %get3A_362 = arith.constant 48 : index
        %get3A_363 = tpu.vector_load %arg9[%get3A_361, %get3A_362] {strides = array<i32>} : memref<128x128xf32, #tpu.memory_space<vmem>>, vector<1x16xf32>,
        %get3A_364 = vector.shape_cast %get3A_363 : vector<1x16xf32> to vector<16xf32>
        %mul3A_365 = arith.mulf %get3A_364, %broadcast_in_dim3A_330 : vector<16xf32>
        %swap3A_366 = arith.index_cast %add3A_327 : i32 to index
        %swap3A_367 = arith.constant 48 : index
        %swap3A_368 = tpu.vector_load %arg9[%swap3A_366, %swap3A_367] {strides = array<i32>} : memref<128x128xf32, #tpu.memory_space<vmem>>, vector<1x16xf32>,
        %swap3A_369 = vector.shape_cast %swap3A_368 : vector<1x16xf32> to vector<16xf32>
        %swap3A_370 = vector.shape_cast %mul3A_365 : vector<16xf32> to vector<1x16xf32>
        tpu.vector_store %arg9[%swap3A_366, %swap3A_367], %swap3A_370 {strides = array<i32>} : memref<128x128xf32, #tpu.memory_space<vmem>>, vector<1x16xf32>,
        %get3A_371 = arith.index_cast %add3A_327 : i32 to index
        %get3A_372 = arith.constant 64 : index
        %get3A_373 = tpu.vector_load %arg9[%get3A_371, %get3A_372] {strides = array<i32>} : memref<128x128xf32, #tpu.memory_space<vmem>>, vector<1x16xf32>,
        %get3A_374 = vector.shape_cast %get3A_373 : vector<1x16xf32> to vector<16xf32>
        %mul3A_375 = arith.mulf %get3A_374, %broadcast_in_dim3A_330 : vector<16xf32>
        %swap3A_376 = arith.index_cast %add3A_327 : i32 to index
        %swap3A_377 = arith.constant 64 : index
        %swap3A_378 = tpu.vector_load %arg9[%swap3A_376, %swap3A_377] {strides = array<i32>} : memref<128x128xf32, #tpu.memory_space<vmem>>, vector<1x16xf32>,
        %swap3A_379 = vector.shape_cast %swap3A_378 : vector<1x16xf32> to vector<16xf32>
        %swap3A_380 = vector.shape_cast %mul3A_375 : vector<16xf32> to vector<1x16xf32>
        tpu.vector_store %arg9[%swap3A_376, %swap3A_377], %swap3A_380 {strides = array<i32>} : memref<128x128xf32, #tpu.memory_space<vmem>>, vector<1x16xf32>,
        %get3A_381 = arith.index_cast %add3A_327 : i32 to index
        %get3A_382 = arith.constant 80 : index
        %get3A_383 = tpu.vector_load %arg9[%get3A_381, %get3A_382] {strides = array<i32>} : memref<128x128xf32, #tpu.memory_space<vmem>>, vector<1x16xf32>,
        %get3A_384 = vector.shape_cast %get3A_383 : vector<1x16xf32> to vector<16xf32>
        %mul3A_385 = arith.mulf %get3A_384, %broadcast_in_dim3A_330 : vector<16xf32>
        %swap3A_386 = arith.index_cast %add3A_327 : i32 to index
        %swap3A_387 = arith.constant 80 : index
        %swap3A_388 = tpu.vector_load %arg9[%swap3A_386, %swap3A_387] {strides = array<i32>} : memref<128x128xf32, #tpu.memory_space<vmem>>, vector<1x16xf32>,
        %swap3A_389 = vector.shape_cast %swap3A_388 : vector<1x16xf32> to vector<16xf32>
        %swap3A_390 = vector.shape_cast %mul3A_385 : vector<16xf32> to vector<1x16xf32>
        tpu.vector_store %arg9[%swap3A_386, %swap3A_387], %swap3A_390 {strides = array<i32>} : memref<128x128xf32, #tpu.memory_space<vmem>>, vector<1x16xf32>,
        %get3A_391 = arith.index_cast %add3A_327 : i32 to index
        %get3A_392 = arith.constant 96 : index
        %get3A_393 = tpu.vector_load %arg9[%get3A_391, %get3A_392] {strides = array<i32>} : memref<128x128xf32, #tpu.memory_space<vmem>>, vector<1x16xf32>,
        %get3A_394 = vector.shape_cast %get3A_393 : vector<1x16xf32> to vector<16xf32>
        %mul3A_395 = arith.mulf %get3A_394, %broadcast_in_dim3A_330 : vector<16xf32>
        %swap3A_396 = arith.index_cast %add3A_327 : i32 to index
        %swap3A_397 = arith.constant 96 : index
        %swap3A_398 = tpu.vector_load %arg9[%swap3A_396, %swap3A_397] {strides = array<i32>} : memref<128x128xf32, #tpu.memory_space<vmem>>, vector<1x16xf32>,
        %swap3A_399 = vector.shape_cast %swap3A_398 : vector<1x16xf32> to vector<16xf32>
        %swap3A_400 = vector.shape_cast %mul3A_395 : vector<16xf32> to vector<1x16xf32>
        tpu.vector_store %arg9[%swap3A_396, %swap3A_397], %swap3A_400 {strides = array<i32>} : memref<128x128xf32, #tpu.memory_space<vmem>>, vector<1x16xf32>,
        %get3A_401 = arith.index_cast %add3A_327 : i32 to index
        %get3A_402 = arith.constant 112 : index
        %get3A_403 = tpu.vector_load %arg9[%get3A_401, %get3A_402] {strides = array<i32>} : memref<128x128xf32, #tpu.memory_space<vmem>>, vector<1x16xf32>,
        %get3A_404 = vector.shape_cast %get3A_403 : vector<1x16xf32> to vector<16xf32>
        %mul3A_405 = arith.mulf %get3A_404, %broadcast_in_dim3A_330 : vector<16xf32>
        %swap3A_406 = arith.index_cast %add3A_327 : i32 to index
        %swap3A_407 = arith.constant 112 : index
        %swap3A_408 = tpu.vector_load %arg9[%swap3A_406, %swap3A_407] {strides = array<i32>} : memref<128x128xf32, #tpu.memory_space<vmem>>, vector<1x16xf32>,
        %swap3A_409 = vector.shape_cast %swap3A_408 : vector<1x16xf32> to vector<16xf32>
        %swap3A_410 = vector.shape_cast %mul3A_405 : vector<16xf32> to vector<1x16xf32>
        tpu.vector_store %arg9[%swap3A_406, %swap3A_407], %swap3A_410 {strides = array<i32>} : memref<128x128xf32, #tpu.memory_space<vmem>>, vector<1x16xf32>,
        %mul3A_411 = arith.constant 16 : i32
        %mul3A_412 = arith.muli %scan3A_62, %mul3A_411 : i32
        %add3A_413 = arith.constant 4 : i32
        %add3A_414 = arith.addi %mul3A_412, %add3A_413 : i32
        %slice3A_415 = vector.extract_strided_slice %get3A_66 {offsets = [4], sizes = [1], strides = [1]} : vector<16xf32> to vector<1xf32>
        %squeeze3A_416 = vector.extract %slice3A_415[0] : f32 from vector<1xf32>
        %broadcast_in_dim3A_417 = vector.broadcast %squeeze3A_416 : f32 to vector<16xf32>
        %get3A_418 = arith.index_cast %add3A_414 : i32 to index
        %get3A_419 = arith.constant 0 : index
        %get3A_420 = tpu.vector_load %arg9[%get3A_418, %get3A_419] {strides = array<i32>} : memref<128x128xf32, #tpu.memory_space<vmem>>, vector<1x16xf32>,
        %get3A_421 = vector.shape_cast %get3A_420 : vector<1x16xf32> to vector<16xf32>
        %mul3A_422 = arith.mulf %get3A_421, %broadcast_in_dim3A_417 : vector<16xf32>
        %swap3A_423 = arith.index_cast %add3A_414 : i32 to index
        %swap3A_424 = arith.constant 0 : index
        %swap3A_425 = tpu.vector_load %arg9[%swap3A_423, %swap3A_424] {strides = array<i32>} : memref<128x128xf32, #tpu.memory_space<vmem>>, vector<1x16xf32>,
        %swap3A_426 = vector.shape_cast %swap3A_425 : vector<1x16xf32> to vector<16xf32>
        %swap3A_427 = vector.shape_cast %mul3A_422 : vector<16xf32> to vector<1x16xf32>
        tpu.vector_store %arg9[%swap3A_423, %swap3A_424], %swap3A_427 {strides = array<i32>} : memref<128x128xf32, #tpu.memory_space<vmem>>, vector<1x16xf32>,
        %get3A_428 = arith.index_cast %add3A_414 : i32 to index
        %get3A_429 = arith.constant 16 : index
        %get3A_430 = tpu.vector_load %arg9[%get3A_428, %get3A_429] {strides = array<i32>} : memref<128x128xf32, #tpu.memory_space<vmem>>, vector<1x16xf32>,
        %get3A_431 = vector.shape_cast %get3A_430 : vector<1x16xf32> to vector<16xf32>
        %mul3A_432 = arith.mulf %get3A_431, %broadcast_in_dim3A_417 : vector<16xf32>
        %swap3A_433 = arith.index_cast %add3A_414 : i32 to index
        %swap3A_434 = arith.constant 16 : index
        %swap3A_435 = tpu.vector_load %arg9[%swap3A_433, %swap3A_434] {strides = array<i32>} : memref<128x128xf32, #tpu.memory_space<vmem>>, vector<1x16xf32>,
        %swap3A_436 = vector.shape_cast %swap3A_435 : vector<1x16xf32> to vector<16xf32>
        %swap3A_437 = vector.shape_cast %mul3A_432 : vector<16xf32> to vector<1x16xf32>
        tpu.vector_store %arg9[%swap3A_433, %swap3A_434], %swap3A_437 {strides = array<i32>} : memref<128x128xf32, #tpu.memory_space<vmem>>, vector<1x16xf32>,
        %get3A_438 = arith.index_cast %add3A_414 : i32 to index
        %get3A_439 = arith.constant 32 : index
        %get3A_440 = tpu.vector_load %arg9[%get3A_438, %get3A_439] {strides = array<i32>} : memref<128x128xf32, #tpu.memory_space<vmem>>, vector<1x16xf32>,
        %get3A_441 = vector.shape_cast %get3A_440 : vector<1x16xf32> to vector<16xf32>
        %mul3A_442 = arith.mulf %get3A_441, %broadcast_in_dim3A_417 : vector<16xf32>
        %swap3A_443 = arith.index_cast %add3A_414 : i32 to index
        %swap3A_444 = arith.constant 32 : index
        %swap3A_445 = tpu.vector_load %arg9[%swap3A_443, %swap3A_444] {strides = array<i32>} : memref<128x128xf32, #tpu.memory_space<vmem>>, vector<1x16xf32>,
        %swap3A_446 = vector.shape_cast %swap3A_445 : vector<1x16xf32> to vector<16xf32>
        %swap3A_447 = vector.shape_cast %mul3A_442 : vector<16xf32> to vector<1x16xf32>
        tpu.vector_store %arg9[%swap3A_443, %swap3A_444], %swap3A_447 {strides = array<i32>} : memref<128x128xf32, #tpu.memory_space<vmem>>, vector<1x16xf32>,
        %get3A_448 = arith.index_cast %add3A_414 : i32 to index
        %get3A_449 = arith.constant 48 : index
        %get3A_450 = tpu.vector_load %arg9[%get3A_448, %get3A_449] {strides = array<i32>} : memref<128x128xf32, #tpu.memory_space<vmem>>, vector<1x16xf32>,
        %get3A_451 = vector.shape_cast %get3A_450 : vector<1x16xf32> to vector<16xf32>
        %mul3A_452 = arith.mulf %get3A_451, %broadcast_in_dim3A_417 : vector<16xf32>
        %swap3A_453 = arith.index_cast %add3A_414 : i32 to index
        %swap3A_454 = arith.constant 48 : index
        %swap3A_455 = tpu.vector_load %arg9[%swap3A_453, %swap3A_454] {strides = array<i32>} : memref<128x128xf32, #tpu.memory_space<vmem>>, vector<1x16xf32>,
        %swap3A_456 = vector.shape_cast %swap3A_455 : vector<1x16xf32> to vector<16xf32>
        %swap3A_457 = vector.shape_cast %mul3A_452 : vector<16xf32> to vector<1x16xf32>
        tpu.vector_store %arg9[%swap3A_453, %swap3A_454], %swap3A_457 {strides = array<i32>} : memref<128x128xf32, #tpu.memory_space<vmem>>, vector<1x16xf32>,
        %get3A_458 = arith.index_cast %add3A_414 : i32 to index
        %get3A_459 = arith.constant 64 : index
        %get3A_460 = tpu.vector_load %arg9[%get3A_458, %get3A_459] {strides = array<i32>} : memref<128x128xf32, #tpu.memory_space<vmem>>, vector<1x16xf32>,
        %get3A_461 = vector.shape_cast %get3A_460 : vector<1x16xf32> to vector<16xf32>
        %mul3A_462 = arith.mulf %get3A_461, %broadcast_in_dim3A_417 : vector<16xf32>
        %swap3A_463 = arith.index_cast %add3A_414 : i32 to index
        %swap3A_464 = arith.constant 64 : index
        %swap3A_465 = tpu.vector_load %arg9[%swap3A_463, %swap3A_464] {strides = array<i32>} : memref<128x128xf32, #tpu.memory_space<vmem>>, vector<1x16xf32>,
        %swap3A_466 = vector.shape_cast %swap3A_465 : vector<1x16xf32> to vector<16xf32>
        %swap3A_467 = vector.shape_cast %mul3A_462 : vector<16xf32> to vector<1x16xf32>
        tpu.vector_store %arg9[%swap3A_463, %swap3A_464], %swap3A_467 {strides = array<i32>} : memref<128x128xf32, #tpu.memory_space<vmem>>, vector<1x16xf32>,
        %get3A_468 = arith.index_cast %add3A_414 : i32 to index
        %get3A_469 = arith.constant 80 : index
        %get3A_470 = tpu.vector_load %arg9[%get3A_468, %get3A_469] {strides = array<i32>} : memref<128x128xf32, #tpu.memory_space<vmem>>, vector<1x16xf32>,
        %get3A_471 = vector.shape_cast %get3A_470 : vector<1x16xf32> to vector<16xf32>
        %mul3A_472 = arith.mulf %get3A_471, %broadcast_in_dim3A_417 : vector<16xf32>
        %swap3A_473 = arith.index_cast %add3A_414 : i32 to index
        %swap3A_474 = arith.constant 80 : index
        %swap3A_475 = tpu.vector_load %arg9[%swap3A_473, %swap3A_474] {strides = array<i32>} : memref<128x128xf32, #tpu.memory_space<vmem>>, vector<1x16xf32>,
        %swap3A_476 = vector.shape_cast %swap3A_475 : vector<1x16xf32> to vector<16xf32>
        %swap3A_477 = vector.shape_cast %mul3A_472 : vector<16xf32> to vector<1x16xf32>
        tpu.vector_store %arg9[%swap3A_473, %swap3A_474], %swap3A_477 {strides = array<i32>} : memref<128x128xf32, #tpu.memory_space<vmem>>, vector<1x16xf32>,
        %get3A_478 = arith.index_cast %add3A_414 : i32 to index
        %get3A_479 = arith.constant 96 : index
        %get3A_480 = tpu.vector_load %arg9[%get3A_478, %get3A_479] {strides = array<i32>} : memref<128x128xf32, #tpu.memory_space<vmem>>, vector<1x16xf32>,
        %get3A_481 = vector.shape_cast %get3A_480 : vector<1x16xf32> to vector<16xf32>
        %mul3A_482 = arith.mulf %get3A_481, %broadcast_in_dim3A_417 : vector<16xf32>
        %swap3A_483 = arith.index_cast %add3A_414 : i32 to index
        %swap3A_484 = arith.constant 96 : index
        %swap3A_485 = tpu.vector_load %arg9[%swap3A_483, %swap3A_484] {strides = array<i32>} : memref<128x128xf32, #tpu.memory_space<vmem>>, vector<1x16xf32>,
        %swap3A_486 = vector.shape_cast %swap3A_485 : vector<1x16xf32> to vector<16xf32>
        %swap3A_487 = vector.shape_cast %mul3A_482 : vector<16xf32> to vector<1x16xf32>
        tpu.vector_store %arg9[%swap3A_483, %swap3A_484], %swap3A_487 {strides = array<i32>} : memref<128x128xf32, #tpu.memory_space<vmem>>, vector<1x16xf32>,
        %get3A_488 = arith.index_cast %add3A_414 : i32 to index
        %get3A_489 = arith.constant 112 : index
        %get3A_490 = tpu.vector_load %arg9[%get3A_488, %get3A_489] {strides = array<i32>} : memref<128x128xf32, #tpu.memory_space<vmem>>, vector<1x16xf32>,
        %get3A_491 = vector.shape_cast %get3A_490 : vector<1x16xf32> to vector<16xf32>
        %mul3A_492 = arith.mulf %get3A_491, %broadcast_in_dim3A_417 : vector<16xf32>
        %swap3A_493 = arith.index_cast %add3A_414 : i32 to index
        %swap3A_494 = arith.constant 112 : index
        %swap3A_495 = tpu.vector_load %arg9[%swap3A_493, %swap3A_494] {strides = array<i32>} : memref<128x128xf32, #tpu.memory_space<vmem>>, vector<1x16xf32>,
        %swap3A_496 = vector.shape_cast %swap3A_495 : vector<1x16xf32> to vector<16xf32>
        %swap3A_497 = vector.shape_cast %mul3A_492 : vector<16xf32> to vector<1x16xf32>
        tpu.vector_store %arg9[%swap3A_493, %swap3A_494], %swap3A_497 {strides = array<i32>} : memref<128x128xf32, #tpu.memory_space<vmem>>, vector<1x16xf32>,
        %mul3A_498 = arith.constant 16 : i32
        %mul3A_499 = arith.muli %scan3A_62, %mul3A_498 : i32
        %add3A_500 = arith.constant 5 : i32
        %add3A_501 = arith.addi %mul3A_499, %add3A_500 : i32
        %slice3A_502 = vector.extract_strided_slice %get3A_66 {offsets = [5], sizes = [1], strides = [1]} : vector<16xf32> to vector<1xf32>
        %squeeze3A_503 = vector.extract %slice3A_502[0] : f32 from vector<1xf32>
        %broadcast_in_dim3A_504 = vector.broadcast %squeeze3A_503 : f32 to vector<16xf32>
        %get3A_505 = arith.index_cast %add3A_501 : i32 to index
        %get3A_506 = arith.constant 0 : index
        %get3A_507 = tpu.vector_load %arg9[%get3A_505, %get3A_506] {strides = array<i32>} : memref<128x128xf32, #tpu.memory_space<vmem>>, vector<1x16xf32>,
        %get3A_508 = vector.shape_cast %get3A_507 : vector<1x16xf32> to vector<16xf32>
        %mul3A_509 = arith.mulf %get3A_508, %broadcast_in_dim3A_504 : vector<16xf32>
        %swap3A_510 = arith.index_cast %add3A_501 : i32 to index
        %swap3A_511 = arith.constant 0 : index
        %swap3A_512 = tpu.vector_load %arg9[%swap3A_510, %swap3A_511] {strides = array<i32>} : memref<128x128xf32, #tpu.memory_space<vmem>>, vector<1x16xf32>,
        %swap3A_513 = vector.shape_cast %swap3A_512 : vector<1x16xf32> to vector<16xf32>
        %swap3A_514 = vector.shape_cast %mul3A_509 : vector<16xf32> to vector<1x16xf32>
        tpu.vector_store %arg9[%swap3A_510, %swap3A_511], %swap3A_514 {strides = array<i32>} : memref<128x128xf32, #tpu.memory_space<vmem>>, vector<1x16xf32>,
        %get3A_515 = arith.index_cast %add3A_501 : i32 to index
        %get3A_516 = arith.constant 16 : index
        %get3A_517 = tpu.vector_load %arg9[%get3A_515, %get3A_516] {strides = array<i32>} : memref<128x128xf32, #tpu.memory_space<vmem>>, vector<1x16xf32>,
        %get3A_518 = vector.shape_cast %get3A_517 : vector<1x16xf32> to vector<16xf32>
        %mul3A_519 = arith.mulf %get3A_518, %broadcast_in_dim3A_504 : vector<16xf32>
        %swap3A_520 = arith.index_cast %add3A_501 : i32 to index
        %swap3A_521 = arith.constant 16 : index
        %swap3A_522 = tpu.vector_load %arg9[%swap3A_520, %swap3A_521] {strides = array<i32>} : memref<128x128xf32, #tpu.memory_space<vmem>>, vector<1x16xf32>,
        %swap3A_523 = vector.shape_cast %swap3A_522 : vector<1x16xf32> to vector<16xf32>
        %swap3A_524 = vector.shape_cast %mul3A_519 : vector<16xf32> to vector<1x16xf32>
        tpu.vector_store %arg9[%swap3A_520, %swap3A_521], %swap3A_524 {strides = array<i32>} : memref<128x128xf32, #tpu.memory_space<vmem>>, vector<1x16xf32>,
        %get3A_525 = arith.index_cast %add3A_501 : i32 to index
        %get3A_526 = arith.constant 32 : index
        %get3A_527 = tpu.vector_load %arg9[%get3A_525, %get3A_526] {strides = array<i32>} : memref<128x128xf32, #tpu.memory_space<vmem>>, vector<1x16xf32>,
        %get3A_528 = vector.shape_cast %get3A_527 : vector<1x16xf32> to vector<16xf32>
        %mul3A_529 = arith.mulf %get3A_528, %broadcast_in_dim3A_504 : vector<16xf32>
        %swap3A_530 = arith.index_cast %add3A_501 : i32 to index
        %swap3A_531 = arith.constant 32 : index
        %swap3A_532 = tpu.vector_load %arg9[%swap3A_530, %swap3A_531] {strides = array<i32>} : memref<128x128xf32, #tpu.memory_space<vmem>>, vector<1x16xf32>,
        %swap3A_533 = vector.shape_cast %swap3A_532 : vector<1x16xf32> to vector<16xf32>
        %swap3A_534 = vector.shape_cast %mul3A_529 : vector<16xf32> to vector<1x16xf32>
        tpu.vector_store %arg9[%swap3A_530, %swap3A_531], %swap3A_534 {strides = array<i32>} : memref<128x128xf32, #tpu.memory_space<vmem>>, vector<1x16xf32>,
        %get3A_535 = arith.index_cast %add3A_501 : i32 to index
        %get3A_536 = arith.constant 48 : index
        %get3A_537 = tpu.vector_load %arg9[%get3A_535, %get3A_536] {strides = array<i32>} : memref<128x128xf32, #tpu.memory_space<vmem>>, vector<1x16xf32>,
        %get3A_538 = vector.shape_cast %get3A_537 : vector<1x16xf32> to vector<16xf32>
        %mul3A_539 = arith.mulf %get3A_538, %broadcast_in_dim3A_504 : vector<16xf32>
        %swap3A_540 = arith.index_cast %add3A_501 : i32 to index
        %swap3A_541 = arith.constant 48 : index
        %swap3A_542 = tpu.vector_load %arg9[%swap3A_540, %swap3A_541] {strides = array<i32>} : memref<128x128xf32, #tpu.memory_space<vmem>>, vector<1x16xf32>,
        %swap3A_543 = vector.shape_cast %swap3A_542 : vector<1x16xf32> to vector<16xf32>
        %swap3A_544 = vector.shape_cast %mul3A_539 : vector<16xf32> to vector<1x16xf32>
        tpu.vector_store %arg9[%swap3A_540, %swap3A_541], %swap3A_544 {strides = array<i32>} : memref<128x128xf32, #tpu.memory_space<vmem>>, vector<1x16xf32>,
        %get3A_545 = arith.index_cast %add3A_501 : i32 to index
        %get3A_546 = arith.constant 64 : index
        %get3A_547 = tpu.vector_load %arg9[%get3A_545, %get3A_546] {strides = array<i32>} : memref<128x128xf32, #tpu.memory_space<vmem>>, vector<1x16xf32>,
        %get3A_548 = vector.shape_cast %get3A_547 : vector<1x16xf32> to vector<16xf32>
        %mul3A_549 = arith.mulf %get3A_548, %broadcast_in_dim3A_504 : vector<16xf32>
        %swap3A_550 = arith.index_cast %add3A_501 : i32 to index
        %swap3A_551 = arith.constant 64 : index
        %swap3A_552 = tpu.vector_load %arg9[%swap3A_550, %swap3A_551] {strides = array<i32>} : memref<128x128xf32, #tpu.memory_space<vmem>>, vector<1x16xf32>,
        %swap3A_553 = vector.shape_cast %swap3A_552 : vector<1x16xf32> to vector<16xf32>
        %swap3A_554 = vector.shape_cast %mul3A_549 : vector<16xf32> to vector<1x16xf32>
        tpu.vector_store %arg9[%swap3A_550, %swap3A_551], %swap3A_554 {strides = array<i32>} : memref<128x128xf32, #tpu.memory_space<vmem>>, vector<1x16xf32>,
        %get3A_555 = arith.index_cast %add3A_501 : i32 to index
        %get3A_556 = arith.constant 80 : index
        %get3A_557 = tpu.vector_load %arg9[%get3A_555, %get3A_556] {strides = array<i32>} : memref<128x128xf32, #tpu.memory_space<vmem>>, vector<1x16xf32>,
        %get3A_558 = vector.shape_cast %get3A_557 : vector<1x16xf32> to vector<16xf32>
        %mul3A_559 = arith.mulf %get3A_558, %broadcast_in_dim3A_504 : vector<16xf32>
        %swap3A_560 = arith.index_cast %add3A_501 : i32 to index
        %swap3A_561 = arith.constant 80 : index
        %swap3A_562 = tpu.vector_load %arg9[%swap3A_560, %swap3A_561] {strides = array<i32>} : memref<128x128xf32, #tpu.memory_space<vmem>>, vector<1x16xf32>,
        %swap3A_563 = vector.shape_cast %swap3A_562 : vector<1x16xf32> to vector<16xf32>
        %swap3A_564 = vector.shape_cast %mul3A_559 : vector<16xf32> to vector<1x16xf32>
        tpu.vector_store %arg9[%swap3A_560, %swap3A_561], %swap3A_564 {strides = array<i32>} : memref<128x128xf32, #tpu.memory_space<vmem>>, vector<1x16xf32>,
        %get3A_565 = arith.index_cast %add3A_501 : i32 to index
        %get3A_566 = arith.constant 96 : index
        %get3A_567 = tpu.vector_load %arg9[%get3A_565, %get3A_566] {strides = array<i32>} : memref<128x128xf32, #tpu.memory_space<vmem>>, vector<1x16xf32>,
        %get3A_568 = vector.shape_cast %get3A_567 : vector<1x16xf32> to vector<16xf32>
        %mul3A_569 = arith.mulf %get3A_568, %broadcast_in_dim3A_504 : vector<16xf32>
        %swap3A_570 = arith.index_cast %add3A_501 : i32 to index
        %swap3A_571 = arith.constant 96 : index
        %swap3A_572 = tpu.vector_load %arg9[%swap3A_570, %swap3A_571] {strides = array<i32>} : memref<128x128xf32, #tpu.memory_space<vmem>>, vector<1x16xf32>,
        %swap3A_573 = vector.shape_cast %swap3A_572 : vector<1x16xf32> to vector<16xf32>
        %swap3A_574 = vector.shape_cast %mul3A_569 : vector<16xf32> to vector<1x16xf32>
        tpu.vector_store %arg9[%swap3A_570, %swap3A_571], %swap3A_574 {strides = array<i32>} : memref<128x128xf32, #tpu.memory_space<vmem>>, vector<1x16xf32>,
        %get3A_575 = arith.index_cast %add3A_501 : i32 to index
        %get3A_576 = arith.constant 112 : index
        %get3A_577 = tpu.vector_load %arg9[%get3A_575, %get3A_576] {strides = array<i32>} : memref<128x128xf32, #tpu.memory_space<vmem>>, vector<1x16xf32>,
        %get3A_578 = vector.shape_cast %get3A_577 : vector<1x16xf32> to vector<16xf32>
        %mul3A_579 = arith.mulf %get3A_578, %broadcast_in_dim3A_504 : vector<16xf32>
        %swap3A_580 = arith.index_cast %add3A_501 : i32 to index
        %swap3A_581 = arith.constant 112 : index
        %swap3A_582 = tpu.vector_load %arg9[%swap3A_580, %swap3A_581] {strides = array<i32>} : memref<128x128xf32, #tpu.memory_space<vmem>>, vector<1x16xf32>,
        %swap3A_583 = vector.shape_cast %swap3A_582 : vector<1x16xf32> to vector<16xf32>
        %swap3A_584 = vector.shape_cast %mul3A_579 : vector<16xf32> to vector<1x16xf32>
        tpu.vector_store %arg9[%swap3A_580, %swap3A_581], %swap3A_584 {strides = array<i32>} : memref<128x128xf32, #tpu.memory_space<vmem>>, vector<1x16xf32>,
        %mul3A_585 = arith.constant 16 : i32
        %mul3A_586 = arith.muli %scan3A_62, %mul3A_585 : i32
        %add3A_587 = arith.constant 6 : i32
        %add3A_588 = arith.addi %mul3A_586, %add3A_587 : i32
        %slice3A_589 = vector.extract_strided_slice %get3A_66 {offsets = [6], sizes = [1], strides = [1]} : vector<16xf32> to vector<1xf32>
        %squeeze3A_590 = vector.extract %slice3A_589[0] : f32 from vector<1xf32>
        %broadcast_in_dim3A_591 = vector.broadcast %squeeze3A_590 : f32 to vector<16xf32>
        %get3A_592 = arith.index_cast %add3A_588 : i32 to index
        %get3A_593 = arith.constant 0 : index
        %get3A_594 = tpu.vector_load %arg9[%get3A_592, %get3A_593] {strides = array<i32>} : memref<128x128xf32, #tpu.memory_space<vmem>>, vector<1x16xf32>,
        %get3A_595 = vector.shape_cast %get3A_594 : vector<1x16xf32> to vector<16xf32>
        %mul3A_596 = arith.mulf %get3A_595, %broadcast_in_dim3A_591 : vector<16xf32>
        %swap3A_597 = arith.index_cast %add3A_588 : i32 to index
        %swap3A_598 = arith.constant 0 : index
        %swap3A_599 = tpu.vector_load %arg9[%swap3A_597, %swap3A_598] {strides = array<i32>} : memref<128x128xf32, #tpu.memory_space<vmem>>, vector<1x16xf32>,
        %swap3A_600 = vector.shape_cast %swap3A_599 : vector<1x16xf32> to vector<16xf32>
        %swap3A_601 = vector.shape_cast %mul3A_596 : vector<16xf32> to vector<1x16xf32>
        tpu.vector_store %arg9[%swap3A_597, %swap3A_598], %swap3A_601 {strides = array<i32>} : memref<128x128xf32, #tpu.memory_space<vmem>>, vector<1x16xf32>,
        %get3A_602 = arith.index_cast %add3A_588 : i32 to index
        %get3A_603 = arith.constant 16 : index
        %get3A_604 = tpu.vector_load %arg9[%get3A_602, %get3A_603] {strides = array<i32>} : memref<128x128xf32, #tpu.memory_space<vmem>>, vector<1x16xf32>,
        %get3A_605 = vector.shape_cast %get3A_604 : vector<1x16xf32> to vector<16xf32>
        %mul3A_606 = arith.mulf %get3A_605, %broadcast_in_dim3A_591 : vector<16xf32>
        %swap3A_607 = arith.index_cast %add3A_588 : i32 to index
        %swap3A_608 = arith.constant 16 : index
        %swap3A_609 = tpu.vector_load %arg9[%swap3A_607, %swap3A_608] {strides = array<i32>} : memref<128x128xf32, #tpu.memory_space<vmem>>, vector<1x16xf32>,
        %swap3A_610 = vector.shape_cast %swap3A_609 : vector<1x16xf32> to vector<16xf32>
        %swap3A_611 = vector.shape_cast %mul3A_606 : vector<16xf32> to vector<1x16xf32>
        tpu.vector_store %arg9[%swap3A_607, %swap3A_608], %swap3A_611 {strides = array<i32>} : memref<128x128xf32, #tpu.memory_space<vmem>>, vector<1x16xf32>,
        %get3A_612 = arith.index_cast %add3A_588 : i32 to index
        %get3A_613 = arith.constant 32 : index
        %get3A_614 = tpu.vector_load %arg9[%get3A_612, %get3A_613] {strides = array<i32>} : memref<128x128xf32, #tpu.memory_space<vmem>>, vector<1x16xf32>,
        %get3A_615 = vector.shape_cast %get3A_614 : vector<1x16xf32> to vector<16xf32>
        %mul3A_616 = arith.mulf %get3A_615, %broadcast_in_dim3A_591 : vector<16xf32>
        %swap3A_617 = arith.index_cast %add3A_588 : i32 to index
        %swap3A_618 = arith.constant 32 : index
        %swap3A_619 = tpu.vector_load %arg9[%swap3A_617, %swap3A_618] {strides = array<i32>} : memref<128x128xf32, #tpu.memory_space<vmem>>, vector<1x16xf32>,
        %swap3A_620 = vector.shape_cast %swap3A_619 : vector<1x16xf32> to vector<16xf32>
        %swap3A_621 = vector.shape_cast %mul3A_616 : vector<16xf32> to vector<1x16xf32>
        tpu.vector_store %arg9[%swap3A_617, %swap3A_618], %swap3A_621 {strides = array<i32>} : memref<128x128xf32, #tpu.memory_space<vmem>>, vector<1x16xf32>,
        %get3A_622 = arith.index_cast %add3A_588 : i32 to index
        %get3A_623 = arith.constant 48 : index
        %get3A_624 = tpu.vector_load %arg9[%get3A_622, %get3A_623] {strides = array<i32>} : memref<128x128xf32, #tpu.memory_space<vmem>>, vector<1x16xf32>,
        %get3A_625 = vector.shape_cast %get3A_624 : vector<1x16xf32> to vector<16xf32>
        %mul3A_626 = arith.mulf %get3A_625, %broadcast_in_dim3A_591 : vector<16xf32>
        %swap3A_627 = arith.index_cast %add3A_588 : i32 to index
        %swap3A_628 = arith.constant 48 : index
        %swap3A_629 = tpu.vector_load %arg9[%swap3A_627, %swap3A_628] {strides = array<i32>} : memref<128x128xf32, #tpu.memory_space<vmem>>, vector<1x16xf32>,
        %swap3A_630 = vector.shape_cast %swap3A_629 : vector<1x16xf32> to vector<16xf32>
        %swap3A_631 = vector.shape_cast %mul3A_626 : vector<16xf32> to vector<1x16xf32>
        tpu.vector_store %arg9[%swap3A_627, %swap3A_628], %swap3A_631 {strides = array<i32>} : memref<128x128xf32, #tpu.memory_space<vmem>>, vector<1x16xf32>,
        %get3A_632 = arith.index_cast %add3A_588 : i32 to index
        %get3A_633 = arith.constant 64 : index
        %get3A_634 = tpu.vector_load %arg9[%get3A_632, %get3A_633] {strides = array<i32>} : memref<128x128xf32, #tpu.memory_space<vmem>>, vector<1x16xf32>,
        %get3A_635 = vector.shape_cast %get3A_634 : vector<1x16xf32> to vector<16xf32>
        %mul3A_636 = arith.mulf %get3A_635, %broadcast_in_dim3A_591 : vector<16xf32>
        %swap3A_637 = arith.index_cast %add3A_588 : i32 to index
        %swap3A_638 = arith.constant 64 : index
        %swap3A_639 = tpu.vector_load %arg9[%swap3A_637, %swap3A_638] {strides = array<i32>} : memref<128x128xf32, #tpu.memory_space<vmem>>, vector<1x16xf32>,
        %swap3A_640 = vector.shape_cast %swap3A_639 : vector<1x16xf32> to vector<16xf32>
        %swap3A_641 = vector.shape_cast %mul3A_636 : vector<16xf32> to vector<1x16xf32>
        tpu.vector_store %arg9[%swap3A_637, %swap3A_638], %swap3A_641 {strides = array<i32>} : memref<128x128xf32, #tpu.memory_space<vmem>>, vector<1x16xf32>,
        %get3A_642 = arith.index_cast %add3A_588 : i32 to index
        %get3A_643 = arith.constant 80 : index
        %get3A_644 = tpu.vector_load %arg9[%get3A_642, %get3A_643] {strides = array<i32>} : memref<128x128xf32, #tpu.memory_space<vmem>>, vector<1x16xf32>,
        %get3A_645 = vector.shape_cast %get3A_644 : vector<1x16xf32> to vector<16xf32>
        %mul3A_646 = arith.mulf %get3A_645, %broadcast_in_dim3A_591 : vector<16xf32>
        %swap3A_647 = arith.index_cast %add3A_588 : i32 to index
        %swap3A_648 = arith.constant 80 : index
        %swap3A_649 = tpu.vector_load %arg9[%swap3A_647, %swap3A_648] {strides = array<i32>} : memref<128x128xf32, #tpu.memory_space<vmem>>, vector<1x16xf32>,
        %swap3A_650 = vector.shape_cast %swap3A_649 : vector<1x16xf32> to vector<16xf32>
        %swap3A_651 = vector.shape_cast %mul3A_646 : vector<16xf32> to vector<1x16xf32>
        tpu.vector_store %arg9[%swap3A_647, %swap3A_648], %swap3A_651 {strides = array<i32>} : memref<128x128xf32, #tpu.memory_space<vmem>>, vector<1x16xf32>,
        %get3A_652 = arith.index_cast %add3A_588 : i32 to index
        %get3A_653 = arith.constant 96 : index
        %get3A_654 = tpu.vector_load %arg9[%get3A_652, %get3A_653] {strides = array<i32>} : memref<128x128xf32, #tpu.memory_space<vmem>>, vector<1x16xf32>,
        %get3A_655 = vector.shape_cast %get3A_654 : vector<1x16xf32> to vector<16xf32>
        %mul3A_656 = arith.mulf %get3A_655, %broadcast_in_dim3A_591 : vector<16xf32>
        %swap3A_657 = arith.index_cast %add3A_588 : i32 to index
        %swap3A_658 = arith.constant 96 : index
        %swap3A_659 = tpu.vector_load %arg9[%swap3A_657, %swap3A_658] {strides = array<i32>} : memref<128x128xf32, #tpu.memory_space<vmem>>, vector<1x16xf32>,
        %swap3A_660 = vector.shape_cast %swap3A_659 : vector<1x16xf32> to vector<16xf32>
        %swap3A_661 = vector.shape_cast %mul3A_656 : vector<16xf32> to vector<1x16xf32>
        tpu.vector_store %arg9[%swap3A_657, %swap3A_658], %swap3A_661 {strides = array<i32>} : memref<128x128xf32, #tpu.memory_space<vmem>>, vector<1x16xf32>,
        %get3A_662 = arith.index_cast %add3A_588 : i32 to index
        %get3A_663 = arith.constant 112 : index
        %get3A_664 = tpu.vector_load %arg9[%get3A_662, %get3A_663] {strides = array<i32>} : memref<128x128xf32, #tpu.memory_space<vmem>>, vector<1x16xf32>,
        %get3A_665 = vector.shape_cast %get3A_664 : vector<1x16xf32> to vector<16xf32>
        %mul3A_666 = arith.mulf %get3A_665, %broadcast_in_dim3A_591 : vector<16xf32>
        %swap3A_667 = arith.index_cast %add3A_588 : i32 to index
        %swap3A_668 = arith.constant 112 : index
        %swap3A_669 = tpu.vector_load %arg9[%swap3A_667, %swap3A_668] {strides = array<i32>} : memref<128x128xf32, #tpu.memory_space<vmem>>, vector<1x16xf32>,
        %swap3A_670 = vector.shape_cast %swap3A_669 : vector<1x16xf32> to vector<16xf32>
        %swap3A_671 = vector.shape_cast %mul3A_666 : vector<16xf32> to vector<1x16xf32>
        tpu.vector_store %arg9[%swap3A_667, %swap3A_668], %swap3A_671 {strides = array<i32>} : memref<128x128xf32, #tpu.memory_space<vmem>>, vector<1x16xf32>,
        %mul3A_672 = arith.constant 16 : i32
        %mul3A_673 = arith.muli %scan3A_62, %mul3A_672 : i32
        %add3A_674 = arith.constant 7 : i32
        %add3A_675 = arith.addi %mul3A_673, %add3A_674 : i32
        %slice3A_676 = vector.extract_strided_slice %get3A_66 {offsets = [7], sizes = [1], strides = [1]} : vector<16xf32> to vector<1xf32>
        %squeeze3A_677 = vector.extract %slice3A_676[0] : f32 from vector<1xf32>
        %broadcast_in_dim3A_678 = vector.broadcast %squeeze3A_677 : f32 to vector<16xf32>
        %get3A_679 = arith.index_cast %add3A_675 : i32 to index
        %get3A_680 = arith.constant 0 : index
        %get3A_681 = tpu.vector_load %arg9[%get3A_679, %get3A_680] {strides = array<i32>} : memref<128x128xf32, #tpu.memory_space<vmem>>, vector<1x16xf32>,
        %get3A_682 = vector.shape_cast %get3A_681 : vector<1x16xf32> to vector<16xf32>
        %mul3A_683 = arith.mulf %get3A_682, %broadcast_in_dim3A_678 : vector<16xf32>
        %swap3A_684 = arith.index_cast %add3A_675 : i32 to index
        %swap3A_685 = arith.constant 0 : index
        %swap3A_686 = tpu.vector_load %arg9[%swap3A_684, %swap3A_685] {strides = array<i32>} : memref<128x128xf32, #tpu.memory_space<vmem>>, vector<1x16xf32>,
        %swap3A_687 = vector.shape_cast %swap3A_686 : vector<1x16xf32> to vector<16xf32>
        %swap3A_688 = vector.shape_cast %mul3A_683 : vector<16xf32> to vector<1x16xf32>
        tpu.vector_store %arg9[%swap3A_684, %swap3A_685], %swap3A_688 {strides = array<i32>} : memref<128x128xf32, #tpu.memory_space<vmem>>, vector<1x16xf32>,
        %get3A_689 = arith.index_cast %add3A_675 : i32 to index
        %get3A_690 = arith.constant 16 : index
        %get3A_691 = tpu.vector_load %arg9[%get3A_689, %get3A_690] {strides = array<i32>} : memref<128x128xf32, #tpu.memory_space<vmem>>, vector<1x16xf32>,
        %get3A_692 = vector.shape_cast %get3A_691 : vector<1x16xf32> to vector<16xf32>
        %mul3A_693 = arith.mulf %get3A_692, %broadcast_in_dim3A_678 : vector<16xf32>
        %swap3A_694 = arith.index_cast %add3A_675 : i32 to index
        %swap3A_695 = arith.constant 16 : index
        %swap3A_696 = tpu.vector_load %arg9[%swap3A_694, %swap3A_695] {strides = array<i32>} : memref<128x128xf32, #tpu.memory_space<vmem>>, vector<1x16xf32>,
        %swap3A_697 = vector.shape_cast %swap3A_696 : vector<1x16xf32> to vector<16xf32>
        %swap3A_698 = vector.shape_cast %mul3A_693 : vector<16xf32> to vector<1x16xf32>
        tpu.vector_store %arg9[%swap3A_694, %swap3A_695], %swap3A_698 {strides = array<i32>} : memref<128x128xf32, #tpu.memory_space<vmem>>, vector<1x16xf32>,
        %get3A_699 = arith.index_cast %add3A_675 : i32 to index
        %get3A_700 = arith.constant 32 : index
        %get3A_701 = tpu.vector_load %arg9[%get3A_699, %get3A_700] {strides = array<i32>} : memref<128x128xf32, #tpu.memory_space<vmem>>, vector<1x16xf32>,
        %get3A_702 = vector.shape_cast %get3A_701 : vector<1x16xf32> to vector<16xf32>
        %mul3A_703 = arith.mulf %get3A_702, %broadcast_in_dim3A_678 : vector<16xf32>
        %swap3A_704 = arith.index_cast %add3A_675 : i32 to index
        %swap3A_705 = arith.constant 32 : index
        %swap3A_706 = tpu.vector_load %arg9[%swap3A_704, %swap3A_705] {strides = array<i32>} : memref<128x128xf32, #tpu.memory_space<vmem>>, vector<1x16xf32>,
        %swap3A_707 = vector.shape_cast %swap3A_706 : vector<1x16xf32> to vector<16xf32>
        %swap3A_708 = vector.shape_cast %mul3A_703 : vector<16xf32> to vector<1x16xf32>
        tpu.vector_store %arg9[%swap3A_704, %swap3A_705], %swap3A_708 {strides = array<i32>} : memref<128x128xf32, #tpu.memory_space<vmem>>, vector<1x16xf32>,
        %get3A_709 = arith.index_cast %add3A_675 : i32 to index
        %get3A_710 = arith.constant 48 : index
        %get3A_711 = tpu.vector_load %arg9[%get3A_709, %get3A_710] {strides = array<i32>} : memref<128x128xf32, #tpu.memory_space<vmem>>, vector<1x16xf32>,
        %get3A_712 = vector.shape_cast %get3A_711 : vector<1x16xf32> to vector<16xf32>
        %mul3A_713 = arith.mulf %get3A_712, %broadcast_in_dim3A_678 : vector<16xf32>
        %swap3A_714 = arith.index_cast %add3A_675 : i32 to index
        %swap3A_715 = arith.constant 48 : index
        %swap3A_716 = tpu.vector_load %arg9[%swap3A_714, %swap3A_715] {strides = array<i32>} : memref<128x128xf32, #tpu.memory_space<vmem>>, vector<1x16xf32>,
        %swap3A_717 = vector.shape_cast %swap3A_716 : vector<1x16xf32> to vector<16xf32>
        %swap3A_718 = vector.shape_cast %mul3A_713 : vector<16xf32> to vector<1x16xf32>
        tpu.vector_store %arg9[%swap3A_714, %swap3A_715], %swap3A_718 {strides = array<i32>} : memref<128x128xf32, #tpu.memory_space<vmem>>, vector<1x16xf32>,
        %get3A_719 = arith.index_cast %add3A_675 : i32 to index
        %get3A_720 = arith.constant 64 : index
        %get3A_721 = tpu.vector_load %arg9[%get3A_719, %get3A_720] {strides = array<i32>} : memref<128x128xf32, #tpu.memory_space<vmem>>, vector<1x16xf32>,
        %get3A_722 = vector.shape_cast %get3A_721 : vector<1x16xf32> to vector<16xf32>
        %mul3A_723 = arith.mulf %get3A_722, %broadcast_in_dim3A_678 : vector<16xf32>
        %swap3A_724 = arith.index_cast %add3A_675 : i32 to index
        %swap3A_725 = arith.constant 64 : index
        %swap3A_726 = tpu.vector_load %arg9[%swap3A_724, %swap3A_725] {strides = array<i32>} : memref<128x128xf32, #tpu.memory_space<vmem>>, vector<1x16xf32>,
        %swap3A_727 = vector.shape_cast %swap3A_726 : vector<1x16xf32> to vector<16xf32>
        %swap3A_728 = vector.shape_cast %mul3A_723 : vector<16xf32> to vector<1x16xf32>
        tpu.vector_store %arg9[%swap3A_724, %swap3A_725], %swap3A_728 {strides = array<i32>} : memref<128x128xf32, #tpu.memory_space<vmem>>, vector<1x16xf32>,
        %get3A_729 = arith.index_cast %add3A_675 : i32 to index
        %get3A_730 = arith.constant 80 : index
        %get3A_731 = tpu.vector_load %arg9[%get3A_729, %get3A_730] {strides = array<i32>} : memref<128x128xf32, #tpu.memory_space<vmem>>, vector<1x16xf32>,
        %get3A_732 = vector.shape_cast %get3A_731 : vector<1x16xf32> to vector<16xf32>
        %mul3A_733 = arith.mulf %get3A_732, %broadcast_in_dim3A_678 : vector<16xf32>
        %swap3A_734 = arith.index_cast %add3A_675 : i32 to index
        %swap3A_735 = arith.constant 80 : index
        %swap3A_736 = tpu.vector_load %arg9[%swap3A_734, %swap3A_735] {strides = array<i32>} : memref<128x128xf32, #tpu.memory_space<vmem>>, vector<1x16xf32>,
        %swap3A_737 = vector.shape_cast %swap3A_736 : vector<1x16xf32> to vector<16xf32>
        %swap3A_738 = vector.shape_cast %mul3A_733 : vector<16xf32> to vector<1x16xf32>
        tpu.vector_store %arg9[%swap3A_734, %swap3A_735], %swap3A_738 {strides = array<i32>} : memref<128x128xf32, #tpu.memory_space<vmem>>, vector<1x16xf32>,
        %get3A_739 = arith.index_cast %add3A_675 : i32 to index
        %get3A_740 = arith.constant 96 : index
        %get3A_741 = tpu.vector_load %arg9[%get3A_739, %get3A_740] {strides = array<i32>} : memref<128x128xf32, #tpu.memory_space<vmem>>, vector<1x16xf32>,
        %get3A_742 = vector.shape_cast %get3A_741 : vector<1x16xf32> to vector<16xf32>
        %mul3A_743 = arith.mulf %get3A_742, %broadcast_in_dim3A_678 : vector<16xf32>
        %swap3A_744 = arith.index_cast %add3A_675 : i32 to index
        %swap3A_745 = arith.constant 96 : index
        %swap3A_746 = tpu.vector_load %arg9[%swap3A_744, %swap3A_745] {strides = array<i32>} : memref<128x128xf32, #tpu.memory_space<vmem>>, vector<1x16xf32>,
        %swap3A_747 = vector.shape_cast %swap3A_746 : vector<1x16xf32> to vector<16xf32>
        %swap3A_748 = vector.shape_cast %mul3A_743 : vector<16xf32> to vector<1x16xf32>
        tpu.vector_store %arg9[%swap3A_744, %swap3A_745], %swap3A_748 {strides = array<i32>} : memref<128x128xf32, #tpu.memory_space<vmem>>, vector<1x16xf32>,
        %get3A_749 = arith.index_cast %add3A_675 : i32 to index
        %get3A_750 = arith.constant 112 : index
        %get3A_751 = tpu.vector_load %arg9[%get3A_749, %get3A_750] {strides = array<i32>} : memref<128x128xf32, #tpu.memory_space<vmem>>, vector<1x16xf32>,
        %get3A_752 = vector.shape_cast %get3A_751 : vector<1x16xf32> to vector<16xf32>
        %mul3A_753 = arith.mulf %get3A_752, %broadcast_in_dim3A_678 : vector<16xf32>
        %swap3A_754 = arith.index_cast %add3A_675 : i32 to index
        %swap3A_755 = arith.constant 112 : index
        %swap3A_756 = tpu.vector_load %arg9[%swap3A_754, %swap3A_755] {strides = array<i32>} : memref<128x128xf32, #tpu.memory_space<vmem>>, vector<1x16xf32>,
        %swap3A_757 = vector.shape_cast %swap3A_756 : vector<1x16xf32> to vector<16xf32>
        %swap3A_758 = vector.shape_cast %mul3A_753 : vector<16xf32> to vector<1x16xf32>
        tpu.vector_store %arg9[%swap3A_754, %swap3A_755], %swap3A_758 {strides = array<i32>} : memref<128x128xf32, #tpu.memory_space<vmem>>, vector<1x16xf32>,
        %mul3A_759 = arith.constant 16 : i32
        %mul3A_760 = arith.muli %scan3A_62, %mul3A_759 : i32
        %add3A_761 = arith.constant 8 : i32
        %add3A_762 = arith.addi %mul3A_760, %add3A_761 : i32
        %slice3A_763 = vector.extract_strided_slice %get3A_66 {offsets = [8], sizes = [1], strides = [1]} : vector<16xf32> to vector<1xf32>
        %squeeze3A_764 = vector.extract %slice3A_763[0] : f32 from vector<1xf32>
        %broadcast_in_dim3A_765 = vector.broadcast %squeeze3A_764 : f32 to vector<16xf32>
        %get3A_766 = arith.index_cast %add3A_762 : i32 to index
        %get3A_767 = arith.constant 0 : index
        %get3A_768 = tpu.vector_load %arg9[%get3A_766, %get3A_767] {strides = array<i32>} : memref<128x128xf32, #tpu.memory_space<vmem>>, vector<1x16xf32>,
        %get3A_769 = vector.shape_cast %get3A_768 : vector<1x16xf32> to vector<16xf32>
        %mul3A_770 = arith.mulf %get3A_769, %broadcast_in_dim3A_765 : vector<16xf32>
        %swap3A_771 = arith.index_cast %add3A_762 : i32 to index
        %swap3A_772 = arith.constant 0 : index
        %swap3A_773 = tpu.vector_load %arg9[%swap3A_771, %swap3A_772] {strides = array<i32>} : memref<128x128xf32, #tpu.memory_space<vmem>>, vector<1x16xf32>,
        %swap3A_774 = vector.shape_cast %swap3A_773 : vector<1x16xf32> to vector<16xf32>
        %swap3A_775 = vector.shape_cast %mul3A_770 : vector<16xf32> to vector<1x16xf32>
        tpu.vector_store %arg9[%swap3A_771, %swap3A_772], %swap3A_775 {strides = array<i32>} : memref<128x128xf32, #tpu.memory_space<vmem>>, vector<1x16xf32>,
        %get3A_776 = arith.index_cast %add3A_762 : i32 to index
        %get3A_777 = arith.constant 16 : index
        %get3A_778 = tpu.vector_load %arg9[%get3A_776, %get3A_777] {strides = array<i32>} : memref<128x128xf32, #tpu.memory_space<vmem>>, vector<1x16xf32>,
        %get3A_779 = vector.shape_cast %get3A_778 : vector<1x16xf32> to vector<16xf32>
        %mul3A_780 = arith.mulf %get3A_779, %broadcast_in_dim3A_765 : vector<16xf32>
        %swap3A_781 = arith.index_cast %add3A_762 : i32 to index
        %swap3A_782 = arith.constant 16 : index
        %swap3A_783 = tpu.vector_load %arg9[%swap3A_781, %swap3A_782] {strides = array<i32>} : memref<128x128xf32, #tpu.memory_space<vmem>>, vector<1x16xf32>,
        %swap3A_784 = vector.shape_cast %swap3A_783 : vector<1x16xf32> to vector<16xf32>
        %swap3A_785 = vector.shape_cast %mul3A_780 : vector<16xf32> to vector<1x16xf32>
        tpu.vector_store %arg9[%swap3A_781, %swap3A_782], %swap3A_785 {strides = array<i32>} : memref<128x128xf32, #tpu.memory_space<vmem>>, vector<1x16xf32>,
        %get3A_786 = arith.index_cast %add3A_762 : i32 to index
        %get3A_787 = arith.constant 32 : index
        %get3A_788 = tpu.vector_load %arg9[%get3A_786, %get3A_787] {strides = array<i32>} : memref<128x128xf32, #tpu.memory_space<vmem>>, vector<1x16xf32>,
        %get3A_789 = vector.shape_cast %get3A_788 : vector<1x16xf32> to vector<16xf32>
        %mul3A_790 = arith.mulf %get3A_789, %broadcast_in_dim3A_765 : vector<16xf32>
        %swap3A_791 = arith.index_cast %add3A_762 : i32 to index
        %swap3A_792 = arith.constant 32 : index
        %swap3A_793 = tpu.vector_load %arg9[%swap3A_791, %swap3A_792] {strides = array<i32>} : memref<128x128xf32, #tpu.memory_space<vmem>>, vector<1x16xf32>,
        %swap3A_794 = vector.shape_cast %swap3A_793 : vector<1x16xf32> to vector<16xf32>
        %swap3A_795 = vector.shape_cast %mul3A_790 : vector<16xf32> to vector<1x16xf32>
        tpu.vector_store %arg9[%swap3A_791, %swap3A_792], %swap3A_795 {strides = array<i32>} : memref<128x128xf32, #tpu.memory_space<vmem>>, vector<1x16xf32>,
        %get3A_796 = arith.index_cast %add3A_762 : i32 to index
        %get3A_797 = arith.constant 48 : index
        %get3A_798 = tpu.vector_load %arg9[%get3A_796, %get3A_797] {strides = array<i32>} : memref<128x128xf32, #tpu.memory_space<vmem>>, vector<1x16xf32>,
        %get3A_799 = vector.shape_cast %get3A_798 : vector<1x16xf32> to vector<16xf32>
        %mul3A_800 = arith.mulf %get3A_799, %broadcast_in_dim3A_765 : vector<16xf32>
        %swap3A_801 = arith.index_cast %add3A_762 : i32 to index
        %swap3A_802 = arith.constant 48 : index
        %swap3A_803 = tpu.vector_load %arg9[%swap3A_801, %swap3A_802] {strides = array<i32>} : memref<128x128xf32, #tpu.memory_space<vmem>>, vector<1x16xf32>,
        %swap3A_804 = vector.shape_cast %swap3A_803 : vector<1x16xf32> to vector<16xf32>
        %swap3A_805 = vector.shape_cast %mul3A_800 : vector<16xf32> to vector<1x16xf32>
        tpu.vector_store %arg9[%swap3A_801, %swap3A_802], %swap3A_805 {strides = array<i32>} : memref<128x128xf32, #tpu.memory_space<vmem>>, vector<1x16xf32>,
        %get3A_806 = arith.index_cast %add3A_762 : i32 to index
        %get3A_807 = arith.constant 64 : index
        %get3A_808 = tpu.vector_load %arg9[%get3A_806, %get3A_807] {strides = array<i32>} : memref<128x128xf32, #tpu.memory_space<vmem>>, vector<1x16xf32>,
        %get3A_809 = vector.shape_cast %get3A_808 : vector<1x16xf32> to vector<16xf32>
        %mul3A_810 = arith.mulf %get3A_809, %broadcast_in_dim3A_765 : vector<16xf32>
        %swap3A_811 = arith.index_cast %add3A_762 : i32 to index
        %swap3A_812 = arith.constant 64 : index
        %swap3A_813 = tpu.vector_load %arg9[%swap3A_811, %swap3A_812] {strides = array<i32>} : memref<128x128xf32, #tpu.memory_space<vmem>>, vector<1x16xf32>,
        %swap3A_814 = vector.shape_cast %swap3A_813 : vector<1x16xf32> to vector<16xf32>
        %swap3A_815 = vector.shape_cast %mul3A_810 : vector<16xf32> to vector<1x16xf32>
        tpu.vector_store %arg9[%swap3A_811, %swap3A_812], %swap3A_815 {strides = array<i32>} : memref<128x128xf32, #tpu.memory_space<vmem>>, vector<1x16xf32>,
        %get3A_816 = arith.index_cast %add3A_762 : i32 to index
        %get3A_817 = arith.constant 80 : index
        %get3A_818 = tpu.vector_load %arg9[%get3A_816, %get3A_817] {strides = array<i32>} : memref<128x128xf32, #tpu.memory_space<vmem>>, vector<1x16xf32>,
        %get3A_819 = vector.shape_cast %get3A_818 : vector<1x16xf32> to vector<16xf32>
        %mul3A_820 = arith.mulf %get3A_819, %broadcast_in_dim3A_765 : vector<16xf32>
        %swap3A_821 = arith.index_cast %add3A_762 : i32 to index
        %swap3A_822 = arith.constant 80 : index
        %swap3A_823 = tpu.vector_load %arg9[%swap3A_821, %swap3A_822] {strides = array<i32>} : memref<128x128xf32, #tpu.memory_space<vmem>>, vector<1x16xf32>,
        %swap3A_824 = vector.shape_cast %swap3A_823 : vector<1x16xf32> to vector<16xf32>
        %swap3A_825 = vector.shape_cast %mul3A_820 : vector<16xf32> to vector<1x16xf32>
        tpu.vector_store %arg9[%swap3A_821, %swap3A_822], %swap3A_825 {strides = array<i32>} : memref<128x128xf32, #tpu.memory_space<vmem>>, vector<1x16xf32>,
        %get3A_826 = arith.index_cast %add3A_762 : i32 to index
        %get3A_827 = arith.constant 96 : index
        %get3A_828 = tpu.vector_load %arg9[%get3A_826, %get3A_827] {strides = array<i32>} : memref<128x128xf32, #tpu.memory_space<vmem>>, vector<1x16xf32>,
        %get3A_829 = vector.shape_cast %get3A_828 : vector<1x16xf32> to vector<16xf32>
        %mul3A_830 = arith.mulf %get3A_829, %broadcast_in_dim3A_765 : vector<16xf32>
        %swap3A_831 = arith.index_cast %add3A_762 : i32 to index
        %swap3A_832 = arith.constant 96 : index
        %swap3A_833 = tpu.vector_load %arg9[%swap3A_831, %swap3A_832] {strides = array<i32>} : memref<128x128xf32, #tpu.memory_space<vmem>>, vector<1x16xf32>,
        %swap3A_834 = vector.shape_cast %swap3A_833 : vector<1x16xf32> to vector<16xf32>
        %swap3A_835 = vector.shape_cast %mul3A_830 : vector<16xf32> to vector<1x16xf32>
        tpu.vector_store %arg9[%swap3A_831, %swap3A_832], %swap3A_835 {strides = array<i32>} : memref<128x128xf32, #tpu.memory_space<vmem>>, vector<1x16xf32>,
        %get3A_836 = arith.index_cast %add3A_762 : i32 to index
        %get3A_837 = arith.constant 112 : index
        %get3A_838 = tpu.vector_load %arg9[%get3A_836, %get3A_837] {strides = array<i32>} : memref<128x128xf32, #tpu.memory_space<vmem>>, vector<1x16xf32>,
        %get3A_839 = vector.shape_cast %get3A_838 : vector<1x16xf32> to vector<16xf32>
        %mul3A_840 = arith.mulf %get3A_839, %broadcast_in_dim3A_765 : vector<16xf32>
        %swap3A_841 = arith.index_cast %add3A_762 : i32 to index
        %swap3A_842 = arith.constant 112 : index
        %swap3A_843 = tpu.vector_load %arg9[%swap3A_841, %swap3A_842] {strides = array<i32>} : memref<128x128xf32, #tpu.memory_space<vmem>>, vector<1x16xf32>,
        %swap3A_844 = vector.shape_cast %swap3A_843 : vector<1x16xf32> to vector<16xf32>
        %swap3A_845 = vector.shape_cast %mul3A_840 : vector<16xf32> to vector<1x16xf32>
        tpu.vector_store %arg9[%swap3A_841, %swap3A_842], %swap3A_845 {strides = array<i32>} : memref<128x128xf32, #tpu.memory_space<vmem>>, vector<1x16xf32>,
        %mul3A_846 = arith.constant 16 : i32
        %mul3A_847 = arith.muli %scan3A_62, %mul3A_846 : i32
        %add3A_848 = arith.constant 9 : i32
        %add3A_849 = arith.addi %mul3A_847, %add3A_848 : i32
        %slice3A_850 = vector.extract_strided_slice %get3A_66 {offsets = [9], sizes = [1], strides = [1]} : vector<16xf32> to vector<1xf32>
        %squeeze3A_851 = vector.extract %slice3A_850[0] : f32 from vector<1xf32>
        %broadcast_in_dim3A_852 = vector.broadcast %squeeze3A_851 : f32 to vector<16xf32>
        %get3A_853 = arith.index_cast %add3A_849 : i32 to index
        %get3A_854 = arith.constant 0 : index
        %get3A_855 = tpu.vector_load %arg9[%get3A_853, %get3A_854] {strides = array<i32>} : memref<128x128xf32, #tpu.memory_space<vmem>>, vector<1x16xf32>,
        %get3A_856 = vector.shape_cast %get3A_855 : vector<1x16xf32> to vector<16xf32>
        %mul3A_857 = arith.mulf %get3A_856, %broadcast_in_dim3A_852 : vector<16xf32>
        %swap3A_858 = arith.index_cast %add3A_849 : i32 to index
        %swap3A_859 = arith.constant 0 : index
        %swap3A_860 = tpu.vector_load %arg9[%swap3A_858, %swap3A_859] {strides = array<i32>} : memref<128x128xf32, #tpu.memory_space<vmem>>, vector<1x16xf32>,
        %swap3A_861 = vector.shape_cast %swap3A_860 : vector<1x16xf32> to vector<16xf32>
        %swap3A_862 = vector.shape_cast %mul3A_857 : vector<16xf32> to vector<1x16xf32>
        tpu.vector_store %arg9[%swap3A_858, %swap3A_859], %swap3A_862 {strides = array<i32>} : memref<128x128xf32, #tpu.memory_space<vmem>>, vector<1x16xf32>,
        %get3A_863 = arith.index_cast %add3A_849 : i32 to index
        %get3A_864 = arith.constant 16 : index
        %get3A_865 = tpu.vector_load %arg9[%get3A_863, %get3A_864] {strides = array<i32>} : memref<128x128xf32, #tpu.memory_space<vmem>>, vector<1x16xf32>,
        %get3A_866 = vector.shape_cast %get3A_865 : vector<1x16xf32> to vector<16xf32>
        %mul3A_867 = arith.mulf %get3A_866, %broadcast_in_dim3A_852 : vector<16xf32>
        %swap3A_868 = arith.index_cast %add3A_849 : i32 to index
        %swap3A_869 = arith.constant 16 : index
        %swap3A_870 = tpu.vector_load %arg9[%swap3A_868, %swap3A_869] {strides = array<i32>} : memref<128x128xf32, #tpu.memory_space<vmem>>, vector<1x16xf32>,
        %swap3A_871 = vector.shape_cast %swap3A_870 : vector<1x16xf32> to vector<16xf32>
        %swap3A_872 = vector.shape_cast %mul3A_867 : vector<16xf32> to vector<1x16xf32>
        tpu.vector_store %arg9[%swap3A_868, %swap3A_869], %swap3A_872 {strides = array<i32>} : memref<128x128xf32, #tpu.memory_space<vmem>>, vector<1x16xf32>,
        %get3A_873 = arith.index_cast %add3A_849 : i32 to index
        %get3A_874 = arith.constant 32 : index
        %get3A_875 = tpu.vector_load %arg9[%get3A_873, %get3A_874] {strides = array<i32>} : memref<128x128xf32, #tpu.memory_space<vmem>>, vector<1x16xf32>,
        %get3A_876 = vector.shape_cast %get3A_875 : vector<1x16xf32> to vector<16xf32>
        %mul3A_877 = arith.mulf %get3A_876, %broadcast_in_dim3A_852 : vector<16xf32>
        %swap3A_878 = arith.index_cast %add3A_849 : i32 to index
        %swap3A_879 = arith.constant 32 : index
        %swap3A_880 = tpu.vector_load %arg9[%swap3A_878, %swap3A_879] {strides = array<i32>} : memref<128x128xf32, #tpu.memory_space<vmem>>, vector<1x16xf32>,
        %swap3A_881 = vector.shape_cast %swap3A_880 : vector<1x16xf32> to vector<16xf32>
        %swap3A_882 = vector.shape_cast %mul3A_877 : vector<16xf32> to vector<1x16xf32>
        tpu.vector_store %arg9[%swap3A_878, %swap3A_879], %swap3A_882 {strides = array<i32>} : memref<128x128xf32, #tpu.memory_space<vmem>>, vector<1x16xf32>,
        %get3A_883 = arith.index_cast %add3A_849 : i32 to index
        %get3A_884 = arith.constant 48 : index
        %get3A_885 = tpu.vector_load %arg9[%get3A_883, %get3A_884] {strides = array<i32>} : memref<128x128xf32, #tpu.memory_space<vmem>>, vector<1x16xf32>,
        %get3A_886 = vector.shape_cast %get3A_885 : vector<1x16xf32> to vector<16xf32>
        %mul3A_887 = arith.mulf %get3A_886, %broadcast_in_dim3A_852 : vector<16xf32>
        %swap3A_888 = arith.index_cast %add3A_849 : i32 to index
        %swap3A_889 = arith.constant 48 : index
        %swap3A_890 = tpu.vector_load %arg9[%swap3A_888, %swap3A_889] {strides = array<i32>} : memref<128x128xf32, #tpu.memory_space<vmem>>, vector<1x16xf32>,
        %swap3A_891 = vector.shape_cast %swap3A_890 : vector<1x16xf32> to vector<16xf32>
        %swap3A_892 = vector.shape_cast %mul3A_887 : vector<16xf32> to vector<1x16xf32>
        tpu.vector_store %arg9[%swap3A_888, %swap3A_889], %swap3A_892 {strides = array<i32>} : memref<128x128xf32, #tpu.memory_space<vmem>>, vector<1x16xf32>,
        %get3A_893 = arith.index_cast %add3A_849 : i32 to index
        %get3A_894 = arith.constant 64 : index
        %get3A_895 = tpu.vector_load %arg9[%get3A_893, %get3A_894] {strides = array<i32>} : memref<128x128xf32, #tpu.memory_space<vmem>>, vector<1x16xf32>,
        %get3A_896 = vector.shape_cast %get3A_895 : vector<1x16xf32> to vector<16xf32>
        %mul3A_897 = arith.mulf %get3A_896, %broadcast_in_dim3A_852 : vector<16xf32>
        %swap3A_898 = arith.index_cast %add3A_849 : i32 to index
        %swap3A_899 = arith.constant 64 : index
        %swap3A_900 = tpu.vector_load %arg9[%swap3A_898, %swap3A_899] {strides = array<i32>} : memref<128x128xf32, #tpu.memory_space<vmem>>, vector<1x16xf32>,
        %swap3A_901 = vector.shape_cast %swap3A_900 : vector<1x16xf32> to vector<16xf32>
        %swap3A_902 = vector.shape_cast %mul3A_897 : vector<16xf32> to vector<1x16xf32>
        tpu.vector_store %arg9[%swap3A_898, %swap3A_899], %swap3A_902 {strides = array<i32>} : memref<128x128xf32, #tpu.memory_space<vmem>>, vector<1x16xf32>,
        %get3A_903 = arith.index_cast %add3A_849 : i32 to index
        %get3A_904 = arith.constant 80 : index
        %get3A_905 = tpu.vector_load %arg9[%get3A_903, %get3A_904] {strides = array<i32>} : memref<128x128xf32, #tpu.memory_space<vmem>>, vector<1x16xf32>,
        %get3A_906 = vector.shape_cast %get3A_905 : vector<1x16xf32> to vector<16xf32>
        %mul3A_907 = arith.mulf %get3A_906, %broadcast_in_dim3A_852 : vector<16xf32>
        %swap3A_908 = arith.index_cast %add3A_849 : i32 to index
        %swap3A_909 = arith.constant 80 : index
        %swap3A_910 = tpu.vector_load %arg9[%swap3A_908, %swap3A_909] {strides = array<i32>} : memref<128x128xf32, #tpu.memory_space<vmem>>, vector<1x16xf32>,
        %swap3A_911 = vector.shape_cast %swap3A_910 : vector<1x16xf32> to vector<16xf32>
        %swap3A_912 = vector.shape_cast %mul3A_907 : vector<16xf32> to vector<1x16xf32>
        tpu.vector_store %arg9[%swap3A_908, %swap3A_909], %swap3A_912 {strides = array<i32>} : memref<128x128xf32, #tpu.memory_space<vmem>>, vector<1x16xf32>,
        %get3A_913 = arith.index_cast %add3A_849 : i32 to index
        %get3A_914 = arith.constant 96 : index
        %get3A_915 = tpu.vector_load %arg9[%get3A_913, %get3A_914] {strides = array<i32>} : memref<128x128xf32, #tpu.memory_space<vmem>>, vector<1x16xf32>,
        %get3A_916 = vector.shape_cast %get3A_915 : vector<1x16xf32> to vector<16xf32>
        %mul3A_917 = arith.mulf %get3A_916, %broadcast_in_dim3A_852 : vector<16xf32>
        %swap3A_918 = arith.index_cast %add3A_849 : i32 to index
        %swap3A_919 = arith.constant 96 : index
        %swap3A_920 = tpu.vector_load %arg9[%swap3A_918, %swap3A_919] {strides = array<i32>} : memref<128x128xf32, #tpu.memory_space<vmem>>, vector<1x16xf32>,
        %swap3A_921 = vector.shape_cast %swap3A_920 : vector<1x16xf32> to vector<16xf32>
        %swap3A_922 = vector.shape_cast %mul3A_917 : vector<16xf32> to vector<1x16xf32>
        tpu.vector_store %arg9[%swap3A_918, %swap3A_919], %swap3A_922 {strides = array<i32>} : memref<128x128xf32, #tpu.memory_space<vmem>>, vector<1x16xf32>,
        %get3A_923 = arith.index_cast %add3A_849 : i32 to index
        %get3A_924 = arith.constant 112 : index
        %get3A_925 = tpu.vector_load %arg9[%get3A_923, %get3A_924] {strides = array<i32>} : memref<128x128xf32, #tpu.memory_space<vmem>>, vector<1x16xf32>,
        %get3A_926 = vector.shape_cast %get3A_925 : vector<1x16xf32> to vector<16xf32>
        %mul3A_927 = arith.mulf %get3A_926, %broadcast_in_dim3A_852 : vector<16xf32>
        %swap3A_928 = arith.index_cast %add3A_849 : i32 to index
        %swap3A_929 = arith.constant 112 : index
        %swap3A_930 = tpu.vector_load %arg9[%swap3A_928, %swap3A_929] {strides = array<i32>} : memref<128x128xf32, #tpu.memory_space<vmem>>, vector<1x16xf32>,
        %swap3A_931 = vector.shape_cast %swap3A_930 : vector<1x16xf32> to vector<16xf32>
        %swap3A_932 = vector.shape_cast %mul3A_927 : vector<16xf32> to vector<1x16xf32>
        tpu.vector_store %arg9[%swap3A_928, %swap3A_929], %swap3A_932 {strides = array<i32>} : memref<128x128xf32, #tpu.memory_space<vmem>>, vector<1x16xf32>,
        %mul3A_933 = arith.constant 16 : i32
        %mul3A_934 = arith.muli %scan3A_62, %mul3A_933 : i32
        %add3A_935 = arith.constant 10 : i32
        %add3A_936 = arith.addi %mul3A_934, %add3A_935 : i32
        %slice3A_937 = vector.extract_strided_slice %get3A_66 {offsets = [10], sizes = [1], strides = [1]} : vector<16xf32> to vector<1xf32>
        %squeeze3A_938 = vector.extract %slice3A_937[0] : f32 from vector<1xf32>
        %broadcast_in_dim3A_939 = vector.broadcast %squeeze3A_938 : f32 to vector<16xf32>
        %get3A_940 = arith.index_cast %add3A_936 : i32 to index
        %get3A_941 = arith.constant 0 : index
        %get3A_942 = tpu.vector_load %arg9[%get3A_940, %get3A_941] {strides = array<i32>} : memref<128x128xf32, #tpu.memory_space<vmem>>, vector<1x16xf32>,
        %get3A_943 = vector.shape_cast %get3A_942 : vector<1x16xf32> to vector<16xf32>
        %mul3A_944 = arith.mulf %get3A_943, %broadcast_in_dim3A_939 : vector<16xf32>
        %swap3A_945 = arith.index_cast %add3A_936 : i32 to index
        %swap3A_946 = arith.constant 0 : index
        %swap3A_947 = tpu.vector_load %arg9[%swap3A_945, %swap3A_946] {strides = array<i32>} : memref<128x128xf32, #tpu.memory_space<vmem>>, vector<1x16xf32>,
        %swap3A_948 = vector.shape_cast %swap3A_947 : vector<1x16xf32> to vector<16xf32>
        %swap3A_949 = vector.shape_cast %mul3A_944 : vector<16xf32> to vector<1x16xf32>
        tpu.vector_store %arg9[%swap3A_945, %swap3A_946], %swap3A_949 {strides = array<i32>} : memref<128x128xf32, #tpu.memory_space<vmem>>, vector<1x16xf32>,
        %get3A_950 = arith.index_cast %add3A_936 : i32 to index
        %get3A_951 = arith.constant 16 : index
        %get3A_952 = tpu.vector_load %arg9[%get3A_950, %get3A_951] {strides = array<i32>} : memref<128x128xf32, #tpu.memory_space<vmem>>, vector<1x16xf32>,
        %get3A_953 = vector.shape_cast %get3A_952 : vector<1x16xf32> to vector<16xf32>
        %mul3A_954 = arith.mulf %get3A_953, %broadcast_in_dim3A_939 : vector<16xf32>
        %swap3A_955 = arith.index_cast %add3A_936 : i32 to index
        %swap3A_956 = arith.constant 16 : index
        %swap3A_957 = tpu.vector_load %arg9[%swap3A_955, %swap3A_956] {strides = array<i32>} : memref<128x128xf32, #tpu.memory_space<vmem>>, vector<1x16xf32>,
        %swap3A_958 = vector.shape_cast %swap3A_957 : vector<1x16xf32> to vector<16xf32>
        %swap3A_959 = vector.shape_cast %mul3A_954 : vector<16xf32> to vector<1x16xf32>
        tpu.vector_store %arg9[%swap3A_955, %swap3A_956], %swap3A_959 {strides = array<i32>} : memref<128x128xf32, #tpu.memory_space<vmem>>, vector<1x16xf32>,
        %get3A_960 = arith.index_cast %add3A_936 : i32 to index
        %get3A_961 = arith.constant 32 : index
        %get3A_962 = tpu.vector_load %arg9[%get3A_960, %get3A_961] {strides = array<i32>} : memref<128x128xf32, #tpu.memory_space<vmem>>, vector<1x16xf32>,
        %get3A_963 = vector.shape_cast %get3A_962 : vector<1x16xf32> to vector<16xf32>
        %mul3A_964 = arith.mulf %get3A_963, %broadcast_in_dim3A_939 : vector<16xf32>
        %swap3A_965 = arith.index_cast %add3A_936 : i32 to index
        %swap3A_966 = arith.constant 32 : index
        %swap3A_967 = tpu.vector_load %arg9[%swap3A_965, %swap3A_966] {strides = array<i32>} : memref<128x128xf32, #tpu.memory_space<vmem>>, vector<1x16xf32>,
        %swap3A_968 = vector.shape_cast %swap3A_967 : vector<1x16xf32> to vector<16xf32>
        %swap3A_969 = vector.shape_cast %mul3A_964 : vector<16xf32> to vector<1x16xf32>
        tpu.vector_store %arg9[%swap3A_965, %swap3A_966], %swap3A_969 {strides = array<i32>} : memref<128x128xf32, #tpu.memory_space<vmem>>, vector<1x16xf32>,
        %get3A_970 = arith.index_cast %add3A_936 : i32 to index
        %get3A_971 = arith.constant 48 : index
        %get3A_972 = tpu.vector_load %arg9[%get3A_970, %get3A_971] {strides = array<i32>} : memref<128x128xf32, #tpu.memory_space<vmem>>, vector<1x16xf32>,
        %get3A_973 = vector.shape_cast %get3A_972 : vector<1x16xf32> to vector<16xf32>
        %mul3A_974 = arith.mulf %get3A_973, %broadcast_in_dim3A_939 : vector<16xf32>
        %swap3A_975 = arith.index_cast %add3A_936 : i32 to index
        %swap3A_976 = arith.constant 48 : index
        %swap3A_977 = tpu.vector_load %arg9[%swap3A_975, %swap3A_976] {strides = array<i32>} : memref<128x128xf32, #tpu.memory_space<vmem>>, vector<1x16xf32>,
        %swap3A_978 = vector.shape_cast %swap3A_977 : vector<1x16xf32> to vector<16xf32>
        %swap3A_979 = vector.shape_cast %mul3A_974 : vector<16xf32> to vector<1x16xf32>
        tpu.vector_store %arg9[%swap3A_975, %swap3A_976], %swap3A_979 {strides = array<i32>} : memref<128x128xf32, #tpu.memory_space<vmem>>, vector<1x16xf32>,
        %get3A_980 = arith.index_cast %add3A_936 : i32 to index
        %get3A_981 = arith.constant 64 : index
        %get3A_982 = tpu.vector_load %arg9[%get3A_980, %get3A_981] {strides = array<i32>} : memref<128x128xf32, #tpu.memory_space<vmem>>, vector<1x16xf32>,
        %get3A_983 = vector.shape_cast %get3A_982 : vector<1x16xf32> to vector<16xf32>
        %mul3A_984 = arith.mulf %get3A_983, %broadcast_in_dim3A_939 : vector<16xf32>
        %swap3A_985 = arith.index_cast %add3A_936 : i32 to index
        %swap3A_986 = arith.constant 64 : index
        %swap3A_987 = tpu.vector_load %arg9[%swap3A_985, %swap3A_986] {strides = array<i32>} : memref<128x128xf32, #tpu.memory_space<vmem>>, vector<1x16xf32>,
        %swap3A_988 = vector.shape_cast %swap3A_987 : vector<1x16xf32> to vector<16xf32>
        %swap3A_989 = vector.shape_cast %mul3A_984 : vector<16xf32> to vector<1x16xf32>
        tpu.vector_store %arg9[%swap3A_985, %swap3A_986], %swap3A_989 {strides = array<i32>} : memref<128x128xf32, #tpu.memory_space<vmem>>, vector<1x16xf32>,
        %get3A_990 = arith.index_cast %add3A_936 : i32 to index
        %get3A_991 = arith.constant 80 : index
        %get3A_992 = tpu.vector_load %arg9[%get3A_990, %get3A_991] {strides = array<i32>} : memref<128x128xf32, #tpu.memory_space<vmem>>, vector<1x16xf32>,
        %get3A_993 = vector.shape_cast %get3A_992 : vector<1x16xf32> to vector<16xf32>
        %mul3A_994 = arith.mulf %get3A_993, %broadcast_in_dim3A_939 : vector<16xf32>
        %swap3A_995 = arith.index_cast %add3A_936 : i32 to index
        %swap3A_996 = arith.constant 80 : index
        %swap3A_997 = tpu.vector_load %arg9[%swap3A_995, %swap3A_996] {strides = array<i32>} : memref<128x128xf32, #tpu.memory_space<vmem>>, vector<1x16xf32>,
        %swap3A_998 = vector.shape_cast %swap3A_997 : vector<1x16xf32> to vector<16xf32>
        %swap3A_999 = vector.shape_cast %mul3A_994 : vector<16xf32> to vector<1x16xf32>
        tpu.vector_store %arg9[%swap3A_995, %swap3A_996], %swap3A_999 {strides = array<i32>} : memref<128x128xf32, #tpu.memory_space<vmem>>, vector<1x16xf32>,
        %get3A_1000 = arith.index_cast %add3A_936 : i32 to index
        %get3A_1001 = arith.constant 96 : index
        %get3A_1002 = tpu.vector_load %arg9[%get3A_1000, %get3A_1001] {strides = array<i32>} : memref<128x128xf32, #tpu.memory_space<vmem>>, vector<1x16xf32>,
        %get3A_1003 = vector.shape_cast %get3A_1002 : vector<1x16xf32> to vector<16xf32>
        %mul3A_1004 = arith.mulf %get3A_1003, %broadcast_in_dim3A_939 : vector<16xf32>
        %swap3A_1005 = arith.index_cast %add3A_936 : i32 to index
        %swap3A_1006 = arith.constant 96 : index
        %swap3A_1007 = tpu.vector_load %arg9[%swap3A_1005, %swap3A_1006] {strides = array<i32>} : memref<128x128xf32, #tpu.memory_space<vmem>>, vector<1x16xf32>,
        %swap3A_1008 = vector.shape_cast %swap3A_1007 : vector<1x16xf32> to vector<16xf32>
        %swap3A_1009 = vector.shape_cast %mul3A_1004 : vector<16xf32> to vector<1x16xf32>
        tpu.vector_store %arg9[%swap3A_1005, %swap3A_1006], %swap3A_1009 {strides = array<i32>} : memref<128x128xf32, #tpu.memory_space<vmem>>, vector<1x16xf32>,
        %get3A_1010 = arith.index_cast %add3A_936 : i32 to index
        %get3A_1011 = arith.constant 112 : index
        %get3A_1012 = tpu.vector_load %arg9[%get3A_1010, %get3A_1011] {strides = array<i32>} : memref<128x128xf32, #tpu.memory_space<vmem>>, vector<1x16xf32>,
        %get3A_1013 = vector.shape_cast %get3A_1012 : vector<1x16xf32> to vector<16xf32>
        %mul3A_1014 = arith.mulf %get3A_1013, %broadcast_in_dim3A_939 : vector<16xf32>
        %swap3A_1015 = arith.index_cast %add3A_936 : i32 to index
        %swap3A_1016 = arith.constant 112 : index
        %swap3A_1017 = tpu.vector_load %arg9[%swap3A_1015, %swap3A_1016] {strides = array<i32>} : memref<128x128xf32, #tpu.memory_space<vmem>>, vector<1x16xf32>,
        %swap3A_1018 = vector.shape_cast %swap3A_1017 : vector<1x16xf32> to vector<16xf32>
        %swap3A_1019 = vector.shape_cast %mul3A_1014 : vector<16xf32> to vector<1x16xf32>
        tpu.vector_store %arg9[%swap3A_1015, %swap3A_1016], %swap3A_1019 {strides = array<i32>} : memref<128x128xf32, #tpu.memory_space<vmem>>, vector<1x16xf32>,
        %mul3A_1020 = arith.constant 16 : i32
        %mul3A_1021 = arith.muli %scan3A_62, %mul3A_1020 : i32
        %add3A_1022 = arith.constant 11 : i32
        %add3A_1023 = arith.addi %mul3A_1021, %add3A_1022 : i32
        %slice3A_1024 = vector.extract_strided_slice %get3A_66 {offsets = [11], sizes = [1], strides = [1]} : vector<16xf32> to vector<1xf32>
        %squeeze3A_1025 = vector.extract %slice3A_1024[0] : f32 from vector<1xf32>
        %broadcast_in_dim3A_1026 = vector.broadcast %squeeze3A_1025 : f32 to vector<16xf32>
        %get3A_1027 = arith.index_cast %add3A_1023 : i32 to index
        %get3A_1028 = arith.constant 0 : index
        %get3A_1029 = tpu.vector_load %arg9[%get3A_1027, %get3A_1028] {strides = array<i32>} : memref<128x128xf32, #tpu.memory_space<vmem>>, vector<1x16xf32>,
        %get3A_1030 = vector.shape_cast %get3A_1029 : vector<1x16xf32> to vector<16xf32>
        %mul3A_1031 = arith.mulf %get3A_1030, %broadcast_in_dim3A_1026 : vector<16xf32>
        %swap3A_1032 = arith.index_cast %add3A_1023 : i32 to index
        %swap3A_1033 = arith.constant 0 : index
        %swap3A_1034 = tpu.vector_load %arg9[%swap3A_1032, %swap3A_1033] {strides = array<i32>} : memref<128x128xf32, #tpu.memory_space<vmem>>, vector<1x16xf32>,
        %swap3A_1035 = vector.shape_cast %swap3A_1034 : vector<1x16xf32> to vector<16xf32>
        %swap3A_1036 = vector.shape_cast %mul3A_1031 : vector<16xf32> to vector<1x16xf32>
        tpu.vector_store %arg9[%swap3A_1032, %swap3A_1033], %swap3A_1036 {strides = array<i32>} : memref<128x128xf32, #tpu.memory_space<vmem>>, vector<1x16xf32>,
        %get3A_1037 = arith.index_cast %add3A_1023 : i32 to index
        %get3A_1038 = arith.constant 16 : index
        %get3A_1039 = tpu.vector_load %arg9[%get3A_1037, %get3A_1038] {strides = array<i32>} : memref<128x128xf32, #tpu.memory_space<vmem>>, vector<1x16xf32>,
        %get3A_1040 = vector.shape_cast %get3A_1039 : vector<1x16xf32> to vector<16xf32>
        %mul3A_1041 = arith.mulf %get3A_1040, %broadcast_in_dim3A_1026 : vector<16xf32>
        %swap3A_1042 = arith.index_cast %add3A_1023 : i32 to index
        %swap3A_1043 = arith.constant 16 : index
        %swap3A_1044 = tpu.vector_load %arg9[%swap3A_1042, %swap3A_1043] {strides = array<i32>} : memref<128x128xf32, #tpu.memory_space<vmem>>, vector<1x16xf32>,
        %swap3A_1045 = vector.shape_cast %swap3A_1044 : vector<1x16xf32> to vector<16xf32>
        %swap3A_1046 = vector.shape_cast %mul3A_1041 : vector<16xf32> to vector<1x16xf32>
        tpu.vector_store %arg9[%swap3A_1042, %swap3A_1043], %swap3A_1046 {strides = array<i32>} : memref<128x128xf32, #tpu.memory_space<vmem>>, vector<1x16xf32>,
        %get3A_1047 = arith.index_cast %add3A_1023 : i32 to index
        %get3A_1048 = arith.constant 32 : index
        %get3A_1049 = tpu.vector_load %arg9[%get3A_1047, %get3A_1048] {strides = array<i32>} : memref<128x128xf32, #tpu.memory_space<vmem>>, vector<1x16xf32>,
        %get3A_1050 = vector.shape_cast %get3A_1049 : vector<1x16xf32> to vector<16xf32>
        %mul3A_1051 = arith.mulf %get3A_1050, %broadcast_in_dim3A_1026 : vector<16xf32>
        %swap3A_1052 = arith.index_cast %add3A_1023 : i32 to index
        %swap3A_1053 = arith.constant 32 : index
        %swap3A_1054 = tpu.vector_load %arg9[%swap3A_1052, %swap3A_1053] {strides = array<i32>} : memref<128x128xf32, #tpu.memory_space<vmem>>, vector<1x16xf32>,
        %swap3A_1055 = vector.shape_cast %swap3A_1054 : vector<1x16xf32> to vector<16xf32>
        %swap3A_1056 = vector.shape_cast %mul3A_1051 : vector<16xf32> to vector<1x16xf32>
        tpu.vector_store %arg9[%swap3A_1052, %swap3A_1053], %swap3A_1056 {strides = array<i32>} : memref<128x128xf32, #tpu.memory_space<vmem>>, vector<1x16xf32>,
        %get3A_1057 = arith.index_cast %add3A_1023 : i32 to index
        %get3A_1058 = arith.constant 48 : index
        %get3A_1059 = tpu.vector_load %arg9[%get3A_1057, %get3A_1058] {strides = array<i32>} : memref<128x128xf32, #tpu.memory_space<vmem>>, vector<1x16xf32>,
        %get3A_1060 = vector.shape_cast %get3A_1059 : vector<1x16xf32> to vector<16xf32>
        %mul3A_1061 = arith.mulf %get3A_1060, %broadcast_in_dim3A_1026 : vector<16xf32>
        %swap3A_1062 = arith.index_cast %add3A_1023 : i32 to index
        %swap3A_1063 = arith.constant 48 : index
        %swap3A_1064 = tpu.vector_load %arg9[%swap3A_1062, %swap3A_1063] {strides = array<i32>} : memref<128x128xf32, #tpu.memory_space<vmem>>, vector<1x16xf32>,
        %swap3A_1065 = vector.shape_cast %swap3A_1064 : vector<1x16xf32> to vector<16xf32>
        %swap3A_1066 = vector.shape_cast %mul3A_1061 : vector<16xf32> to vector<1x16xf32>
        tpu.vector_store %arg9[%swap3A_1062, %swap3A_1063], %swap3A_1066 {strides = array<i32>} : memref<128x128xf32, #tpu.memory_space<vmem>>, vector<1x16xf32>,
        %get3A_1067 = arith.index_cast %add3A_1023 : i32 to index
        %get3A_1068 = arith.constant 64 : index
        %get3A_1069 = tpu.vector_load %arg9[%get3A_1067, %get3A_1068] {strides = array<i32>} : memref<128x128xf32, #tpu.memory_space<vmem>>, vector<1x16xf32>,
        %get3A_1070 = vector.shape_cast %get3A_1069 : vector<1x16xf32> to vector<16xf32>
        %mul3A_1071 = arith.mulf %get3A_1070, %broadcast_in_dim3A_1026 : vector<16xf32>
        %swap3A_1072 = arith.index_cast %add3A_1023 : i32 to index
        %swap3A_1073 = arith.constant 64 : index
        %swap3A_1074 = tpu.vector_load %arg9[%swap3A_1072, %swap3A_1073] {strides = array<i32>} : memref<128x128xf32, #tpu.memory_space<vmem>>, vector<1x16xf32>,
        %swap3A_1075 = vector.shape_cast %swap3A_1074 : vector<1x16xf32> to vector<16xf32>
        %swap3A_1076 = vector.shape_cast %mul3A_1071 : vector<16xf32> to vector<1x16xf32>
        tpu.vector_store %arg9[%swap3A_1072, %swap3A_1073], %swap3A_1076 {strides = array<i32>} : memref<128x128xf32, #tpu.memory_space<vmem>>, vector<1x16xf32>,
        %get3A_1077 = arith.index_cast %add3A_1023 : i32 to index
        %get3A_1078 = arith.constant 80 : index
        %get3A_1079 = tpu.vector_load %arg9[%get3A_1077, %get3A_1078] {strides = array<i32>} : memref<128x128xf32, #tpu.memory_space<vmem>>, vector<1x16xf32>,
        %get3A_1080 = vector.shape_cast %get3A_1079 : vector<1x16xf32> to vector<16xf32>
        %mul3A_1081 = arith.mulf %get3A_1080, %broadcast_in_dim3A_1026 : vector<16xf32>
        %swap3A_1082 = arith.index_cast %add3A_1023 : i32 to index
        %swap3A_1083 = arith.constant 80 : index
        %swap3A_1084 = tpu.vector_load %arg9[%swap3A_1082, %swap3A_1083] {strides = array<i32>} : memref<128x128xf32, #tpu.memory_space<vmem>>, vector<1x16xf32>,
        %swap3A_1085 = vector.shape_cast %swap3A_1084 : vector<1x16xf32> to vector<16xf32>
        %swap3A_1086 = vector.shape_cast %mul3A_1081 : vector<16xf32> to vector<1x16xf32>
        tpu.vector_store %arg9[%swap3A_1082, %swap3A_1083], %swap3A_1086 {strides = array<i32>} : memref<128x128xf32, #tpu.memory_space<vmem>>, vector<1x16xf32>,
        %get3A_1087 = arith.index_cast %add3A_1023 : i32 to index
        %get3A_1088 = arith.constant 96 : index
        %get3A_1089 = tpu.vector_load %arg9[%get3A_1087, %get3A_1088] {strides = array<i32>} : memref<128x128xf32, #tpu.memory_space<vmem>>, vector<1x16xf32>,
        %get3A_1090 = vector.shape_cast %get3A_1089 : vector<1x16xf32> to vector<16xf32>
        %mul3A_1091 = arith.mulf %get3A_1090, %broadcast_in_dim3A_1026 : vector<16xf32>
        %swap3A_1092 = arith.index_cast %add3A_1023 : i32 to index
        %swap3A_1093 = arith.constant 96 : index
        %swap3A_1094 = tpu.vector_load %arg9[%swap3A_1092, %swap3A_1093] {strides = array<i32>} : memref<128x128xf32, #tpu.memory_space<vmem>>, vector<1x16xf32>,
        %swap3A_1095 = vector.shape_cast %swap3A_1094 : vector<1x16xf32> to vector<16xf32>
        %swap3A_1096 = vector.shape_cast %mul3A_1091 : vector<16xf32> to vector<1x16xf32>
        tpu.vector_store %arg9[%swap3A_1092, %swap3A_1093], %swap3A_1096 {strides = array<i32>} : memref<128x128xf32, #tpu.memory_space<vmem>>, vector<1x16xf32>,
        %get3A_1097 = arith.index_cast %add3A_1023 : i32 to index
        %get3A_1098 = arith.constant 112 : index
        %get3A_1099 = tpu.vector_load %arg9[%get3A_1097, %get3A_1098] {strides = array<i32>} : memref<128x128xf32, #tpu.memory_space<vmem>>, vector<1x16xf32>,
        %get3A_1100 = vector.shape_cast %get3A_1099 : vector<1x16xf32> to vector<16xf32>
        %mul3A_1101 = arith.mulf %get3A_1100, %broadcast_in_dim3A_1026 : vector<16xf32>
        %swap3A_1102 = arith.index_cast %add3A_1023 : i32 to index
        %swap3A_1103 = arith.constant 112 : index
        %swap3A_1104 = tpu.vector_load %arg9[%swap3A_1102, %swap3A_1103] {strides = array<i32>} : memref<128x128xf32, #tpu.memory_space<vmem>>, vector<1x16xf32>,
        %swap3A_1105 = vector.shape_cast %swap3A_1104 : vector<1x16xf32> to vector<16xf32>
        %swap3A_1106 = vector.shape_cast %mul3A_1101 : vector<16xf32> to vector<1x16xf32>
        tpu.vector_store %arg9[%swap3A_1102, %swap3A_1103], %swap3A_1106 {strides = array<i32>} : memref<128x128xf32, #tpu.memory_space<vmem>>, vector<1x16xf32>,
        %mul3A_1107 = arith.constant 16 : i32
        %mul3A_1108 = arith.muli %scan3A_62, %mul3A_1107 : i32
        %add3A_1109 = arith.constant 12 : i32
        %add3A_1110 = arith.addi %mul3A_1108, %add3A_1109 : i32
        %slice3A_1111 = vector.extract_strided_slice %get3A_66 {offsets = [12], sizes = [1], strides = [1]} : vector<16xf32> to vector<1xf32>
        %squeeze3A_1112 = vector.extract %slice3A_1111[0] : f32 from vector<1xf32>
        %broadcast_in_dim3A_1113 = vector.broadcast %squeeze3A_1112 : f32 to vector<16xf32>
        %get3A_1114 = arith.index_cast %add3A_1110 : i32 to index
        %get3A_1115 = arith.constant 0 : index
        %get3A_1116 = tpu.vector_load %arg9[%get3A_1114, %get3A_1115] {strides = array<i32>} : memref<128x128xf32, #tpu.memory_space<vmem>>, vector<1x16xf32>,
        %get3A_1117 = vector.shape_cast %get3A_1116 : vector<1x16xf32> to vector<16xf32>
        %mul3A_1118 = arith.mulf %get3A_1117, %broadcast_in_dim3A_1113 : vector<16xf32>
        %swap3A_1119 = arith.index_cast %add3A_1110 : i32 to index
        %swap3A_1120 = arith.constant 0 : index
        %swap3A_1121 = tpu.vector_load %arg9[%swap3A_1119, %swap3A_1120] {strides = array<i32>} : memref<128x128xf32, #tpu.memory_space<vmem>>, vector<1x16xf32>,
        %swap3A_1122 = vector.shape_cast %swap3A_1121 : vector<1x16xf32> to vector<16xf32>
        %swap3A_1123 = vector.shape_cast %mul3A_1118 : vector<16xf32> to vector<1x16xf32>
        tpu.vector_store %arg9[%swap3A_1119, %swap3A_1120], %swap3A_1123 {strides = array<i32>} : memref<128x128xf32, #tpu.memory_space<vmem>>, vector<1x16xf32>,
        %get3A_1124 = arith.index_cast %add3A_1110 : i32 to index
        %get3A_1125 = arith.constant 16 : index
        %get3A_1126 = tpu.vector_load %arg9[%get3A_1124, %get3A_1125] {strides = array<i32>} : memref<128x128xf32, #tpu.memory_space<vmem>>, vector<1x16xf32>,
        %get3A_1127 = vector.shape_cast %get3A_1126 : vector<1x16xf32> to vector<16xf32>
        %mul3A_1128 = arith.mulf %get3A_1127, %broadcast_in_dim3A_1113 : vector<16xf32>
        %swap3A_1129 = arith.index_cast %add3A_1110 : i32 to index
        %swap3A_1130 = arith.constant 16 : index
        %swap3A_1131 = tpu.vector_load %arg9[%swap3A_1129, %swap3A_1130] {strides = array<i32>} : memref<128x128xf32, #tpu.memory_space<vmem>>, vector<1x16xf32>,
        %swap3A_1132 = vector.shape_cast %swap3A_1131 : vector<1x16xf32> to vector<16xf32>
        %swap3A_1133 = vector.shape_cast %mul3A_1128 : vector<16xf32> to vector<1x16xf32>
        tpu.vector_store %arg9[%swap3A_1129, %swap3A_1130], %swap3A_1133 {strides = array<i32>} : memref<128x128xf32, #tpu.memory_space<vmem>>, vector<1x16xf32>,
        %get3A_1134 = arith.index_cast %add3A_1110 : i32 to index
        %get3A_1135 = arith.constant 32 : index
        %get3A_1136 = tpu.vector_load %arg9[%get3A_1134, %get3A_1135] {strides = array<i32>} : memref<128x128xf32, #tpu.memory_space<vmem>>, vector<1x16xf32>,
        %get3A_1137 = vector.shape_cast %get3A_1136 : vector<1x16xf32> to vector<16xf32>
        %mul3A_1138 = arith.mulf %get3A_1137, %broadcast_in_dim3A_1113 : vector<16xf32>
        %swap3A_1139 = arith.index_cast %add3A_1110 : i32 to index
        %swap3A_1140 = arith.constant 32 : index
        %swap3A_1141 = tpu.vector_load %arg9[%swap3A_1139, %swap3A_1140] {strides = array<i32>} : memref<128x128xf32, #tpu.memory_space<vmem>>, vector<1x16xf32>,
        %swap3A_1142 = vector.shape_cast %swap3A_1141 : vector<1x16xf32> to vector<16xf32>
        %swap3A_1143 = vector.shape_cast %mul3A_1138 : vector<16xf32> to vector<1x16xf32>
        tpu.vector_store %arg9[%swap3A_1139, %swap3A_1140], %swap3A_1143 {strides = array<i32>} : memref<128x128xf32, #tpu.memory_space<vmem>>, vector<1x16xf32>,
        %get3A_1144 = arith.index_cast %add3A_1110 : i32 to index
        %get3A_1145 = arith.constant 48 : index
        %get3A_1146 = tpu.vector_load %arg9[%get3A_1144, %get3A_1145] {strides = array<i32>} : memref<128x128xf32, #tpu.memory_space<vmem>>, vector<1x16xf32>,
        %get3A_1147 = vector.shape_cast %get3A_1146 : vector<1x16xf32> to vector<16xf32>
        %mul3A_1148 = arith.mulf %get3A_1147, %broadcast_in_dim3A_1113 : vector<16xf32>
        %swap3A_1149 = arith.index_cast %add3A_1110 : i32 to index
        %swap3A_1150 = arith.constant 48 : index
        %swap3A_1151 = tpu.vector_load %arg9[%swap3A_1149, %swap3A_1150] {strides = array<i32>} : memref<128x128xf32, #tpu.memory_space<vmem>>, vector<1x16xf32>,
        %swap3A_1152 = vector.shape_cast %swap3A_1151 : vector<1x16xf32> to vector<16xf32>
        %swap3A_1153 = vector.shape_cast %mul3A_1148 : vector<16xf32> to vector<1x16xf32>
        tpu.vector_store %arg9[%swap3A_1149, %swap3A_1150], %swap3A_1153 {strides = array<i32>} : memref<128x128xf32, #tpu.memory_space<vmem>>, vector<1x16xf32>,
        %get3A_1154 = arith.index_cast %add3A_1110 : i32 to index
        %get3A_1155 = arith.constant 64 : index
        %get3A_1156 = tpu.vector_load %arg9[%get3A_1154, %get3A_1155] {strides = array<i32>} : memref<128x128xf32, #tpu.memory_space<vmem>>, vector<1x16xf32>,
        %get3A_1157 = vector.shape_cast %get3A_1156 : vector<1x16xf32> to vector<16xf32>
        %mul3A_1158 = arith.mulf %get3A_1157, %broadcast_in_dim3A_1113 : vector<16xf32>
        %swap3A_1159 = arith.index_cast %add3A_1110 : i32 to index
        %swap3A_1160 = arith.constant 64 : index
        %swap3A_1161 = tpu.vector_load %arg9[%swap3A_1159, %swap3A_1160] {strides = array<i32>} : memref<128x128xf32, #tpu.memory_space<vmem>>, vector<1x16xf32>,
        %swap3A_1162 = vector.shape_cast %swap3A_1161 : vector<1x16xf32> to vector<16xf32>
        %swap3A_1163 = vector.shape_cast %mul3A_1158 : vector<16xf32> to vector<1x16xf32>
        tpu.vector_store %arg9[%swap3A_1159, %swap3A_1160], %swap3A_1163 {strides = array<i32>} : memref<128x128xf32, #tpu.memory_space<vmem>>, vector<1x16xf32>,
        %get3A_1164 = arith.index_cast %add3A_1110 : i32 to index
        %get3A_1165 = arith.constant 80 : index
        %get3A_1166 = tpu.vector_load %arg9[%get3A_1164, %get3A_1165] {strides = array<i32>} : memref<128x128xf32, #tpu.memory_space<vmem>>, vector<1x16xf32>,
        %get3A_1167 = vector.shape_cast %get3A_1166 : vector<1x16xf32> to vector<16xf32>
        %mul3A_1168 = arith.mulf %get3A_1167, %broadcast_in_dim3A_1113 : vector<16xf32>
        %swap3A_1169 = arith.index_cast %add3A_1110 : i32 to index
        %swap3A_1170 = arith.constant 80 : index
        %swap3A_1171 = tpu.vector_load %arg9[%swap3A_1169, %swap3A_1170] {strides = array<i32>} : memref<128x128xf32, #tpu.memory_space<vmem>>, vector<1x16xf32>,
        %swap3A_1172 = vector.shape_cast %swap3A_1171 : vector<1x16xf32> to vector<16xf32>
        %swap3A_1173 = vector.shape_cast %mul3A_1168 : vector<16xf32> to vector<1x16xf32>
        tpu.vector_store %arg9[%swap3A_1169, %swap3A_1170], %swap3A_1173 {strides = array<i32>} : memref<128x128xf32, #tpu.memory_space<vmem>>, vector<1x16xf32>,
        %get3A_1174 = arith.index_cast %add3A_1110 : i32 to index
        %get3A_1175 = arith.constant 96 : index
        %get3A_1176 = tpu.vector_load %arg9[%get3A_1174, %get3A_1175] {strides = array<i32>} : memref<128x128xf32, #tpu.memory_space<vmem>>, vector<1x16xf32>,
        %get3A_1177 = vector.shape_cast %get3A_1176 : vector<1x16xf32> to vector<16xf32>
        %mul3A_1178 = arith.mulf %get3A_1177, %broadcast_in_dim3A_1113 : vector<16xf32>
        %swap3A_1179 = arith.index_cast %add3A_1110 : i32 to index
        %swap3A_1180 = arith.constant 96 : index
        %swap3A_1181 = tpu.vector_load %arg9[%swap3A_1179, %swap3A_1180] {strides = array<i32>} : memref<128x128xf32, #tpu.memory_space<vmem>>, vector<1x16xf32>,
        %swap3A_1182 = vector.shape_cast %swap3A_1181 : vector<1x16xf32> to vector<16xf32>
        %swap3A_1183 = vector.shape_cast %mul3A_1178 : vector<16xf32> to vector<1x16xf32>
        tpu.vector_store %arg9[%swap3A_1179, %swap3A_1180], %swap3A_1183 {strides = array<i32>} : memref<128x128xf32, #tpu.memory_space<vmem>>, vector<1x16xf32>,
        %get3A_1184 = arith.index_cast %add3A_1110 : i32 to index
        %get3A_1185 = arith.constant 112 : index
        %get3A_1186 = tpu.vector_load %arg9[%get3A_1184, %get3A_1185] {strides = array<i32>} : memref<128x128xf32, #tpu.memory_space<vmem>>, vector<1x16xf32>,
        %get3A_1187 = vector.shape_cast %get3A_1186 : vector<1x16xf32> to vector<16xf32>
        %mul3A_1188 = arith.mulf %get3A_1187, %broadcast_in_dim3A_1113 : vector<16xf32>
        %swap3A_1189 = arith.index_cast %add3A_1110 : i32 to index
        %swap3A_1190 = arith.constant 112 : index
        %swap3A_1191 = tpu.vector_load %arg9[%swap3A_1189, %swap3A_1190] {strides = array<i32>} : memref<128x128xf32, #tpu.memory_space<vmem>>, vector<1x16xf32>,
        %swap3A_1192 = vector.shape_cast %swap3A_1191 : vector<1x16xf32> to vector<16xf32>
        %swap3A_1193 = vector.shape_cast %mul3A_1188 : vector<16xf32> to vector<1x16xf32>
        tpu.vector_store %arg9[%swap3A_1189, %swap3A_1190], %swap3A_1193 {strides = array<i32>} : memref<128x128xf32, #tpu.memory_space<vmem>>, vector<1x16xf32>,
        %mul3A_1194 = arith.constant 16 : i32
        %mul3A_1195 = arith.muli %scan3A_62, %mul3A_1194 : i32
        %add3A_1196 = arith.constant 13 : i32
        %add3A_1197 = arith.addi %mul3A_1195, %add3A_1196 : i32
        %slice3A_1198 = vector.extract_strided_slice %get3A_66 {offsets = [13], sizes = [1], strides = [1]} : vector<16xf32> to vector<1xf32>
        %squeeze3A_1199 = vector.extract %slice3A_1198[0] : f32 from vector<1xf32>
        %broadcast_in_dim3A_1200 = vector.broadcast %squeeze3A_1199 : f32 to vector<16xf32>
        %get3A_1201 = arith.index_cast %add3A_1197 : i32 to index
        %get3A_1202 = arith.constant 0 : index
        %get3A_1203 = tpu.vector_load %arg9[%get3A_1201, %get3A_1202] {strides = array<i32>} : memref<128x128xf32, #tpu.memory_space<vmem>>, vector<1x16xf32>,
        %get3A_1204 = vector.shape_cast %get3A_1203 : vector<1x16xf32> to vector<16xf32>
        %mul3A_1205 = arith.mulf %get3A_1204, %broadcast_in_dim3A_1200 : vector<16xf32>
        %swap3A_1206 = arith.index_cast %add3A_1197 : i32 to index
        %swap3A_1207 = arith.constant 0 : index
        %swap3A_1208 = tpu.vector_load %arg9[%swap3A_1206, %swap3A_1207] {strides = array<i32>} : memref<128x128xf32, #tpu.memory_space<vmem>>, vector<1x16xf32>,
        %swap3A_1209 = vector.shape_cast %swap3A_1208 : vector<1x16xf32> to vector<16xf32>
        %swap3A_1210 = vector.shape_cast %mul3A_1205 : vector<16xf32> to vector<1x16xf32>
        tpu.vector_store %arg9[%swap3A_1206, %swap3A_1207], %swap3A_1210 {strides = array<i32>} : memref<128x128xf32, #tpu.memory_space<vmem>>, vector<1x16xf32>,
        %get3A_1211 = arith.index_cast %add3A_1197 : i32 to index
        %get3A_1212 = arith.constant 16 : index
        %get3A_1213 = tpu.vector_load %arg9[%get3A_1211, %get3A_1212] {strides = array<i32>} : memref<128x128xf32, #tpu.memory_space<vmem>>, vector<1x16xf32>,
        %get3A_1214 = vector.shape_cast %get3A_1213 : vector<1x16xf32> to vector<16xf32>
        %mul3A_1215 = arith.mulf %get3A_1214, %broadcast_in_dim3A_1200 : vector<16xf32>
        %swap3A_1216 = arith.index_cast %add3A_1197 : i32 to index
        %swap3A_1217 = arith.constant 16 : index
        %swap3A_1218 = tpu.vector_load %arg9[%swap3A_1216, %swap3A_1217] {strides = array<i32>} : memref<128x128xf32, #tpu.memory_space<vmem>>, vector<1x16xf32>,
        %swap3A_1219 = vector.shape_cast %swap3A_1218 : vector<1x16xf32> to vector<16xf32>
        %swap3A_1220 = vector.shape_cast %mul3A_1215 : vector<16xf32> to vector<1x16xf32>
        tpu.vector_store %arg9[%swap3A_1216, %swap3A_1217], %swap3A_1220 {strides = array<i32>} : memref<128x128xf32, #tpu.memory_space<vmem>>, vector<1x16xf32>,
        %get3A_1221 = arith.index_cast %add3A_1197 : i32 to index
        %get3A_1222 = arith.constant 32 : index
        %get3A_1223 = tpu.vector_load %arg9[%get3A_1221, %get3A_1222] {strides = array<i32>} : memref<128x128xf32, #tpu.memory_space<vmem>>, vector<1x16xf32>,
        %get3A_1224 = vector.shape_cast %get3A_1223 : vector<1x16xf32> to vector<16xf32>
        %mul3A_1225 = arith.mulf %get3A_1224, %broadcast_in_dim3A_1200 : vector<16xf32>
        %swap3A_1226 = arith.index_cast %add3A_1197 : i32 to index
        %swap3A_1227 = arith.constant 32 : index
        %swap3A_1228 = tpu.vector_load %arg9[%swap3A_1226, %swap3A_1227] {strides = array<i32>} : memref<128x128xf32, #tpu.memory_space<vmem>>, vector<1x16xf32>,
        %swap3A_1229 = vector.shape_cast %swap3A_1228 : vector<1x16xf32> to vector<16xf32>
        %swap3A_1230 = vector.shape_cast %mul3A_1225 : vector<16xf32> to vector<1x16xf32>
        tpu.vector_store %arg9[%swap3A_1226, %swap3A_1227], %swap3A_1230 {strides = array<i32>} : memref<128x128xf32, #tpu.memory_space<vmem>>, vector<1x16xf32>,
        %get3A_1231 = arith.index_cast %add3A_1197 : i32 to index
        %get3A_1232 = arith.constant 48 : index
        %get3A_1233 = tpu.vector_load %arg9[%get3A_1231, %get3A_1232] {strides = array<i32>} : memref<128x128xf32, #tpu.memory_space<vmem>>, vector<1x16xf32>,
        %get3A_1234 = vector.shape_cast %get3A_1233 : vector<1x16xf32> to vector<16xf32>
        %mul3A_1235 = arith.mulf %get3A_1234, %broadcast_in_dim3A_1200 : vector<16xf32>
        %swap3A_1236 = arith.index_cast %add3A_1197 : i32 to index
        %swap3A_1237 = arith.constant 48 : index
        %swap3A_1238 = tpu.vector_load %arg9[%swap3A_1236, %swap3A_1237] {strides = array<i32>} : memref<128x128xf32, #tpu.memory_space<vmem>>, vector<1x16xf32>,
        %swap3A_1239 = vector.shape_cast %swap3A_1238 : vector<1x16xf32> to vector<16xf32>
        %swap3A_1240 = vector.shape_cast %mul3A_1235 : vector<16xf32> to vector<1x16xf32>
        tpu.vector_store %arg9[%swap3A_1236, %swap3A_1237], %swap3A_1240 {strides = array<i32>} : memref<128x128xf32, #tpu.memory_space<vmem>>, vector<1x16xf32>,
        %get3A_1241 = arith.index_cast %add3A_1197 : i32 to index
        %get3A_1242 = arith.constant 64 : index
        %get3A_1243 = tpu.vector_load %arg9[%get3A_1241, %get3A_1242] {strides = array<i32>} : memref<128x128xf32, #tpu.memory_space<vmem>>, vector<1x16xf32>,
        %get3A_1244 = vector.shape_cast %get3A_1243 : vector<1x16xf32> to vector<16xf32>
        %mul3A_1245 = arith.mulf %get3A_1244, %broadcast_in_dim3A_1200 : vector<16xf32>
        %swap3A_1246 = arith.index_cast %add3A_1197 : i32 to index
        %swap3A_1247 = arith.constant 64 : index
        %swap3A_1248 = tpu.vector_load %arg9[%swap3A_1246, %swap3A_1247] {strides = array<i32>} : memref<128x128xf32, #tpu.memory_space<vmem>>, vector<1x16xf32>,
        %swap3A_1249 = vector.shape_cast %swap3A_1248 : vector<1x16xf32> to vector<16xf32>
        %swap3A_1250 = vector.shape_cast %mul3A_1245 : vector<16xf32> to vector<1x16xf32>
        tpu.vector_store %arg9[%swap3A_1246, %swap3A_1247], %swap3A_1250 {strides = array<i32>} : memref<128x128xf32, #tpu.memory_space<vmem>>, vector<1x16xf32>,
        %get3A_1251 = arith.index_cast %add3A_1197 : i32 to index
        %get3A_1252 = arith.constant 80 : index
        %get3A_1253 = tpu.vector_load %arg9[%get3A_1251, %get3A_1252] {strides = array<i32>} : memref<128x128xf32, #tpu.memory_space<vmem>>, vector<1x16xf32>,
        %get3A_1254 = vector.shape_cast %get3A_1253 : vector<1x16xf32> to vector<16xf32>
        %mul3A_1255 = arith.mulf %get3A_1254, %broadcast_in_dim3A_1200 : vector<16xf32>
        %swap3A_1256 = arith.index_cast %add3A_1197 : i32 to index
        %swap3A_1257 = arith.constant 80 : index
        %swap3A_1258 = tpu.vector_load %arg9[%swap3A_1256, %swap3A_1257] {strides = array<i32>} : memref<128x128xf32, #tpu.memory_space<vmem>>, vector<1x16xf32>,
        %swap3A_1259 = vector.shape_cast %swap3A_1258 : vector<1x16xf32> to vector<16xf32>
        %swap3A_1260 = vector.shape_cast %mul3A_1255 : vector<16xf32> to vector<1x16xf32>
        tpu.vector_store %arg9[%swap3A_1256, %swap3A_1257], %swap3A_1260 {strides = array<i32>} : memref<128x128xf32, #tpu.memory_space<vmem>>, vector<1x16xf32>,
        %get3A_1261 = arith.index_cast %add3A_1197 : i32 to index
        %get3A_1262 = arith.constant 96 : index
        %get3A_1263 = tpu.vector_load %arg9[%get3A_1261, %get3A_1262] {strides = array<i32>} : memref<128x128xf32, #tpu.memory_space<vmem>>, vector<1x16xf32>,
        %get3A_1264 = vector.shape_cast %get3A_1263 : vector<1x16xf32> to vector<16xf32>
        %mul3A_1265 = arith.mulf %get3A_1264, %broadcast_in_dim3A_1200 : vector<16xf32>
        %swap3A_1266 = arith.index_cast %add3A_1197 : i32 to index
        %swap3A_1267 = arith.constant 96 : index
        %swap3A_1268 = tpu.vector_load %arg9[%swap3A_1266, %swap3A_1267] {strides = array<i32>} : memref<128x128xf32, #tpu.memory_space<vmem>>, vector<1x16xf32>,
        %swap3A_1269 = vector.shape_cast %swap3A_1268 : vector<1x16xf32> to vector<16xf32>
        %swap3A_1270 = vector.shape_cast %mul3A_1265 : vector<16xf32> to vector<1x16xf32>
        tpu.vector_store %arg9[%swap3A_1266, %swap3A_1267], %swap3A_1270 {strides = array<i32>} : memref<128x128xf32, #tpu.memory_space<vmem>>, vector<1x16xf32>,
        %get3A_1271 = arith.index_cast %add3A_1197 : i32 to index
        %get3A_1272 = arith.constant 112 : index
        %get3A_1273 = tpu.vector_load %arg9[%get3A_1271, %get3A_1272] {strides = array<i32>} : memref<128x128xf32, #tpu.memory_space<vmem>>, vector<1x16xf32>,
        %get3A_1274 = vector.shape_cast %get3A_1273 : vector<1x16xf32> to vector<16xf32>
        %mul3A_1275 = arith.mulf %get3A_1274, %broadcast_in_dim3A_1200 : vector<16xf32>
        %swap3A_1276 = arith.index_cast %add3A_1197 : i32 to index
        %swap3A_1277 = arith.constant 112 : index
        %swap3A_1278 = tpu.vector_load %arg9[%swap3A_1276, %swap3A_1277] {strides = array<i32>} : memref<128x128xf32, #tpu.memory_space<vmem>>, vector<1x16xf32>,
        %swap3A_1279 = vector.shape_cast %swap3A_1278 : vector<1x16xf32> to vector<16xf32>
        %swap3A_1280 = vector.shape_cast %mul3A_1275 : vector<16xf32> to vector<1x16xf32>
        tpu.vector_store %arg9[%swap3A_1276, %swap3A_1277], %swap3A_1280 {strides = array<i32>} : memref<128x128xf32, #tpu.memory_space<vmem>>, vector<1x16xf32>,
        %mul3A_1281 = arith.constant 16 : i32
        %mul3A_1282 = arith.muli %scan3A_62, %mul3A_1281 : i32
        %add3A_1283 = arith.constant 14 : i32
        %add3A_1284 = arith.addi %mul3A_1282, %add3A_1283 : i32
        %slice3A_1285 = vector.extract_strided_slice %get3A_66 {offsets = [14], sizes = [1], strides = [1]} : vector<16xf32> to vector<1xf32>
        %squeeze3A_1286 = vector.extract %slice3A_1285[0] : f32 from vector<1xf32>
        %broadcast_in_dim3A_1287 = vector.broadcast %squeeze3A_1286 : f32 to vector<16xf32>
        %get3A_1288 = arith.index_cast %add3A_1284 : i32 to index
        %get3A_1289 = arith.constant 0 : index
        %get3A_1290 = tpu.vector_load %arg9[%get3A_1288, %get3A_1289] {strides = array<i32>} : memref<128x128xf32, #tpu.memory_space<vmem>>, vector<1x16xf32>,
        %get3A_1291 = vector.shape_cast %get3A_1290 : vector<1x16xf32> to vector<16xf32>
        %mul3A_1292 = arith.mulf %get3A_1291, %broadcast_in_dim3A_1287 : vector<16xf32>
        %swap3A_1293 = arith.index_cast %add3A_1284 : i32 to index
        %swap3A_1294 = arith.constant 0 : index
        %swap3A_1295 = tpu.vector_load %arg9[%swap3A_1293, %swap3A_1294] {strides = array<i32>} : memref<128x128xf32, #tpu.memory_space<vmem>>, vector<1x16xf32>,
        %swap3A_1296 = vector.shape_cast %swap3A_1295 : vector<1x16xf32> to vector<16xf32>
        %swap3A_1297 = vector.shape_cast %mul3A_1292 : vector<16xf32> to vector<1x16xf32>
        tpu.vector_store %arg9[%swap3A_1293, %swap3A_1294], %swap3A_1297 {strides = array<i32>} : memref<128x128xf32, #tpu.memory_space<vmem>>, vector<1x16xf32>,
        %get3A_1298 = arith.index_cast %add3A_1284 : i32 to index
        %get3A_1299 = arith.constant 16 : index
        %get3A_1300 = tpu.vector_load %arg9[%get3A_1298, %get3A_1299] {strides = array<i32>} : memref<128x128xf32, #tpu.memory_space<vmem>>, vector<1x16xf32>,
        %get3A_1301 = vector.shape_cast %get3A_1300 : vector<1x16xf32> to vector<16xf32>
        %mul3A_1302 = arith.mulf %get3A_1301, %broadcast_in_dim3A_1287 : vector<16xf32>
        %swap3A_1303 = arith.index_cast %add3A_1284 : i32 to index
        %swap3A_1304 = arith.constant 16 : index
        %swap3A_1305 = tpu.vector_load %arg9[%swap3A_1303, %swap3A_1304] {strides = array<i32>} : memref<128x128xf32, #tpu.memory_space<vmem>>, vector<1x16xf32>,
        %swap3A_1306 = vector.shape_cast %swap3A_1305 : vector<1x16xf32> to vector<16xf32>
        %swap3A_1307 = vector.shape_cast %mul3A_1302 : vector<16xf32> to vector<1x16xf32>
        tpu.vector_store %arg9[%swap3A_1303, %swap3A_1304], %swap3A_1307 {strides = array<i32>} : memref<128x128xf32, #tpu.memory_space<vmem>>, vector<1x16xf32>,
        %get3A_1308 = arith.index_cast %add3A_1284 : i32 to index
        %get3A_1309 = arith.constant 32 : index
        %get3A_1310 = tpu.vector_load %arg9[%get3A_1308, %get3A_1309] {strides = array<i32>} : memref<128x128xf32, #tpu.memory_space<vmem>>, vector<1x16xf32>,
        %get3A_1311 = vector.shape_cast %get3A_1310 : vector<1x16xf32> to vector<16xf32>
        %mul3A_1312 = arith.mulf %get3A_1311, %broadcast_in_dim3A_1287 : vector<16xf32>
        %swap3A_1313 = arith.index_cast %add3A_1284 : i32 to index
        %swap3A_1314 = arith.constant 32 : index
        %swap3A_1315 = tpu.vector_load %arg9[%swap3A_1313, %swap3A_1314] {strides = array<i32>} : memref<128x128xf32, #tpu.memory_space<vmem>>, vector<1x16xf32>,
        %swap3A_1316 = vector.shape_cast %swap3A_1315 : vector<1x16xf32> to vector<16xf32>
        %swap3A_1317 = vector.shape_cast %mul3A_1312 : vector<16xf32> to vector<1x16xf32>
        tpu.vector_store %arg9[%swap3A_1313, %swap3A_1314], %swap3A_1317 {strides = array<i32>} : memref<128x128xf32, #tpu.memory_space<vmem>>, vector<1x16xf32>,
        %get3A_1318 = arith.index_cast %add3A_1284 : i32 to index
        %get3A_1319 = arith.constant 48 : index
        %get3A_1320 = tpu.vector_load %arg9[%get3A_1318, %get3A_1319] {strides = array<i32>} : memref<128x128xf32, #tpu.memory_space<vmem>>, vector<1x16xf32>,
        %get3A_1321 = vector.shape_cast %get3A_1320 : vector<1x16xf32> to vector<16xf32>
        %mul3A_1322 = arith.mulf %get3A_1321, %broadcast_in_dim3A_1287 : vector<16xf32>
        %swap3A_1323 = arith.index_cast %add3A_1284 : i32 to index
        %swap3A_1324 = arith.constant 48 : index
        %swap3A_1325 = tpu.vector_load %arg9[%swap3A_1323, %swap3A_1324] {strides = array<i32>} : memref<128x128xf32, #tpu.memory_space<vmem>>, vector<1x16xf32>,
        %swap3A_1326 = vector.shape_cast %swap3A_1325 : vector<1x16xf32> to vector<16xf32>
        %swap3A_1327 = vector.shape_cast %mul3A_1322 : vector<16xf32> to vector<1x16xf32>
        tpu.vector_store %arg9[%swap3A_1323, %swap3A_1324], %swap3A_1327 {strides = array<i32>} : memref<128x128xf32, #tpu.memory_space<vmem>>, vector<1x16xf32>,
        %get3A_1328 = arith.index_cast %add3A_1284 : i32 to index
        %get3A_1329 = arith.constant 64 : index
        %get3A_1330 = tpu.vector_load %arg9[%get3A_1328, %get3A_1329] {strides = array<i32>} : memref<128x128xf32, #tpu.memory_space<vmem>>, vector<1x16xf32>,
        %get3A_1331 = vector.shape_cast %get3A_1330 : vector<1x16xf32> to vector<16xf32>
        %mul3A_1332 = arith.mulf %get3A_1331, %broadcast_in_dim3A_1287 : vector<16xf32>
        %swap3A_1333 = arith.index_cast %add3A_1284 : i32 to index
        %swap3A_1334 = arith.constant 64 : index
        %swap3A_1335 = tpu.vector_load %arg9[%swap3A_1333, %swap3A_1334] {strides = array<i32>} : memref<128x128xf32, #tpu.memory_space<vmem>>, vector<1x16xf32>,
        %swap3A_1336 = vector.shape_cast %swap3A_1335 : vector<1x16xf32> to vector<16xf32>
        %swap3A_1337 = vector.shape_cast %mul3A_1332 : vector<16xf32> to vector<1x16xf32>
        tpu.vector_store %arg9[%swap3A_1333, %swap3A_1334], %swap3A_1337 {strides = array<i32>} : memref<128x128xf32, #tpu.memory_space<vmem>>, vector<1x16xf32>,
        %get3A_1338 = arith.index_cast %add3A_1284 : i32 to index
        %get3A_1339 = arith.constant 80 : index
        %get3A_1340 = tpu.vector_load %arg9[%get3A_1338, %get3A_1339] {strides = array<i32>} : memref<128x128xf32, #tpu.memory_space<vmem>>, vector<1x16xf32>,
        %get3A_1341 = vector.shape_cast %get3A_1340 : vector<1x16xf32> to vector<16xf32>
        %mul3A_1342 = arith.mulf %get3A_1341, %broadcast_in_dim3A_1287 : vector<16xf32>
        %swap3A_1343 = arith.index_cast %add3A_1284 : i32 to index
        %swap3A_1344 = arith.constant 80 : index
        %swap3A_1345 = tpu.vector_load %arg9[%swap3A_1343, %swap3A_1344] {strides = array<i32>} : memref<128x128xf32, #tpu.memory_space<vmem>>, vector<1x16xf32>,
        %swap3A_1346 = vector.shape_cast %swap3A_1345 : vector<1x16xf32> to vector<16xf32>
        %swap3A_1347 = vector.shape_cast %mul3A_1342 : vector<16xf32> to vector<1x16xf32>
        tpu.vector_store %arg9[%swap3A_1343, %swap3A_1344], %swap3A_1347 {strides = array<i32>} : memref<128x128xf32, #tpu.memory_space<vmem>>, vector<1x16xf32>,
        %get3A_1348 = arith.index_cast %add3A_1284 : i32 to index
        %get3A_1349 = arith.constant 96 : index
        %get3A_1350 = tpu.vector_load %arg9[%get3A_1348, %get3A_1349] {strides = array<i32>} : memref<128x128xf32, #tpu.memory_space<vmem>>, vector<1x16xf32>,
        %get3A_1351 = vector.shape_cast %get3A_1350 : vector<1x16xf32> to vector<16xf32>
        %mul3A_1352 = arith.mulf %get3A_1351, %broadcast_in_dim3A_1287 : vector<16xf32>
        %swap3A_1353 = arith.index_cast %add3A_1284 : i32 to index
        %swap3A_1354 = arith.constant 96 : index
        %swap3A_1355 = tpu.vector_load %arg9[%swap3A_1353, %swap3A_1354] {strides = array<i32>} : memref<128x128xf32, #tpu.memory_space<vmem>>, vector<1x16xf32>,
        %swap3A_1356 = vector.shape_cast %swap3A_1355 : vector<1x16xf32> to vector<16xf32>
        %swap3A_1357 = vector.shape_cast %mul3A_1352 : vector<16xf32> to vector<1x16xf32>
        tpu.vector_store %arg9[%swap3A_1353, %swap3A_1354], %swap3A_1357 {strides = array<i32>} : memref<128x128xf32, #tpu.memory_space<vmem>>, vector<1x16xf32>,
        %get3A_1358 = arith.index_cast %add3A_1284 : i32 to index
        %get3A_1359 = arith.constant 112 : index
        %get3A_1360 = tpu.vector_load %arg9[%get3A_1358, %get3A_1359] {strides = array<i32>} : memref<128x128xf32, #tpu.memory_space<vmem>>, vector<1x16xf32>,
        %get3A_1361 = vector.shape_cast %get3A_1360 : vector<1x16xf32> to vector<16xf32>
        %mul3A_1362 = arith.mulf %get3A_1361, %broadcast_in_dim3A_1287 : vector<16xf32>
        %swap3A_1363 = arith.index_cast %add3A_1284 : i32 to index
        %swap3A_1364 = arith.constant 112 : index
        %swap3A_1365 = tpu.vector_load %arg9[%swap3A_1363, %swap3A_1364] {strides = array<i32>} : memref<128x128xf32, #tpu.memory_space<vmem>>, vector<1x16xf32>,
        %swap3A_1366 = vector.shape_cast %swap3A_1365 : vector<1x16xf32> to vector<16xf32>
        %swap3A_1367 = vector.shape_cast %mul3A_1362 : vector<16xf32> to vector<1x16xf32>
        tpu.vector_store %arg9[%swap3A_1363, %swap3A_1364], %swap3A_1367 {strides = array<i32>} : memref<128x128xf32, #tpu.memory_space<vmem>>, vector<1x16xf32>,
        %mul3A_1368 = arith.constant 16 : i32
        %mul3A_1369 = arith.muli %scan3A_62, %mul3A_1368 : i32
        %add3A_1370 = arith.constant 15 : i32
        %add3A_1371 = arith.addi %mul3A_1369, %add3A_1370 : i32
        %slice3A_1372 = vector.extract_strided_slice %get3A_66 {offsets = [15], sizes = [1], strides = [1]} : vector<16xf32> to vector<1xf32>
        %squeeze3A_1373 = vector.extract %slice3A_1372[0] : f32 from vector<1xf32>
        %broadcast_in_dim3A_1374 = vector.broadcast %squeeze3A_1373 : f32 to vector<16xf32>
        %get3A_1375 = arith.index_cast %add3A_1371 : i32 to index
        %get3A_1376 = arith.constant 0 : index
        %get3A_1377 = tpu.vector_load %arg9[%get3A_1375, %get3A_1376] {strides = array<i32>} : memref<128x128xf32, #tpu.memory_space<vmem>>, vector<1x16xf32>,
        %get3A_1378 = vector.shape_cast %get3A_1377 : vector<1x16xf32> to vector<16xf32>
        %mul3A_1379 = arith.mulf %get3A_1378, %broadcast_in_dim3A_1374 : vector<16xf32>
        %swap3A_1380 = arith.index_cast %add3A_1371 : i32 to index
        %swap3A_1381 = arith.constant 0 : index
        %swap3A_1382 = tpu.vector_load %arg9[%swap3A_1380, %swap3A_1381] {strides = array<i32>} : memref<128x128xf32, #tpu.memory_space<vmem>>, vector<1x16xf32>,
        %swap3A_1383 = vector.shape_cast %swap3A_1382 : vector<1x16xf32> to vector<16xf32>
        %swap3A_1384 = vector.shape_cast %mul3A_1379 : vector<16xf32> to vector<1x16xf32>
        tpu.vector_store %arg9[%swap3A_1380, %swap3A_1381], %swap3A_1384 {strides = array<i32>} : memref<128x128xf32, #tpu.memory_space<vmem>>, vector<1x16xf32>,
        %get3A_1385 = arith.index_cast %add3A_1371 : i32 to index
        %get3A_1386 = arith.constant 16 : index
        %get3A_1387 = tpu.vector_load %arg9[%get3A_1385, %get3A_1386] {strides = array<i32>} : memref<128x128xf32, #tpu.memory_space<vmem>>, vector<1x16xf32>,
        %get3A_1388 = vector.shape_cast %get3A_1387 : vector<1x16xf32> to vector<16xf32>
        %mul3A_1389 = arith.mulf %get3A_1388, %broadcast_in_dim3A_1374 : vector<16xf32>
        %swap3A_1390 = arith.index_cast %add3A_1371 : i32 to index
        %swap3A_1391 = arith.constant 16 : index
        %swap3A_1392 = tpu.vector_load %arg9[%swap3A_1390, %swap3A_1391] {strides = array<i32>} : memref<128x128xf32, #tpu.memory_space<vmem>>, vector<1x16xf32>,
        %swap3A_1393 = vector.shape_cast %swap3A_1392 : vector<1x16xf32> to vector<16xf32>
        %swap3A_1394 = vector.shape_cast %mul3A_1389 : vector<16xf32> to vector<1x16xf32>
        tpu.vector_store %arg9[%swap3A_1390, %swap3A_1391], %swap3A_1394 {strides = array<i32>} : memref<128x128xf32, #tpu.memory_space<vmem>>, vector<1x16xf32>,
        %get3A_1395 = arith.index_cast %add3A_1371 : i32 to index
        %get3A_1396 = arith.constant 32 : index
        %get3A_1397 = tpu.vector_load %arg9[%get3A_1395, %get3A_1396] {strides = array<i32>} : memref<128x128xf32, #tpu.memory_space<vmem>>, vector<1x16xf32>,
        %get3A_1398 = vector.shape_cast %get3A_1397 : vector<1x16xf32> to vector<16xf32>
        %mul3A_1399 = arith.mulf %get3A_1398, %broadcast_in_dim3A_1374 : vector<16xf32>
        %swap3A_1400 = arith.index_cast %add3A_1371 : i32 to index
        %swap3A_1401 = arith.constant 32 : index
        %swap3A_1402 = tpu.vector_load %arg9[%swap3A_1400, %swap3A_1401] {strides = array<i32>} : memref<128x128xf32, #tpu.memory_space<vmem>>, vector<1x16xf32>,
        %swap3A_1403 = vector.shape_cast %swap3A_1402 : vector<1x16xf32> to vector<16xf32>
        %swap3A_1404 = vector.shape_cast %mul3A_1399 : vector<16xf32> to vector<1x16xf32>
        tpu.vector_store %arg9[%swap3A_1400, %swap3A_1401], %swap3A_1404 {strides = array<i32>} : memref<128x128xf32, #tpu.memory_space<vmem>>, vector<1x16xf32>,
        %get3A_1405 = arith.index_cast %add3A_1371 : i32 to index
        %get3A_1406 = arith.constant 48 : index
        %get3A_1407 = tpu.vector_load %arg9[%get3A_1405, %get3A_1406] {strides = array<i32>} : memref<128x128xf32, #tpu.memory_space<vmem>>, vector<1x16xf32>,
        %get3A_1408 = vector.shape_cast %get3A_1407 : vector<1x16xf32> to vector<16xf32>
        %mul3A_1409 = arith.mulf %get3A_1408, %broadcast_in_dim3A_1374 : vector<16xf32>
        %swap3A_1410 = arith.index_cast %add3A_1371 : i32 to index
        %swap3A_1411 = arith.constant 48 : index
        %swap3A_1412 = tpu.vector_load %arg9[%swap3A_1410, %swap3A_1411] {strides = array<i32>} : memref<128x128xf32, #tpu.memory_space<vmem>>, vector<1x16xf32>,
        %swap3A_1413 = vector.shape_cast %swap3A_1412 : vector<1x16xf32> to vector<16xf32>
        %swap3A_1414 = vector.shape_cast %mul3A_1409 : vector<16xf32> to vector<1x16xf32>
        tpu.vector_store %arg9[%swap3A_1410, %swap3A_1411], %swap3A_1414 {strides = array<i32>} : memref<128x128xf32, #tpu.memory_space<vmem>>, vector<1x16xf32>,
        %get3A_1415 = arith.index_cast %add3A_1371 : i32 to index
        %get3A_1416 = arith.constant 64 : index
        %get3A_1417 = tpu.vector_load %arg9[%get3A_1415, %get3A_1416] {strides = array<i32>} : memref<128x128xf32, #tpu.memory_space<vmem>>, vector<1x16xf32>,
        %get3A_1418 = vector.shape_cast %get3A_1417 : vector<1x16xf32> to vector<16xf32>
        %mul3A_1419 = arith.mulf %get3A_1418, %broadcast_in_dim3A_1374 : vector<16xf32>
        %swap3A_1420 = arith.index_cast %add3A_1371 : i32 to index
        %swap3A_1421 = arith.constant 64 : index
        %swap3A_1422 = tpu.vector_load %arg9[%swap3A_1420, %swap3A_1421] {strides = array<i32>} : memref<128x128xf32, #tpu.memory_space<vmem>>, vector<1x16xf32>,
        %swap3A_1423 = vector.shape_cast %swap3A_1422 : vector<1x16xf32> to vector<16xf32>
        %swap3A_1424 = vector.shape_cast %mul3A_1419 : vector<16xf32> to vector<1x16xf32>
        tpu.vector_store %arg9[%swap3A_1420, %swap3A_1421], %swap3A_1424 {strides = array<i32>} : memref<128x128xf32, #tpu.memory_space<vmem>>, vector<1x16xf32>,
        %get3A_1425 = arith.index_cast %add3A_1371 : i32 to index
        %get3A_1426 = arith.constant 80 : index
        %get3A_1427 = tpu.vector_load %arg9[%get3A_1425, %get3A_1426] {strides = array<i32>} : memref<128x128xf32, #tpu.memory_space<vmem>>, vector<1x16xf32>,
        %get3A_1428 = vector.shape_cast %get3A_1427 : vector<1x16xf32> to vector<16xf32>
        %mul3A_1429 = arith.mulf %get3A_1428, %broadcast_in_dim3A_1374 : vector<16xf32>
        %swap3A_1430 = arith.index_cast %add3A_1371 : i32 to index
        %swap3A_1431 = arith.constant 80 : index
        %swap3A_1432 = tpu.vector_load %arg9[%swap3A_1430, %swap3A_1431] {strides = array<i32>} : memref<128x128xf32, #tpu.memory_space<vmem>>, vector<1x16xf32>,
        %swap3A_1433 = vector.shape_cast %swap3A_1432 : vector<1x16xf32> to vector<16xf32>
        %swap3A_1434 = vector.shape_cast %mul3A_1429 : vector<16xf32> to vector<1x16xf32>
        tpu.vector_store %arg9[%swap3A_1430, %swap3A_1431], %swap3A_1434 {strides = array<i32>} : memref<128x128xf32, #tpu.memory_space<vmem>>, vector<1x16xf32>,
        %get3A_1435 = arith.index_cast %add3A_1371 : i32 to index
        %get3A_1436 = arith.constant 96 : index
        %get3A_1437 = tpu.vector_load %arg9[%get3A_1435, %get3A_1436] {strides = array<i32>} : memref<128x128xf32, #tpu.memory_space<vmem>>, vector<1x16xf32>,
        %get3A_1438 = vector.shape_cast %get3A_1437 : vector<1x16xf32> to vector<16xf32>
        %mul3A_1439 = arith.mulf %get3A_1438, %broadcast_in_dim3A_1374 : vector<16xf32>
        %swap3A_1440 = arith.index_cast %add3A_1371 : i32 to index
        %swap3A_1441 = arith.constant 96 : index
        %swap3A_1442 = tpu.vector_load %arg9[%swap3A_1440, %swap3A_1441] {strides = array<i32>} : memref<128x128xf32, #tpu.memory_space<vmem>>, vector<1x16xf32>,
        %swap3A_1443 = vector.shape_cast %swap3A_1442 : vector<1x16xf32> to vector<16xf32>
        %swap3A_1444 = vector.shape_cast %mul3A_1439 : vector<16xf32> to vector<1x16xf32>
        tpu.vector_store %arg9[%swap3A_1440, %swap3A_1441], %swap3A_1444 {strides = array<i32>} : memref<128x128xf32, #tpu.memory_space<vmem>>, vector<1x16xf32>,
        %get3A_1445 = arith.index_cast %add3A_1371 : i32 to index
        %get3A_1446 = arith.constant 112 : index
        %get3A_1447 = tpu.vector_load %arg9[%get3A_1445, %get3A_1446] {strides = array<i32>} : memref<128x128xf32, #tpu.memory_space<vmem>>, vector<1x16xf32>,
        %get3A_1448 = vector.shape_cast %get3A_1447 : vector<1x16xf32> to vector<16xf32>
        %mul3A_1449 = arith.mulf %get3A_1448, %broadcast_in_dim3A_1374 : vector<16xf32>
        %swap3A_1450 = arith.index_cast %add3A_1371 : i32 to index
        %swap3A_1451 = arith.constant 112 : index
        %swap3A_1452 = tpu.vector_load %arg9[%swap3A_1450, %swap3A_1451] {strides = array<i32>} : memref<128x128xf32, #tpu.memory_space<vmem>>, vector<1x16xf32>,
        %swap3A_1453 = vector.shape_cast %swap3A_1452 : vector<1x16xf32> to vector<16xf32>
        %swap3A_1454 = vector.shape_cast %mul3A_1449 : vector<16xf32> to vector<1x16xf32>
        tpu.vector_store %arg9[%swap3A_1450, %swap3A_1451], %swap3A_1454 {strides = array<i32>} : memref<128x128xf32, #tpu.memory_space<vmem>>, vector<1x16xf32>,
      }
      %scan3A_61 = arith.constant 8 : i32
      %run_scoped3A = arith.constant 1 : i32
      "tpu.region"() ({
        %run_scoped3A_62 = tpu.sem_alloc : memref<!tpu.dma_semaphore, #tpu.memory_space<semaphore_mem>>
        %dma_start3A_63 = arith.constant 0 : i32
        %dma_start3A_64 = tpu.memref_slice %arg7[%run_scoped3A, %dma_start3A_63] : memref<2x128xi32, #tpu.memory_space<vmem>> -> memref<1x128xi32, #tpu.memory_space<vmem>>
        %dma_start3A_65 = tpu.memref_squeeze %dma_start3A_64 : memref<1x128xi32, #tpu.memory_space<vmem>> -> memref<128xi32, #tpu.memory_space<vmem>>
        %dma_start3A_66 = arith.constant 0 : i32
        %dma_start3A_67 = arith.constant 0 : i32
        %dma_start3A_68 = tpu.memref_slice %arg10[%dma_start3A_66, %dma_start3A_67] : memref<10112x128xf32, #tpu.memory_space<vmem_shared>> -> memref<10112x128xf32, #tpu.memory_space<vmem_shared>>
        tpu.enqueue_indirect_dma source(%arg9 : memref<128x128xf32, #tpu.memory_space<vmem>>) target(%dma_start3A_68 : memref<10112x128xf32, #tpu.memory_space<vmem_shared>>) offsets(%dma_start3A_65 : memref<128xi32, #tpu.memory_space<vmem>>) semaphore(%run_scoped3A_62 : memref<!tpu.dma_semaphore, #tpu.memory_space<semaphore_mem>>) {add = true}
        %dma_wait3A_69 = arith.constant 0 : i32
        %dma_wait3A_70 = tpu.memref_slice %arg7[%run_scoped3A, %dma_wait3A_69] : memref<2x128xi32, #tpu.memory_space<vmem>> -> memref<1x128xi32, #tpu.memory_space<vmem>>
        %dma_wait3A_71 = tpu.memref_squeeze %dma_wait3A_70 : memref<1x128xi32, #tpu.memory_space<vmem>> -> memref<128xi32, #tpu.memory_space<vmem>>
        %dma_wait3A_72 = arith.constant 0 : i32
        %dma_wait3A_73 = arith.constant 0 : i32
        %dma_wait3A_74 = tpu.memref_slice %arg10[%dma_wait3A_72, %dma_wait3A_73] : memref<10112x128xf32, #tpu.memory_space<vmem_shared>> -> memref<10112x128xf32, #tpu.memory_space<vmem_shared>>
        tpu.wait_indirect_dma semaphore(%run_scoped3A_62 : memref<!tpu.dma_semaphore, #tpu.memory_space<semaphore_mem>>) src(%arg9 : memref<128x128xf32, #tpu.memory_space<vmem>>) dst(%dma_wait3A_74 : memref<10112x128xf32, #tpu.memory_space<vmem_shared>>)
        tpu.yield
      }) : () -> ()
    }
    %while3A_33 = arith.constant 1 : i32
    scf.for %while3A_39 = %while3A_31 to %while3A_27 step %while3A_33  : i32 {
      %mul3A_40 = arith.constant 32 : i32
      %mul3A_41 = arith.muli %while3A_39, %mul3A_40 : i32
      %add3A_42 = arith.addi %add3A, %mul3A_41 : i32
      "tpu.region"() ({
        %run_scoped3A_62 = tpu.sem_alloc : memref<!tpu.dma_semaphore, #tpu.memory_space<semaphore_mem>>
        %dma_start3A_63 = arith.constant 0 : i32
        %dma_start3A_64 = arith.constant 0 : i32
        %dma_start3A_65 = tpu.memref_slice %arg3[%add3A_42, %dma_start3A_63, %dma_start3A_64] : memref<2500x2x128xi32, #tpu.memory_space<hbm>> -> memref<1x2x128xi32, #tpu.memory_space<hbm>>
        %dma_start3A_66 = tpu.memref_squeeze %dma_start3A_65 : memref<1x2x128xi32, #tpu.memory_space<hbm>> -> memref<2x128xi32, #tpu.memory_space<hbm>>
        %dma_start3A_67 = arith.constant 0 : i32
        %dma_start3A_68 = arith.constant 0 : i32
        %dma_start3A_69 = tpu.memref_slice %arg3[%add3A_42, %dma_start3A_67, %dma_start3A_68] : memref<2500x2x128xi32, #tpu.memory_space<hbm>> -> memref<1x2x128xi32, #tpu.memory_space<hbm>>
        %dma_start3A_70 = tpu.memref_squeeze %dma_start3A_69 : memref<1x2x128xi32, #tpu.memory_space<hbm>> -> memref<2x128xi32, #tpu.memory_space<hbm>>
        tpu.enqueue_dma source(%dma_start3A_70 : memref<2x128xi32, #tpu.memory_space<hbm>>) target(%arg7 : memref<2x128xi32, #tpu.memory_space<vmem>>) target_semaphore(%run_scoped3A_62 : memref<!tpu.dma_semaphore, #tpu.memory_space<semaphore_mem>>)
        %dma_wait3A_71 = arith.constant 0 : i32
        %dma_wait3A_72 = arith.constant 0 : i32
        %dma_wait3A_73 = tpu.memref_slice %arg3[%add3A_42, %dma_wait3A_71, %dma_wait3A_72] : memref<2500x2x128xi32, #tpu.memory_space<hbm>> -> memref<1x2x128xi32, #tpu.memory_space<hbm>>
        %dma_wait3A_74 = tpu.memref_squeeze %dma_wait3A_73 : memref<1x2x128xi32, #tpu.memory_space<hbm>> -> memref<2x128xi32, #tpu.memory_space<hbm>>
        %dma_wait3A_75 = arith.constant 0 : i32
        %dma_wait3A_76 = arith.constant 0 : i32
        %dma_wait3A_77 = tpu.memref_slice %arg3[%add3A_42, %dma_wait3A_75, %dma_wait3A_76] : memref<2500x2x128xi32, #tpu.memory_space<hbm>> -> memref<1x2x128xi32, #tpu.memory_space<hbm>>
        %dma_wait3A_78 = tpu.memref_squeeze %dma_wait3A_77 : memref<1x2x128xi32, #tpu.memory_space<hbm>> -> memref<2x128xi32, #tpu.memory_space<hbm>>
        tpu.wait_dma2 semaphore(%run_scoped3A_62 : memref<!tpu.dma_semaphore, #tpu.memory_space<semaphore_mem>>) src(%dma_wait3A_78 : memref<2x128xi32, #tpu.memory_space<hbm>>) dst(%arg7 : memref<2x128xi32, #tpu.memory_space<vmem>>)
        tpu.yield
      }) : () -> ()
      %mul3A_43 = arith.constant 128 : i32
      %mul3A_44 = arith.muli %add3A_42, %mul3A_43 : i32
      "tpu.region"() ({
        %run_scoped3A_62 = tpu.sem_alloc : memref<!tpu.dma_semaphore, #tpu.memory_space<semaphore_mem>>
        %dma_start3A_63 = tpu.memref_slice %arg4[%mul3A_44] : memref<320000xf32, #tpu.memory_space<hbm>> -> memref<128xf32, #tpu.memory_space<hbm>>
        %dma_start3A_64 = tpu.memref_slice %arg4[%mul3A_44] : memref<320000xf32, #tpu.memory_space<hbm>> -> memref<128xf32, #tpu.memory_space<hbm>>
        tpu.enqueue_dma source(%dma_start3A_64 : memref<128xf32, #tpu.memory_space<hbm>>) target(%arg8 : memref<128xf32, #tpu.memory_space<vmem>>) target_semaphore(%run_scoped3A_62 : memref<!tpu.dma_semaphore, #tpu.memory_space<semaphore_mem>>)
        %dma_wait3A_65 = tpu.memref_slice %arg4[%mul3A_44] : memref<320000xf32, #tpu.memory_space<hbm>> -> memref<128xf32, #tpu.memory_space<hbm>>
        %dma_wait3A_66 = tpu.memref_slice %arg4[%mul3A_44] : memref<320000xf32, #tpu.memory_space<hbm>> -> memref<128xf32, #tpu.memory_space<hbm>>
        tpu.wait_dma2 semaphore(%run_scoped3A_62 : memref<!tpu.dma_semaphore, #tpu.memory_space<semaphore_mem>>) src(%dma_wait3A_66 : memref<128xf32, #tpu.memory_space<hbm>>) dst(%arg8 : memref<128xf32, #tpu.memory_space<vmem>>)
        tpu.yield
      }) : () -> ()
      %dma_start3A = arith.constant 0 : i32
      %dma_start3A_45 = arith.constant 0 : i32
      %dma_start3A_46 = tpu.memref_slice %arg7[%dma_start3A, %dma_start3A_45] : memref<2x128xi32, #tpu.memory_space<vmem>> -> memref<1x128xi32, #tpu.memory_space<vmem>>
      %dma_start3A_47 = tpu.memref_squeeze %dma_start3A_46 : memref<1x128xi32, #tpu.memory_space<vmem>> -> memref<128xi32, #tpu.memory_space<vmem>>
      %dma_start3A_48 = arith.constant 0 : i32
      %dma_start3A_49 = arith.constant 0 : i32
      %dma_start3A_50 = tpu.memref_slice %arg2[%dma_start3A_48, %dma_start3A_49] : memref<10000x128xf32, #tpu.memory_space<hbm>> -> memref<10000x128xf32, #tpu.memory_space<hbm>>
      tpu.enqueue_indirect_dma source(%dma_start3A_50 : memref<10000x128xf32, #tpu.memory_space<hbm>>) target(%arg9 : memref<128x128xf32, #tpu.memory_space<vmem>>) offsets(%dma_start3A_47 : memref<128xi32, #tpu.memory_space<vmem>>) semaphore(%arg11 : memref<!tpu.dma_semaphore, #tpu.memory_space<semaphore_mem>>)
      %dma_wait3A = arith.constant 0 : i32
      %dma_wait3A_51 = arith.constant 0 : i32
      %dma_wait3A_52 = tpu.memref_slice %arg7[%dma_wait3A, %dma_wait3A_51] : memref<2x128xi32, #tpu.memory_space<vmem>> -> memref<1x128xi32, #tpu.memory_space<vmem>>
      %dma_wait3A_53 = tpu.memref_squeeze %dma_wait3A_52 : memref<1x128xi32, #tpu.memory_space<vmem>> -> memref<128xi32, #tpu.memory_space<vmem>>
      %dma_wait3A_54 = arith.constant 0 : i32
      %dma_wait3A_55 = arith.constant 0 : i32
      %dma_wait3A_56 = tpu.memref_slice %arg2[%dma_wait3A_54, %dma_wait3A_55] : memref<10000x128xf32, #tpu.memory_space<hbm>> -> memref<10000x128xf32, #tpu.memory_space<hbm>>
      tpu.wait_indirect_dma semaphore(%arg11 : memref<!tpu.dma_semaphore, #tpu.memory_space<semaphore_mem>>) src(%dma_wait3A_56 : memref<10000x128xf32, #tpu.memory_space<hbm>>) dst(%arg9 : memref<128x128xf32, #tpu.memory_space<vmem>>)
      %scan3A = arith.constant 0 : i32
      %scan3A_57 = arith.constant 0 : i32
      %scan3A_58 = arith.constant 8 : i32
      %scan3A_59 = arith.addi %scan3A_57, %scan3A_58 : i32
      %scan3A_60 = arith.constant 1 : i32
      scf.for %scan3A_62 = %scan3A_57 to %scan3A_59 step %scan3A_60  : i32 {
        %mul3A_63 = arith.constant 16 : i32
        %mul3A_64 = arith.muli %scan3A_62, %mul3A_63 : i32
        %get3A = arith.index_cast %mul3A_64 : i32 to index
        %get3A_65 = tpu.vector_load %arg8[%get3A] {strides = array<i32>} : memref<128xf32, #tpu.memory_space<vmem>>, vector<16xf32>,
        %get3A_66 = vector.shape_cast %get3A_65 : vector<16xf32> to vector<16xf32>
        %mul3A_67 = arith.constant 16 : i32
        %mul3A_68 = arith.muli %scan3A_62, %mul3A_67 : i32
        %add3A_69 = arith.constant 0 : i32
        %add3A_70 = arith.addi %mul3A_68, %add3A_69 : i32
        %slice3A = vector.extract_strided_slice %get3A_66 {offsets = [0], sizes = [1], strides = [1]} : vector<16xf32> to vector<1xf32>
        %squeeze3A = vector.extract %slice3A[0] : f32 from vector<1xf32>
        %broadcast_in_dim3A = vector.broadcast %squeeze3A : f32 to vector<16xf32>
        %get3A_71 = arith.index_cast %add3A_70 : i32 to index
        %get3A_72 = arith.constant 0 : index
        %get3A_73 = tpu.vector_load %arg9[%get3A_71, %get3A_72] {strides = array<i32>} : memref<128x128xf32, #tpu.memory_space<vmem>>, vector<1x16xf32>,
        %get3A_74 = vector.shape_cast %get3A_73 : vector<1x16xf32> to vector<16xf32>
        %mul3A_75 = arith.mulf %get3A_74, %broadcast_in_dim3A : vector<16xf32>
        %swap3A = arith.index_cast %add3A_70 : i32 to index
        %swap3A_76 = arith.constant 0 : index
        %swap3A_77 = tpu.vector_load %arg9[%swap3A, %swap3A_76] {strides = array<i32>} : memref<128x128xf32, #tpu.memory_space<vmem>>, vector<1x16xf32>,
        %swap3A_78 = vector.shape_cast %swap3A_77 : vector<1x16xf32> to vector<16xf32>
        %swap3A_79 = vector.shape_cast %mul3A_75 : vector<16xf32> to vector<1x16xf32>
        tpu.vector_store %arg9[%swap3A, %swap3A_76], %swap3A_79 {strides = array<i32>} : memref<128x128xf32, #tpu.memory_space<vmem>>, vector<1x16xf32>,
        %get3A_80 = arith.index_cast %add3A_70 : i32 to index
        %get3A_81 = arith.constant 16 : index
        %get3A_82 = tpu.vector_load %arg9[%get3A_80, %get3A_81] {strides = array<i32>} : memref<128x128xf32, #tpu.memory_space<vmem>>, vector<1x16xf32>,
        %get3A_83 = vector.shape_cast %get3A_82 : vector<1x16xf32> to vector<16xf32>
        %mul3A_84 = arith.mulf %get3A_83, %broadcast_in_dim3A : vector<16xf32>
        %swap3A_85 = arith.index_cast %add3A_70 : i32 to index
        %swap3A_86 = arith.constant 16 : index
        %swap3A_87 = tpu.vector_load %arg9[%swap3A_85, %swap3A_86] {strides = array<i32>} : memref<128x128xf32, #tpu.memory_space<vmem>>, vector<1x16xf32>,
        %swap3A_88 = vector.shape_cast %swap3A_87 : vector<1x16xf32> to vector<16xf32>
        %swap3A_89 = vector.shape_cast %mul3A_84 : vector<16xf32> to vector<1x16xf32>
        tpu.vector_store %arg9[%swap3A_85, %swap3A_86], %swap3A_89 {strides = array<i32>} : memref<128x128xf32, #tpu.memory_space<vmem>>, vector<1x16xf32>,
        %get3A_90 = arith.index_cast %add3A_70 : i32 to index
        %get3A_91 = arith.constant 32 : index
        %get3A_92 = tpu.vector_load %arg9[%get3A_90, %get3A_91] {strides = array<i32>} : memref<128x128xf32, #tpu.memory_space<vmem>>, vector<1x16xf32>,
        %get3A_93 = vector.shape_cast %get3A_92 : vector<1x16xf32> to vector<16xf32>
        %mul3A_94 = arith.mulf %get3A_93, %broadcast_in_dim3A : vector<16xf32>
        %swap3A_95 = arith.index_cast %add3A_70 : i32 to index
        %swap3A_96 = arith.constant 32 : index
        %swap3A_97 = tpu.vector_load %arg9[%swap3A_95, %swap3A_96] {strides = array<i32>} : memref<128x128xf32, #tpu.memory_space<vmem>>, vector<1x16xf32>,
        %swap3A_98 = vector.shape_cast %swap3A_97 : vector<1x16xf32> to vector<16xf32>
        %swap3A_99 = vector.shape_cast %mul3A_94 : vector<16xf32> to vector<1x16xf32>
        tpu.vector_store %arg9[%swap3A_95, %swap3A_96], %swap3A_99 {strides = array<i32>} : memref<128x128xf32, #tpu.memory_space<vmem>>, vector<1x16xf32>,
        %get3A_100 = arith.index_cast %add3A_70 : i32 to index
        %get3A_101 = arith.constant 48 : index
        %get3A_102 = tpu.vector_load %arg9[%get3A_100, %get3A_101] {strides = array<i32>} : memref<128x128xf32, #tpu.memory_space<vmem>>, vector<1x16xf32>,
        %get3A_103 = vector.shape_cast %get3A_102 : vector<1x16xf32> to vector<16xf32>
        %mul3A_104 = arith.mulf %get3A_103, %broadcast_in_dim3A : vector<16xf32>
        %swap3A_105 = arith.index_cast %add3A_70 : i32 to index
        %swap3A_106 = arith.constant 48 : index
        %swap3A_107 = tpu.vector_load %arg9[%swap3A_105, %swap3A_106] {strides = array<i32>} : memref<128x128xf32, #tpu.memory_space<vmem>>, vector<1x16xf32>,
        %swap3A_108 = vector.shape_cast %swap3A_107 : vector<1x16xf32> to vector<16xf32>
        %swap3A_109 = vector.shape_cast %mul3A_104 : vector<16xf32> to vector<1x16xf32>
        tpu.vector_store %arg9[%swap3A_105, %swap3A_106], %swap3A_109 {strides = array<i32>} : memref<128x128xf32, #tpu.memory_space<vmem>>, vector<1x16xf32>,
        %get3A_110 = arith.index_cast %add3A_70 : i32 to index
        %get3A_111 = arith.constant 64 : index
        %get3A_112 = tpu.vector_load %arg9[%get3A_110, %get3A_111] {strides = array<i32>} : memref<128x128xf32, #tpu.memory_space<vmem>>, vector<1x16xf32>,
        %get3A_113 = vector.shape_cast %get3A_112 : vector<1x16xf32> to vector<16xf32>
        %mul3A_114 = arith.mulf %get3A_113, %broadcast_in_dim3A : vector<16xf32>
        %swap3A_115 = arith.index_cast %add3A_70 : i32 to index
        %swap3A_116 = arith.constant 64 : index
        %swap3A_117 = tpu.vector_load %arg9[%swap3A_115, %swap3A_116] {strides = array<i32>} : memref<128x128xf32, #tpu.memory_space<vmem>>, vector<1x16xf32>,
        %swap3A_118 = vector.shape_cast %swap3A_117 : vector<1x16xf32> to vector<16xf32>
        %swap3A_119 = vector.shape_cast %mul3A_114 : vector<16xf32> to vector<1x16xf32>
        tpu.vector_store %arg9[%swap3A_115, %swap3A_116], %swap3A_119 {strides = array<i32>} : memref<128x128xf32, #tpu.memory_space<vmem>>, vector<1x16xf32>,
        %get3A_120 = arith.index_cast %add3A_70 : i32 to index
        %get3A_121 = arith.constant 80 : index
        %get3A_122 = tpu.vector_load %arg9[%get3A_120, %get3A_121] {strides = array<i32>} : memref<128x128xf32, #tpu.memory_space<vmem>>, vector<1x16xf32>,
        %get3A_123 = vector.shape_cast %get3A_122 : vector<1x16xf32> to vector<16xf32>
        %mul3A_124 = arith.mulf %get3A_123, %broadcast_in_dim3A : vector<16xf32>
        %swap3A_125 = arith.index_cast %add3A_70 : i32 to index
        %swap3A_126 = arith.constant 80 : index
        %swap3A_127 = tpu.vector_load %arg9[%swap3A_125, %swap3A_126] {strides = array<i32>} : memref<128x128xf32, #tpu.memory_space<vmem>>, vector<1x16xf32>,
        %swap3A_128 = vector.shape_cast %swap3A_127 : vector<1x16xf32> to vector<16xf32>
        %swap3A_129 = vector.shape_cast %mul3A_124 : vector<16xf32> to vector<1x16xf32>
        tpu.vector_store %arg9[%swap3A_125, %swap3A_126], %swap3A_129 {strides = array<i32>} : memref<128x128xf32, #tpu.memory_space<vmem>>, vector<1x16xf32>,
        %get3A_130 = arith.index_cast %add3A_70 : i32 to index
        %get3A_131 = arith.constant 96 : index
        %get3A_132 = tpu.vector_load %arg9[%get3A_130, %get3A_131] {strides = array<i32>} : memref<128x128xf32, #tpu.memory_space<vmem>>, vector<1x16xf32>,
        %get3A_133 = vector.shape_cast %get3A_132 : vector<1x16xf32> to vector<16xf32>
        %mul3A_134 = arith.mulf %get3A_133, %broadcast_in_dim3A : vector<16xf32>
        %swap3A_135 = arith.index_cast %add3A_70 : i32 to index
        %swap3A_136 = arith.constant 96 : index
        %swap3A_137 = tpu.vector_load %arg9[%swap3A_135, %swap3A_136] {strides = array<i32>} : memref<128x128xf32, #tpu.memory_space<vmem>>, vector<1x16xf32>,
        %swap3A_138 = vector.shape_cast %swap3A_137 : vector<1x16xf32> to vector<16xf32>
        %swap3A_139 = vector.shape_cast %mul3A_134 : vector<16xf32> to vector<1x16xf32>
        tpu.vector_store %arg9[%swap3A_135, %swap3A_136], %swap3A_139 {strides = array<i32>} : memref<128x128xf32, #tpu.memory_space<vmem>>, vector<1x16xf32>,
        %get3A_140 = arith.index_cast %add3A_70 : i32 to index
        %get3A_141 = arith.constant 112 : index
        %get3A_142 = tpu.vector_load %arg9[%get3A_140, %get3A_141] {strides = array<i32>} : memref<128x128xf32, #tpu.memory_space<vmem>>, vector<1x16xf32>,
        %get3A_143 = vector.shape_cast %get3A_142 : vector<1x16xf32> to vector<16xf32>
        %mul3A_144 = arith.mulf %get3A_143, %broadcast_in_dim3A : vector<16xf32>
        %swap3A_145 = arith.index_cast %add3A_70 : i32 to index
        %swap3A_146 = arith.constant 112 : index
        %swap3A_147 = tpu.vector_load %arg9[%swap3A_145, %swap3A_146] {strides = array<i32>} : memref<128x128xf32, #tpu.memory_space<vmem>>, vector<1x16xf32>,
        %swap3A_148 = vector.shape_cast %swap3A_147 : vector<1x16xf32> to vector<16xf32>
        %swap3A_149 = vector.shape_cast %mul3A_144 : vector<16xf32> to vector<1x16xf32>
        tpu.vector_store %arg9[%swap3A_145, %swap3A_146], %swap3A_149 {strides = array<i32>} : memref<128x128xf32, #tpu.memory_space<vmem>>, vector<1x16xf32>,
        %mul3A_150 = arith.constant 16 : i32
        %mul3A_151 = arith.muli %scan3A_62, %mul3A_150 : i32
        %add3A_152 = arith.constant 1 : i32
        %add3A_153 = arith.addi %mul3A_151, %add3A_152 : i32
        %slice3A_154 = vector.extract_strided_slice %get3A_66 {offsets = [1], sizes = [1], strides = [1]} : vector<16xf32> to vector<1xf32>
        %squeeze3A_155 = vector.extract %slice3A_154[0] : f32 from vector<1xf32>
        %broadcast_in_dim3A_156 = vector.broadcast %squeeze3A_155 : f32 to vector<16xf32>
        %get3A_157 = arith.index_cast %add3A_153 : i32 to index
        %get3A_158 = arith.constant 0 : index
        %get3A_159 = tpu.vector_load %arg9[%get3A_157, %get3A_158] {strides = array<i32>} : memref<128x128xf32, #tpu.memory_space<vmem>>, vector<1x16xf32>,
        %get3A_160 = vector.shape_cast %get3A_159 : vector<1x16xf32> to vector<16xf32>
        %mul3A_161 = arith.mulf %get3A_160, %broadcast_in_dim3A_156 : vector<16xf32>
        %swap3A_162 = arith.index_cast %add3A_153 : i32 to index
        %swap3A_163 = arith.constant 0 : index
        %swap3A_164 = tpu.vector_load %arg9[%swap3A_162, %swap3A_163] {strides = array<i32>} : memref<128x128xf32, #tpu.memory_space<vmem>>, vector<1x16xf32>,
        %swap3A_165 = vector.shape_cast %swap3A_164 : vector<1x16xf32> to vector<16xf32>
        %swap3A_166 = vector.shape_cast %mul3A_161 : vector<16xf32> to vector<1x16xf32>
        tpu.vector_store %arg9[%swap3A_162, %swap3A_163], %swap3A_166 {strides = array<i32>} : memref<128x128xf32, #tpu.memory_space<vmem>>, vector<1x16xf32>,
        %get3A_167 = arith.index_cast %add3A_153 : i32 to index
        %get3A_168 = arith.constant 16 : index
        %get3A_169 = tpu.vector_load %arg9[%get3A_167, %get3A_168] {strides = array<i32>} : memref<128x128xf32, #tpu.memory_space<vmem>>, vector<1x16xf32>,
        %get3A_170 = vector.shape_cast %get3A_169 : vector<1x16xf32> to vector<16xf32>
        %mul3A_171 = arith.mulf %get3A_170, %broadcast_in_dim3A_156 : vector<16xf32>
        %swap3A_172 = arith.index_cast %add3A_153 : i32 to index
        %swap3A_173 = arith.constant 16 : index
        %swap3A_174 = tpu.vector_load %arg9[%swap3A_172, %swap3A_173] {strides = array<i32>} : memref<128x128xf32, #tpu.memory_space<vmem>>, vector<1x16xf32>,
        %swap3A_175 = vector.shape_cast %swap3A_174 : vector<1x16xf32> to vector<16xf32>
        %swap3A_176 = vector.shape_cast %mul3A_171 : vector<16xf32> to vector<1x16xf32>
        tpu.vector_store %arg9[%swap3A_172, %swap3A_173], %swap3A_176 {strides = array<i32>} : memref<128x128xf32, #tpu.memory_space<vmem>>, vector<1x16xf32>,
        %get3A_177 = arith.index_cast %add3A_153 : i32 to index
        %get3A_178 = arith.constant 32 : index
        %get3A_179 = tpu.vector_load %arg9[%get3A_177, %get3A_178] {strides = array<i32>} : memref<128x128xf32, #tpu.memory_space<vmem>>, vector<1x16xf32>,
        %get3A_180 = vector.shape_cast %get3A_179 : vector<1x16xf32> to vector<16xf32>
        %mul3A_181 = arith.mulf %get3A_180, %broadcast_in_dim3A_156 : vector<16xf32>
        %swap3A_182 = arith.index_cast %add3A_153 : i32 to index
        %swap3A_183 = arith.constant 32 : index
        %swap3A_184 = tpu.vector_load %arg9[%swap3A_182, %swap3A_183] {strides = array<i32>} : memref<128x128xf32, #tpu.memory_space<vmem>>, vector<1x16xf32>,
        %swap3A_185 = vector.shape_cast %swap3A_184 : vector<1x16xf32> to vector<16xf32>
        %swap3A_186 = vector.shape_cast %mul3A_181 : vector<16xf32> to vector<1x16xf32>
        tpu.vector_store %arg9[%swap3A_182, %swap3A_183], %swap3A_186 {strides = array<i32>} : memref<128x128xf32, #tpu.memory_space<vmem>>, vector<1x16xf32>,
        %get3A_187 = arith.index_cast %add3A_153 : i32 to index
        %get3A_188 = arith.constant 48 : index
        %get3A_189 = tpu.vector_load %arg9[%get3A_187, %get3A_188] {strides = array<i32>} : memref<128x128xf32, #tpu.memory_space<vmem>>, vector<1x16xf32>,
        %get3A_190 = vector.shape_cast %get3A_189 : vector<1x16xf32> to vector<16xf32>
        %mul3A_191 = arith.mulf %get3A_190, %broadcast_in_dim3A_156 : vector<16xf32>
        %swap3A_192 = arith.index_cast %add3A_153 : i32 to index
        %swap3A_193 = arith.constant 48 : index
        %swap3A_194 = tpu.vector_load %arg9[%swap3A_192, %swap3A_193] {strides = array<i32>} : memref<128x128xf32, #tpu.memory_space<vmem>>, vector<1x16xf32>,
        %swap3A_195 = vector.shape_cast %swap3A_194 : vector<1x16xf32> to vector<16xf32>
        %swap3A_196 = vector.shape_cast %mul3A_191 : vector<16xf32> to vector<1x16xf32>
        tpu.vector_store %arg9[%swap3A_192, %swap3A_193], %swap3A_196 {strides = array<i32>} : memref<128x128xf32, #tpu.memory_space<vmem>>, vector<1x16xf32>,
        %get3A_197 = arith.index_cast %add3A_153 : i32 to index
        %get3A_198 = arith.constant 64 : index
        %get3A_199 = tpu.vector_load %arg9[%get3A_197, %get3A_198] {strides = array<i32>} : memref<128x128xf32, #tpu.memory_space<vmem>>, vector<1x16xf32>,
        %get3A_200 = vector.shape_cast %get3A_199 : vector<1x16xf32> to vector<16xf32>
        %mul3A_201 = arith.mulf %get3A_200, %broadcast_in_dim3A_156 : vector<16xf32>
        %swap3A_202 = arith.index_cast %add3A_153 : i32 to index
        %swap3A_203 = arith.constant 64 : index
        %swap3A_204 = tpu.vector_load %arg9[%swap3A_202, %swap3A_203] {strides = array<i32>} : memref<128x128xf32, #tpu.memory_space<vmem>>, vector<1x16xf32>,
        %swap3A_205 = vector.shape_cast %swap3A_204 : vector<1x16xf32> to vector<16xf32>
        %swap3A_206 = vector.shape_cast %mul3A_201 : vector<16xf32> to vector<1x16xf32>
        tpu.vector_store %arg9[%swap3A_202, %swap3A_203], %swap3A_206 {strides = array<i32>} : memref<128x128xf32, #tpu.memory_space<vmem>>, vector<1x16xf32>,
        %get3A_207 = arith.index_cast %add3A_153 : i32 to index
        %get3A_208 = arith.constant 80 : index
        %get3A_209 = tpu.vector_load %arg9[%get3A_207, %get3A_208] {strides = array<i32>} : memref<128x128xf32, #tpu.memory_space<vmem>>, vector<1x16xf32>,
        %get3A_210 = vector.shape_cast %get3A_209 : vector<1x16xf32> to vector<16xf32>
        %mul3A_211 = arith.mulf %get3A_210, %broadcast_in_dim3A_156 : vector<16xf32>
        %swap3A_212 = arith.index_cast %add3A_153 : i32 to index
        %swap3A_213 = arith.constant 80 : index
        %swap3A_214 = tpu.vector_load %arg9[%swap3A_212, %swap3A_213] {strides = array<i32>} : memref<128x128xf32, #tpu.memory_space<vmem>>, vector<1x16xf32>,
        %swap3A_215 = vector.shape_cast %swap3A_214 : vector<1x16xf32> to vector<16xf32>
        %swap3A_216 = vector.shape_cast %mul3A_211 : vector<16xf32> to vector<1x16xf32>
        tpu.vector_store %arg9[%swap3A_212, %swap3A_213], %swap3A_216 {strides = array<i32>} : memref<128x128xf32, #tpu.memory_space<vmem>>, vector<1x16xf32>,
        %get3A_217 = arith.index_cast %add3A_153 : i32 to index
        %get3A_218 = arith.constant 96 : index
        %get3A_219 = tpu.vector_load %arg9[%get3A_217, %get3A_218] {strides = array<i32>} : memref<128x128xf32, #tpu.memory_space<vmem>>, vector<1x16xf32>,
        %get3A_220 = vector.shape_cast %get3A_219 : vector<1x16xf32> to vector<16xf32>
        %mul3A_221 = arith.mulf %get3A_220, %broadcast_in_dim3A_156 : vector<16xf32>
        %swap3A_222 = arith.index_cast %add3A_153 : i32 to index
        %swap3A_223 = arith.constant 96 : index
        %swap3A_224 = tpu.vector_load %arg9[%swap3A_222, %swap3A_223] {strides = array<i32>} : memref<128x128xf32, #tpu.memory_space<vmem>>, vector<1x16xf32>,
        %swap3A_225 = vector.shape_cast %swap3A_224 : vector<1x16xf32> to vector<16xf32>
        %swap3A_226 = vector.shape_cast %mul3A_221 : vector<16xf32> to vector<1x16xf32>
        tpu.vector_store %arg9[%swap3A_222, %swap3A_223], %swap3A_226 {strides = array<i32>} : memref<128x128xf32, #tpu.memory_space<vmem>>, vector<1x16xf32>,
        %get3A_227 = arith.index_cast %add3A_153 : i32 to index
        %get3A_228 = arith.constant 112 : index
        %get3A_229 = tpu.vector_load %arg9[%get3A_227, %get3A_228] {strides = array<i32>} : memref<128x128xf32, #tpu.memory_space<vmem>>, vector<1x16xf32>,
        %get3A_230 = vector.shape_cast %get3A_229 : vector<1x16xf32> to vector<16xf32>
        %mul3A_231 = arith.mulf %get3A_230, %broadcast_in_dim3A_156 : vector<16xf32>
        %swap3A_232 = arith.index_cast %add3A_153 : i32 to index
        %swap3A_233 = arith.constant 112 : index
        %swap3A_234 = tpu.vector_load %arg9[%swap3A_232, %swap3A_233] {strides = array<i32>} : memref<128x128xf32, #tpu.memory_space<vmem>>, vector<1x16xf32>,
        %swap3A_235 = vector.shape_cast %swap3A_234 : vector<1x16xf32> to vector<16xf32>
        %swap3A_236 = vector.shape_cast %mul3A_231 : vector<16xf32> to vector<1x16xf32>
        tpu.vector_store %arg9[%swap3A_232, %swap3A_233], %swap3A_236 {strides = array<i32>} : memref<128x128xf32, #tpu.memory_space<vmem>>, vector<1x16xf32>,
        %mul3A_237 = arith.constant 16 : i32
        %mul3A_238 = arith.muli %scan3A_62, %mul3A_237 : i32
        %add3A_239 = arith.constant 2 : i32
        %add3A_240 = arith.addi %mul3A_238, %add3A_239 : i32
        %slice3A_241 = vector.extract_strided_slice %get3A_66 {offsets = [2], sizes = [1], strides = [1]} : vector<16xf32> to vector<1xf32>
        %squeeze3A_242 = vector.extract %slice3A_241[0] : f32 from vector<1xf32>
        %broadcast_in_dim3A_243 = vector.broadcast %squeeze3A_242 : f32 to vector<16xf32>
        %get3A_244 = arith.index_cast %add3A_240 : i32 to index
        %get3A_245 = arith.constant 0 : index
        %get3A_246 = tpu.vector_load %arg9[%get3A_244, %get3A_245] {strides = array<i32>} : memref<128x128xf32, #tpu.memory_space<vmem>>, vector<1x16xf32>,
        %get3A_247 = vector.shape_cast %get3A_246 : vector<1x16xf32> to vector<16xf32>
        %mul3A_248 = arith.mulf %get3A_247, %broadcast_in_dim3A_243 : vector<16xf32>
        %swap3A_249 = arith.index_cast %add3A_240 : i32 to index
        %swap3A_250 = arith.constant 0 : index
        %swap3A_251 = tpu.vector_load %arg9[%swap3A_249, %swap3A_250] {strides = array<i32>} : memref<128x128xf32, #tpu.memory_space<vmem>>, vector<1x16xf32>,
        %swap3A_252 = vector.shape_cast %swap3A_251 : vector<1x16xf32> to vector<16xf32>
        %swap3A_253 = vector.shape_cast %mul3A_248 : vector<16xf32> to vector<1x16xf32>
        tpu.vector_store %arg9[%swap3A_249, %swap3A_250], %swap3A_253 {strides = array<i32>} : memref<128x128xf32, #tpu.memory_space<vmem>>, vector<1x16xf32>,
        %get3A_254 = arith.index_cast %add3A_240 : i32 to index
        %get3A_255 = arith.constant 16 : index
        %get3A_256 = tpu.vector_load %arg9[%get3A_254, %get3A_255] {strides = array<i32>} : memref<128x128xf32, #tpu.memory_space<vmem>>, vector<1x16xf32>,
        %get3A_257 = vector.shape_cast %get3A_256 : vector<1x16xf32> to vector<16xf32>
        %mul3A_258 = arith.mulf %get3A_257, %broadcast_in_dim3A_243 : vector<16xf32>
        %swap3A_259 = arith.index_cast %add3A_240 : i32 to index
        %swap3A_260 = arith.constant 16 : index
        %swap3A_261 = tpu.vector_load %arg9[%swap3A_259, %swap3A_260] {strides = array<i32>} : memref<128x128xf32, #tpu.memory_space<vmem>>, vector<1x16xf32>,
        %swap3A_262 = vector.shape_cast %swap3A_261 : vector<1x16xf32> to vector<16xf32>
        %swap3A_263 = vector.shape_cast %mul3A_258 : vector<16xf32> to vector<1x16xf32>
        tpu.vector_store %arg9[%swap3A_259, %swap3A_260], %swap3A_263 {strides = array<i32>} : memref<128x128xf32, #tpu.memory_space<vmem>>, vector<1x16xf32>,
        %get3A_264 = arith.index_cast %add3A_240 : i32 to index
        %get3A_265 = arith.constant 32 : index
        %get3A_266 = tpu.vector_load %arg9[%get3A_264, %get3A_265] {strides = array<i32>} : memref<128x128xf32, #tpu.memory_space<vmem>>, vector<1x16xf32>,
        %get3A_267 = vector.shape_cast %get3A_266 : vector<1x16xf32> to vector<16xf32>
        %mul3A_268 = arith.mulf %get3A_267, %broadcast_in_dim3A_243 : vector<16xf32>
        %swap3A_269 = arith.index_cast %add3A_240 : i32 to index
        %swap3A_270 = arith.constant 32 : index
        %swap3A_271 = tpu.vector_load %arg9[%swap3A_269, %swap3A_270] {strides = array<i32>} : memref<128x128xf32, #tpu.memory_space<vmem>>, vector<1x16xf32>,
        %swap3A_272 = vector.shape_cast %swap3A_271 : vector<1x16xf32> to vector<16xf32>
        %swap3A_273 = vector.shape_cast %mul3A_268 : vector<16xf32> to vector<1x16xf32>
        tpu.vector_store %arg9[%swap3A_269, %swap3A_270], %swap3A_273 {strides = array<i32>} : memref<128x128xf32, #tpu.memory_space<vmem>>, vector<1x16xf32>,
        %get3A_274 = arith.index_cast %add3A_240 : i32 to index
        %get3A_275 = arith.constant 48 : index
        %get3A_276 = tpu.vector_load %arg9[%get3A_274, %get3A_275] {strides = array<i32>} : memref<128x128xf32, #tpu.memory_space<vmem>>, vector<1x16xf32>,
        %get3A_277 = vector.shape_cast %get3A_276 : vector<1x16xf32> to vector<16xf32>
        %mul3A_278 = arith.mulf %get3A_277, %broadcast_in_dim3A_243 : vector<16xf32>
        %swap3A_279 = arith.index_cast %add3A_240 : i32 to index
        %swap3A_280 = arith.constant 48 : index
        %swap3A_281 = tpu.vector_load %arg9[%swap3A_279, %swap3A_280] {strides = array<i32>} : memref<128x128xf32, #tpu.memory_space<vmem>>, vector<1x16xf32>,
        %swap3A_282 = vector.shape_cast %swap3A_281 : vector<1x16xf32> to vector<16xf32>
        %swap3A_283 = vector.shape_cast %mul3A_278 : vector<16xf32> to vector<1x16xf32>
        tpu.vector_store %arg9[%swap3A_279, %swap3A_280], %swap3A_283 {strides = array<i32>} : memref<128x128xf32, #tpu.memory_space<vmem>>, vector<1x16xf32>,
        %get3A_284 = arith.index_cast %add3A_240 : i32 to index
        %get3A_285 = arith.constant 64 : index
        %get3A_286 = tpu.vector_load %arg9[%get3A_284, %get3A_285] {strides = array<i32>} : memref<128x128xf32, #tpu.memory_space<vmem>>, vector<1x16xf32>,
        %get3A_287 = vector.shape_cast %get3A_286 : vector<1x16xf32> to vector<16xf32>
        %mul3A_288 = arith.mulf %get3A_287, %broadcast_in_dim3A_243 : vector<16xf32>
        %swap3A_289 = arith.index_cast %add3A_240 : i32 to index
        %swap3A_290 = arith.constant 64 : index
        %swap3A_291 = tpu.vector_load %arg9[%swap3A_289, %swap3A_290] {strides = array<i32>} : memref<128x128xf32, #tpu.memory_space<vmem>>, vector<1x16xf32>,
        %swap3A_292 = vector.shape_cast %swap3A_291 : vector<1x16xf32> to vector<16xf32>
        %swap3A_293 = vector.shape_cast %mul3A_288 : vector<16xf32> to vector<1x16xf32>
        tpu.vector_store %arg9[%swap3A_289, %swap3A_290], %swap3A_293 {strides = array<i32>} : memref<128x128xf32, #tpu.memory_space<vmem>>, vector<1x16xf32>,
        %get3A_294 = arith.index_cast %add3A_240 : i32 to index
        %get3A_295 = arith.constant 80 : index
        %get3A_296 = tpu.vector_load %arg9[%get3A_294, %get3A_295] {strides = array<i32>} : memref<128x128xf32, #tpu.memory_space<vmem>>, vector<1x16xf32>,
        %get3A_297 = vector.shape_cast %get3A_296 : vector<1x16xf32> to vector<16xf32>
        %mul3A_298 = arith.mulf %get3A_297, %broadcast_in_dim3A_243 : vector<16xf32>
        %swap3A_299 = arith.index_cast %add3A_240 : i32 to index
        %swap3A_300 = arith.constant 80 : index
        %swap3A_301 = tpu.vector_load %arg9[%swap3A_299, %swap3A_300] {strides = array<i32>} : memref<128x128xf32, #tpu.memory_space<vmem>>, vector<1x16xf32>,
        %swap3A_302 = vector.shape_cast %swap3A_301 : vector<1x16xf32> to vector<16xf32>
        %swap3A_303 = vector.shape_cast %mul3A_298 : vector<16xf32> to vector<1x16xf32>
        tpu.vector_store %arg9[%swap3A_299, %swap3A_300], %swap3A_303 {strides = array<i32>} : memref<128x128xf32, #tpu.memory_space<vmem>>, vector<1x16xf32>,
        %get3A_304 = arith.index_cast %add3A_240 : i32 to index
        %get3A_305 = arith.constant 96 : index
        %get3A_306 = tpu.vector_load %arg9[%get3A_304, %get3A_305] {strides = array<i32>} : memref<128x128xf32, #tpu.memory_space<vmem>>, vector<1x16xf32>,
        %get3A_307 = vector.shape_cast %get3A_306 : vector<1x16xf32> to vector<16xf32>
        %mul3A_308 = arith.mulf %get3A_307, %broadcast_in_dim3A_243 : vector<16xf32>
        %swap3A_309 = arith.index_cast %add3A_240 : i32 to index
        %swap3A_310 = arith.constant 96 : index
        %swap3A_311 = tpu.vector_load %arg9[%swap3A_309, %swap3A_310] {strides = array<i32>} : memref<128x128xf32, #tpu.memory_space<vmem>>, vector<1x16xf32>,
        %swap3A_312 = vector.shape_cast %swap3A_311 : vector<1x16xf32> to vector<16xf32>
        %swap3A_313 = vector.shape_cast %mul3A_308 : vector<16xf32> to vector<1x16xf32>
        tpu.vector_store %arg9[%swap3A_309, %swap3A_310], %swap3A_313 {strides = array<i32>} : memref<128x128xf32, #tpu.memory_space<vmem>>, vector<1x16xf32>,
        %get3A_314 = arith.index_cast %add3A_240 : i32 to index
        %get3A_315 = arith.constant 112 : index
        %get3A_316 = tpu.vector_load %arg9[%get3A_314, %get3A_315] {strides = array<i32>} : memref<128x128xf32, #tpu.memory_space<vmem>>, vector<1x16xf32>,
        %get3A_317 = vector.shape_cast %get3A_316 : vector<1x16xf32> to vector<16xf32>
        %mul3A_318 = arith.mulf %get3A_317, %broadcast_in_dim3A_243 : vector<16xf32>
        %swap3A_319 = arith.index_cast %add3A_240 : i32 to index
        %swap3A_320 = arith.constant 112 : index
        %swap3A_321 = tpu.vector_load %arg9[%swap3A_319, %swap3A_320] {strides = array<i32>} : memref<128x128xf32, #tpu.memory_space<vmem>>, vector<1x16xf32>,
        %swap3A_322 = vector.shape_cast %swap3A_321 : vector<1x16xf32> to vector<16xf32>
        %swap3A_323 = vector.shape_cast %mul3A_318 : vector<16xf32> to vector<1x16xf32>
        tpu.vector_store %arg9[%swap3A_319, %swap3A_320], %swap3A_323 {strides = array<i32>} : memref<128x128xf32, #tpu.memory_space<vmem>>, vector<1x16xf32>,
        %mul3A_324 = arith.constant 16 : i32
        %mul3A_325 = arith.muli %scan3A_62, %mul3A_324 : i32
        %add3A_326 = arith.constant 3 : i32
        %add3A_327 = arith.addi %mul3A_325, %add3A_326 : i32
        %slice3A_328 = vector.extract_strided_slice %get3A_66 {offsets = [3], sizes = [1], strides = [1]} : vector<16xf32> to vector<1xf32>
        %squeeze3A_329 = vector.extract %slice3A_328[0] : f32 from vector<1xf32>
        %broadcast_in_dim3A_330 = vector.broadcast %squeeze3A_329 : f32 to vector<16xf32>
        %get3A_331 = arith.index_cast %add3A_327 : i32 to index
        %get3A_332 = arith.constant 0 : index
        %get3A_333 = tpu.vector_load %arg9[%get3A_331, %get3A_332] {strides = array<i32>} : memref<128x128xf32, #tpu.memory_space<vmem>>, vector<1x16xf32>,
        %get3A_334 = vector.shape_cast %get3A_333 : vector<1x16xf32> to vector<16xf32>
        %mul3A_335 = arith.mulf %get3A_334, %broadcast_in_dim3A_330 : vector<16xf32>
        %swap3A_336 = arith.index_cast %add3A_327 : i32 to index
        %swap3A_337 = arith.constant 0 : index
        %swap3A_338 = tpu.vector_load %arg9[%swap3A_336, %swap3A_337] {strides = array<i32>} : memref<128x128xf32, #tpu.memory_space<vmem>>, vector<1x16xf32>,
        %swap3A_339 = vector.shape_cast %swap3A_338 : vector<1x16xf32> to vector<16xf32>
        %swap3A_340 = vector.shape_cast %mul3A_335 : vector<16xf32> to vector<1x16xf32>
        tpu.vector_store %arg9[%swap3A_336, %swap3A_337], %swap3A_340 {strides = array<i32>} : memref<128x128xf32, #tpu.memory_space<vmem>>, vector<1x16xf32>,
        %get3A_341 = arith.index_cast %add3A_327 : i32 to index
        %get3A_342 = arith.constant 16 : index
        %get3A_343 = tpu.vector_load %arg9[%get3A_341, %get3A_342] {strides = array<i32>} : memref<128x128xf32, #tpu.memory_space<vmem>>, vector<1x16xf32>,
        %get3A_344 = vector.shape_cast %get3A_343 : vector<1x16xf32> to vector<16xf32>
        %mul3A_345 = arith.mulf %get3A_344, %broadcast_in_dim3A_330 : vector<16xf32>
        %swap3A_346 = arith.index_cast %add3A_327 : i32 to index
        %swap3A_347 = arith.constant 16 : index
        %swap3A_348 = tpu.vector_load %arg9[%swap3A_346, %swap3A_347] {strides = array<i32>} : memref<128x128xf32, #tpu.memory_space<vmem>>, vector<1x16xf32>,
        %swap3A_349 = vector.shape_cast %swap3A_348 : vector<1x16xf32> to vector<16xf32>
        %swap3A_350 = vector.shape_cast %mul3A_345 : vector<16xf32> to vector<1x16xf32>
        tpu.vector_store %arg9[%swap3A_346, %swap3A_347], %swap3A_350 {strides = array<i32>} : memref<128x128xf32, #tpu.memory_space<vmem>>, vector<1x16xf32>,
        %get3A_351 = arith.index_cast %add3A_327 : i32 to index
        %get3A_352 = arith.constant 32 : index
        %get3A_353 = tpu.vector_load %arg9[%get3A_351, %get3A_352] {strides = array<i32>} : memref<128x128xf32, #tpu.memory_space<vmem>>, vector<1x16xf32>,
        %get3A_354 = vector.shape_cast %get3A_353 : vector<1x16xf32> to vector<16xf32>
        %mul3A_355 = arith.mulf %get3A_354, %broadcast_in_dim3A_330 : vector<16xf32>
        %swap3A_356 = arith.index_cast %add3A_327 : i32 to index
        %swap3A_357 = arith.constant 32 : index
        %swap3A_358 = tpu.vector_load %arg9[%swap3A_356, %swap3A_357] {strides = array<i32>} : memref<128x128xf32, #tpu.memory_space<vmem>>, vector<1x16xf32>,
        %swap3A_359 = vector.shape_cast %swap3A_358 : vector<1x16xf32> to vector<16xf32>
        %swap3A_360 = vector.shape_cast %mul3A_355 : vector<16xf32> to vector<1x16xf32>
        tpu.vector_store %arg9[%swap3A_356, %swap3A_357], %swap3A_360 {strides = array<i32>} : memref<128x128xf32, #tpu.memory_space<vmem>>, vector<1x16xf32>,
        %get3A_361 = arith.index_cast %add3A_327 : i32 to index
        %get3A_362 = arith.constant 48 : index
        %get3A_363 = tpu.vector_load %arg9[%get3A_361, %get3A_362] {strides = array<i32>} : memref<128x128xf32, #tpu.memory_space<vmem>>, vector<1x16xf32>,
        %get3A_364 = vector.shape_cast %get3A_363 : vector<1x16xf32> to vector<16xf32>
        %mul3A_365 = arith.mulf %get3A_364, %broadcast_in_dim3A_330 : vector<16xf32>
        %swap3A_366 = arith.index_cast %add3A_327 : i32 to index
        %swap3A_367 = arith.constant 48 : index
        %swap3A_368 = tpu.vector_load %arg9[%swap3A_366, %swap3A_367] {strides = array<i32>} : memref<128x128xf32, #tpu.memory_space<vmem>>, vector<1x16xf32>,
        %swap3A_369 = vector.shape_cast %swap3A_368 : vector<1x16xf32> to vector<16xf32>
        %swap3A_370 = vector.shape_cast %mul3A_365 : vector<16xf32> to vector<1x16xf32>
        tpu.vector_store %arg9[%swap3A_366, %swap3A_367], %swap3A_370 {strides = array<i32>} : memref<128x128xf32, #tpu.memory_space<vmem>>, vector<1x16xf32>,
        %get3A_371 = arith.index_cast %add3A_327 : i32 to index
        %get3A_372 = arith.constant 64 : index
        %get3A_373 = tpu.vector_load %arg9[%get3A_371, %get3A_372] {strides = array<i32>} : memref<128x128xf32, #tpu.memory_space<vmem>>, vector<1x16xf32>,
        %get3A_374 = vector.shape_cast %get3A_373 : vector<1x16xf32> to vector<16xf32>
        %mul3A_375 = arith.mulf %get3A_374, %broadcast_in_dim3A_330 : vector<16xf32>
        %swap3A_376 = arith.index_cast %add3A_327 : i32 to index
        %swap3A_377 = arith.constant 64 : index
        %swap3A_378 = tpu.vector_load %arg9[%swap3A_376, %swap3A_377] {strides = array<i32>} : memref<128x128xf32, #tpu.memory_space<vmem>>, vector<1x16xf32>,
        %swap3A_379 = vector.shape_cast %swap3A_378 : vector<1x16xf32> to vector<16xf32>
        %swap3A_380 = vector.shape_cast %mul3A_375 : vector<16xf32> to vector<1x16xf32>
        tpu.vector_store %arg9[%swap3A_376, %swap3A_377], %swap3A_380 {strides = array<i32>} : memref<128x128xf32, #tpu.memory_space<vmem>>, vector<1x16xf32>,
        %get3A_381 = arith.index_cast %add3A_327 : i32 to index
        %get3A_382 = arith.constant 80 : index
        %get3A_383 = tpu.vector_load %arg9[%get3A_381, %get3A_382] {strides = array<i32>} : memref<128x128xf32, #tpu.memory_space<vmem>>, vector<1x16xf32>,
        %get3A_384 = vector.shape_cast %get3A_383 : vector<1x16xf32> to vector<16xf32>
        %mul3A_385 = arith.mulf %get3A_384, %broadcast_in_dim3A_330 : vector<16xf32>
        %swap3A_386 = arith.index_cast %add3A_327 : i32 to index
        %swap3A_387 = arith.constant 80 : index
        %swap3A_388 = tpu.vector_load %arg9[%swap3A_386, %swap3A_387] {strides = array<i32>} : memref<128x128xf32, #tpu.memory_space<vmem>>, vector<1x16xf32>,
        %swap3A_389 = vector.shape_cast %swap3A_388 : vector<1x16xf32> to vector<16xf32>
        %swap3A_390 = vector.shape_cast %mul3A_385 : vector<16xf32> to vector<1x16xf32>
        tpu.vector_store %arg9[%swap3A_386, %swap3A_387], %swap3A_390 {strides = array<i32>} : memref<128x128xf32, #tpu.memory_space<vmem>>, vector<1x16xf32>,
        %get3A_391 = arith.index_cast %add3A_327 : i32 to index
        %get3A_392 = arith.constant 96 : index
        %get3A_393 = tpu.vector_load %arg9[%get3A_391, %get3A_392] {strides = array<i32>} : memref<128x128xf32, #tpu.memory_space<vmem>>, vector<1x16xf32>,
        %get3A_394 = vector.shape_cast %get3A_393 : vector<1x16xf32> to vector<16xf32>
        %mul3A_395 = arith.mulf %get3A_394, %broadcast_in_dim3A_330 : vector<16xf32>
        %swap3A_396 = arith.index_cast %add3A_327 : i32 to index
        %swap3A_397 = arith.constant 96 : index
        %swap3A_398 = tpu.vector_load %arg9[%swap3A_396, %swap3A_397] {strides = array<i32>} : memref<128x128xf32, #tpu.memory_space<vmem>>, vector<1x16xf32>,
        %swap3A_399 = vector.shape_cast %swap3A_398 : vector<1x16xf32> to vector<16xf32>
        %swap3A_400 = vector.shape_cast %mul3A_395 : vector<16xf32> to vector<1x16xf32>
        tpu.vector_store %arg9[%swap3A_396, %swap3A_397], %swap3A_400 {strides = array<i32>} : memref<128x128xf32, #tpu.memory_space<vmem>>, vector<1x16xf32>,
        %get3A_401 = arith.index_cast %add3A_327 : i32 to index
        %get3A_402 = arith.constant 112 : index
        %get3A_403 = tpu.vector_load %arg9[%get3A_401, %get3A_402] {strides = array<i32>} : memref<128x128xf32, #tpu.memory_space<vmem>>, vector<1x16xf32>,
        %get3A_404 = vector.shape_cast %get3A_403 : vector<1x16xf32> to vector<16xf32>
        %mul3A_405 = arith.mulf %get3A_404, %broadcast_in_dim3A_330 : vector<16xf32>
        %swap3A_406 = arith.index_cast %add3A_327 : i32 to index
        %swap3A_407 = arith.constant 112 : index
        %swap3A_408 = tpu.vector_load %arg9[%swap3A_406, %swap3A_407] {strides = array<i32>} : memref<128x128xf32, #tpu.memory_space<vmem>>, vector<1x16xf32>,
        %swap3A_409 = vector.shape_cast %swap3A_408 : vector<1x16xf32> to vector<16xf32>
        %swap3A_410 = vector.shape_cast %mul3A_405 : vector<16xf32> to vector<1x16xf32>
        tpu.vector_store %arg9[%swap3A_406, %swap3A_407], %swap3A_410 {strides = array<i32>} : memref<128x128xf32, #tpu.memory_space<vmem>>, vector<1x16xf32>,
        %mul3A_411 = arith.constant 16 : i32
        %mul3A_412 = arith.muli %scan3A_62, %mul3A_411 : i32
        %add3A_413 = arith.constant 4 : i32
        %add3A_414 = arith.addi %mul3A_412, %add3A_413 : i32
        %slice3A_415 = vector.extract_strided_slice %get3A_66 {offsets = [4], sizes = [1], strides = [1]} : vector<16xf32> to vector<1xf32>
        %squeeze3A_416 = vector.extract %slice3A_415[0] : f32 from vector<1xf32>
        %broadcast_in_dim3A_417 = vector.broadcast %squeeze3A_416 : f32 to vector<16xf32>
        %get3A_418 = arith.index_cast %add3A_414 : i32 to index
        %get3A_419 = arith.constant 0 : index
        %get3A_420 = tpu.vector_load %arg9[%get3A_418, %get3A_419] {strides = array<i32>} : memref<128x128xf32, #tpu.memory_space<vmem>>, vector<1x16xf32>,
        %get3A_421 = vector.shape_cast %get3A_420 : vector<1x16xf32> to vector<16xf32>
        %mul3A_422 = arith.mulf %get3A_421, %broadcast_in_dim3A_417 : vector<16xf32>
        %swap3A_423 = arith.index_cast %add3A_414 : i32 to index
        %swap3A_424 = arith.constant 0 : index
        %swap3A_425 = tpu.vector_load %arg9[%swap3A_423, %swap3A_424] {strides = array<i32>} : memref<128x128xf32, #tpu.memory_space<vmem>>, vector<1x16xf32>,
        %swap3A_426 = vector.shape_cast %swap3A_425 : vector<1x16xf32> to vector<16xf32>
        %swap3A_427 = vector.shape_cast %mul3A_422 : vector<16xf32> to vector<1x16xf32>
        tpu.vector_store %arg9[%swap3A_423, %swap3A_424], %swap3A_427 {strides = array<i32>} : memref<128x128xf32, #tpu.memory_space<vmem>>, vector<1x16xf32>,
        %get3A_428 = arith.index_cast %add3A_414 : i32 to index
        %get3A_429 = arith.constant 16 : index
        %get3A_430 = tpu.vector_load %arg9[%get3A_428, %get3A_429] {strides = array<i32>} : memref<128x128xf32, #tpu.memory_space<vmem>>, vector<1x16xf32>,
        %get3A_431 = vector.shape_cast %get3A_430 : vector<1x16xf32> to vector<16xf32>
        %mul3A_432 = arith.mulf %get3A_431, %broadcast_in_dim3A_417 : vector<16xf32>
        %swap3A_433 = arith.index_cast %add3A_414 : i32 to index
        %swap3A_434 = arith.constant 16 : index
        %swap3A_435 = tpu.vector_load %arg9[%swap3A_433, %swap3A_434] {strides = array<i32>} : memref<128x128xf32, #tpu.memory_space<vmem>>, vector<1x16xf32>,
        %swap3A_436 = vector.shape_cast %swap3A_435 : vector<1x16xf32> to vector<16xf32>
        %swap3A_437 = vector.shape_cast %mul3A_432 : vector<16xf32> to vector<1x16xf32>
        tpu.vector_store %arg9[%swap3A_433, %swap3A_434], %swap3A_437 {strides = array<i32>} : memref<128x128xf32, #tpu.memory_space<vmem>>, vector<1x16xf32>,
        %get3A_438 = arith.index_cast %add3A_414 : i32 to index
        %get3A_439 = arith.constant 32 : index
        %get3A_440 = tpu.vector_load %arg9[%get3A_438, %get3A_439] {strides = array<i32>} : memref<128x128xf32, #tpu.memory_space<vmem>>, vector<1x16xf32>,
        %get3A_441 = vector.shape_cast %get3A_440 : vector<1x16xf32> to vector<16xf32>
        %mul3A_442 = arith.mulf %get3A_441, %broadcast_in_dim3A_417 : vector<16xf32>
        %swap3A_443 = arith.index_cast %add3A_414 : i32 to index
        %swap3A_444 = arith.constant 32 : index
        %swap3A_445 = tpu.vector_load %arg9[%swap3A_443, %swap3A_444] {strides = array<i32>} : memref<128x128xf32, #tpu.memory_space<vmem>>, vector<1x16xf32>,
        %swap3A_446 = vector.shape_cast %swap3A_445 : vector<1x16xf32> to vector<16xf32>
        %swap3A_447 = vector.shape_cast %mul3A_442 : vector<16xf32> to vector<1x16xf32>
        tpu.vector_store %arg9[%swap3A_443, %swap3A_444], %swap3A_447 {strides = array<i32>} : memref<128x128xf32, #tpu.memory_space<vmem>>, vector<1x16xf32>,
        %get3A_448 = arith.index_cast %add3A_414 : i32 to index
        %get3A_449 = arith.constant 48 : index
        %get3A_450 = tpu.vector_load %arg9[%get3A_448, %get3A_449] {strides = array<i32>} : memref<128x128xf32, #tpu.memory_space<vmem>>, vector<1x16xf32>,
        %get3A_451 = vector.shape_cast %get3A_450 : vector<1x16xf32> to vector<16xf32>
        %mul3A_452 = arith.mulf %get3A_451, %broadcast_in_dim3A_417 : vector<16xf32>
        %swap3A_453 = arith.index_cast %add3A_414 : i32 to index
        %swap3A_454 = arith.constant 48 : index
        %swap3A_455 = tpu.vector_load %arg9[%swap3A_453, %swap3A_454] {strides = array<i32>} : memref<128x128xf32, #tpu.memory_space<vmem>>, vector<1x16xf32>,
        %swap3A_456 = vector.shape_cast %swap3A_455 : vector<1x16xf32> to vector<16xf32>
        %swap3A_457 = vector.shape_cast %mul3A_452 : vector<16xf32> to vector<1x16xf32>
        tpu.vector_store %arg9[%swap3A_453, %swap3A_454], %swap3A_457 {strides = array<i32>} : memref<128x128xf32, #tpu.memory_space<vmem>>, vector<1x16xf32>,
        %get3A_458 = arith.index_cast %add3A_414 : i32 to index
        %get3A_459 = arith.constant 64 : index
        %get3A_460 = tpu.vector_load %arg9[%get3A_458, %get3A_459] {strides = array<i32>} : memref<128x128xf32, #tpu.memory_space<vmem>>, vector<1x16xf32>,
        %get3A_461 = vector.shape_cast %get3A_460 : vector<1x16xf32> to vector<16xf32>
        %mul3A_462 = arith.mulf %get3A_461, %broadcast_in_dim3A_417 : vector<16xf32>
        %swap3A_463 = arith.index_cast %add3A_414 : i32 to index
        %swap3A_464 = arith.constant 64 : index
        %swap3A_465 = tpu.vector_load %arg9[%swap3A_463, %swap3A_464] {strides = array<i32>} : memref<128x128xf32, #tpu.memory_space<vmem>>, vector<1x16xf32>,
        %swap3A_466 = vector.shape_cast %swap3A_465 : vector<1x16xf32> to vector<16xf32>
        %swap3A_467 = vector.shape_cast %mul3A_462 : vector<16xf32> to vector<1x16xf32>
        tpu.vector_store %arg9[%swap3A_463, %swap3A_464], %swap3A_467 {strides = array<i32>} : memref<128x128xf32, #tpu.memory_space<vmem>>, vector<1x16xf32>,
        %get3A_468 = arith.index_cast %add3A_414 : i32 to index
        %get3A_469 = arith.constant 80 : index
        %get3A_470 = tpu.vector_load %arg9[%get3A_468, %get3A_469] {strides = array<i32>} : memref<128x128xf32, #tpu.memory_space<vmem>>, vector<1x16xf32>,
        %get3A_471 = vector.shape_cast %get3A_470 : vector<1x16xf32> to vector<16xf32>
        %mul3A_472 = arith.mulf %get3A_471, %broadcast_in_dim3A_417 : vector<16xf32>
        %swap3A_473 = arith.index_cast %add3A_414 : i32 to index
        %swap3A_474 = arith.constant 80 : index
        %swap3A_475 = tpu.vector_load %arg9[%swap3A_473, %swap3A_474] {strides = array<i32>} : memref<128x128xf32, #tpu.memory_space<vmem>>, vector<1x16xf32>,
        %swap3A_476 = vector.shape_cast %swap3A_475 : vector<1x16xf32> to vector<16xf32>
        %swap3A_477 = vector.shape_cast %mul3A_472 : vector<16xf32> to vector<1x16xf32>
        tpu.vector_store %arg9[%swap3A_473, %swap3A_474], %swap3A_477 {strides = array<i32>} : memref<128x128xf32, #tpu.memory_space<vmem>>, vector<1x16xf32>,
        %get3A_478 = arith.index_cast %add3A_414 : i32 to index
        %get3A_479 = arith.constant 96 : index
        %get3A_480 = tpu.vector_load %arg9[%get3A_478, %get3A_479] {strides = array<i32>} : memref<128x128xf32, #tpu.memory_space<vmem>>, vector<1x16xf32>,
        %get3A_481 = vector.shape_cast %get3A_480 : vector<1x16xf32> to vector<16xf32>
        %mul3A_482 = arith.mulf %get3A_481, %broadcast_in_dim3A_417 : vector<16xf32>
        %swap3A_483 = arith.index_cast %add3A_414 : i32 to index
        %swap3A_484 = arith.constant 96 : index
        %swap3A_485 = tpu.vector_load %arg9[%swap3A_483, %swap3A_484] {strides = array<i32>} : memref<128x128xf32, #tpu.memory_space<vmem>>, vector<1x16xf32>,
        %swap3A_486 = vector.shape_cast %swap3A_485 : vector<1x16xf32> to vector<16xf32>
        %swap3A_487 = vector.shape_cast %mul3A_482 : vector<16xf32> to vector<1x16xf32>
        tpu.vector_store %arg9[%swap3A_483, %swap3A_484], %swap3A_487 {strides = array<i32>} : memref<128x128xf32, #tpu.memory_space<vmem>>, vector<1x16xf32>,
        %get3A_488 = arith.index_cast %add3A_414 : i32 to index
        %get3A_489 = arith.constant 112 : index
        %get3A_490 = tpu.vector_load %arg9[%get3A_488, %get3A_489] {strides = array<i32>} : memref<128x128xf32, #tpu.memory_space<vmem>>, vector<1x16xf32>,
        %get3A_491 = vector.shape_cast %get3A_490 : vector<1x16xf32> to vector<16xf32>
        %mul3A_492 = arith.mulf %get3A_491, %broadcast_in_dim3A_417 : vector<16xf32>
        %swap3A_493 = arith.index_cast %add3A_414 : i32 to index
        %swap3A_494 = arith.constant 112 : index
        %swap3A_495 = tpu.vector_load %arg9[%swap3A_493, %swap3A_494] {strides = array<i32>} : memref<128x128xf32, #tpu.memory_space<vmem>>, vector<1x16xf32>,
        %swap3A_496 = vector.shape_cast %swap3A_495 : vector<1x16xf32> to vector<16xf32>
        %swap3A_497 = vector.shape_cast %mul3A_492 : vector<16xf32> to vector<1x16xf32>
        tpu.vector_store %arg9[%swap3A_493, %swap3A_494], %swap3A_497 {strides = array<i32>} : memref<128x128xf32, #tpu.memory_space<vmem>>, vector<1x16xf32>,
        %mul3A_498 = arith.constant 16 : i32
        %mul3A_499 = arith.muli %scan3A_62, %mul3A_498 : i32
        %add3A_500 = arith.constant 5 : i32
        %add3A_501 = arith.addi %mul3A_499, %add3A_500 : i32
        %slice3A_502 = vector.extract_strided_slice %get3A_66 {offsets = [5], sizes = [1], strides = [1]} : vector<16xf32> to vector<1xf32>
        %squeeze3A_503 = vector.extract %slice3A_502[0] : f32 from vector<1xf32>
        %broadcast_in_dim3A_504 = vector.broadcast %squeeze3A_503 : f32 to vector<16xf32>
        %get3A_505 = arith.index_cast %add3A_501 : i32 to index
        %get3A_506 = arith.constant 0 : index
        %get3A_507 = tpu.vector_load %arg9[%get3A_505, %get3A_506] {strides = array<i32>} : memref<128x128xf32, #tpu.memory_space<vmem>>, vector<1x16xf32>,
        %get3A_508 = vector.shape_cast %get3A_507 : vector<1x16xf32> to vector<16xf32>
        %mul3A_509 = arith.mulf %get3A_508, %broadcast_in_dim3A_504 : vector<16xf32>
        %swap3A_510 = arith.index_cast %add3A_501 : i32 to index
        %swap3A_511 = arith.constant 0 : index
        %swap3A_512 = tpu.vector_load %arg9[%swap3A_510, %swap3A_511] {strides = array<i32>} : memref<128x128xf32, #tpu.memory_space<vmem>>, vector<1x16xf32>,
        %swap3A_513 = vector.shape_cast %swap3A_512 : vector<1x16xf32> to vector<16xf32>
        %swap3A_514 = vector.shape_cast %mul3A_509 : vector<16xf32> to vector<1x16xf32>
        tpu.vector_store %arg9[%swap3A_510, %swap3A_511], %swap3A_514 {strides = array<i32>} : memref<128x128xf32, #tpu.memory_space<vmem>>, vector<1x16xf32>,
        %get3A_515 = arith.index_cast %add3A_501 : i32 to index
        %get3A_516 = arith.constant 16 : index
        %get3A_517 = tpu.vector_load %arg9[%get3A_515, %get3A_516] {strides = array<i32>} : memref<128x128xf32, #tpu.memory_space<vmem>>, vector<1x16xf32>,
        %get3A_518 = vector.shape_cast %get3A_517 : vector<1x16xf32> to vector<16xf32>
        %mul3A_519 = arith.mulf %get3A_518, %broadcast_in_dim3A_504 : vector<16xf32>
        %swap3A_520 = arith.index_cast %add3A_501 : i32 to index
        %swap3A_521 = arith.constant 16 : index
        %swap3A_522 = tpu.vector_load %arg9[%swap3A_520, %swap3A_521] {strides = array<i32>} : memref<128x128xf32, #tpu.memory_space<vmem>>, vector<1x16xf32>,
        %swap3A_523 = vector.shape_cast %swap3A_522 : vector<1x16xf32> to vector<16xf32>
        %swap3A_524 = vector.shape_cast %mul3A_519 : vector<16xf32> to vector<1x16xf32>
        tpu.vector_store %arg9[%swap3A_520, %swap3A_521], %swap3A_524 {strides = array<i32>} : memref<128x128xf32, #tpu.memory_space<vmem>>, vector<1x16xf32>,
        %get3A_525 = arith.index_cast %add3A_501 : i32 to index
        %get3A_526 = arith.constant 32 : index
        %get3A_527 = tpu.vector_load %arg9[%get3A_525, %get3A_526] {strides = array<i32>} : memref<128x128xf32, #tpu.memory_space<vmem>>, vector<1x16xf32>,
        %get3A_528 = vector.shape_cast %get3A_527 : vector<1x16xf32> to vector<16xf32>
        %mul3A_529 = arith.mulf %get3A_528, %broadcast_in_dim3A_504 : vector<16xf32>
        %swap3A_530 = arith.index_cast %add3A_501 : i32 to index
        %swap3A_531 = arith.constant 32 : index
        %swap3A_532 = tpu.vector_load %arg9[%swap3A_530, %swap3A_531] {strides = array<i32>} : memref<128x128xf32, #tpu.memory_space<vmem>>, vector<1x16xf32>,
        %swap3A_533 = vector.shape_cast %swap3A_532 : vector<1x16xf32> to vector<16xf32>
        %swap3A_534 = vector.shape_cast %mul3A_529 : vector<16xf32> to vector<1x16xf32>
        tpu.vector_store %arg9[%swap3A_530, %swap3A_531], %swap3A_534 {strides = array<i32>} : memref<128x128xf32, #tpu.memory_space<vmem>>, vector<1x16xf32>,
        %get3A_535 = arith.index_cast %add3A_501 : i32 to index
        %get3A_536 = arith.constant 48 : index
        %get3A_537 = tpu.vector_load %arg9[%get3A_535, %get3A_536] {strides = array<i32>} : memref<128x128xf32, #tpu.memory_space<vmem>>, vector<1x16xf32>,
        %get3A_538 = vector.shape_cast %get3A_537 : vector<1x16xf32> to vector<16xf32>
        %mul3A_539 = arith.mulf %get3A_538, %broadcast_in_dim3A_504 : vector<16xf32>
        %swap3A_540 = arith.index_cast %add3A_501 : i32 to index
        %swap3A_541 = arith.constant 48 : index
        %swap3A_542 = tpu.vector_load %arg9[%swap3A_540, %swap3A_541] {strides = array<i32>} : memref<128x128xf32, #tpu.memory_space<vmem>>, vector<1x16xf32>,
        %swap3A_543 = vector.shape_cast %swap3A_542 : vector<1x16xf32> to vector<16xf32>
        %swap3A_544 = vector.shape_cast %mul3A_539 : vector<16xf32> to vector<1x16xf32>
        tpu.vector_store %arg9[%swap3A_540, %swap3A_541], %swap3A_544 {strides = array<i32>} : memref<128x128xf32, #tpu.memory_space<vmem>>, vector<1x16xf32>,
        %get3A_545 = arith.index_cast %add3A_501 : i32 to index
        %get3A_546 = arith.constant 64 : index
        %get3A_547 = tpu.vector_load %arg9[%get3A_545, %get3A_546] {strides = array<i32>} : memref<128x128xf32, #tpu.memory_space<vmem>>, vector<1x16xf32>,
        %get3A_548 = vector.shape_cast %get3A_547 : vector<1x16xf32> to vector<16xf32>
        %mul3A_549 = arith.mulf %get3A_548, %broadcast_in_dim3A_504 : vector<16xf32>
        %swap3A_550 = arith.index_cast %add3A_501 : i32 to index
        %swap3A_551 = arith.constant 64 : index
        %swap3A_552 = tpu.vector_load %arg9[%swap3A_550, %swap3A_551] {strides = array<i32>} : memref<128x128xf32, #tpu.memory_space<vmem>>, vector<1x16xf32>,
        %swap3A_553 = vector.shape_cast %swap3A_552 : vector<1x16xf32> to vector<16xf32>
        %swap3A_554 = vector.shape_cast %mul3A_549 : vector<16xf32> to vector<1x16xf32>
        tpu.vector_store %arg9[%swap3A_550, %swap3A_551], %swap3A_554 {strides = array<i32>} : memref<128x128xf32, #tpu.memory_space<vmem>>, vector<1x16xf32>,
        %get3A_555 = arith.index_cast %add3A_501 : i32 to index
        %get3A_556 = arith.constant 80 : index
        %get3A_557 = tpu.vector_load %arg9[%get3A_555, %get3A_556] {strides = array<i32>} : memref<128x128xf32, #tpu.memory_space<vmem>>, vector<1x16xf32>,
        %get3A_558 = vector.shape_cast %get3A_557 : vector<1x16xf32> to vector<16xf32>
        %mul3A_559 = arith.mulf %get3A_558, %broadcast_in_dim3A_504 : vector<16xf32>
        %swap3A_560 = arith.index_cast %add3A_501 : i32 to index
        %swap3A_561 = arith.constant 80 : index
        %swap3A_562 = tpu.vector_load %arg9[%swap3A_560, %swap3A_561] {strides = array<i32>} : memref<128x128xf32, #tpu.memory_space<vmem>>, vector<1x16xf32>,
        %swap3A_563 = vector.shape_cast %swap3A_562 : vector<1x16xf32> to vector<16xf32>
        %swap3A_564 = vector.shape_cast %mul3A_559 : vector<16xf32> to vector<1x16xf32>
        tpu.vector_store %arg9[%swap3A_560, %swap3A_561], %swap3A_564 {strides = array<i32>} : memref<128x128xf32, #tpu.memory_space<vmem>>, vector<1x16xf32>,
        %get3A_565 = arith.index_cast %add3A_501 : i32 to index
        %get3A_566 = arith.constant 96 : index
        %get3A_567 = tpu.vector_load %arg9[%get3A_565, %get3A_566] {strides = array<i32>} : memref<128x128xf32, #tpu.memory_space<vmem>>, vector<1x16xf32>,
        %get3A_568 = vector.shape_cast %get3A_567 : vector<1x16xf32> to vector<16xf32>
        %mul3A_569 = arith.mulf %get3A_568, %broadcast_in_dim3A_504 : vector<16xf32>
        %swap3A_570 = arith.index_cast %add3A_501 : i32 to index
        %swap3A_571 = arith.constant 96 : index
        %swap3A_572 = tpu.vector_load %arg9[%swap3A_570, %swap3A_571] {strides = array<i32>} : memref<128x128xf32, #tpu.memory_space<vmem>>, vector<1x16xf32>,
        %swap3A_573 = vector.shape_cast %swap3A_572 : vector<1x16xf32> to vector<16xf32>
        %swap3A_574 = vector.shape_cast %mul3A_569 : vector<16xf32> to vector<1x16xf32>
        tpu.vector_store %arg9[%swap3A_570, %swap3A_571], %swap3A_574 {strides = array<i32>} : memref<128x128xf32, #tpu.memory_space<vmem>>, vector<1x16xf32>,
        %get3A_575 = arith.index_cast %add3A_501 : i32 to index
        %get3A_576 = arith.constant 112 : index
        %get3A_577 = tpu.vector_load %arg9[%get3A_575, %get3A_576] {strides = array<i32>} : memref<128x128xf32, #tpu.memory_space<vmem>>, vector<1x16xf32>,
        %get3A_578 = vector.shape_cast %get3A_577 : vector<1x16xf32> to vector<16xf32>
        %mul3A_579 = arith.mulf %get3A_578, %broadcast_in_dim3A_504 : vector<16xf32>
        %swap3A_580 = arith.index_cast %add3A_501 : i32 to index
        %swap3A_581 = arith.constant 112 : index
        %swap3A_582 = tpu.vector_load %arg9[%swap3A_580, %swap3A_581] {strides = array<i32>} : memref<128x128xf32, #tpu.memory_space<vmem>>, vector<1x16xf32>,
        %swap3A_583 = vector.shape_cast %swap3A_582 : vector<1x16xf32> to vector<16xf32>
        %swap3A_584 = vector.shape_cast %mul3A_579 : vector<16xf32> to vector<1x16xf32>
        tpu.vector_store %arg9[%swap3A_580, %swap3A_581], %swap3A_584 {strides = array<i32>} : memref<128x128xf32, #tpu.memory_space<vmem>>, vector<1x16xf32>,
        %mul3A_585 = arith.constant 16 : i32
        %mul3A_586 = arith.muli %scan3A_62, %mul3A_585 : i32
        %add3A_587 = arith.constant 6 : i32
        %add3A_588 = arith.addi %mul3A_586, %add3A_587 : i32
        %slice3A_589 = vector.extract_strided_slice %get3A_66 {offsets = [6], sizes = [1], strides = [1]} : vector<16xf32> to vector<1xf32>
        %squeeze3A_590 = vector.extract %slice3A_589[0] : f32 from vector<1xf32>
        %broadcast_in_dim3A_591 = vector.broadcast %squeeze3A_590 : f32 to vector<16xf32>
        %get3A_592 = arith.index_cast %add3A_588 : i32 to index
        %get3A_593 = arith.constant 0 : index
        %get3A_594 = tpu.vector_load %arg9[%get3A_592, %get3A_593] {strides = array<i32>} : memref<128x128xf32, #tpu.memory_space<vmem>>, vector<1x16xf32>,
        %get3A_595 = vector.shape_cast %get3A_594 : vector<1x16xf32> to vector<16xf32>
        %mul3A_596 = arith.mulf %get3A_595, %broadcast_in_dim3A_591 : vector<16xf32>
        %swap3A_597 = arith.index_cast %add3A_588 : i32 to index
        %swap3A_598 = arith.constant 0 : index
        %swap3A_599 = tpu.vector_load %arg9[%swap3A_597, %swap3A_598] {strides = array<i32>} : memref<128x128xf32, #tpu.memory_space<vmem>>, vector<1x16xf32>,
        %swap3A_600 = vector.shape_cast %swap3A_599 : vector<1x16xf32> to vector<16xf32>
        %swap3A_601 = vector.shape_cast %mul3A_596 : vector<16xf32> to vector<1x16xf32>
        tpu.vector_store %arg9[%swap3A_597, %swap3A_598], %swap3A_601 {strides = array<i32>} : memref<128x128xf32, #tpu.memory_space<vmem>>, vector<1x16xf32>,
        %get3A_602 = arith.index_cast %add3A_588 : i32 to index
        %get3A_603 = arith.constant 16 : index
        %get3A_604 = tpu.vector_load %arg9[%get3A_602, %get3A_603] {strides = array<i32>} : memref<128x128xf32, #tpu.memory_space<vmem>>, vector<1x16xf32>,
        %get3A_605 = vector.shape_cast %get3A_604 : vector<1x16xf32> to vector<16xf32>
        %mul3A_606 = arith.mulf %get3A_605, %broadcast_in_dim3A_591 : vector<16xf32>
        %swap3A_607 = arith.index_cast %add3A_588 : i32 to index
        %swap3A_608 = arith.constant 16 : index
        %swap3A_609 = tpu.vector_load %arg9[%swap3A_607, %swap3A_608] {strides = array<i32>} : memref<128x128xf32, #tpu.memory_space<vmem>>, vector<1x16xf32>,
        %swap3A_610 = vector.shape_cast %swap3A_609 : vector<1x16xf32> to vector<16xf32>
        %swap3A_611 = vector.shape_cast %mul3A_606 : vector<16xf32> to vector<1x16xf32>
        tpu.vector_store %arg9[%swap3A_607, %swap3A_608], %swap3A_611 {strides = array<i32>} : memref<128x128xf32, #tpu.memory_space<vmem>>, vector<1x16xf32>,
        %get3A_612 = arith.index_cast %add3A_588 : i32 to index
        %get3A_613 = arith.constant 32 : index
        %get3A_614 = tpu.vector_load %arg9[%get3A_612, %get3A_613] {strides = array<i32>} : memref<128x128xf32, #tpu.memory_space<vmem>>, vector<1x16xf32>,
        %get3A_615 = vector.shape_cast %get3A_614 : vector<1x16xf32> to vector<16xf32>
        %mul3A_616 = arith.mulf %get3A_615, %broadcast_in_dim3A_591 : vector<16xf32>
        %swap3A_617 = arith.index_cast %add3A_588 : i32 to index
        %swap3A_618 = arith.constant 32 : index
        %swap3A_619 = tpu.vector_load %arg9[%swap3A_617, %swap3A_618] {strides = array<i32>} : memref<128x128xf32, #tpu.memory_space<vmem>>, vector<1x16xf32>,
        %swap3A_620 = vector.shape_cast %swap3A_619 : vector<1x16xf32> to vector<16xf32>
        %swap3A_621 = vector.shape_cast %mul3A_616 : vector<16xf32> to vector<1x16xf32>
        tpu.vector_store %arg9[%swap3A_617, %swap3A_618], %swap3A_621 {strides = array<i32>} : memref<128x128xf32, #tpu.memory_space<vmem>>, vector<1x16xf32>,
        %get3A_622 = arith.index_cast %add3A_588 : i32 to index
        %get3A_623 = arith.constant 48 : index
        %get3A_624 = tpu.vector_load %arg9[%get3A_622, %get3A_623] {strides = array<i32>} : memref<128x128xf32, #tpu.memory_space<vmem>>, vector<1x16xf32>,
        %get3A_625 = vector.shape_cast %get3A_624 : vector<1x16xf32> to vector<16xf32>
        %mul3A_626 = arith.mulf %get3A_625, %broadcast_in_dim3A_591 : vector<16xf32>
        %swap3A_627 = arith.index_cast %add3A_588 : i32 to index
        %swap3A_628 = arith.constant 48 : index
        %swap3A_629 = tpu.vector_load %arg9[%swap3A_627, %swap3A_628] {strides = array<i32>} : memref<128x128xf32, #tpu.memory_space<vmem>>, vector<1x16xf32>,
        %swap3A_630 = vector.shape_cast %swap3A_629 : vector<1x16xf32> to vector<16xf32>
        %swap3A_631 = vector.shape_cast %mul3A_626 : vector<16xf32> to vector<1x16xf32>
        tpu.vector_store %arg9[%swap3A_627, %swap3A_628], %swap3A_631 {strides = array<i32>} : memref<128x128xf32, #tpu.memory_space<vmem>>, vector<1x16xf32>,
        %get3A_632 = arith.index_cast %add3A_588 : i32 to index
        %get3A_633 = arith.constant 64 : index
        %get3A_634 = tpu.vector_load %arg9[%get3A_632, %get3A_633] {strides = array<i32>} : memref<128x128xf32, #tpu.memory_space<vmem>>, vector<1x16xf32>,
        %get3A_635 = vector.shape_cast %get3A_634 : vector<1x16xf32> to vector<16xf32>
        %mul3A_636 = arith.mulf %get3A_635, %broadcast_in_dim3A_591 : vector<16xf32>
        %swap3A_637 = arith.index_cast %add3A_588 : i32 to index
        %swap3A_638 = arith.constant 64 : index
        %swap3A_639 = tpu.vector_load %arg9[%swap3A_637, %swap3A_638] {strides = array<i32>} : memref<128x128xf32, #tpu.memory_space<vmem>>, vector<1x16xf32>,
        %swap3A_640 = vector.shape_cast %swap3A_639 : vector<1x16xf32> to vector<16xf32>
        %swap3A_641 = vector.shape_cast %mul3A_636 : vector<16xf32> to vector<1x16xf32>
        tpu.vector_store %arg9[%swap3A_637, %swap3A_638], %swap3A_641 {strides = array<i32>} : memref<128x128xf32, #tpu.memory_space<vmem>>, vector<1x16xf32>,
        %get3A_642 = arith.index_cast %add3A_588 : i32 to index
        %get3A_643 = arith.constant 80 : index
        %get3A_644 = tpu.vector_load %arg9[%get3A_642, %get3A_643] {strides = array<i32>} : memref<128x128xf32, #tpu.memory_space<vmem>>, vector<1x16xf32>,
        %get3A_645 = vector.shape_cast %get3A_644 : vector<1x16xf32> to vector<16xf32>
        %mul3A_646 = arith.mulf %get3A_645, %broadcast_in_dim3A_591 : vector<16xf32>
        %swap3A_647 = arith.index_cast %add3A_588 : i32 to index
        %swap3A_648 = arith.constant 80 : index
        %swap3A_649 = tpu.vector_load %arg9[%swap3A_647, %swap3A_648] {strides = array<i32>} : memref<128x128xf32, #tpu.memory_space<vmem>>, vector<1x16xf32>,
        %swap3A_650 = vector.shape_cast %swap3A_649 : vector<1x16xf32> to vector<16xf32>
        %swap3A_651 = vector.shape_cast %mul3A_646 : vector<16xf32> to vector<1x16xf32>
        tpu.vector_store %arg9[%swap3A_647, %swap3A_648], %swap3A_651 {strides = array<i32>} : memref<128x128xf32, #tpu.memory_space<vmem>>, vector<1x16xf32>,
        %get3A_652 = arith.index_cast %add3A_588 : i32 to index
        %get3A_653 = arith.constant 96 : index
        %get3A_654 = tpu.vector_load %arg9[%get3A_652, %get3A_653] {strides = array<i32>} : memref<128x128xf32, #tpu.memory_space<vmem>>, vector<1x16xf32>,
        %get3A_655 = vector.shape_cast %get3A_654 : vector<1x16xf32> to vector<16xf32>
        %mul3A_656 = arith.mulf %get3A_655, %broadcast_in_dim3A_591 : vector<16xf32>
        %swap3A_657 = arith.index_cast %add3A_588 : i32 to index
        %swap3A_658 = arith.constant 96 : index
        %swap3A_659 = tpu.vector_load %arg9[%swap3A_657, %swap3A_658] {strides = array<i32>} : memref<128x128xf32, #tpu.memory_space<vmem>>, vector<1x16xf32>,
        %swap3A_660 = vector.shape_cast %swap3A_659 : vector<1x16xf32> to vector<16xf32>
        %swap3A_661 = vector.shape_cast %mul3A_656 : vector<16xf32> to vector<1x16xf32>
        tpu.vector_store %arg9[%swap3A_657, %swap3A_658], %swap3A_661 {strides = array<i32>} : memref<128x128xf32, #tpu.memory_space<vmem>>, vector<1x16xf32>,
        %get3A_662 = arith.index_cast %add3A_588 : i32 to index
        %get3A_663 = arith.constant 112 : index
        %get3A_664 = tpu.vector_load %arg9[%get3A_662, %get3A_663] {strides = array<i32>} : memref<128x128xf32, #tpu.memory_space<vmem>>, vector<1x16xf32>,
        %get3A_665 = vector.shape_cast %get3A_664 : vector<1x16xf32> to vector<16xf32>
        %mul3A_666 = arith.mulf %get3A_665, %broadcast_in_dim3A_591 : vector<16xf32>
        %swap3A_667 = arith.index_cast %add3A_588 : i32 to index
        %swap3A_668 = arith.constant 112 : index
        %swap3A_669 = tpu.vector_load %arg9[%swap3A_667, %swap3A_668] {strides = array<i32>} : memref<128x128xf32, #tpu.memory_space<vmem>>, vector<1x16xf32>,
        %swap3A_670 = vector.shape_cast %swap3A_669 : vector<1x16xf32> to vector<16xf32>
        %swap3A_671 = vector.shape_cast %mul3A_666 : vector<16xf32> to vector<1x16xf32>
        tpu.vector_store %arg9[%swap3A_667, %swap3A_668], %swap3A_671 {strides = array<i32>} : memref<128x128xf32, #tpu.memory_space<vmem>>, vector<1x16xf32>,
        %mul3A_672 = arith.constant 16 : i32
        %mul3A_673 = arith.muli %scan3A_62, %mul3A_672 : i32
        %add3A_674 = arith.constant 7 : i32
        %add3A_675 = arith.addi %mul3A_673, %add3A_674 : i32
        %slice3A_676 = vector.extract_strided_slice %get3A_66 {offsets = [7], sizes = [1], strides = [1]} : vector<16xf32> to vector<1xf32>
        %squeeze3A_677 = vector.extract %slice3A_676[0] : f32 from vector<1xf32>
        %broadcast_in_dim3A_678 = vector.broadcast %squeeze3A_677 : f32 to vector<16xf32>
        %get3A_679 = arith.index_cast %add3A_675 : i32 to index
        %get3A_680 = arith.constant 0 : index
        %get3A_681 = tpu.vector_load %arg9[%get3A_679, %get3A_680] {strides = array<i32>} : memref<128x128xf32, #tpu.memory_space<vmem>>, vector<1x16xf32>,
        %get3A_682 = vector.shape_cast %get3A_681 : vector<1x16xf32> to vector<16xf32>
        %mul3A_683 = arith.mulf %get3A_682, %broadcast_in_dim3A_678 : vector<16xf32>
        %swap3A_684 = arith.index_cast %add3A_675 : i32 to index
        %swap3A_685 = arith.constant 0 : index
        %swap3A_686 = tpu.vector_load %arg9[%swap3A_684, %swap3A_685] {strides = array<i32>} : memref<128x128xf32, #tpu.memory_space<vmem>>, vector<1x16xf32>,
        %swap3A_687 = vector.shape_cast %swap3A_686 : vector<1x16xf32> to vector<16xf32>
        %swap3A_688 = vector.shape_cast %mul3A_683 : vector<16xf32> to vector<1x16xf32>
        tpu.vector_store %arg9[%swap3A_684, %swap3A_685], %swap3A_688 {strides = array<i32>} : memref<128x128xf32, #tpu.memory_space<vmem>>, vector<1x16xf32>,
        %get3A_689 = arith.index_cast %add3A_675 : i32 to index
        %get3A_690 = arith.constant 16 : index
        %get3A_691 = tpu.vector_load %arg9[%get3A_689, %get3A_690] {strides = array<i32>} : memref<128x128xf32, #tpu.memory_space<vmem>>, vector<1x16xf32>,
        %get3A_692 = vector.shape_cast %get3A_691 : vector<1x16xf32> to vector<16xf32>
        %mul3A_693 = arith.mulf %get3A_692, %broadcast_in_dim3A_678 : vector<16xf32>
        %swap3A_694 = arith.index_cast %add3A_675 : i32 to index
        %swap3A_695 = arith.constant 16 : index
        %swap3A_696 = tpu.vector_load %arg9[%swap3A_694, %swap3A_695] {strides = array<i32>} : memref<128x128xf32, #tpu.memory_space<vmem>>, vector<1x16xf32>,
        %swap3A_697 = vector.shape_cast %swap3A_696 : vector<1x16xf32> to vector<16xf32>
        %swap3A_698 = vector.shape_cast %mul3A_693 : vector<16xf32> to vector<1x16xf32>
        tpu.vector_store %arg9[%swap3A_694, %swap3A_695], %swap3A_698 {strides = array<i32>} : memref<128x128xf32, #tpu.memory_space<vmem>>, vector<1x16xf32>,
        %get3A_699 = arith.index_cast %add3A_675 : i32 to index
        %get3A_700 = arith.constant 32 : index
        %get3A_701 = tpu.vector_load %arg9[%get3A_699, %get3A_700] {strides = array<i32>} : memref<128x128xf32, #tpu.memory_space<vmem>>, vector<1x16xf32>,
        %get3A_702 = vector.shape_cast %get3A_701 : vector<1x16xf32> to vector<16xf32>
        %mul3A_703 = arith.mulf %get3A_702, %broadcast_in_dim3A_678 : vector<16xf32>
        %swap3A_704 = arith.index_cast %add3A_675 : i32 to index
        %swap3A_705 = arith.constant 32 : index
        %swap3A_706 = tpu.vector_load %arg9[%swap3A_704, %swap3A_705] {strides = array<i32>} : memref<128x128xf32, #tpu.memory_space<vmem>>, vector<1x16xf32>,
        %swap3A_707 = vector.shape_cast %swap3A_706 : vector<1x16xf32> to vector<16xf32>
        %swap3A_708 = vector.shape_cast %mul3A_703 : vector<16xf32> to vector<1x16xf32>
        tpu.vector_store %arg9[%swap3A_704, %swap3A_705], %swap3A_708 {strides = array<i32>} : memref<128x128xf32, #tpu.memory_space<vmem>>, vector<1x16xf32>,
        %get3A_709 = arith.index_cast %add3A_675 : i32 to index
        %get3A_710 = arith.constant 48 : index
        %get3A_711 = tpu.vector_load %arg9[%get3A_709, %get3A_710] {strides = array<i32>} : memref<128x128xf32, #tpu.memory_space<vmem>>, vector<1x16xf32>,
        %get3A_712 = vector.shape_cast %get3A_711 : vector<1x16xf32> to vector<16xf32>
        %mul3A_713 = arith.mulf %get3A_712, %broadcast_in_dim3A_678 : vector<16xf32>
        %swap3A_714 = arith.index_cast %add3A_675 : i32 to index
        %swap3A_715 = arith.constant 48 : index
        %swap3A_716 = tpu.vector_load %arg9[%swap3A_714, %swap3A_715] {strides = array<i32>} : memref<128x128xf32, #tpu.memory_space<vmem>>, vector<1x16xf32>,
        %swap3A_717 = vector.shape_cast %swap3A_716 : vector<1x16xf32> to vector<16xf32>
        %swap3A_718 = vector.shape_cast %mul3A_713 : vector<16xf32> to vector<1x16xf32>
        tpu.vector_store %arg9[%swap3A_714, %swap3A_715], %swap3A_718 {strides = array<i32>} : memref<128x128xf32, #tpu.memory_space<vmem>>, vector<1x16xf32>,
        %get3A_719 = arith.index_cast %add3A_675 : i32 to index
        %get3A_720 = arith.constant 64 : index
        %get3A_721 = tpu.vector_load %arg9[%get3A_719, %get3A_720] {strides = array<i32>} : memref<128x128xf32, #tpu.memory_space<vmem>>, vector<1x16xf32>,
        %get3A_722 = vector.shape_cast %get3A_721 : vector<1x16xf32> to vector<16xf32>
        %mul3A_723 = arith.mulf %get3A_722, %broadcast_in_dim3A_678 : vector<16xf32>
        %swap3A_724 = arith.index_cast %add3A_675 : i32 to index
        %swap3A_725 = arith.constant 64 : index
        %swap3A_726 = tpu.vector_load %arg9[%swap3A_724, %swap3A_725] {strides = array<i32>} : memref<128x128xf32, #tpu.memory_space<vmem>>, vector<1x16xf32>,
        %swap3A_727 = vector.shape_cast %swap3A_726 : vector<1x16xf32> to vector<16xf32>
        %swap3A_728 = vector.shape_cast %mul3A_723 : vector<16xf32> to vector<1x16xf32>
        tpu.vector_store %arg9[%swap3A_724, %swap3A_725], %swap3A_728 {strides = array<i32>} : memref<128x128xf32, #tpu.memory_space<vmem>>, vector<1x16xf32>,
        %get3A_729 = arith.index_cast %add3A_675 : i32 to index
        %get3A_730 = arith.constant 80 : index
        %get3A_731 = tpu.vector_load %arg9[%get3A_729, %get3A_730] {strides = array<i32>} : memref<128x128xf32, #tpu.memory_space<vmem>>, vector<1x16xf32>,
        %get3A_732 = vector.shape_cast %get3A_731 : vector<1x16xf32> to vector<16xf32>
        %mul3A_733 = arith.mulf %get3A_732, %broadcast_in_dim3A_678 : vector<16xf32>
        %swap3A_734 = arith.index_cast %add3A_675 : i32 to index
        %swap3A_735 = arith.constant 80 : index
        %swap3A_736 = tpu.vector_load %arg9[%swap3A_734, %swap3A_735] {strides = array<i32>} : memref<128x128xf32, #tpu.memory_space<vmem>>, vector<1x16xf32>,
        %swap3A_737 = vector.shape_cast %swap3A_736 : vector<1x16xf32> to vector<16xf32>
        %swap3A_738 = vector.shape_cast %mul3A_733 : vector<16xf32> to vector<1x16xf32>
        tpu.vector_store %arg9[%swap3A_734, %swap3A_735], %swap3A_738 {strides = array<i32>} : memref<128x128xf32, #tpu.memory_space<vmem>>, vector<1x16xf32>,
        %get3A_739 = arith.index_cast %add3A_675 : i32 to index
        %get3A_740 = arith.constant 96 : index
        %get3A_741 = tpu.vector_load %arg9[%get3A_739, %get3A_740] {strides = array<i32>} : memref<128x128xf32, #tpu.memory_space<vmem>>, vector<1x16xf32>,
        %get3A_742 = vector.shape_cast %get3A_741 : vector<1x16xf32> to vector<16xf32>
        %mul3A_743 = arith.mulf %get3A_742, %broadcast_in_dim3A_678 : vector<16xf32>
        %swap3A_744 = arith.index_cast %add3A_675 : i32 to index
        %swap3A_745 = arith.constant 96 : index
        %swap3A_746 = tpu.vector_load %arg9[%swap3A_744, %swap3A_745] {strides = array<i32>} : memref<128x128xf32, #tpu.memory_space<vmem>>, vector<1x16xf32>,
        %swap3A_747 = vector.shape_cast %swap3A_746 : vector<1x16xf32> to vector<16xf32>
        %swap3A_748 = vector.shape_cast %mul3A_743 : vector<16xf32> to vector<1x16xf32>
        tpu.vector_store %arg9[%swap3A_744, %swap3A_745], %swap3A_748 {strides = array<i32>} : memref<128x128xf32, #tpu.memory_space<vmem>>, vector<1x16xf32>,
        %get3A_749 = arith.index_cast %add3A_675 : i32 to index
        %get3A_750 = arith.constant 112 : index
        %get3A_751 = tpu.vector_load %arg9[%get3A_749, %get3A_750] {strides = array<i32>} : memref<128x128xf32, #tpu.memory_space<vmem>>, vector<1x16xf32>,
        %get3A_752 = vector.shape_cast %get3A_751 : vector<1x16xf32> to vector<16xf32>
        %mul3A_753 = arith.mulf %get3A_752, %broadcast_in_dim3A_678 : vector<16xf32>
        %swap3A_754 = arith.index_cast %add3A_675 : i32 to index
        %swap3A_755 = arith.constant 112 : index
        %swap3A_756 = tpu.vector_load %arg9[%swap3A_754, %swap3A_755] {strides = array<i32>} : memref<128x128xf32, #tpu.memory_space<vmem>>, vector<1x16xf32>,
        %swap3A_757 = vector.shape_cast %swap3A_756 : vector<1x16xf32> to vector<16xf32>
        %swap3A_758 = vector.shape_cast %mul3A_753 : vector<16xf32> to vector<1x16xf32>
        tpu.vector_store %arg9[%swap3A_754, %swap3A_755], %swap3A_758 {strides = array<i32>} : memref<128x128xf32, #tpu.memory_space<vmem>>, vector<1x16xf32>,
        %mul3A_759 = arith.constant 16 : i32
        %mul3A_760 = arith.muli %scan3A_62, %mul3A_759 : i32
        %add3A_761 = arith.constant 8 : i32
        %add3A_762 = arith.addi %mul3A_760, %add3A_761 : i32
        %slice3A_763 = vector.extract_strided_slice %get3A_66 {offsets = [8], sizes = [1], strides = [1]} : vector<16xf32> to vector<1xf32>
        %squeeze3A_764 = vector.extract %slice3A_763[0] : f32 from vector<1xf32>
        %broadcast_in_dim3A_765 = vector.broadcast %squeeze3A_764 : f32 to vector<16xf32>
        %get3A_766 = arith.index_cast %add3A_762 : i32 to index
        %get3A_767 = arith.constant 0 : index
        %get3A_768 = tpu.vector_load %arg9[%get3A_766, %get3A_767] {strides = array<i32>} : memref<128x128xf32, #tpu.memory_space<vmem>>, vector<1x16xf32>,
        %get3A_769 = vector.shape_cast %get3A_768 : vector<1x16xf32> to vector<16xf32>
        %mul3A_770 = arith.mulf %get3A_769, %broadcast_in_dim3A_765 : vector<16xf32>
        %swap3A_771 = arith.index_cast %add3A_762 : i32 to index
        %swap3A_772 = arith.constant 0 : index
        %swap3A_773 = tpu.vector_load %arg9[%swap3A_771, %swap3A_772] {strides = array<i32>} : memref<128x128xf32, #tpu.memory_space<vmem>>, vector<1x16xf32>,
        %swap3A_774 = vector.shape_cast %swap3A_773 : vector<1x16xf32> to vector<16xf32>
        %swap3A_775 = vector.shape_cast %mul3A_770 : vector<16xf32> to vector<1x16xf32>
        tpu.vector_store %arg9[%swap3A_771, %swap3A_772], %swap3A_775 {strides = array<i32>} : memref<128x128xf32, #tpu.memory_space<vmem>>, vector<1x16xf32>,
        %get3A_776 = arith.index_cast %add3A_762 : i32 to index
        %get3A_777 = arith.constant 16 : index
        %get3A_778 = tpu.vector_load %arg9[%get3A_776, %get3A_777] {strides = array<i32>} : memref<128x128xf32, #tpu.memory_space<vmem>>, vector<1x16xf32>,
        %get3A_779 = vector.shape_cast %get3A_778 : vector<1x16xf32> to vector<16xf32>
        %mul3A_780 = arith.mulf %get3A_779, %broadcast_in_dim3A_765 : vector<16xf32>
        %swap3A_781 = arith.index_cast %add3A_762 : i32 to index
        %swap3A_782 = arith.constant 16 : index
        %swap3A_783 = tpu.vector_load %arg9[%swap3A_781, %swap3A_782] {strides = array<i32>} : memref<128x128xf32, #tpu.memory_space<vmem>>, vector<1x16xf32>,
        %swap3A_784 = vector.shape_cast %swap3A_783 : vector<1x16xf32> to vector<16xf32>
        %swap3A_785 = vector.shape_cast %mul3A_780 : vector<16xf32> to vector<1x16xf32>
        tpu.vector_store %arg9[%swap3A_781, %swap3A_782], %swap3A_785 {strides = array<i32>} : memref<128x128xf32, #tpu.memory_space<vmem>>, vector<1x16xf32>,
        %get3A_786 = arith.index_cast %add3A_762 : i32 to index
        %get3A_787 = arith.constant 32 : index
        %get3A_788 = tpu.vector_load %arg9[%get3A_786, %get3A_787] {strides = array<i32>} : memref<128x128xf32, #tpu.memory_space<vmem>>, vector<1x16xf32>,
        %get3A_789 = vector.shape_cast %get3A_788 : vector<1x16xf32> to vector<16xf32>
        %mul3A_790 = arith.mulf %get3A_789, %broadcast_in_dim3A_765 : vector<16xf32>
        %swap3A_791 = arith.index_cast %add3A_762 : i32 to index
        %swap3A_792 = arith.constant 32 : index
        %swap3A_793 = tpu.vector_load %arg9[%swap3A_791, %swap3A_792] {strides = array<i32>} : memref<128x128xf32, #tpu.memory_space<vmem>>, vector<1x16xf32>,
        %swap3A_794 = vector.shape_cast %swap3A_793 : vector<1x16xf32> to vector<16xf32>
        %swap3A_795 = vector.shape_cast %mul3A_790 : vector<16xf32> to vector<1x16xf32>
        tpu.vector_store %arg9[%swap3A_791, %swap3A_792], %swap3A_795 {strides = array<i32>} : memref<128x128xf32, #tpu.memory_space<vmem>>, vector<1x16xf32>,
        %get3A_796 = arith.index_cast %add3A_762 : i32 to index
        %get3A_797 = arith.constant 48 : index
        %get3A_798 = tpu.vector_load %arg9[%get3A_796, %get3A_797] {strides = array<i32>} : memref<128x128xf32, #tpu.memory_space<vmem>>, vector<1x16xf32>,
        %get3A_799 = vector.shape_cast %get3A_798 : vector<1x16xf32> to vector<16xf32>
        %mul3A_800 = arith.mulf %get3A_799, %broadcast_in_dim3A_765 : vector<16xf32>
        %swap3A_801 = arith.index_cast %add3A_762 : i32 to index
        %swap3A_802 = arith.constant 48 : index
        %swap3A_803 = tpu.vector_load %arg9[%swap3A_801, %swap3A_802] {strides = array<i32>} : memref<128x128xf32, #tpu.memory_space<vmem>>, vector<1x16xf32>,
        %swap3A_804 = vector.shape_cast %swap3A_803 : vector<1x16xf32> to vector<16xf32>
        %swap3A_805 = vector.shape_cast %mul3A_800 : vector<16xf32> to vector<1x16xf32>
        tpu.vector_store %arg9[%swap3A_801, %swap3A_802], %swap3A_805 {strides = array<i32>} : memref<128x128xf32, #tpu.memory_space<vmem>>, vector<1x16xf32>,
        %get3A_806 = arith.index_cast %add3A_762 : i32 to index
        %get3A_807 = arith.constant 64 : index
        %get3A_808 = tpu.vector_load %arg9[%get3A_806, %get3A_807] {strides = array<i32>} : memref<128x128xf32, #tpu.memory_space<vmem>>, vector<1x16xf32>,
        %get3A_809 = vector.shape_cast %get3A_808 : vector<1x16xf32> to vector<16xf32>
        %mul3A_810 = arith.mulf %get3A_809, %broadcast_in_dim3A_765 : vector<16xf32>
        %swap3A_811 = arith.index_cast %add3A_762 : i32 to index
        %swap3A_812 = arith.constant 64 : index
        %swap3A_813 = tpu.vector_load %arg9[%swap3A_811, %swap3A_812] {strides = array<i32>} : memref<128x128xf32, #tpu.memory_space<vmem>>, vector<1x16xf32>,
        %swap3A_814 = vector.shape_cast %swap3A_813 : vector<1x16xf32> to vector<16xf32>
        %swap3A_815 = vector.shape_cast %mul3A_810 : vector<16xf32> to vector<1x16xf32>
        tpu.vector_store %arg9[%swap3A_811, %swap3A_812], %swap3A_815 {strides = array<i32>} : memref<128x128xf32, #tpu.memory_space<vmem>>, vector<1x16xf32>,
        %get3A_816 = arith.index_cast %add3A_762 : i32 to index
        %get3A_817 = arith.constant 80 : index
        %get3A_818 = tpu.vector_load %arg9[%get3A_816, %get3A_817] {strides = array<i32>} : memref<128x128xf32, #tpu.memory_space<vmem>>, vector<1x16xf32>,
        %get3A_819 = vector.shape_cast %get3A_818 : vector<1x16xf32> to vector<16xf32>
        %mul3A_820 = arith.mulf %get3A_819, %broadcast_in_dim3A_765 : vector<16xf32>
        %swap3A_821 = arith.index_cast %add3A_762 : i32 to index
        %swap3A_822 = arith.constant 80 : index
        %swap3A_823 = tpu.vector_load %arg9[%swap3A_821, %swap3A_822] {strides = array<i32>} : memref<128x128xf32, #tpu.memory_space<vmem>>, vector<1x16xf32>,
        %swap3A_824 = vector.shape_cast %swap3A_823 : vector<1x16xf32> to vector<16xf32>
        %swap3A_825 = vector.shape_cast %mul3A_820 : vector<16xf32> to vector<1x16xf32>
        tpu.vector_store %arg9[%swap3A_821, %swap3A_822], %swap3A_825 {strides = array<i32>} : memref<128x128xf32, #tpu.memory_space<vmem>>, vector<1x16xf32>,
        %get3A_826 = arith.index_cast %add3A_762 : i32 to index
        %get3A_827 = arith.constant 96 : index
        %get3A_828 = tpu.vector_load %arg9[%get3A_826, %get3A_827] {strides = array<i32>} : memref<128x128xf32, #tpu.memory_space<vmem>>, vector<1x16xf32>,
        %get3A_829 = vector.shape_cast %get3A_828 : vector<1x16xf32> to vector<16xf32>
        %mul3A_830 = arith.mulf %get3A_829, %broadcast_in_dim3A_765 : vector<16xf32>
        %swap3A_831 = arith.index_cast %add3A_762 : i32 to index
        %swap3A_832 = arith.constant 96 : index
        %swap3A_833 = tpu.vector_load %arg9[%swap3A_831, %swap3A_832] {strides = array<i32>} : memref<128x128xf32, #tpu.memory_space<vmem>>, vector<1x16xf32>,
        %swap3A_834 = vector.shape_cast %swap3A_833 : vector<1x16xf32> to vector<16xf32>
        %swap3A_835 = vector.shape_cast %mul3A_830 : vector<16xf32> to vector<1x16xf32>
        tpu.vector_store %arg9[%swap3A_831, %swap3A_832], %swap3A_835 {strides = array<i32>} : memref<128x128xf32, #tpu.memory_space<vmem>>, vector<1x16xf32>,
        %get3A_836 = arith.index_cast %add3A_762 : i32 to index
        %get3A_837 = arith.constant 112 : index
        %get3A_838 = tpu.vector_load %arg9[%get3A_836, %get3A_837] {strides = array<i32>} : memref<128x128xf32, #tpu.memory_space<vmem>>, vector<1x16xf32>,
        %get3A_839 = vector.shape_cast %get3A_838 : vector<1x16xf32> to vector<16xf32>
        %mul3A_840 = arith.mulf %get3A_839, %broadcast_in_dim3A_765 : vector<16xf32>
        %swap3A_841 = arith.index_cast %add3A_762 : i32 to index
        %swap3A_842 = arith.constant 112 : index
        %swap3A_843 = tpu.vector_load %arg9[%swap3A_841, %swap3A_842] {strides = array<i32>} : memref<128x128xf32, #tpu.memory_space<vmem>>, vector<1x16xf32>,
        %swap3A_844 = vector.shape_cast %swap3A_843 : vector<1x16xf32> to vector<16xf32>
        %swap3A_845 = vector.shape_cast %mul3A_840 : vector<16xf32> to vector<1x16xf32>
        tpu.vector_store %arg9[%swap3A_841, %swap3A_842], %swap3A_845 {strides = array<i32>} : memref<128x128xf32, #tpu.memory_space<vmem>>, vector<1x16xf32>,
        %mul3A_846 = arith.constant 16 : i32
        %mul3A_847 = arith.muli %scan3A_62, %mul3A_846 : i32
        %add3A_848 = arith.constant 9 : i32
        %add3A_849 = arith.addi %mul3A_847, %add3A_848 : i32
        %slice3A_850 = vector.extract_strided_slice %get3A_66 {offsets = [9], sizes = [1], strides = [1]} : vector<16xf32> to vector<1xf32>
        %squeeze3A_851 = vector.extract %slice3A_850[0] : f32 from vector<1xf32>
        %broadcast_in_dim3A_852 = vector.broadcast %squeeze3A_851 : f32 to vector<16xf32>
        %get3A_853 = arith.index_cast %add3A_849 : i32 to index
        %get3A_854 = arith.constant 0 : index
        %get3A_855 = tpu.vector_load %arg9[%get3A_853, %get3A_854] {strides = array<i32>} : memref<128x128xf32, #tpu.memory_space<vmem>>, vector<1x16xf32>,
        %get3A_856 = vector.shape_cast %get3A_855 : vector<1x16xf32> to vector<16xf32>
        %mul3A_857 = arith.mulf %get3A_856, %broadcast_in_dim3A_852 : vector<16xf32>
        %swap3A_858 = arith.index_cast %add3A_849 : i32 to index
        %swap3A_859 = arith.constant 0 : index
        %swap3A_860 = tpu.vector_load %arg9[%swap3A_858, %swap3A_859] {strides = array<i32>} : memref<128x128xf32, #tpu.memory_space<vmem>>, vector<1x16xf32>,
        %swap3A_861 = vector.shape_cast %swap3A_860 : vector<1x16xf32> to vector<16xf32>
        %swap3A_862 = vector.shape_cast %mul3A_857 : vector<16xf32> to vector<1x16xf32>
        tpu.vector_store %arg9[%swap3A_858, %swap3A_859], %swap3A_862 {strides = array<i32>} : memref<128x128xf32, #tpu.memory_space<vmem>>, vector<1x16xf32>,
        %get3A_863 = arith.index_cast %add3A_849 : i32 to index
        %get3A_864 = arith.constant 16 : index
        %get3A_865 = tpu.vector_load %arg9[%get3A_863, %get3A_864] {strides = array<i32>} : memref<128x128xf32, #tpu.memory_space<vmem>>, vector<1x16xf32>,
        %get3A_866 = vector.shape_cast %get3A_865 : vector<1x16xf32> to vector<16xf32>
        %mul3A_867 = arith.mulf %get3A_866, %broadcast_in_dim3A_852 : vector<16xf32>
        %swap3A_868 = arith.index_cast %add3A_849 : i32 to index
        %swap3A_869 = arith.constant 16 : index
        %swap3A_870 = tpu.vector_load %arg9[%swap3A_868, %swap3A_869] {strides = array<i32>} : memref<128x128xf32, #tpu.memory_space<vmem>>, vector<1x16xf32>,
        %swap3A_871 = vector.shape_cast %swap3A_870 : vector<1x16xf32> to vector<16xf32>
        %swap3A_872 = vector.shape_cast %mul3A_867 : vector<16xf32> to vector<1x16xf32>
        tpu.vector_store %arg9[%swap3A_868, %swap3A_869], %swap3A_872 {strides = array<i32>} : memref<128x128xf32, #tpu.memory_space<vmem>>, vector<1x16xf32>,
        %get3A_873 = arith.index_cast %add3A_849 : i32 to index
        %get3A_874 = arith.constant 32 : index
        %get3A_875 = tpu.vector_load %arg9[%get3A_873, %get3A_874] {strides = array<i32>} : memref<128x128xf32, #tpu.memory_space<vmem>>, vector<1x16xf32>,
        %get3A_876 = vector.shape_cast %get3A_875 : vector<1x16xf32> to vector<16xf32>
        %mul3A_877 = arith.mulf %get3A_876, %broadcast_in_dim3A_852 : vector<16xf32>
        %swap3A_878 = arith.index_cast %add3A_849 : i32 to index
        %swap3A_879 = arith.constant 32 : index
        %swap3A_880 = tpu.vector_load %arg9[%swap3A_878, %swap3A_879] {strides = array<i32>} : memref<128x128xf32, #tpu.memory_space<vmem>>, vector<1x16xf32>,
        %swap3A_881 = vector.shape_cast %swap3A_880 : vector<1x16xf32> to vector<16xf32>
        %swap3A_882 = vector.shape_cast %mul3A_877 : vector<16xf32> to vector<1x16xf32>
        tpu.vector_store %arg9[%swap3A_878, %swap3A_879], %swap3A_882 {strides = array<i32>} : memref<128x128xf32, #tpu.memory_space<vmem>>, vector<1x16xf32>,
        %get3A_883 = arith.index_cast %add3A_849 : i32 to index
        %get3A_884 = arith.constant 48 : index
        %get3A_885 = tpu.vector_load %arg9[%get3A_883, %get3A_884] {strides = array<i32>} : memref<128x128xf32, #tpu.memory_space<vmem>>, vector<1x16xf32>,
        %get3A_886 = vector.shape_cast %get3A_885 : vector<1x16xf32> to vector<16xf32>
        %mul3A_887 = arith.mulf %get3A_886, %broadcast_in_dim3A_852 : vector<16xf32>
        %swap3A_888 = arith.index_cast %add3A_849 : i32 to index
        %swap3A_889 = arith.constant 48 : index
        %swap3A_890 = tpu.vector_load %arg9[%swap3A_888, %swap3A_889] {strides = array<i32>} : memref<128x128xf32, #tpu.memory_space<vmem>>, vector<1x16xf32>,
        %swap3A_891 = vector.shape_cast %swap3A_890 : vector<1x16xf32> to vector<16xf32>
        %swap3A_892 = vector.shape_cast %mul3A_887 : vector<16xf32> to vector<1x16xf32>
        tpu.vector_store %arg9[%swap3A_888, %swap3A_889], %swap3A_892 {strides = array<i32>} : memref<128x128xf32, #tpu.memory_space<vmem>>, vector<1x16xf32>,
        %get3A_893 = arith.index_cast %add3A_849 : i32 to index
        %get3A_894 = arith.constant 64 : index
        %get3A_895 = tpu.vector_load %arg9[%get3A_893, %get3A_894] {strides = array<i32>} : memref<128x128xf32, #tpu.memory_space<vmem>>, vector<1x16xf32>,
        %get3A_896 = vector.shape_cast %get3A_895 : vector<1x16xf32> to vector<16xf32>
        %mul3A_897 = arith.mulf %get3A_896, %broadcast_in_dim3A_852 : vector<16xf32>
        %swap3A_898 = arith.index_cast %add3A_849 : i32 to index
        %swap3A_899 = arith.constant 64 : index
        %swap3A_900 = tpu.vector_load %arg9[%swap3A_898, %swap3A_899] {strides = array<i32>} : memref<128x128xf32, #tpu.memory_space<vmem>>, vector<1x16xf32>,
        %swap3A_901 = vector.shape_cast %swap3A_900 : vector<1x16xf32> to vector<16xf32>
        %swap3A_902 = vector.shape_cast %mul3A_897 : vector<16xf32> to vector<1x16xf32>
        tpu.vector_store %arg9[%swap3A_898, %swap3A_899], %swap3A_902 {strides = array<i32>} : memref<128x128xf32, #tpu.memory_space<vmem>>, vector<1x16xf32>,
        %get3A_903 = arith.index_cast %add3A_849 : i32 to index
        %get3A_904 = arith.constant 80 : index
        %get3A_905 = tpu.vector_load %arg9[%get3A_903, %get3A_904] {strides = array<i32>} : memref<128x128xf32, #tpu.memory_space<vmem>>, vector<1x16xf32>,
        %get3A_906 = vector.shape_cast %get3A_905 : vector<1x16xf32> to vector<16xf32>
        %mul3A_907 = arith.mulf %get3A_906, %broadcast_in_dim3A_852 : vector<16xf32>
        %swap3A_908 = arith.index_cast %add3A_849 : i32 to index
        %swap3A_909 = arith.constant 80 : index
        %swap3A_910 = tpu.vector_load %arg9[%swap3A_908, %swap3A_909] {strides = array<i32>} : memref<128x128xf32, #tpu.memory_space<vmem>>, vector<1x16xf32>,
        %swap3A_911 = vector.shape_cast %swap3A_910 : vector<1x16xf32> to vector<16xf32>
        %swap3A_912 = vector.shape_cast %mul3A_907 : vector<16xf32> to vector<1x16xf32>
        tpu.vector_store %arg9[%swap3A_908, %swap3A_909], %swap3A_912 {strides = array<i32>} : memref<128x128xf32, #tpu.memory_space<vmem>>, vector<1x16xf32>,
        %get3A_913 = arith.index_cast %add3A_849 : i32 to index
        %get3A_914 = arith.constant 96 : index
        %get3A_915 = tpu.vector_load %arg9[%get3A_913, %get3A_914] {strides = array<i32>} : memref<128x128xf32, #tpu.memory_space<vmem>>, vector<1x16xf32>,
        %get3A_916 = vector.shape_cast %get3A_915 : vector<1x16xf32> to vector<16xf32>
        %mul3A_917 = arith.mulf %get3A_916, %broadcast_in_dim3A_852 : vector<16xf32>
        %swap3A_918 = arith.index_cast %add3A_849 : i32 to index
        %swap3A_919 = arith.constant 96 : index
        %swap3A_920 = tpu.vector_load %arg9[%swap3A_918, %swap3A_919] {strides = array<i32>} : memref<128x128xf32, #tpu.memory_space<vmem>>, vector<1x16xf32>,
        %swap3A_921 = vector.shape_cast %swap3A_920 : vector<1x16xf32> to vector<16xf32>
        %swap3A_922 = vector.shape_cast %mul3A_917 : vector<16xf32> to vector<1x16xf32>
        tpu.vector_store %arg9[%swap3A_918, %swap3A_919], %swap3A_922 {strides = array<i32>} : memref<128x128xf32, #tpu.memory_space<vmem>>, vector<1x16xf32>,
        %get3A_923 = arith.index_cast %add3A_849 : i32 to index
        %get3A_924 = arith.constant 112 : index
        %get3A_925 = tpu.vector_load %arg9[%get3A_923, %get3A_924] {strides = array<i32>} : memref<128x128xf32, #tpu.memory_space<vmem>>, vector<1x16xf32>,
        %get3A_926 = vector.shape_cast %get3A_925 : vector<1x16xf32> to vector<16xf32>
        %mul3A_927 = arith.mulf %get3A_926, %broadcast_in_dim3A_852 : vector<16xf32>
        %swap3A_928 = arith.index_cast %add3A_849 : i32 to index
        %swap3A_929 = arith.constant 112 : index
        %swap3A_930 = tpu.vector_load %arg9[%swap3A_928, %swap3A_929] {strides = array<i32>} : memref<128x128xf32, #tpu.memory_space<vmem>>, vector<1x16xf32>,
        %swap3A_931 = vector.shape_cast %swap3A_930 : vector<1x16xf32> to vector<16xf32>
        %swap3A_932 = vector.shape_cast %mul3A_927 : vector<16xf32> to vector<1x16xf32>
        tpu.vector_store %arg9[%swap3A_928, %swap3A_929], %swap3A_932 {strides = array<i32>} : memref<128x128xf32, #tpu.memory_space<vmem>>, vector<1x16xf32>,
        %mul3A_933 = arith.constant 16 : i32
        %mul3A_934 = arith.muli %scan3A_62, %mul3A_933 : i32
        %add3A_935 = arith.constant 10 : i32
        %add3A_936 = arith.addi %mul3A_934, %add3A_935 : i32
        %slice3A_937 = vector.extract_strided_slice %get3A_66 {offsets = [10], sizes = [1], strides = [1]} : vector<16xf32> to vector<1xf32>
        %squeeze3A_938 = vector.extract %slice3A_937[0] : f32 from vector<1xf32>
        %broadcast_in_dim3A_939 = vector.broadcast %squeeze3A_938 : f32 to vector<16xf32>
        %get3A_940 = arith.index_cast %add3A_936 : i32 to index
        %get3A_941 = arith.constant 0 : index
        %get3A_942 = tpu.vector_load %arg9[%get3A_940, %get3A_941] {strides = array<i32>} : memref<128x128xf32, #tpu.memory_space<vmem>>, vector<1x16xf32>,
        %get3A_943 = vector.shape_cast %get3A_942 : vector<1x16xf32> to vector<16xf32>
        %mul3A_944 = arith.mulf %get3A_943, %broadcast_in_dim3A_939 : vector<16xf32>
        %swap3A_945 = arith.index_cast %add3A_936 : i32 to index
        %swap3A_946 = arith.constant 0 : index
        %swap3A_947 = tpu.vector_load %arg9[%swap3A_945, %swap3A_946] {strides = array<i32>} : memref<128x128xf32, #tpu.memory_space<vmem>>, vector<1x16xf32>,
        %swap3A_948 = vector.shape_cast %swap3A_947 : vector<1x16xf32> to vector<16xf32>
        %swap3A_949 = vector.shape_cast %mul3A_944 : vector<16xf32> to vector<1x16xf32>
        tpu.vector_store %arg9[%swap3A_945, %swap3A_946], %swap3A_949 {strides = array<i32>} : memref<128x128xf32, #tpu.memory_space<vmem>>, vector<1x16xf32>,
        %get3A_950 = arith.index_cast %add3A_936 : i32 to index
        %get3A_951 = arith.constant 16 : index
        %get3A_952 = tpu.vector_load %arg9[%get3A_950, %get3A_951] {strides = array<i32>} : memref<128x128xf32, #tpu.memory_space<vmem>>, vector<1x16xf32>,
        %get3A_953 = vector.shape_cast %get3A_952 : vector<1x16xf32> to vector<16xf32>
        %mul3A_954 = arith.mulf %get3A_953, %broadcast_in_dim3A_939 : vector<16xf32>
        %swap3A_955 = arith.index_cast %add3A_936 : i32 to index
        %swap3A_956 = arith.constant 16 : index
        %swap3A_957 = tpu.vector_load %arg9[%swap3A_955, %swap3A_956] {strides = array<i32>} : memref<128x128xf32, #tpu.memory_space<vmem>>, vector<1x16xf32>,
        %swap3A_958 = vector.shape_cast %swap3A_957 : vector<1x16xf32> to vector<16xf32>
        %swap3A_959 = vector.shape_cast %mul3A_954 : vector<16xf32> to vector<1x16xf32>
        tpu.vector_store %arg9[%swap3A_955, %swap3A_956], %swap3A_959 {strides = array<i32>} : memref<128x128xf32, #tpu.memory_space<vmem>>, vector<1x16xf32>,
        %get3A_960 = arith.index_cast %add3A_936 : i32 to index
        %get3A_961 = arith.constant 32 : index
        %get3A_962 = tpu.vector_load %arg9[%get3A_960, %get3A_961] {strides = array<i32>} : memref<128x128xf32, #tpu.memory_space<vmem>>, vector<1x16xf32>,
        %get3A_963 = vector.shape_cast %get3A_962 : vector<1x16xf32> to vector<16xf32>
        %mul3A_964 = arith.mulf %get3A_963, %broadcast_in_dim3A_939 : vector<16xf32>
        %swap3A_965 = arith.index_cast %add3A_936 : i32 to index
        %swap3A_966 = arith.constant 32 : index
        %swap3A_967 = tpu.vector_load %arg9[%swap3A_965, %swap3A_966] {strides = array<i32>} : memref<128x128xf32, #tpu.memory_space<vmem>>, vector<1x16xf32>,
        %swap3A_968 = vector.shape_cast %swap3A_967 : vector<1x16xf32> to vector<16xf32>
        %swap3A_969 = vector.shape_cast %mul3A_964 : vector<16xf32> to vector<1x16xf32>
        tpu.vector_store %arg9[%swap3A_965, %swap3A_966], %swap3A_969 {strides = array<i32>} : memref<128x128xf32, #tpu.memory_space<vmem>>, vector<1x16xf32>,
        %get3A_970 = arith.index_cast %add3A_936 : i32 to index
        %get3A_971 = arith.constant 48 : index
        %get3A_972 = tpu.vector_load %arg9[%get3A_970, %get3A_971] {strides = array<i32>} : memref<128x128xf32, #tpu.memory_space<vmem>>, vector<1x16xf32>,
        %get3A_973 = vector.shape_cast %get3A_972 : vector<1x16xf32> to vector<16xf32>
        %mul3A_974 = arith.mulf %get3A_973, %broadcast_in_dim3A_939 : vector<16xf32>
        %swap3A_975 = arith.index_cast %add3A_936 : i32 to index
        %swap3A_976 = arith.constant 48 : index
        %swap3A_977 = tpu.vector_load %arg9[%swap3A_975, %swap3A_976] {strides = array<i32>} : memref<128x128xf32, #tpu.memory_space<vmem>>, vector<1x16xf32>,
        %swap3A_978 = vector.shape_cast %swap3A_977 : vector<1x16xf32> to vector<16xf32>
        %swap3A_979 = vector.shape_cast %mul3A_974 : vector<16xf32> to vector<1x16xf32>
        tpu.vector_store %arg9[%swap3A_975, %swap3A_976], %swap3A_979 {strides = array<i32>} : memref<128x128xf32, #tpu.memory_space<vmem>>, vector<1x16xf32>,
        %get3A_980 = arith.index_cast %add3A_936 : i32 to index
        %get3A_981 = arith.constant 64 : index
        %get3A_982 = tpu.vector_load %arg9[%get3A_980, %get3A_981] {strides = array<i32>} : memref<128x128xf32, #tpu.memory_space<vmem>>, vector<1x16xf32>,
        %get3A_983 = vector.shape_cast %get3A_982 : vector<1x16xf32> to vector<16xf32>
        %mul3A_984 = arith.mulf %get3A_983, %broadcast_in_dim3A_939 : vector<16xf32>
        %swap3A_985 = arith.index_cast %add3A_936 : i32 to index
        %swap3A_986 = arith.constant 64 : index
        %swap3A_987 = tpu.vector_load %arg9[%swap3A_985, %swap3A_986] {strides = array<i32>} : memref<128x128xf32, #tpu.memory_space<vmem>>, vector<1x16xf32>,
        %swap3A_988 = vector.shape_cast %swap3A_987 : vector<1x16xf32> to vector<16xf32>
        %swap3A_989 = vector.shape_cast %mul3A_984 : vector<16xf32> to vector<1x16xf32>
        tpu.vector_store %arg9[%swap3A_985, %swap3A_986], %swap3A_989 {strides = array<i32>} : memref<128x128xf32, #tpu.memory_space<vmem>>, vector<1x16xf32>,
        %get3A_990 = arith.index_cast %add3A_936 : i32 to index
        %get3A_991 = arith.constant 80 : index
        %get3A_992 = tpu.vector_load %arg9[%get3A_990, %get3A_991] {strides = array<i32>} : memref<128x128xf32, #tpu.memory_space<vmem>>, vector<1x16xf32>,
        %get3A_993 = vector.shape_cast %get3A_992 : vector<1x16xf32> to vector<16xf32>
        %mul3A_994 = arith.mulf %get3A_993, %broadcast_in_dim3A_939 : vector<16xf32>
        %swap3A_995 = arith.index_cast %add3A_936 : i32 to index
        %swap3A_996 = arith.constant 80 : index
        %swap3A_997 = tpu.vector_load %arg9[%swap3A_995, %swap3A_996] {strides = array<i32>} : memref<128x128xf32, #tpu.memory_space<vmem>>, vector<1x16xf32>,
        %swap3A_998 = vector.shape_cast %swap3A_997 : vector<1x16xf32> to vector<16xf32>
        %swap3A_999 = vector.shape_cast %mul3A_994 : vector<16xf32> to vector<1x16xf32>
        tpu.vector_store %arg9[%swap3A_995, %swap3A_996], %swap3A_999 {strides = array<i32>} : memref<128x128xf32, #tpu.memory_space<vmem>>, vector<1x16xf32>,
        %get3A_1000 = arith.index_cast %add3A_936 : i32 to index
        %get3A_1001 = arith.constant 96 : index
        %get3A_1002 = tpu.vector_load %arg9[%get3A_1000, %get3A_1001] {strides = array<i32>} : memref<128x128xf32, #tpu.memory_space<vmem>>, vector<1x16xf32>,
        %get3A_1003 = vector.shape_cast %get3A_1002 : vector<1x16xf32> to vector<16xf32>
        %mul3A_1004 = arith.mulf %get3A_1003, %broadcast_in_dim3A_939 : vector<16xf32>
        %swap3A_1005 = arith.index_cast %add3A_936 : i32 to index
        %swap3A_1006 = arith.constant 96 : index
        %swap3A_1007 = tpu.vector_load %arg9[%swap3A_1005, %swap3A_1006] {strides = array<i32>} : memref<128x128xf32, #tpu.memory_space<vmem>>, vector<1x16xf32>,
        %swap3A_1008 = vector.shape_cast %swap3A_1007 : vector<1x16xf32> to vector<16xf32>
        %swap3A_1009 = vector.shape_cast %mul3A_1004 : vector<16xf32> to vector<1x16xf32>
        tpu.vector_store %arg9[%swap3A_1005, %swap3A_1006], %swap3A_1009 {strides = array<i32>} : memref<128x128xf32, #tpu.memory_space<vmem>>, vector<1x16xf32>,
        %get3A_1010 = arith.index_cast %add3A_936 : i32 to index
        %get3A_1011 = arith.constant 112 : index
        %get3A_1012 = tpu.vector_load %arg9[%get3A_1010, %get3A_1011] {strides = array<i32>} : memref<128x128xf32, #tpu.memory_space<vmem>>, vector<1x16xf32>,
        %get3A_1013 = vector.shape_cast %get3A_1012 : vector<1x16xf32> to vector<16xf32>
        %mul3A_1014 = arith.mulf %get3A_1013, %broadcast_in_dim3A_939 : vector<16xf32>
        %swap3A_1015 = arith.index_cast %add3A_936 : i32 to index
        %swap3A_1016 = arith.constant 112 : index
        %swap3A_1017 = tpu.vector_load %arg9[%swap3A_1015, %swap3A_1016] {strides = array<i32>} : memref<128x128xf32, #tpu.memory_space<vmem>>, vector<1x16xf32>,
        %swap3A_1018 = vector.shape_cast %swap3A_1017 : vector<1x16xf32> to vector<16xf32>
        %swap3A_1019 = vector.shape_cast %mul3A_1014 : vector<16xf32> to vector<1x16xf32>
        tpu.vector_store %arg9[%swap3A_1015, %swap3A_1016], %swap3A_1019 {strides = array<i32>} : memref<128x128xf32, #tpu.memory_space<vmem>>, vector<1x16xf32>,
        %mul3A_1020 = arith.constant 16 : i32
        %mul3A_1021 = arith.muli %scan3A_62, %mul3A_1020 : i32
        %add3A_1022 = arith.constant 11 : i32
        %add3A_1023 = arith.addi %mul3A_1021, %add3A_1022 : i32
        %slice3A_1024 = vector.extract_strided_slice %get3A_66 {offsets = [11], sizes = [1], strides = [1]} : vector<16xf32> to vector<1xf32>
        %squeeze3A_1025 = vector.extract %slice3A_1024[0] : f32 from vector<1xf32>
        %broadcast_in_dim3A_1026 = vector.broadcast %squeeze3A_1025 : f32 to vector<16xf32>
        %get3A_1027 = arith.index_cast %add3A_1023 : i32 to index
        %get3A_1028 = arith.constant 0 : index
        %get3A_1029 = tpu.vector_load %arg9[%get3A_1027, %get3A_1028] {strides = array<i32>} : memref<128x128xf32, #tpu.memory_space<vmem>>, vector<1x16xf32>,
        %get3A_1030 = vector.shape_cast %get3A_1029 : vector<1x16xf32> to vector<16xf32>
        %mul3A_1031 = arith.mulf %get3A_1030, %broadcast_in_dim3A_1026 : vector<16xf32>
        %swap3A_1032 = arith.index_cast %add3A_1023 : i32 to index
        %swap3A_1033 = arith.constant 0 : index
        %swap3A_1034 = tpu.vector_load %arg9[%swap3A_1032, %swap3A_1033] {strides = array<i32>} : memref<128x128xf32, #tpu.memory_space<vmem>>, vector<1x16xf32>,
        %swap3A_1035 = vector.shape_cast %swap3A_1034 : vector<1x16xf32> to vector<16xf32>
        %swap3A_1036 = vector.shape_cast %mul3A_1031 : vector<16xf32> to vector<1x16xf32>
        tpu.vector_store %arg9[%swap3A_1032, %swap3A_1033], %swap3A_1036 {strides = array<i32>} : memref<128x128xf32, #tpu.memory_space<vmem>>, vector<1x16xf32>,
        %get3A_1037 = arith.index_cast %add3A_1023 : i32 to index
        %get3A_1038 = arith.constant 16 : index
        %get3A_1039 = tpu.vector_load %arg9[%get3A_1037, %get3A_1038] {strides = array<i32>} : memref<128x128xf32, #tpu.memory_space<vmem>>, vector<1x16xf32>,
        %get3A_1040 = vector.shape_cast %get3A_1039 : vector<1x16xf32> to vector<16xf32>
        %mul3A_1041 = arith.mulf %get3A_1040, %broadcast_in_dim3A_1026 : vector<16xf32>
        %swap3A_1042 = arith.index_cast %add3A_1023 : i32 to index
        %swap3A_1043 = arith.constant 16 : index
        %swap3A_1044 = tpu.vector_load %arg9[%swap3A_1042, %swap3A_1043] {strides = array<i32>} : memref<128x128xf32, #tpu.memory_space<vmem>>, vector<1x16xf32>,
        %swap3A_1045 = vector.shape_cast %swap3A_1044 : vector<1x16xf32> to vector<16xf32>
        %swap3A_1046 = vector.shape_cast %mul3A_1041 : vector<16xf32> to vector<1x16xf32>
        tpu.vector_store %arg9[%swap3A_1042, %swap3A_1043], %swap3A_1046 {strides = array<i32>} : memref<128x128xf32, #tpu.memory_space<vmem>>, vector<1x16xf32>,
        %get3A_1047 = arith.index_cast %add3A_1023 : i32 to index
        %get3A_1048 = arith.constant 32 : index
        %get3A_1049 = tpu.vector_load %arg9[%get3A_1047, %get3A_1048] {strides = array<i32>} : memref<128x128xf32, #tpu.memory_space<vmem>>, vector<1x16xf32>,
        %get3A_1050 = vector.shape_cast %get3A_1049 : vector<1x16xf32> to vector<16xf32>
        %mul3A_1051 = arith.mulf %get3A_1050, %broadcast_in_dim3A_1026 : vector<16xf32>
        %swap3A_1052 = arith.index_cast %add3A_1023 : i32 to index
        %swap3A_1053 = arith.constant 32 : index
        %swap3A_1054 = tpu.vector_load %arg9[%swap3A_1052, %swap3A_1053] {strides = array<i32>} : memref<128x128xf32, #tpu.memory_space<vmem>>, vector<1x16xf32>,
        %swap3A_1055 = vector.shape_cast %swap3A_1054 : vector<1x16xf32> to vector<16xf32>
        %swap3A_1056 = vector.shape_cast %mul3A_1051 : vector<16xf32> to vector<1x16xf32>
        tpu.vector_store %arg9[%swap3A_1052, %swap3A_1053], %swap3A_1056 {strides = array<i32>} : memref<128x128xf32, #tpu.memory_space<vmem>>, vector<1x16xf32>,
        %get3A_1057 = arith.index_cast %add3A_1023 : i32 to index
        %get3A_1058 = arith.constant 48 : index
        %get3A_1059 = tpu.vector_load %arg9[%get3A_1057, %get3A_1058] {strides = array<i32>} : memref<128x128xf32, #tpu.memory_space<vmem>>, vector<1x16xf32>,
        %get3A_1060 = vector.shape_cast %get3A_1059 : vector<1x16xf32> to vector<16xf32>
        %mul3A_1061 = arith.mulf %get3A_1060, %broadcast_in_dim3A_1026 : vector<16xf32>
        %swap3A_1062 = arith.index_cast %add3A_1023 : i32 to index
        %swap3A_1063 = arith.constant 48 : index
        %swap3A_1064 = tpu.vector_load %arg9[%swap3A_1062, %swap3A_1063] {strides = array<i32>} : memref<128x128xf32, #tpu.memory_space<vmem>>, vector<1x16xf32>,
        %swap3A_1065 = vector.shape_cast %swap3A_1064 : vector<1x16xf32> to vector<16xf32>
        %swap3A_1066 = vector.shape_cast %mul3A_1061 : vector<16xf32> to vector<1x16xf32>
        tpu.vector_store %arg9[%swap3A_1062, %swap3A_1063], %swap3A_1066 {strides = array<i32>} : memref<128x128xf32, #tpu.memory_space<vmem>>, vector<1x16xf32>,
        %get3A_1067 = arith.index_cast %add3A_1023 : i32 to index
        %get3A_1068 = arith.constant 64 : index
        %get3A_1069 = tpu.vector_load %arg9[%get3A_1067, %get3A_1068] {strides = array<i32>} : memref<128x128xf32, #tpu.memory_space<vmem>>, vector<1x16xf32>,
        %get3A_1070 = vector.shape_cast %get3A_1069 : vector<1x16xf32> to vector<16xf32>
        %mul3A_1071 = arith.mulf %get3A_1070, %broadcast_in_dim3A_1026 : vector<16xf32>
        %swap3A_1072 = arith.index_cast %add3A_1023 : i32 to index
        %swap3A_1073 = arith.constant 64 : index
        %swap3A_1074 = tpu.vector_load %arg9[%swap3A_1072, %swap3A_1073] {strides = array<i32>} : memref<128x128xf32, #tpu.memory_space<vmem>>, vector<1x16xf32>,
        %swap3A_1075 = vector.shape_cast %swap3A_1074 : vector<1x16xf32> to vector<16xf32>
        %swap3A_1076 = vector.shape_cast %mul3A_1071 : vector<16xf32> to vector<1x16xf32>
        tpu.vector_store %arg9[%swap3A_1072, %swap3A_1073], %swap3A_1076 {strides = array<i32>} : memref<128x128xf32, #tpu.memory_space<vmem>>, vector<1x16xf32>,
        %get3A_1077 = arith.index_cast %add3A_1023 : i32 to index
        %get3A_1078 = arith.constant 80 : index
        %get3A_1079 = tpu.vector_load %arg9[%get3A_1077, %get3A_1078] {strides = array<i32>} : memref<128x128xf32, #tpu.memory_space<vmem>>, vector<1x16xf32>,
        %get3A_1080 = vector.shape_cast %get3A_1079 : vector<1x16xf32> to vector<16xf32>
        %mul3A_1081 = arith.mulf %get3A_1080, %broadcast_in_dim3A_1026 : vector<16xf32>
        %swap3A_1082 = arith.index_cast %add3A_1023 : i32 to index
        %swap3A_1083 = arith.constant 80 : index
        %swap3A_1084 = tpu.vector_load %arg9[%swap3A_1082, %swap3A_1083] {strides = array<i32>} : memref<128x128xf32, #tpu.memory_space<vmem>>, vector<1x16xf32>,
        %swap3A_1085 = vector.shape_cast %swap3A_1084 : vector<1x16xf32> to vector<16xf32>
        %swap3A_1086 = vector.shape_cast %mul3A_1081 : vector<16xf32> to vector<1x16xf32>
        tpu.vector_store %arg9[%swap3A_1082, %swap3A_1083], %swap3A_1086 {strides = array<i32>} : memref<128x128xf32, #tpu.memory_space<vmem>>, vector<1x16xf32>,
        %get3A_1087 = arith.index_cast %add3A_1023 : i32 to index
        %get3A_1088 = arith.constant 96 : index
        %get3A_1089 = tpu.vector_load %arg9[%get3A_1087, %get3A_1088] {strides = array<i32>} : memref<128x128xf32, #tpu.memory_space<vmem>>, vector<1x16xf32>,
        %get3A_1090 = vector.shape_cast %get3A_1089 : vector<1x16xf32> to vector<16xf32>
        %mul3A_1091 = arith.mulf %get3A_1090, %broadcast_in_dim3A_1026 : vector<16xf32>
        %swap3A_1092 = arith.index_cast %add3A_1023 : i32 to index
        %swap3A_1093 = arith.constant 96 : index
        %swap3A_1094 = tpu.vector_load %arg9[%swap3A_1092, %swap3A_1093] {strides = array<i32>} : memref<128x128xf32, #tpu.memory_space<vmem>>, vector<1x16xf32>,
        %swap3A_1095 = vector.shape_cast %swap3A_1094 : vector<1x16xf32> to vector<16xf32>
        %swap3A_1096 = vector.shape_cast %mul3A_1091 : vector<16xf32> to vector<1x16xf32>
        tpu.vector_store %arg9[%swap3A_1092, %swap3A_1093], %swap3A_1096 {strides = array<i32>} : memref<128x128xf32, #tpu.memory_space<vmem>>, vector<1x16xf32>,
        %get3A_1097 = arith.index_cast %add3A_1023 : i32 to index
        %get3A_1098 = arith.constant 112 : index
        %get3A_1099 = tpu.vector_load %arg9[%get3A_1097, %get3A_1098] {strides = array<i32>} : memref<128x128xf32, #tpu.memory_space<vmem>>, vector<1x16xf32>,
        %get3A_1100 = vector.shape_cast %get3A_1099 : vector<1x16xf32> to vector<16xf32>
        %mul3A_1101 = arith.mulf %get3A_1100, %broadcast_in_dim3A_1026 : vector<16xf32>
        %swap3A_1102 = arith.index_cast %add3A_1023 : i32 to index
        %swap3A_1103 = arith.constant 112 : index
        %swap3A_1104 = tpu.vector_load %arg9[%swap3A_1102, %swap3A_1103] {strides = array<i32>} : memref<128x128xf32, #tpu.memory_space<vmem>>, vector<1x16xf32>,
        %swap3A_1105 = vector.shape_cast %swap3A_1104 : vector<1x16xf32> to vector<16xf32>
        %swap3A_1106 = vector.shape_cast %mul3A_1101 : vector<16xf32> to vector<1x16xf32>
        tpu.vector_store %arg9[%swap3A_1102, %swap3A_1103], %swap3A_1106 {strides = array<i32>} : memref<128x128xf32, #tpu.memory_space<vmem>>, vector<1x16xf32>,
        %mul3A_1107 = arith.constant 16 : i32
        %mul3A_1108 = arith.muli %scan3A_62, %mul3A_1107 : i32
        %add3A_1109 = arith.constant 12 : i32
        %add3A_1110 = arith.addi %mul3A_1108, %add3A_1109 : i32
        %slice3A_1111 = vector.extract_strided_slice %get3A_66 {offsets = [12], sizes = [1], strides = [1]} : vector<16xf32> to vector<1xf32>
        %squeeze3A_1112 = vector.extract %slice3A_1111[0] : f32 from vector<1xf32>
        %broadcast_in_dim3A_1113 = vector.broadcast %squeeze3A_1112 : f32 to vector<16xf32>
        %get3A_1114 = arith.index_cast %add3A_1110 : i32 to index
        %get3A_1115 = arith.constant 0 : index
        %get3A_1116 = tpu.vector_load %arg9[%get3A_1114, %get3A_1115] {strides = array<i32>} : memref<128x128xf32, #tpu.memory_space<vmem>>, vector<1x16xf32>,
        %get3A_1117 = vector.shape_cast %get3A_1116 : vector<1x16xf32> to vector<16xf32>
        %mul3A_1118 = arith.mulf %get3A_1117, %broadcast_in_dim3A_1113 : vector<16xf32>
        %swap3A_1119 = arith.index_cast %add3A_1110 : i32 to index
        %swap3A_1120 = arith.constant 0 : index
        %swap3A_1121 = tpu.vector_load %arg9[%swap3A_1119, %swap3A_1120] {strides = array<i32>} : memref<128x128xf32, #tpu.memory_space<vmem>>, vector<1x16xf32>,
        %swap3A_1122 = vector.shape_cast %swap3A_1121 : vector<1x16xf32> to vector<16xf32>
        %swap3A_1123 = vector.shape_cast %mul3A_1118 : vector<16xf32> to vector<1x16xf32>
        tpu.vector_store %arg9[%swap3A_1119, %swap3A_1120], %swap3A_1123 {strides = array<i32>} : memref<128x128xf32, #tpu.memory_space<vmem>>, vector<1x16xf32>,
        %get3A_1124 = arith.index_cast %add3A_1110 : i32 to index
        %get3A_1125 = arith.constant 16 : index
        %get3A_1126 = tpu.vector_load %arg9[%get3A_1124, %get3A_1125] {strides = array<i32>} : memref<128x128xf32, #tpu.memory_space<vmem>>, vector<1x16xf32>,
        %get3A_1127 = vector.shape_cast %get3A_1126 : vector<1x16xf32> to vector<16xf32>
        %mul3A_1128 = arith.mulf %get3A_1127, %broadcast_in_dim3A_1113 : vector<16xf32>
        %swap3A_1129 = arith.index_cast %add3A_1110 : i32 to index
        %swap3A_1130 = arith.constant 16 : index
        %swap3A_1131 = tpu.vector_load %arg9[%swap3A_1129, %swap3A_1130] {strides = array<i32>} : memref<128x128xf32, #tpu.memory_space<vmem>>, vector<1x16xf32>,
        %swap3A_1132 = vector.shape_cast %swap3A_1131 : vector<1x16xf32> to vector<16xf32>
        %swap3A_1133 = vector.shape_cast %mul3A_1128 : vector<16xf32> to vector<1x16xf32>
        tpu.vector_store %arg9[%swap3A_1129, %swap3A_1130], %swap3A_1133 {strides = array<i32>} : memref<128x128xf32, #tpu.memory_space<vmem>>, vector<1x16xf32>,
        %get3A_1134 = arith.index_cast %add3A_1110 : i32 to index
        %get3A_1135 = arith.constant 32 : index
        %get3A_1136 = tpu.vector_load %arg9[%get3A_1134, %get3A_1135] {strides = array<i32>} : memref<128x128xf32, #tpu.memory_space<vmem>>, vector<1x16xf32>,
        %get3A_1137 = vector.shape_cast %get3A_1136 : vector<1x16xf32> to vector<16xf32>
        %mul3A_1138 = arith.mulf %get3A_1137, %broadcast_in_dim3A_1113 : vector<16xf32>
        %swap3A_1139 = arith.index_cast %add3A_1110 : i32 to index
        %swap3A_1140 = arith.constant 32 : index
        %swap3A_1141 = tpu.vector_load %arg9[%swap3A_1139, %swap3A_1140] {strides = array<i32>} : memref<128x128xf32, #tpu.memory_space<vmem>>, vector<1x16xf32>,
        %swap3A_1142 = vector.shape_cast %swap3A_1141 : vector<1x16xf32> to vector<16xf32>
        %swap3A_1143 = vector.shape_cast %mul3A_1138 : vector<16xf32> to vector<1x16xf32>
        tpu.vector_store %arg9[%swap3A_1139, %swap3A_1140], %swap3A_1143 {strides = array<i32>} : memref<128x128xf32, #tpu.memory_space<vmem>>, vector<1x16xf32>,
        %get3A_1144 = arith.index_cast %add3A_1110 : i32 to index
        %get3A_1145 = arith.constant 48 : index
        %get3A_1146 = tpu.vector_load %arg9[%get3A_1144, %get3A_1145] {strides = array<i32>} : memref<128x128xf32, #tpu.memory_space<vmem>>, vector<1x16xf32>,
        %get3A_1147 = vector.shape_cast %get3A_1146 : vector<1x16xf32> to vector<16xf32>
        %mul3A_1148 = arith.mulf %get3A_1147, %broadcast_in_dim3A_1113 : vector<16xf32>
        %swap3A_1149 = arith.index_cast %add3A_1110 : i32 to index
        %swap3A_1150 = arith.constant 48 : index
        %swap3A_1151 = tpu.vector_load %arg9[%swap3A_1149, %swap3A_1150] {strides = array<i32>} : memref<128x128xf32, #tpu.memory_space<vmem>>, vector<1x16xf32>,
        %swap3A_1152 = vector.shape_cast %swap3A_1151 : vector<1x16xf32> to vector<16xf32>
        %swap3A_1153 = vector.shape_cast %mul3A_1148 : vector<16xf32> to vector<1x16xf32>
        tpu.vector_store %arg9[%swap3A_1149, %swap3A_1150], %swap3A_1153 {strides = array<i32>} : memref<128x128xf32, #tpu.memory_space<vmem>>, vector<1x16xf32>,
        %get3A_1154 = arith.index_cast %add3A_1110 : i32 to index
        %get3A_1155 = arith.constant 64 : index
        %get3A_1156 = tpu.vector_load %arg9[%get3A_1154, %get3A_1155] {strides = array<i32>} : memref<128x128xf32, #tpu.memory_space<vmem>>, vector<1x16xf32>,
        %get3A_1157 = vector.shape_cast %get3A_1156 : vector<1x16xf32> to vector<16xf32>
        %mul3A_1158 = arith.mulf %get3A_1157, %broadcast_in_dim3A_1113 : vector<16xf32>
        %swap3A_1159 = arith.index_cast %add3A_1110 : i32 to index
        %swap3A_1160 = arith.constant 64 : index
        %swap3A_1161 = tpu.vector_load %arg9[%swap3A_1159, %swap3A_1160] {strides = array<i32>} : memref<128x128xf32, #tpu.memory_space<vmem>>, vector<1x16xf32>,
        %swap3A_1162 = vector.shape_cast %swap3A_1161 : vector<1x16xf32> to vector<16xf32>
        %swap3A_1163 = vector.shape_cast %mul3A_1158 : vector<16xf32> to vector<1x16xf32>
        tpu.vector_store %arg9[%swap3A_1159, %swap3A_1160], %swap3A_1163 {strides = array<i32>} : memref<128x128xf32, #tpu.memory_space<vmem>>, vector<1x16xf32>,
        %get3A_1164 = arith.index_cast %add3A_1110 : i32 to index
        %get3A_1165 = arith.constant 80 : index
        %get3A_1166 = tpu.vector_load %arg9[%get3A_1164, %get3A_1165] {strides = array<i32>} : memref<128x128xf32, #tpu.memory_space<vmem>>, vector<1x16xf32>,
        %get3A_1167 = vector.shape_cast %get3A_1166 : vector<1x16xf32> to vector<16xf32>
        %mul3A_1168 = arith.mulf %get3A_1167, %broadcast_in_dim3A_1113 : vector<16xf32>
        %swap3A_1169 = arith.index_cast %add3A_1110 : i32 to index
        %swap3A_1170 = arith.constant 80 : index
        %swap3A_1171 = tpu.vector_load %arg9[%swap3A_1169, %swap3A_1170] {strides = array<i32>} : memref<128x128xf32, #tpu.memory_space<vmem>>, vector<1x16xf32>,
        %swap3A_1172 = vector.shape_cast %swap3A_1171 : vector<1x16xf32> to vector<16xf32>
        %swap3A_1173 = vector.shape_cast %mul3A_1168 : vector<16xf32> to vector<1x16xf32>
        tpu.vector_store %arg9[%swap3A_1169, %swap3A_1170], %swap3A_1173 {strides = array<i32>} : memref<128x128xf32, #tpu.memory_space<vmem>>, vector<1x16xf32>,
        %get3A_1174 = arith.index_cast %add3A_1110 : i32 to index
        %get3A_1175 = arith.constant 96 : index
        %get3A_1176 = tpu.vector_load %arg9[%get3A_1174, %get3A_1175] {strides = array<i32>} : memref<128x128xf32, #tpu.memory_space<vmem>>, vector<1x16xf32>,
        %get3A_1177 = vector.shape_cast %get3A_1176 : vector<1x16xf32> to vector<16xf32>
        %mul3A_1178 = arith.mulf %get3A_1177, %broadcast_in_dim3A_1113 : vector<16xf32>
        %swap3A_1179 = arith.index_cast %add3A_1110 : i32 to index
        %swap3A_1180 = arith.constant 96 : index
        %swap3A_1181 = tpu.vector_load %arg9[%swap3A_1179, %swap3A_1180] {strides = array<i32>} : memref<128x128xf32, #tpu.memory_space<vmem>>, vector<1x16xf32>,
        %swap3A_1182 = vector.shape_cast %swap3A_1181 : vector<1x16xf32> to vector<16xf32>
        %swap3A_1183 = vector.shape_cast %mul3A_1178 : vector<16xf32> to vector<1x16xf32>
        tpu.vector_store %arg9[%swap3A_1179, %swap3A_1180], %swap3A_1183 {strides = array<i32>} : memref<128x128xf32, #tpu.memory_space<vmem>>, vector<1x16xf32>,
        %get3A_1184 = arith.index_cast %add3A_1110 : i32 to index
        %get3A_1185 = arith.constant 112 : index
        %get3A_1186 = tpu.vector_load %arg9[%get3A_1184, %get3A_1185] {strides = array<i32>} : memref<128x128xf32, #tpu.memory_space<vmem>>, vector<1x16xf32>,
        %get3A_1187 = vector.shape_cast %get3A_1186 : vector<1x16xf32> to vector<16xf32>
        %mul3A_1188 = arith.mulf %get3A_1187, %broadcast_in_dim3A_1113 : vector<16xf32>
        %swap3A_1189 = arith.index_cast %add3A_1110 : i32 to index
        %swap3A_1190 = arith.constant 112 : index
        %swap3A_1191 = tpu.vector_load %arg9[%swap3A_1189, %swap3A_1190] {strides = array<i32>} : memref<128x128xf32, #tpu.memory_space<vmem>>, vector<1x16xf32>,
        %swap3A_1192 = vector.shape_cast %swap3A_1191 : vector<1x16xf32> to vector<16xf32>
        %swap3A_1193 = vector.shape_cast %mul3A_1188 : vector<16xf32> to vector<1x16xf32>
        tpu.vector_store %arg9[%swap3A_1189, %swap3A_1190], %swap3A_1193 {strides = array<i32>} : memref<128x128xf32, #tpu.memory_space<vmem>>, vector<1x16xf32>,
        %mul3A_1194 = arith.constant 16 : i32
        %mul3A_1195 = arith.muli %scan3A_62, %mul3A_1194 : i32
        %add3A_1196 = arith.constant 13 : i32
        %add3A_1197 = arith.addi %mul3A_1195, %add3A_1196 : i32
        %slice3A_1198 = vector.extract_strided_slice %get3A_66 {offsets = [13], sizes = [1], strides = [1]} : vector<16xf32> to vector<1xf32>
        %squeeze3A_1199 = vector.extract %slice3A_1198[0] : f32 from vector<1xf32>
        %broadcast_in_dim3A_1200 = vector.broadcast %squeeze3A_1199 : f32 to vector<16xf32>
        %get3A_1201 = arith.index_cast %add3A_1197 : i32 to index
        %get3A_1202 = arith.constant 0 : index
        %get3A_1203 = tpu.vector_load %arg9[%get3A_1201, %get3A_1202] {strides = array<i32>} : memref<128x128xf32, #tpu.memory_space<vmem>>, vector<1x16xf32>,
        %get3A_1204 = vector.shape_cast %get3A_1203 : vector<1x16xf32> to vector<16xf32>
        %mul3A_1205 = arith.mulf %get3A_1204, %broadcast_in_dim3A_1200 : vector<16xf32>
        %swap3A_1206 = arith.index_cast %add3A_1197 : i32 to index
        %swap3A_1207 = arith.constant 0 : index
        %swap3A_1208 = tpu.vector_load %arg9[%swap3A_1206, %swap3A_1207] {strides = array<i32>} : memref<128x128xf32, #tpu.memory_space<vmem>>, vector<1x16xf32>,
        %swap3A_1209 = vector.shape_cast %swap3A_1208 : vector<1x16xf32> to vector<16xf32>
        %swap3A_1210 = vector.shape_cast %mul3A_1205 : vector<16xf32> to vector<1x16xf32>
        tpu.vector_store %arg9[%swap3A_1206, %swap3A_1207], %swap3A_1210 {strides = array<i32>} : memref<128x128xf32, #tpu.memory_space<vmem>>, vector<1x16xf32>,
        %get3A_1211 = arith.index_cast %add3A_1197 : i32 to index
        %get3A_1212 = arith.constant 16 : index
        %get3A_1213 = tpu.vector_load %arg9[%get3A_1211, %get3A_1212] {strides = array<i32>} : memref<128x128xf32, #tpu.memory_space<vmem>>, vector<1x16xf32>,
        %get3A_1214 = vector.shape_cast %get3A_1213 : vector<1x16xf32> to vector<16xf32>
        %mul3A_1215 = arith.mulf %get3A_1214, %broadcast_in_dim3A_1200 : vector<16xf32>
        %swap3A_1216 = arith.index_cast %add3A_1197 : i32 to index
        %swap3A_1217 = arith.constant 16 : index
        %swap3A_1218 = tpu.vector_load %arg9[%swap3A_1216, %swap3A_1217] {strides = array<i32>} : memref<128x128xf32, #tpu.memory_space<vmem>>, vector<1x16xf32>,
        %swap3A_1219 = vector.shape_cast %swap3A_1218 : vector<1x16xf32> to vector<16xf32>
        %swap3A_1220 = vector.shape_cast %mul3A_1215 : vector<16xf32> to vector<1x16xf32>
        tpu.vector_store %arg9[%swap3A_1216, %swap3A_1217], %swap3A_1220 {strides = array<i32>} : memref<128x128xf32, #tpu.memory_space<vmem>>, vector<1x16xf32>,
        %get3A_1221 = arith.index_cast %add3A_1197 : i32 to index
        %get3A_1222 = arith.constant 32 : index
        %get3A_1223 = tpu.vector_load %arg9[%get3A_1221, %get3A_1222] {strides = array<i32>} : memref<128x128xf32, #tpu.memory_space<vmem>>, vector<1x16xf32>,
        %get3A_1224 = vector.shape_cast %get3A_1223 : vector<1x16xf32> to vector<16xf32>
        %mul3A_1225 = arith.mulf %get3A_1224, %broadcast_in_dim3A_1200 : vector<16xf32>
        %swap3A_1226 = arith.index_cast %add3A_1197 : i32 to index
        %swap3A_1227 = arith.constant 32 : index
        %swap3A_1228 = tpu.vector_load %arg9[%swap3A_1226, %swap3A_1227] {strides = array<i32>} : memref<128x128xf32, #tpu.memory_space<vmem>>, vector<1x16xf32>,
        %swap3A_1229 = vector.shape_cast %swap3A_1228 : vector<1x16xf32> to vector<16xf32>
        %swap3A_1230 = vector.shape_cast %mul3A_1225 : vector<16xf32> to vector<1x16xf32>
        tpu.vector_store %arg9[%swap3A_1226, %swap3A_1227], %swap3A_1230 {strides = array<i32>} : memref<128x128xf32, #tpu.memory_space<vmem>>, vector<1x16xf32>,
        %get3A_1231 = arith.index_cast %add3A_1197 : i32 to index
        %get3A_1232 = arith.constant 48 : index
        %get3A_1233 = tpu.vector_load %arg9[%get3A_1231, %get3A_1232] {strides = array<i32>} : memref<128x128xf32, #tpu.memory_space<vmem>>, vector<1x16xf32>,
        %get3A_1234 = vector.shape_cast %get3A_1233 : vector<1x16xf32> to vector<16xf32>
        %mul3A_1235 = arith.mulf %get3A_1234, %broadcast_in_dim3A_1200 : vector<16xf32>
        %swap3A_1236 = arith.index_cast %add3A_1197 : i32 to index
        %swap3A_1237 = arith.constant 48 : index
        %swap3A_1238 = tpu.vector_load %arg9[%swap3A_1236, %swap3A_1237] {strides = array<i32>} : memref<128x128xf32, #tpu.memory_space<vmem>>, vector<1x16xf32>,
        %swap3A_1239 = vector.shape_cast %swap3A_1238 : vector<1x16xf32> to vector<16xf32>
        %swap3A_1240 = vector.shape_cast %mul3A_1235 : vector<16xf32> to vector<1x16xf32>
        tpu.vector_store %arg9[%swap3A_1236, %swap3A_1237], %swap3A_1240 {strides = array<i32>} : memref<128x128xf32, #tpu.memory_space<vmem>>, vector<1x16xf32>,
        %get3A_1241 = arith.index_cast %add3A_1197 : i32 to index
        %get3A_1242 = arith.constant 64 : index
        %get3A_1243 = tpu.vector_load %arg9[%get3A_1241, %get3A_1242] {strides = array<i32>} : memref<128x128xf32, #tpu.memory_space<vmem>>, vector<1x16xf32>,
        %get3A_1244 = vector.shape_cast %get3A_1243 : vector<1x16xf32> to vector<16xf32>
        %mul3A_1245 = arith.mulf %get3A_1244, %broadcast_in_dim3A_1200 : vector<16xf32>
        %swap3A_1246 = arith.index_cast %add3A_1197 : i32 to index
        %swap3A_1247 = arith.constant 64 : index
        %swap3A_1248 = tpu.vector_load %arg9[%swap3A_1246, %swap3A_1247] {strides = array<i32>} : memref<128x128xf32, #tpu.memory_space<vmem>>, vector<1x16xf32>,
        %swap3A_1249 = vector.shape_cast %swap3A_1248 : vector<1x16xf32> to vector<16xf32>
        %swap3A_1250 = vector.shape_cast %mul3A_1245 : vector<16xf32> to vector<1x16xf32>
        tpu.vector_store %arg9[%swap3A_1246, %swap3A_1247], %swap3A_1250 {strides = array<i32>} : memref<128x128xf32, #tpu.memory_space<vmem>>, vector<1x16xf32>,
        %get3A_1251 = arith.index_cast %add3A_1197 : i32 to index
        %get3A_1252 = arith.constant 80 : index
        %get3A_1253 = tpu.vector_load %arg9[%get3A_1251, %get3A_1252] {strides = array<i32>} : memref<128x128xf32, #tpu.memory_space<vmem>>, vector<1x16xf32>,
        %get3A_1254 = vector.shape_cast %get3A_1253 : vector<1x16xf32> to vector<16xf32>
        %mul3A_1255 = arith.mulf %get3A_1254, %broadcast_in_dim3A_1200 : vector<16xf32>
        %swap3A_1256 = arith.index_cast %add3A_1197 : i32 to index
        %swap3A_1257 = arith.constant 80 : index
        %swap3A_1258 = tpu.vector_load %arg9[%swap3A_1256, %swap3A_1257] {strides = array<i32>} : memref<128x128xf32, #tpu.memory_space<vmem>>, vector<1x16xf32>,
        %swap3A_1259 = vector.shape_cast %swap3A_1258 : vector<1x16xf32> to vector<16xf32>
        %swap3A_1260 = vector.shape_cast %mul3A_1255 : vector<16xf32> to vector<1x16xf32>
        tpu.vector_store %arg9[%swap3A_1256, %swap3A_1257], %swap3A_1260 {strides = array<i32>} : memref<128x128xf32, #tpu.memory_space<vmem>>, vector<1x16xf32>,
        %get3A_1261 = arith.index_cast %add3A_1197 : i32 to index
        %get3A_1262 = arith.constant 96 : index
        %get3A_1263 = tpu.vector_load %arg9[%get3A_1261, %get3A_1262] {strides = array<i32>} : memref<128x128xf32, #tpu.memory_space<vmem>>, vector<1x16xf32>,
        %get3A_1264 = vector.shape_cast %get3A_1263 : vector<1x16xf32> to vector<16xf32>
        %mul3A_1265 = arith.mulf %get3A_1264, %broadcast_in_dim3A_1200 : vector<16xf32>
        %swap3A_1266 = arith.index_cast %add3A_1197 : i32 to index
        %swap3A_1267 = arith.constant 96 : index
        %swap3A_1268 = tpu.vector_load %arg9[%swap3A_1266, %swap3A_1267] {strides = array<i32>} : memref<128x128xf32, #tpu.memory_space<vmem>>, vector<1x16xf32>,
        %swap3A_1269 = vector.shape_cast %swap3A_1268 : vector<1x16xf32> to vector<16xf32>
        %swap3A_1270 = vector.shape_cast %mul3A_1265 : vector<16xf32> to vector<1x16xf32>
        tpu.vector_store %arg9[%swap3A_1266, %swap3A_1267], %swap3A_1270 {strides = array<i32>} : memref<128x128xf32, #tpu.memory_space<vmem>>, vector<1x16xf32>,
        %get3A_1271 = arith.index_cast %add3A_1197 : i32 to index
        %get3A_1272 = arith.constant 112 : index
        %get3A_1273 = tpu.vector_load %arg9[%get3A_1271, %get3A_1272] {strides = array<i32>} : memref<128x128xf32, #tpu.memory_space<vmem>>, vector<1x16xf32>,
        %get3A_1274 = vector.shape_cast %get3A_1273 : vector<1x16xf32> to vector<16xf32>
        %mul3A_1275 = arith.mulf %get3A_1274, %broadcast_in_dim3A_1200 : vector<16xf32>
        %swap3A_1276 = arith.index_cast %add3A_1197 : i32 to index
        %swap3A_1277 = arith.constant 112 : index
        %swap3A_1278 = tpu.vector_load %arg9[%swap3A_1276, %swap3A_1277] {strides = array<i32>} : memref<128x128xf32, #tpu.memory_space<vmem>>, vector<1x16xf32>,
        %swap3A_1279 = vector.shape_cast %swap3A_1278 : vector<1x16xf32> to vector<16xf32>
        %swap3A_1280 = vector.shape_cast %mul3A_1275 : vector<16xf32> to vector<1x16xf32>
        tpu.vector_store %arg9[%swap3A_1276, %swap3A_1277], %swap3A_1280 {strides = array<i32>} : memref<128x128xf32, #tpu.memory_space<vmem>>, vector<1x16xf32>,
        %mul3A_1281 = arith.constant 16 : i32
        %mul3A_1282 = arith.muli %scan3A_62, %mul3A_1281 : i32
        %add3A_1283 = arith.constant 14 : i32
        %add3A_1284 = arith.addi %mul3A_1282, %add3A_1283 : i32
        %slice3A_1285 = vector.extract_strided_slice %get3A_66 {offsets = [14], sizes = [1], strides = [1]} : vector<16xf32> to vector<1xf32>
        %squeeze3A_1286 = vector.extract %slice3A_1285[0] : f32 from vector<1xf32>
        %broadcast_in_dim3A_1287 = vector.broadcast %squeeze3A_1286 : f32 to vector<16xf32>
        %get3A_1288 = arith.index_cast %add3A_1284 : i32 to index
        %get3A_1289 = arith.constant 0 : index
        %get3A_1290 = tpu.vector_load %arg9[%get3A_1288, %get3A_1289] {strides = array<i32>} : memref<128x128xf32, #tpu.memory_space<vmem>>, vector<1x16xf32>,
        %get3A_1291 = vector.shape_cast %get3A_1290 : vector<1x16xf32> to vector<16xf32>
        %mul3A_1292 = arith.mulf %get3A_1291, %broadcast_in_dim3A_1287 : vector<16xf32>
        %swap3A_1293 = arith.index_cast %add3A_1284 : i32 to index
        %swap3A_1294 = arith.constant 0 : index
        %swap3A_1295 = tpu.vector_load %arg9[%swap3A_1293, %swap3A_1294] {strides = array<i32>} : memref<128x128xf32, #tpu.memory_space<vmem>>, vector<1x16xf32>,
        %swap3A_1296 = vector.shape_cast %swap3A_1295 : vector<1x16xf32> to vector<16xf32>
        %swap3A_1297 = vector.shape_cast %mul3A_1292 : vector<16xf32> to vector<1x16xf32>
        tpu.vector_store %arg9[%swap3A_1293, %swap3A_1294], %swap3A_1297 {strides = array<i32>} : memref<128x128xf32, #tpu.memory_space<vmem>>, vector<1x16xf32>,
        %get3A_1298 = arith.index_cast %add3A_1284 : i32 to index
        %get3A_1299 = arith.constant 16 : index
        %get3A_1300 = tpu.vector_load %arg9[%get3A_1298, %get3A_1299] {strides = array<i32>} : memref<128x128xf32, #tpu.memory_space<vmem>>, vector<1x16xf32>,
        %get3A_1301 = vector.shape_cast %get3A_1300 : vector<1x16xf32> to vector<16xf32>
        %mul3A_1302 = arith.mulf %get3A_1301, %broadcast_in_dim3A_1287 : vector<16xf32>
        %swap3A_1303 = arith.index_cast %add3A_1284 : i32 to index
        %swap3A_1304 = arith.constant 16 : index
        %swap3A_1305 = tpu.vector_load %arg9[%swap3A_1303, %swap3A_1304] {strides = array<i32>} : memref<128x128xf32, #tpu.memory_space<vmem>>, vector<1x16xf32>,
        %swap3A_1306 = vector.shape_cast %swap3A_1305 : vector<1x16xf32> to vector<16xf32>
        %swap3A_1307 = vector.shape_cast %mul3A_1302 : vector<16xf32> to vector<1x16xf32>
        tpu.vector_store %arg9[%swap3A_1303, %swap3A_1304], %swap3A_1307 {strides = array<i32>} : memref<128x128xf32, #tpu.memory_space<vmem>>, vector<1x16xf32>,
        %get3A_1308 = arith.index_cast %add3A_1284 : i32 to index
        %get3A_1309 = arith.constant 32 : index
        %get3A_1310 = tpu.vector_load %arg9[%get3A_1308, %get3A_1309] {strides = array<i32>} : memref<128x128xf32, #tpu.memory_space<vmem>>, vector<1x16xf32>,
        %get3A_1311 = vector.shape_cast %get3A_1310 : vector<1x16xf32> to vector<16xf32>
        %mul3A_1312 = arith.mulf %get3A_1311, %broadcast_in_dim3A_1287 : vector<16xf32>
        %swap3A_1313 = arith.index_cast %add3A_1284 : i32 to index
        %swap3A_1314 = arith.constant 32 : index
        %swap3A_1315 = tpu.vector_load %arg9[%swap3A_1313, %swap3A_1314] {strides = array<i32>} : memref<128x128xf32, #tpu.memory_space<vmem>>, vector<1x16xf32>,
        %swap3A_1316 = vector.shape_cast %swap3A_1315 : vector<1x16xf32> to vector<16xf32>
        %swap3A_1317 = vector.shape_cast %mul3A_1312 : vector<16xf32> to vector<1x16xf32>
        tpu.vector_store %arg9[%swap3A_1313, %swap3A_1314], %swap3A_1317 {strides = array<i32>} : memref<128x128xf32, #tpu.memory_space<vmem>>, vector<1x16xf32>,
        %get3A_1318 = arith.index_cast %add3A_1284 : i32 to index
        %get3A_1319 = arith.constant 48 : index
        %get3A_1320 = tpu.vector_load %arg9[%get3A_1318, %get3A_1319] {strides = array<i32>} : memref<128x128xf32, #tpu.memory_space<vmem>>, vector<1x16xf32>,
        %get3A_1321 = vector.shape_cast %get3A_1320 : vector<1x16xf32> to vector<16xf32>
        %mul3A_1322 = arith.mulf %get3A_1321, %broadcast_in_dim3A_1287 : vector<16xf32>
        %swap3A_1323 = arith.index_cast %add3A_1284 : i32 to index
        %swap3A_1324 = arith.constant 48 : index
        %swap3A_1325 = tpu.vector_load %arg9[%swap3A_1323, %swap3A_1324] {strides = array<i32>} : memref<128x128xf32, #tpu.memory_space<vmem>>, vector<1x16xf32>,
        %swap3A_1326 = vector.shape_cast %swap3A_1325 : vector<1x16xf32> to vector<16xf32>
        %swap3A_1327 = vector.shape_cast %mul3A_1322 : vector<16xf32> to vector<1x16xf32>
        tpu.vector_store %arg9[%swap3A_1323, %swap3A_1324], %swap3A_1327 {strides = array<i32>} : memref<128x128xf32, #tpu.memory_space<vmem>>, vector<1x16xf32>,
        %get3A_1328 = arith.index_cast %add3A_1284 : i32 to index
        %get3A_1329 = arith.constant 64 : index
        %get3A_1330 = tpu.vector_load %arg9[%get3A_1328, %get3A_1329] {strides = array<i32>} : memref<128x128xf32, #tpu.memory_space<vmem>>, vector<1x16xf32>,
        %get3A_1331 = vector.shape_cast %get3A_1330 : vector<1x16xf32> to vector<16xf32>
        %mul3A_1332 = arith.mulf %get3A_1331, %broadcast_in_dim3A_1287 : vector<16xf32>
        %swap3A_1333 = arith.index_cast %add3A_1284 : i32 to index
        %swap3A_1334 = arith.constant 64 : index
        %swap3A_1335 = tpu.vector_load %arg9[%swap3A_1333, %swap3A_1334] {strides = array<i32>} : memref<128x128xf32, #tpu.memory_space<vmem>>, vector<1x16xf32>,
        %swap3A_1336 = vector.shape_cast %swap3A_1335 : vector<1x16xf32> to vector<16xf32>
        %swap3A_1337 = vector.shape_cast %mul3A_1332 : vector<16xf32> to vector<1x16xf32>
        tpu.vector_store %arg9[%swap3A_1333, %swap3A_1334], %swap3A_1337 {strides = array<i32>} : memref<128x128xf32, #tpu.memory_space<vmem>>, vector<1x16xf32>,
        %get3A_1338 = arith.index_cast %add3A_1284 : i32 to index
        %get3A_1339 = arith.constant 80 : index
        %get3A_1340 = tpu.vector_load %arg9[%get3A_1338, %get3A_1339] {strides = array<i32>} : memref<128x128xf32, #tpu.memory_space<vmem>>, vector<1x16xf32>,
        %get3A_1341 = vector.shape_cast %get3A_1340 : vector<1x16xf32> to vector<16xf32>
        %mul3A_1342 = arith.mulf %get3A_1341, %broadcast_in_dim3A_1287 : vector<16xf32>
        %swap3A_1343 = arith.index_cast %add3A_1284 : i32 to index
        %swap3A_1344 = arith.constant 80 : index
        %swap3A_1345 = tpu.vector_load %arg9[%swap3A_1343, %swap3A_1344] {strides = array<i32>} : memref<128x128xf32, #tpu.memory_space<vmem>>, vector<1x16xf32>,
        %swap3A_1346 = vector.shape_cast %swap3A_1345 : vector<1x16xf32> to vector<16xf32>
        %swap3A_1347 = vector.shape_cast %mul3A_1342 : vector<16xf32> to vector<1x16xf32>
        tpu.vector_store %arg9[%swap3A_1343, %swap3A_1344], %swap3A_1347 {strides = array<i32>} : memref<128x128xf32, #tpu.memory_space<vmem>>, vector<1x16xf32>,
        %get3A_1348 = arith.index_cast %add3A_1284 : i32 to index
        %get3A_1349 = arith.constant 96 : index
        %get3A_1350 = tpu.vector_load %arg9[%get3A_1348, %get3A_1349] {strides = array<i32>} : memref<128x128xf32, #tpu.memory_space<vmem>>, vector<1x16xf32>,
        %get3A_1351 = vector.shape_cast %get3A_1350 : vector<1x16xf32> to vector<16xf32>
        %mul3A_1352 = arith.mulf %get3A_1351, %broadcast_in_dim3A_1287 : vector<16xf32>
        %swap3A_1353 = arith.index_cast %add3A_1284 : i32 to index
        %swap3A_1354 = arith.constant 96 : index
        %swap3A_1355 = tpu.vector_load %arg9[%swap3A_1353, %swap3A_1354] {strides = array<i32>} : memref<128x128xf32, #tpu.memory_space<vmem>>, vector<1x16xf32>,
        %swap3A_1356 = vector.shape_cast %swap3A_1355 : vector<1x16xf32> to vector<16xf32>
        %swap3A_1357 = vector.shape_cast %mul3A_1352 : vector<16xf32> to vector<1x16xf32>
        tpu.vector_store %arg9[%swap3A_1353, %swap3A_1354], %swap3A_1357 {strides = array<i32>} : memref<128x128xf32, #tpu.memory_space<vmem>>, vector<1x16xf32>,
        %get3A_1358 = arith.index_cast %add3A_1284 : i32 to index
        %get3A_1359 = arith.constant 112 : index
        %get3A_1360 = tpu.vector_load %arg9[%get3A_1358, %get3A_1359] {strides = array<i32>} : memref<128x128xf32, #tpu.memory_space<vmem>>, vector<1x16xf32>,
        %get3A_1361 = vector.shape_cast %get3A_1360 : vector<1x16xf32> to vector<16xf32>
        %mul3A_1362 = arith.mulf %get3A_1361, %broadcast_in_dim3A_1287 : vector<16xf32>
        %swap3A_1363 = arith.index_cast %add3A_1284 : i32 to index
        %swap3A_1364 = arith.constant 112 : index
        %swap3A_1365 = tpu.vector_load %arg9[%swap3A_1363, %swap3A_1364] {strides = array<i32>} : memref<128x128xf32, #tpu.memory_space<vmem>>, vector<1x16xf32>,
        %swap3A_1366 = vector.shape_cast %swap3A_1365 : vector<1x16xf32> to vector<16xf32>
        %swap3A_1367 = vector.shape_cast %mul3A_1362 : vector<16xf32> to vector<1x16xf32>
        tpu.vector_store %arg9[%swap3A_1363, %swap3A_1364], %swap3A_1367 {strides = array<i32>} : memref<128x128xf32, #tpu.memory_space<vmem>>, vector<1x16xf32>,
        %mul3A_1368 = arith.constant 16 : i32
        %mul3A_1369 = arith.muli %scan3A_62, %mul3A_1368 : i32
        %add3A_1370 = arith.constant 15 : i32
        %add3A_1371 = arith.addi %mul3A_1369, %add3A_1370 : i32
        %slice3A_1372 = vector.extract_strided_slice %get3A_66 {offsets = [15], sizes = [1], strides = [1]} : vector<16xf32> to vector<1xf32>
        %squeeze3A_1373 = vector.extract %slice3A_1372[0] : f32 from vector<1xf32>
        %broadcast_in_dim3A_1374 = vector.broadcast %squeeze3A_1373 : f32 to vector<16xf32>
        %get3A_1375 = arith.index_cast %add3A_1371 : i32 to index
        %get3A_1376 = arith.constant 0 : index
        %get3A_1377 = tpu.vector_load %arg9[%get3A_1375, %get3A_1376] {strides = array<i32>} : memref<128x128xf32, #tpu.memory_space<vmem>>, vector<1x16xf32>,
        %get3A_1378 = vector.shape_cast %get3A_1377 : vector<1x16xf32> to vector<16xf32>
        %mul3A_1379 = arith.mulf %get3A_1378, %broadcast_in_dim3A_1374 : vector<16xf32>
        %swap3A_1380 = arith.index_cast %add3A_1371 : i32 to index
        %swap3A_1381 = arith.constant 0 : index
        %swap3A_1382 = tpu.vector_load %arg9[%swap3A_1380, %swap3A_1381] {strides = array<i32>} : memref<128x128xf32, #tpu.memory_space<vmem>>, vector<1x16xf32>,
        %swap3A_1383 = vector.shape_cast %swap3A_1382 : vector<1x16xf32> to vector<16xf32>
        %swap3A_1384 = vector.shape_cast %mul3A_1379 : vector<16xf32> to vector<1x16xf32>
        tpu.vector_store %arg9[%swap3A_1380, %swap3A_1381], %swap3A_1384 {strides = array<i32>} : memref<128x128xf32, #tpu.memory_space<vmem>>, vector<1x16xf32>,
        %get3A_1385 = arith.index_cast %add3A_1371 : i32 to index
        %get3A_1386 = arith.constant 16 : index
        %get3A_1387 = tpu.vector_load %arg9[%get3A_1385, %get3A_1386] {strides = array<i32>} : memref<128x128xf32, #tpu.memory_space<vmem>>, vector<1x16xf32>,
        %get3A_1388 = vector.shape_cast %get3A_1387 : vector<1x16xf32> to vector<16xf32>
        %mul3A_1389 = arith.mulf %get3A_1388, %broadcast_in_dim3A_1374 : vector<16xf32>
        %swap3A_1390 = arith.index_cast %add3A_1371 : i32 to index
        %swap3A_1391 = arith.constant 16 : index
        %swap3A_1392 = tpu.vector_load %arg9[%swap3A_1390, %swap3A_1391] {strides = array<i32>} : memref<128x128xf32, #tpu.memory_space<vmem>>, vector<1x16xf32>,
        %swap3A_1393 = vector.shape_cast %swap3A_1392 : vector<1x16xf32> to vector<16xf32>
        %swap3A_1394 = vector.shape_cast %mul3A_1389 : vector<16xf32> to vector<1x16xf32>
        tpu.vector_store %arg9[%swap3A_1390, %swap3A_1391], %swap3A_1394 {strides = array<i32>} : memref<128x128xf32, #tpu.memory_space<vmem>>, vector<1x16xf32>,
        %get3A_1395 = arith.index_cast %add3A_1371 : i32 to index
        %get3A_1396 = arith.constant 32 : index
        %get3A_1397 = tpu.vector_load %arg9[%get3A_1395, %get3A_1396] {strides = array<i32>} : memref<128x128xf32, #tpu.memory_space<vmem>>, vector<1x16xf32>,
        %get3A_1398 = vector.shape_cast %get3A_1397 : vector<1x16xf32> to vector<16xf32>
        %mul3A_1399 = arith.mulf %get3A_1398, %broadcast_in_dim3A_1374 : vector<16xf32>
        %swap3A_1400 = arith.index_cast %add3A_1371 : i32 to index
        %swap3A_1401 = arith.constant 32 : index
        %swap3A_1402 = tpu.vector_load %arg9[%swap3A_1400, %swap3A_1401] {strides = array<i32>} : memref<128x128xf32, #tpu.memory_space<vmem>>, vector<1x16xf32>,
        %swap3A_1403 = vector.shape_cast %swap3A_1402 : vector<1x16xf32> to vector<16xf32>
        %swap3A_1404 = vector.shape_cast %mul3A_1399 : vector<16xf32> to vector<1x16xf32>
        tpu.vector_store %arg9[%swap3A_1400, %swap3A_1401], %swap3A_1404 {strides = array<i32>} : memref<128x128xf32, #tpu.memory_space<vmem>>, vector<1x16xf32>,
        %get3A_1405 = arith.index_cast %add3A_1371 : i32 to index
        %get3A_1406 = arith.constant 48 : index
        %get3A_1407 = tpu.vector_load %arg9[%get3A_1405, %get3A_1406] {strides = array<i32>} : memref<128x128xf32, #tpu.memory_space<vmem>>, vector<1x16xf32>,
        %get3A_1408 = vector.shape_cast %get3A_1407 : vector<1x16xf32> to vector<16xf32>
        %mul3A_1409 = arith.mulf %get3A_1408, %broadcast_in_dim3A_1374 : vector<16xf32>
        %swap3A_1410 = arith.index_cast %add3A_1371 : i32 to index
        %swap3A_1411 = arith.constant 48 : index
        %swap3A_1412 = tpu.vector_load %arg9[%swap3A_1410, %swap3A_1411] {strides = array<i32>} : memref<128x128xf32, #tpu.memory_space<vmem>>, vector<1x16xf32>,
        %swap3A_1413 = vector.shape_cast %swap3A_1412 : vector<1x16xf32> to vector<16xf32>
        %swap3A_1414 = vector.shape_cast %mul3A_1409 : vector<16xf32> to vector<1x16xf32>
        tpu.vector_store %arg9[%swap3A_1410, %swap3A_1411], %swap3A_1414 {strides = array<i32>} : memref<128x128xf32, #tpu.memory_space<vmem>>, vector<1x16xf32>,
        %get3A_1415 = arith.index_cast %add3A_1371 : i32 to index
        %get3A_1416 = arith.constant 64 : index
        %get3A_1417 = tpu.vector_load %arg9[%get3A_1415, %get3A_1416] {strides = array<i32>} : memref<128x128xf32, #tpu.memory_space<vmem>>, vector<1x16xf32>,
        %get3A_1418 = vector.shape_cast %get3A_1417 : vector<1x16xf32> to vector<16xf32>
        %mul3A_1419 = arith.mulf %get3A_1418, %broadcast_in_dim3A_1374 : vector<16xf32>
        %swap3A_1420 = arith.index_cast %add3A_1371 : i32 to index
        %swap3A_1421 = arith.constant 64 : index
        %swap3A_1422 = tpu.vector_load %arg9[%swap3A_1420, %swap3A_1421] {strides = array<i32>} : memref<128x128xf32, #tpu.memory_space<vmem>>, vector<1x16xf32>,
        %swap3A_1423 = vector.shape_cast %swap3A_1422 : vector<1x16xf32> to vector<16xf32>
        %swap3A_1424 = vector.shape_cast %mul3A_1419 : vector<16xf32> to vector<1x16xf32>
        tpu.vector_store %arg9[%swap3A_1420, %swap3A_1421], %swap3A_1424 {strides = array<i32>} : memref<128x128xf32, #tpu.memory_space<vmem>>, vector<1x16xf32>,
        %get3A_1425 = arith.index_cast %add3A_1371 : i32 to index
        %get3A_1426 = arith.constant 80 : index
        %get3A_1427 = tpu.vector_load %arg9[%get3A_1425, %get3A_1426] {strides = array<i32>} : memref<128x128xf32, #tpu.memory_space<vmem>>, vector<1x16xf32>,
        %get3A_1428 = vector.shape_cast %get3A_1427 : vector<1x16xf32> to vector<16xf32>
        %mul3A_1429 = arith.mulf %get3A_1428, %broadcast_in_dim3A_1374 : vector<16xf32>
        %swap3A_1430 = arith.index_cast %add3A_1371 : i32 to index
        %swap3A_1431 = arith.constant 80 : index
        %swap3A_1432 = tpu.vector_load %arg9[%swap3A_1430, %swap3A_1431] {strides = array<i32>} : memref<128x128xf32, #tpu.memory_space<vmem>>, vector<1x16xf32>,
        %swap3A_1433 = vector.shape_cast %swap3A_1432 : vector<1x16xf32> to vector<16xf32>
        %swap3A_1434 = vector.shape_cast %mul3A_1429 : vector<16xf32> to vector<1x16xf32>
        tpu.vector_store %arg9[%swap3A_1430, %swap3A_1431], %swap3A_1434 {strides = array<i32>} : memref<128x128xf32, #tpu.memory_space<vmem>>, vector<1x16xf32>,
        %get3A_1435 = arith.index_cast %add3A_1371 : i32 to index
        %get3A_1436 = arith.constant 96 : index
        %get3A_1437 = tpu.vector_load %arg9[%get3A_1435, %get3A_1436] {strides = array<i32>} : memref<128x128xf32, #tpu.memory_space<vmem>>, vector<1x16xf32>,
        %get3A_1438 = vector.shape_cast %get3A_1437 : vector<1x16xf32> to vector<16xf32>
        %mul3A_1439 = arith.mulf %get3A_1438, %broadcast_in_dim3A_1374 : vector<16xf32>
        %swap3A_1440 = arith.index_cast %add3A_1371 : i32 to index
        %swap3A_1441 = arith.constant 96 : index
        %swap3A_1442 = tpu.vector_load %arg9[%swap3A_1440, %swap3A_1441] {strides = array<i32>} : memref<128x128xf32, #tpu.memory_space<vmem>>, vector<1x16xf32>,
        %swap3A_1443 = vector.shape_cast %swap3A_1442 : vector<1x16xf32> to vector<16xf32>
        %swap3A_1444 = vector.shape_cast %mul3A_1439 : vector<16xf32> to vector<1x16xf32>
        tpu.vector_store %arg9[%swap3A_1440, %swap3A_1441], %swap3A_1444 {strides = array<i32>} : memref<128x128xf32, #tpu.memory_space<vmem>>, vector<1x16xf32>,
        %get3A_1445 = arith.index_cast %add3A_1371 : i32 to index
        %get3A_1446 = arith.constant 112 : index
        %get3A_1447 = tpu.vector_load %arg9[%get3A_1445, %get3A_1446] {strides = array<i32>} : memref<128x128xf32, #tpu.memory_space<vmem>>, vector<1x16xf32>,
        %get3A_1448 = vector.shape_cast %get3A_1447 : vector<1x16xf32> to vector<16xf32>
        %mul3A_1449 = arith.mulf %get3A_1448, %broadcast_in_dim3A_1374 : vector<16xf32>
        %swap3A_1450 = arith.index_cast %add3A_1371 : i32 to index
        %swap3A_1451 = arith.constant 112 : index
        %swap3A_1452 = tpu.vector_load %arg9[%swap3A_1450, %swap3A_1451] {strides = array<i32>} : memref<128x128xf32, #tpu.memory_space<vmem>>, vector<1x16xf32>,
        %swap3A_1453 = vector.shape_cast %swap3A_1452 : vector<1x16xf32> to vector<16xf32>
        %swap3A_1454 = vector.shape_cast %mul3A_1449 : vector<16xf32> to vector<1x16xf32>
        tpu.vector_store %arg9[%swap3A_1450, %swap3A_1451], %swap3A_1454 {strides = array<i32>} : memref<128x128xf32, #tpu.memory_space<vmem>>, vector<1x16xf32>,
      }
      %scan3A_61 = arith.constant 8 : i32
      %run_scoped3A = arith.constant 1 : i32
      "tpu.region"() ({
        %run_scoped3A_62 = tpu.sem_alloc : memref<!tpu.dma_semaphore, #tpu.memory_space<semaphore_mem>>
        %dma_start3A_63 = arith.constant 0 : i32
        %dma_start3A_64 = tpu.memref_slice %arg7[%run_scoped3A, %dma_start3A_63] : memref<2x128xi32, #tpu.memory_space<vmem>> -> memref<1x128xi32, #tpu.memory_space<vmem>>
        %dma_start3A_65 = tpu.memref_squeeze %dma_start3A_64 : memref<1x128xi32, #tpu.memory_space<vmem>> -> memref<128xi32, #tpu.memory_space<vmem>>
        %dma_start3A_66 = arith.constant 0 : i32
        %dma_start3A_67 = arith.constant 0 : i32
        %dma_start3A_68 = tpu.memref_slice %arg10[%dma_start3A_66, %dma_start3A_67] : memref<10112x128xf32, #tpu.memory_space<vmem_shared>> -> memref<10112x128xf32, #tpu.memory_space<vmem_shared>>
        tpu.enqueue_indirect_dma source(%arg9 : memref<128x128xf32, #tpu.memory_space<vmem>>) target(%dma_start3A_68 : memref<10112x128xf32, #tpu.memory_space<vmem_shared>>) offsets(%dma_start3A_65 : memref<128xi32, #tpu.memory_space<vmem>>) semaphore(%run_scoped3A_62 : memref<!tpu.dma_semaphore, #tpu.memory_space<semaphore_mem>>) {add = true}
        %dma_wait3A_69 = arith.constant 0 : i32
        %dma_wait3A_70 = tpu.memref_slice %arg7[%run_scoped3A, %dma_wait3A_69] : memref<2x128xi32, #tpu.memory_space<vmem>> -> memref<1x128xi32, #tpu.memory_space<vmem>>
        %dma_wait3A_71 = tpu.memref_squeeze %dma_wait3A_70 : memref<1x128xi32, #tpu.memory_space<vmem>> -> memref<128xi32, #tpu.memory_space<vmem>>
        %dma_wait3A_72 = arith.constant 0 : i32
        %dma_wait3A_73 = arith.constant 0 : i32
        %dma_wait3A_74 = tpu.memref_slice %arg10[%dma_wait3A_72, %dma_wait3A_73] : memref<10112x128xf32, #tpu.memory_space<vmem_shared>> -> memref<10112x128xf32, #tpu.memory_space<vmem_shared>>
        tpu.wait_indirect_dma semaphore(%run_scoped3A_62 : memref<!tpu.dma_semaphore, #tpu.memory_space<semaphore_mem>>) src(%arg9 : memref<128x128xf32, #tpu.memory_space<vmem>>) dst(%dma_wait3A_74 : memref<10112x128xf32, #tpu.memory_space<vmem_shared>>)
        tpu.yield
      }) : () -> ()
    }
    %barrier3A_34 = arith.constant 0 : index
    tpu.barrier barrier_id(%barrier3A_34)
    %mul3A_35 = arith.constant 632 : i32
    %mul3A_36 = arith.muli %arg1, %mul3A_35 : i32
    %mul3A_37 = arith.constant 632 : i32
    %mul3A_38 = arith.muli %arg1, %mul3A_37 : i32
    "tpu.region"() ({
      %run_scoped3A = tpu.sem_alloc : memref<!tpu.dma_semaphore, #tpu.memory_space<semaphore_mem>>
      %dma_start3A = arith.constant 0 : i32
      %dma_start3A_39 = tpu.memref_slice %arg6[%arg0, %mul3A_38, %dma_start3A] : memref<2x10112x128xf32, #tpu.memory_space<hbm>> -> memref<1x632x128xf32, #tpu.memory_space<hbm>>
      %dma_start3A_40 = tpu.memref_squeeze %dma_start3A_39 : memref<1x632x128xf32, #tpu.memory_space<hbm>> -> memref<632x128xf32, #tpu.memory_space<hbm>>
      %dma_start3A_41 = arith.constant 0 : i32
      %dma_start3A_42 = tpu.memref_slice %arg10[%mul3A_36, %dma_start3A_41] : memref<10112x128xf32, #tpu.memory_space<vmem_shared>> -> memref<632x128xf32, #tpu.memory_space<vmem_shared>>
      tpu.enqueue_dma source(%dma_start3A_42 : memref<632x128xf32, #tpu.memory_space<vmem_shared>>) target(%dma_start3A_40 : memref<632x128xf32, #tpu.memory_space<hbm>>) target_semaphore(%run_scoped3A : memref<!tpu.dma_semaphore, #tpu.memory_space<semaphore_mem>>)
      %dma_wait3A = arith.constant 0 : i32
      %dma_wait3A_43 = tpu.memref_slice %arg6[%arg0, %mul3A_38, %dma_wait3A] : memref<2x10112x128xf32, #tpu.memory_space<hbm>> -> memref<1x632x128xf32, #tpu.memory_space<hbm>>
      %dma_wait3A_44 = tpu.memref_squeeze %dma_wait3A_43 : memref<1x632x128xf32, #tpu.memory_space<hbm>> -> memref<632x128xf32, #tpu.memory_space<hbm>>
      %dma_wait3A_45 = arith.constant 0 : i32
      %dma_wait3A_46 = tpu.memref_slice %arg10[%mul3A_36, %dma_wait3A_45] : memref<10112x128xf32, #tpu.memory_space<vmem_shared>> -> memref<632x128xf32, #tpu.memory_space<vmem_shared>>
      tpu.wait_dma2 semaphore(%run_scoped3A : memref<!tpu.dma_semaphore, #tpu.memory_space<semaphore_mem>>) src(%dma_wait3A_46 : memref<632x128xf32, #tpu.memory_space<vmem_shared>>) dst(%dma_wait3A_44 : memref<632x128xf32, #tpu.memory_space<hbm>>)
      tpu.yield
    }) : () -> ()
    return
  }
}

module attributes {stable_mosaic.version = 14 : i64} {
  func.func @_add_body(%arg0: i32, %arg1: memref<2x1000x128xf32, #tpu.memory_space<vmem>>, %arg2: memref<1000x128xf32, #tpu.memory_space<vmem>>) attributes {dimension_semantics = [#tpu.dimension_semantics<arbitrary>], iteration_bounds = array<i64: 10>, scalar_prefetch = 0 : i64, scratch_operands = 0 : i64, tpu.core_type = #tpu.core_type<tc>, window_params = [{transform_indices = @transform_0, window_bounds = array<i64: 2, 1000, 128>}, {transform_indices = @transform_1, window_bounds = array<i64: 1000, 128>}]} {
    %get3A = arith.constant 0 : index
    %get3A_0 = arith.constant 0 : index
    %get3A_1 = arith.constant 0 : index
    %get3A_2 = vector.load %arg1[%get3A, %get3A_0, %get3A_1] : memref<2x1000x128xf32, #tpu.memory_space<vmem>>, vector<1x1000x128xf32>
    %get3A_3 = vector.shape_cast %get3A_2 : vector<1x1000x128xf32> to vector<1000x128xf32>
    %get3A_4 = arith.constant 1 : index
    %get3A_5 = arith.constant 0 : index
    %get3A_6 = arith.constant 0 : index
    %get3A_7 = vector.load %arg1[%get3A_4, %get3A_5, %get3A_6] : memref<2x1000x128xf32, #tpu.memory_space<vmem>>, vector<1x1000x128xf32>
    %get3A_8 = vector.shape_cast %get3A_7 : vector<1x1000x128xf32> to vector<1000x128xf32>
    %add3A = arith.addf %get3A_3, %get3A_8 : vector<1000x128xf32>
    %swap3A = arith.constant 0 : index
    %swap3A_9 = arith.constant 0 : index
    %swap3A_10 = vector.load %arg2[%swap3A, %swap3A_9] : memref<1000x128xf32, #tpu.memory_space<vmem>>, vector<1000x128xf32>
    tpu.vector_store %arg2[%swap3A, %swap3A_9], %add3A {strides = array<i32>} : memref<1000x128xf32, #tpu.memory_space<vmem>>, vector<1000x128xf32>,
    return
  }
  func.func @transform_0(%arg0: i32) -> (i32, i32, i32) {
    %c0_i32 = arith.constant 0 : i32
    %c0_i32_0 = arith.constant 0 : i32
    %c0_i32_1 = arith.constant 0 : i32
    return %c0_i32, %arg0, %c0_i32_0 : i32, i32, i32
  }
  func.func @transform_1(%arg0: i32) -> (i32, i32) {
    %c0_i32 = arith.constant 0 : i32
    %c0_i32_0 = arith.constant 0 : i32
    return %arg0, %c0_i32 : i32, i32
  }
}

</mosaic_0001>

<sc_bundles>
// kernel: kernel.4.cloned.1.call-start
scs
__scs_entry_jumppad:
0x0: {  	(pc) =	sbr.rel $0x88, $3  }
0x1: {  	(tag) =	ssettag $0x0;
	lr =	simm.s32 $0x1  }
0x2: {  	[smem:$0x3F9E] =	sst lr;
	_ =	strace $0xD0000000  }
0x3: {  	_ = 	snop  }
0x4: {  	_ = 	snop  }
0x5: {  	_ = 	snop  }
0x6: {  	_ = 	snop  }
0x7: {  	_ = 	snop  }
__scs_overlays_trampoline_lowered:
0x8: {  	[smem:$0x3FAD] =	sst s0  }
0x9: {  	[smem:$0x3FAE] =	sst s1  }
0xa: {  	[smem:$0x3FAF] =	sst s2  }
0xb: {  	[smem:$0x3FB0] =	sst s3  }
0xc: {  	[smem:$0x3FB1] =	sst s4  }
0xd: {  	[smem:$0x3FB2] =	sst s5  }
0xe: {  	[smem:$0x3FB3] =	sst s6  }
0xf: {  	[smem:$0x3FB4] =	sst s7  }
0x10: {  	[smem:$0x3FB5] =	sst s8  }
0x11: {  	[smem:$0x3FB6] =	sst s9;
	s0 =	simm.s32 @!p0 $0x0  }
0x12: {  	s1 =	sld [smem:$0x3F9C];
	s0 =	simm.s32 @p0 $0x1  }
0x13: {  	[smem:$0x3FB7] =	sst s0;
	s0 =	simm.s32 @!p1 $0x0  }
0x14: {  	s2 =	sld [smem:$0x3F9B];
	s0 =	simm.s32 @p1 $0x1  }
0x15: {  	[smem:$0x3FB8] =	sst s0;
	s0 =	simm.s32 @!p2 $0x0  }
0x16: {  	s3 =	sld [smem:$0x3FDB];
	s0 =	simm.s32 @p2 $0x1  }
0x17: {  	s4 =	simm.s32 $0x1BF5;
	[smem:$0x3FBA] =	sst s0  }
0x18: {  	s0 =	sld [smem:$0x3F9D];
	_ =	swait.ge [sflag:s4], $0x0  }
0x19: {  	s7 =	sld [smem:$0x3F9E]  }
0x1a: {  	s8 =	sadd.s32 $0xFFFFE003, lr  }
0x1b: {  	s9 =	sadd.s32 $0xFFFFFEF7, lr;
	s5 =	simm.s32 $0xFFFFFFFF;
	p2 =	slt.u32 s8, $0xFFFFF086  }
0x1c: {  	p1 =	slt.u32 s9, $0xF7A;
	s5 =	simm.s32 @!p2 $0x0  }
0x1d: {  	s5 =	simm.s32 @p1 $0x1;
	p0 =	seq.s32 s7, s2  }
0x1e: {  	s7 =	smul.u32 @!p0 $0xF7A, s2;
	p2 =	seq.s32 @!p0 s5, $0x0  }
0x1f: {  	s9 =	smul.u32 $0xF7A, s1;
	s8 =	simm.s32 @!p0 $0x1BF5;
	p2 =	por !p2, p0  }
0x20: {  	[sflag:s8] =	ssyncset.s32 @!p0 $0xFFFFF086;
	s6 =	sadd.s32 @!p0 s3, s7;
	s7 =	simm.s32 @!p0 $0x108  }
0x21: {  	s3 =	sadd.s32 s3, s9;
	s6 =	sadd.s32 @!p0 $0x88, s6;
	s7 =	simm.s32 @p2 $0x1082  }
0x22: {  	[simem:s7], [sflag:s8] =	dma.local @!p0 [hbm:s6], $0xF7A  }
0x23: {  	s9 =	sor.u32 $0xD0000000, s2;
	s6 =	simm.s32 $0x108;
	_ =	swait.ge @!p0 [sflag:s8], $0x0  }
0x24: {  	s3 =	sadd.s32 $0x88, s3;
	s6 =	simm.s32 @!p1 $0x1082;
	[sflag:s4] =	ssyncset.s32 $0xFFFFF086  }
0x25: {  	[simem:s6], [sflag:s4] =	dma.local [hbm:s3], $0xF7A  }
0x26: {  	[smem:$0x3F9E] =	sst s1;
	(tag) =	ssettag s2;
	_ =	strace s9  }
0x27: {  	s1 =	sld [smem:$0x3FAE]  }
0x28: {  	s2 =	sld [smem:$0x3FAF]  }
0x29: {  	s4 =	sld [smem:$0x3FB1]  }
0x2a: {  	p0 =	seq.s32 s5, $0x0;
	s5 =	sld [smem:$0x3FB2]  }
0x2b: {  	s6 =	sld [smem:$0x3FB3]  }
0x2c: {  	s7 =	sld [smem:$0x3FB4]  }
0x2d: {  	s3 =	simm.s32 $0x108;
	s8 =	sld [smem:$0x3FB5]  }
0x2e: {  	s3 =	simm.s32 @!p0 $0x1082;
	s9 =	sld [smem:$0x3FB6]  }
0x2f: {  	lr =	sadd.s32 s0, s3;
	s0 =	sld [smem:$0x3FAD]  }
0x30: {  	s3 =	sld [smem:$0x3FB0]  }
0x31: {  	[smem:$0x3FB9] =	sst s10  }
0x32: {  	s10 =	sld [smem:$0x3FB7];
	_ =	sdelay $0x3  }
0x33: {  	p0 =	seq.s32 s10, $0x1;
	s10 =	sld [smem:$0x3FB9];
	_ =	sdelay $0x3  }
0x34: {  	[smem:$0x3FB9] =	sst s10  }
0x35: {  	s10 =	sld [smem:$0x3FB8];
	_ =	sdelay $0x3  }
0x36: {  	p1 =	seq.s32 s10, $0x1;
	s10 =	sld [smem:$0x3FB9];
	_ =	sdelay $0x3  }
0x37: {  	[smem:$0x3FB9] =	sst s10  }
0x38: {  	s10 =	sld [smem:$0x3FBA]  }
0x39: {  	_ = 	snop;
	(pc) =	sbr.ind lr, $3  }
0x3a: {  	_ = 	snop  }
0x3b: {  	_ = 	snop  }
0x3c: {  	p2 =	seq.s32 s10, $0x1;
	s10 =	sld [smem:$0x3FB9]  }
0x3d: {  	_ =	shalt  }
0x3e: {  	_ =	shalt  }
0x3f: {  	_ =	shalt  }
0x40: {  	_ =	shalt  }
0x41: {  	_ =	shalt  }
0x42: {  	_ =	shalt  }
0x43: {  	_ =	shalt  }
0x44: {  	_ =	shalt  }
0x45: {  	_ =	shalt  }
0x46: {  	_ =	shalt  }
0x47: {  	_ =	shalt  }
0x48: {  	_ =	shalt  }
0x49: {  	_ =	shalt  }
0x4a: {  	_ =	shalt  }
0x4b: {  	_ =	shalt  }
0x4c: {  	_ =	shalt  }
0x4d: {  	_ =	shalt  }
0x4e: {  	_ =	shalt  }
0x4f: {  	_ =	shalt  }
0x50: {  	_ =	shalt  }
0x51: {  	_ =	shalt  }
0x52: {  	_ =	shalt  }
0x53: {  	_ =	shalt  }
0x54: {  	_ =	shalt  }
0x55: {  	_ =	shalt  }
0x56: {  	_ =	shalt  }
0x57: {  	_ =	shalt  }
0x58: {  	_ =	shalt  }
0x59: {  	_ =	shalt  }
0x5a: {  	_ =	shalt  }
0x5b: {  	_ =	shalt  }
0x5c: {  	_ =	shalt  }
0x5d: {  	_ =	shalt  }
0x5e: {  	_ =	shalt  }
0x5f: {  	_ =	shalt  }
0x60: {  	_ =	shalt  }
0x61: {  	_ =	shalt  }
0x62: {  	_ =	shalt  }
0x63: {  	_ =	shalt  }
0x64: {  	_ =	shalt  }
0x65: {  	_ =	shalt  }
0x66: {  	_ =	shalt  }
0x67: {  	_ =	shalt  }
0x68: {  	_ =	shalt  }
0x69: {  	_ =	shalt  }
0x6a: {  	_ =	shalt  }
0x6b: {  	_ =	shalt  }
0x6c: {  	_ =	shalt  }
0x6d: {  	_ =	shalt  }
0x6e: {  	_ =	shalt  }
0x6f: {  	_ =	shalt  }
0x70: {  	_ =	shalt  }
0x71: {  	_ =	shalt  }
0x72: {  	_ =	shalt  }
0x73: {  	_ =	shalt  }
0x74: {  	_ =	shalt  }
0x75: {  	_ =	shalt  }
0x76: {  	_ =	shalt  }
0x77: {  	_ =	shalt  }
0x78: {  	_ =	shalt  }
0x79: {  	_ =	shalt  }
0x7a: {  	_ =	shalt  }
0x7b: {  	_ =	shalt  }
0x7c: {  	_ =	shalt  }
0x7d: {  	_ =	shalt  }
0x7e: {  	_ =	shalt  }
0x7f: {  	_ =	shalt  }
0x80: {  	_ =	shalt  }
0x81: {  	_ =	shalt  }
0x82: {  	_ =	shalt  }
0x83: {  	_ =	shalt  }
0x84: {  	_ =	shalt  }
0x85: {  	_ =	shalt  }
0x86: {  	_ =	shalt  }
0x87: {  	_ =	shalt  }
.Lfunc_end0:
.L_simem_size_0:
called_computation_lowered:
.L_overlay_start_0:
0x88: {  	s2 =	sld [smem:$0x3FD9]  }
0x89: {  	s3 =	sld [smem:$0x3FFE];
	_ =	sdelay $0x1  }
0x8a: {  	s1 =	srdreg.scid  }
0x8b: {  	s0 =	sand.u32 $0x1, s1  }
0x8c: {  	s17 =	sshll.u32 s0, $0xA;
	s2 =	sadd.s32 s3, s2  }
0x8d: {  	s2 =	sadd.s32 s2, s17  }
0x8e: {  	[smem:$0x3FC5] =	sst s2  }
0x8f: {  	_ = 	snop  }
0x90: {  	s2 =	sld [smem:$0x3FC9]  }
0x91: {  	s18 =	sld [smem:$0x3FC7]  }
0x92: {  	s4 =	sld [smem:$0x3FD0];
	(tm) =	ssettm $0x1  }
0x93: {  	s5 =	sld [smem:$0x3FFB];
	_ =	sdelay $0x3  }
0x94: {  	_ =	strace s5  }
0x95: {  	s5 =	sld [smem:$0x3FFC];
	_ =	sdelay $0x3  }
0x96: {  	_ =	strace s5  }
0x97: {  	s5 =	sld [smem:$0x3FFD];
	_ =	sdelay $0x3  }
0x98: {  	_ =	strace s5  }
0x99: {  	_ =	strace $0x8FFFFFFF  }
0x9a: {  	s19 =	sld [smem:$0x3FDB];
	_ =	sdelay $0x1  }
0x9b: {  	s6 =	simm.s32 $_scs_section_size  }
0x9c: {  	s7 =	simm.s32 $_size__tile_overlayer_lowered;
	s8 =	simm.s32 $_tile_overlayer_lowered  }
0x9d: {  	s22 =	simm.s32 $0x1BFF;
	s21 =	sshll.u32 s8, $0x1;
	s5 =	sadd.s32 s6, s19  }
0x9e: {  	s9 =	simm.s32 $0x0;
	s20 =	sshll.u32 s7, $0x1;
	s7 =	sadd.s32 s21, s5  }
0x9f: {  	[timem:s9], [sflag:s22] =	dma.local [hbm:s7], s20  }
0xa0: {  	_ =	swait.ge [sflag:s22], s20  }
0xa1: {  	s6 =	ssub.s32 $0x0, s20;
	[sflag:s22] =	ssyncset.done $0x0  }
0xa2: {  	[sflag:s22] =	ssyncadd.s32 s6;
	_ =	sdelay $0x1  }
0xa3: {  	s23 =	simm.s32 $0x1B8B  }
0xa4: {  	_ =	swait.ge [sflag:s23], $0x1  }
0xa5: {  	[sflag:s23] =	ssyncset.done $0x0  }
0xa6: {  	s25 =	simm.s32 $0x1B8E;
	s24 =	sld [smem:$0x3FFE];
	[sflag:s23] =	ssyncadd.s32 $0xFFFFFFFF  }
0xa7: {  	s26 =	simm.s32 $execute0_lowered;
	[smem:$0x3FD2] =	sst s25  }
0xa8: {  	s7 =	sshll.u32 s26, $0x1;
	_ =	strace $0x80000046;
	[dreg:$0x1] =	wrdreg $0xFFFFFFFF  }
0xa9: {  	s28 =	simm.s32 $_size_execute0_lowered;
	s5 =	sadd.s32 s5, s7;
	[dreg:$0x0] =	wrdreg $0x0  }
0xaa: {  	s7 =	sshll.u32 s28, $0x1;
	[dreg:$0x2] =	wrdreg s5  }
0xab: {  	[dreg:$0x3] =	wrdreg s7  }
0xac: {  	[dreg:$0x4] =	wrdreg $0xC0  }
0xad: {  	_ =	task [dreg:s9], $0x5FFFF  }
0xae: {  	[dreg:$0x1] =	wrdreg $0xFFFFFFFF  }
0xaf: {  	[dreg:$0x0] =	wrdreg $0x60  }
0xb0: {  	[dreg:$0x2] =	wrdreg s2  }
0xb1: {  	[dreg:$0x3] =	wrdreg s4  }
0xb2: {  	[dreg:$0x4] =	wrdreg s18  }
0xb3: {  	[dreg:$0x5] =	wrdreg s24  }
0xb4: {  	[dreg:$0x6] =	wrdreg $0x41800  }
0xb5: {  	[dreg:$0x7] =	wrdreg $0x9  }
0xb6: {  	_ =	task.clear_ibuf [dreg:s9], $0x8FFFF;
	_ =	strace $0x90000046  }
0xb7: {  	s29 =	simm.s32 $0x9;
	_ =	strace $0x80000048  }
0xb8: {  	_ =	swait.ge [sflag:s29], $0x1  }
0xb9: {  	[sflag:s29] =	ssyncadd.s32 $0xFFFFFFFF  }
0xba: {  	_ =	strace $0x90000048  }
0xbb: {  	_ =	sfence  }
0xbc: {  	s30 =	sld [smem:$0x0];
	_ =	sdelay $0x2  }
0xbd: {  	s31 =	sshll.u32 s1, $0xD;
	s1 =	sshrl.u32 s1, $0x2  }
0xbe: {  	s3 =	sand.u32 $0x4000, s31;
	s1 =	sadd.s32 s1, s30  }
0xbf: {  	s0 =	sor.u32 s3, s0;
	s1 =	sshll.u32 s1, $0x11  }
0xc0: {  	s0 =	sor.u32 s1, s0  }
0xc1: {  	s0 =	sadd.s32 $0x8F2B, s0  }
0xc2: {  	[sflag:s0] =	ssyncadd.remote.s32 $0x1  }
0xc3: {  	_ =	sfence.sel $0xFFFF  }
0xc4: {  	[dreg:$0x0] =	wrdreg $0xFFFFFFFF;
	(pc) =	sbr.abs _section_cstart, $3  }
0xc5: {  	[dreg:$0x1] =	wrdreg $0xFFFFFFFF  }
0xc6: {  	_ =	task.clear_ibuf [dreg:s9], $0x2FFFF;
	_ =	strace $0x9FFFFFFF  }
0xc7: {  	(tm) =	ssettm $0x7FFFFFFF  }
tec
execute0_lowered:
.L_overlay_start_1:
0x0: {  	(tag) =	ssettag $0x1  }
0x1: {  	s1 =	rddreg [dreg:$0x0]  }
0x2: {  	s2 =	rddreg [dreg:$0x1]  }
0x3: {  	s3 =	rddreg [dreg:$0x2]  }
0x4: {  	s8 =	rddreg [dreg:$0x3]  }
0x5: {  	s4 =	rddreg [dreg:$0x4]  }
0x6: {  	s5 =	srdreg.scid;
	s0 =	rddreg [dreg:$0x5];
	s6 =	simm.s32 $0x0  }
0x7: {  	s15 =	simm.s32 $0x100;
	s16 =	simm.s32 $0x80;
	s9 =	sand.u32 $0x1, s5  }
0x8: {  	s17 =	simm.s32 $0x180;
	s5 =	stileid.u32;
	s10 =	smul.u32 $0x13C000, s9  }
0x9: {  	s18 =	simm.s32 $0x1;
	[smem:$0x7FF] =	sst s6;
	s11 =	smul.u32 $0x13C00, s5  }
0xa: {  	s7 =	sadd.s32 $0x800, s8;
	_ =	strace $0x80000047;
	s13 =	smul.u32 $0x4F000, s5  }
0xb: {  	s26 =	ssub.s32 $0x2, s9;
	s28 =	sshll.u32 s5, $0x1;
	s30 =	sshll.u32 s5, $0x6  }
0xc: {  	s12 =	sshrl.u32 s26, $0x1;
	s10 =	sadd.s32 s11, s10;
	s29 =	sshrl.u32 s13, $0x2  }
0xd: {  	s12 =	ssub.s32 s26, s12;
	s10 =	sshrl.u32 s10, $0x3;
	s14 =	sadd.s32 s29, s4  }
0xe: {  	s12 =	smax.u32 s12, $0x1;
	s10 =	sadd.s32 s10, s8;
	s8 =	sor.u32 s28, s9  }
0xf: {  	s9 =	sor.u32 $0x1C02, s30;
	s13 =	sshrl.u32 s14, $0x3;
	s31 =	ssub.s32 $0x9E3, s8  }
0x10: {  	s14 =	simm.s32 $0x2;
	s10 =	sadd.s32 $0x3000, s10;
	s11 =	sshrl.u32 s31, $0x5  }
.LBB2_1:
0x11: {  	[spmem:s13], [sflag:s9] =	dma.local [hbm:s7], $0x2780  }
0x12: {  	_ =	swait.ge [sflag:s14], $0x2780  }
0x13: {  	[sflag:s14] =	ssyncset.done $0x0  }
0x14: {  	[sflag:s14] =	ssyncadd.s32 $0xFFFFD880  }
0x15: {  	s19 =	simm.s32 $0x0;
	[bflag:$0x0] =	sbarrier.arrive $0xFFFF  }
.LBB2_2:
0x16: {  	s20 =	sshll.u32 s19, $0x5  }
0x17: {  	s21 =	sor.u32 s8, s20  }
0x18: {  	s20 =	sshll.u32 s21, $0x5  }
0x19: {  	s20 =	sand.u32 $0x1FFFFFE0, s20  }
0x1a: {  	s22 =	sadd.s32 s2, s20;
	s20 =	simm.s32 $0x0  }
0x1b: {  	[tilespmem:s20], [sflag:$0x2] =	stream.linear.gather [hbm4b:s22+s20], $0x100, $0x38;
	[tilespmem:$0x17D80] =	vst v63  }
0x1c: {  	s21 =	sshll.u32 s21, $0x4;
	_ =	swait.ge [sflag:s14], $0x100  }
0x1d: {  	s21 =	sand.u32 $0x1FFFFFF0, s21;
	[sflag:s14] =	ssyncset.done $0x0  }
0x1e: {  	s21 =	sadd.s32 s3, s21;
	[sflag:s14] =	ssyncadd.s32 $0xFFFFFF00  }
0x1f: {  	[tilespmem:s15], [sflag:$0x2] =	stream.linear.gather [hbm4b:s21+s20], $0x80, $0x38;
	[tilespmem:$0x17D80] =	vst v63  }
0x20: {  	_ =	swait.ge [sflag:s14], $0x80  }
0x21: {  	[sflag:s14] =	ssyncset.done $0x0  }
0x22: {  	[sflag:s14] =	ssyncadd.s32 $0xFFFFFF80  }
0x23: {  	[tilespmem:s17], [sflag:$0x1] =	stream.indirect.gather [hbm4b:s1+s16], $0x80, s20, s16, $0xb8;
	[tilespmem:$0x17D80] =	vst v63  }
0x24: {  	_ =	swait.ge [sflag:s18], $0x4000  }
0x25: {  	[sflag:s18] =	ssyncset.done $0x0  }
0x26: {  	[sflag:s18] =	ssyncadd.s32 $0xFFFFC000  }
.LBB2_3:
0x27: {  	s21 =	sshll.u32 s20, $0x4  }
0x28: {  	s21 =	sand.u32 $0x3FFFFFF0, s21  }
0x29: {  	s31 =	sshll.u32 s20, $0xB;
	v0 =	vld [tilespmem:s21+$0x100]  }
0x2a: {  	s21 =	sand.u32 $0x3FFFF800, s31  }
0x2b: {  	v1 =	vld [tilespmem:s21+$0x180]  }
0x2c: {  	v2 =	vld [tilespmem:s21+$0x190]  }
0x2d: {  	v3 =	vld [tilespmem:s21+$0x1A0]  }
0x2e: {  	v5 =	vld [tilespmem:s21+$0x1B0];
	v4 =	vbroadcast v0, $0x0  }
0x2f: {  	v6 =	vld [tilespmem:s21+$0x1C0]  }
0x30: {  	v7 =	vld [tilespmem:s21+$0x1D0];
	v1 =	vmul.f32 v4, v1  }
0x31: {  	v8 =	vld [tilespmem:s21+$0x1E0];
	v2 =	vmul.f32 v2, v4  }
0x32: {  	v14 =	vld [tilespmem:s21+$0x1F0];
	v13 =	vmul.f32 v3, v4;
	[tilespmem:s21+$0x180] =	vst v1  }
0x33: {  	v16 =	vld [tilespmem:s21+$0x200];
	v15 =	vmul.f32 v5, v4;
	[tilespmem:s21+$0x190] =	vst v2  }
0x34: {  	v18 =	vld [tilespmem:s21+$0x210];
	v17 =	vmul.f32 v6, v4;
	[tilespmem:s21+$0x1A0] =	vst v13  }
0x35: {  	v20 =	vld [tilespmem:s21+$0x220];
	v19 =	vmul.f32 v7, v4;
	[tilespmem:s21+$0x1B0] =	vst v15  }
0x36: {  	v9 =	vld [tilespmem:s21+$0x230];
	v22 =	vbroadcast v0, $0x1;
	v21 =	vmul.f32 v8, v4;
	[tilespmem:s21+$0x1C0] =	vst v17  }
0x37: {  	v24 =	vld [tilespmem:s21+$0x240];
	v23 =	vmul.f32 v14, v4;
	[tilespmem:s21+$0x1D0] =	vst v19  }
0x38: {  	v26 =	vld [tilespmem:s21+$0x250];
	v25 =	vmul.f32 v16, v22;
	[tilespmem:s21+$0x1E0] =	vst v21  }
0x39: {  	v28 =	vld [tilespmem:s21+$0x260];
	v27 =	vmul.f32 v18, v22;
	[tilespmem:s21+$0x1F0] =	vst v23  }
0x3a: {  	v30 =	vld [tilespmem:s21+$0x270];
	v29 =	vmul.f32 v20, v22;
	[tilespmem:s21+$0x200] =	vst v25  }
0x3b: {  	v32 =	vld [tilespmem:s21+$0x280];
	v31 =	vmul.f32 v9, v22;
	[tilespmem:s21+$0x210] =	vst v27  }
0x3c: {  	v34 =	vld [tilespmem:s21+$0x290];
	v33 =	vmul.f32 v24, v22;
	[tilespmem:s21+$0x220] =	vst v29  }
0x3d: {  	v36 =	vld [tilespmem:s21+$0x2A0];
	v35 =	vmul.f32 v26, v22;
	[tilespmem:s21+$0x230] =	vst v31  }
0x3e: {  	v39 =	vld [tilespmem:s21+$0x2B0];
	v38 =	vbroadcast v0, $0x2;
	v37 =	vmul.f32 v28, v22;
	[tilespmem:s21+$0x240] =	vst v33  }
0x3f: {  	v41 =	vld [tilespmem:s21+$0x2C0];
	v40 =	vmul.f32 v30, v22;
	[tilespmem:s21+$0x250] =	vst v35  }
0x40: {  	v43 =	vld [tilespmem:s21+$0x2D0];
	v42 =	vmul.f32 v32, v38;
	[tilespmem:s21+$0x260] =	vst v37  }
0x41: {  	v45 =	vld [tilespmem:s21+$0x2E0];
	v44 =	vmul.f32 v34, v38;
	[tilespmem:s21+$0x270] =	vst v40  }
0x42: {  	v47 =	vld [tilespmem:s21+$0x2F0];
	v46 =	vmul.f32 v36, v38;
	[tilespmem:s21+$0x280] =	vst v42  }
0x43: {  	v49 =	vld [tilespmem:s21+$0x300];
	v48 =	vmul.f32 v39, v38;
	[tilespmem:s21+$0x290] =	vst v44  }
0x44: {  	v51 =	vld [tilespmem:s21+$0x310];
	v50 =	vmul.f32 v41, v38;
	[tilespmem:s21+$0x2A0] =	vst v46  }
0x45: {  	v53 =	vld [tilespmem:s21+$0x320];
	v52 =	vmul.f32 v43, v38;
	[tilespmem:s21+$0x2B0] =	vst v48  }
0x46: {  	v12 =	vld [tilespmem:s21+$0x370];
	v55 =	vbroadcast v0, $0x3;
	v54 =	vmul.f32 v45, v38;
	[tilespmem:s21+$0x2C0] =	vst v50  }
0x47: {  	v56 =	vld [tilespmem:s21+$0x330];
	v57 =	vmul.f32 v47, v38;
	[tilespmem:s21+$0x2D0] =	vst v52  }
0x48: {  	v58 =	vld [tilespmem:s21+$0x340];
	v59 =	vmul.f32 v49, v55;
	[tilespmem:s21+$0x2E0] =	vst v54  }
0x49: {  	v60 =	vld [tilespmem:s21+$0x350];
	v61 =	vmul.f32 v51, v55;
	[tilespmem:s21+$0x2F0] =	vst v57  }
0x4a: {  	v62 =	vld [tilespmem:s21+$0x360];
	v63 =	vmul.f32 v53, v55;
	[tilespmem:s21+$0x300] =	vst v59  }
0x4b: {  	v14 =	vld [tilespmem:s21+$0x380];
	v22 =	vmul.f32 v12, v55;
	[tilespmem:s21+$0x310] =	vst v61  }
0x4c: {  	v16 =	vld [tilespmem:s21+$0x390];
	v13 =	vmul.f32 v56, v55;
	[tilespmem:s21+$0x320] =	vst v63  }
0x4d: {  	v18 =	vld [tilespmem:s21+$0x3A0];
	v15 =	vmul.f32 v58, v55;
	[tilespmem:s21+$0x370] =	vst v22  }
0x4e: {  	v20 =	vbroadcast v0, $0x4;
	v38 =	vld [tilespmem:s21+$0x430];
	v17 =	vmul.f32 v60, v55;
	[tilespmem:s21+$0x330] =	vst v13  }
0x4f: {  	v19 =	vmul.f32 v62, v55;
	v21 =	vld [tilespmem:s21+$0x3B0];
	[tilespmem:s21+$0x340] =	vst v15  }
0x50: {  	v23 =	vld [tilespmem:s21+$0x3C0];
	[tilespmem:s21+$0x350] =	vst v17;
	v24 =	vmul.f32 v14, v20  }
0x51: {  	v25 =	vld [tilespmem:s21+$0x3D0];
	v37 =	vbroadcast v0, $0x5;
	[tilespmem:s21+$0x360] =	vst v19;
	v26 =	vmul.f32 v16, v20  }
0x52: {  	v27 =	vld [tilespmem:s21+$0x3E0];
	v28 =	vmul.f32 v18, v20;
	[tilespmem:s21+$0x380] =	vst v24  }
0x53: {  	v29 =	vld [tilespmem:s21+$0x3F0];
	v47 =	vmul.f32 v38, v37;
	[tilespmem:s21+$0x390] =	vst v26  }
0x54: {  	v31 =	vld [tilespmem:s21+$0x400];
	v30 =	vmul.f32 v21, v20;
	[tilespmem:s21+$0x3A0] =	vst v28  }
0x55: {  	v33 =	vld [tilespmem:s21+$0x410];
	v32 =	vmul.f32 v23, v20;
	[tilespmem:s21+$0x430] =	vst v47  }
0x56: {  	v35 =	vld [tilespmem:s21+$0x420];
	v34 =	vmul.f32 v25, v20;
	[tilespmem:s21+$0x3B0] =	vst v30  }
0x57: {  	v40 =	vld [tilespmem:s21+$0x440];
	v36 =	vmul.f32 v27, v20;
	[tilespmem:s21+$0x3C0] =	vst v32  }
0x58: {  	v42 =	vld [tilespmem:s21+$0x450];
	v39 =	vmul.f32 v29, v20;
	[tilespmem:s21+$0x3D0] =	vst v34  }
0x59: {  	v44 =	vld [tilespmem:s21+$0x460];
	v41 =	vmul.f32 v31, v37;
	[tilespmem:s21+$0x3E0] =	vst v36  }
0x5a: {  	v46 =	vld [tilespmem:s21+$0x470];
	v43 =	vmul.f32 v33, v37;
	[tilespmem:s21+$0x3F0] =	vst v39  }
0x5b: {  	v48 =	vld [tilespmem:s21+$0x480];
	v45 =	vmul.f32 v35, v37;
	[tilespmem:s21+$0x400] =	vst v41  }
0x5c: {  	v50 =	vld [tilespmem:s21+$0x490];
	v49 =	vmul.f32 v40, v37;
	[tilespmem:s21+$0x410] =	vst v43  }
0x5d: {  	v52 =	vld [tilespmem:s21+$0x4A0];
	v51 =	vmul.f32 v42, v37;
	[tilespmem:s21+$0x420] =	vst v45  }
0x5e: {  	v54 =	vbroadcast v0, $0x6;
	v55 =	vld [tilespmem:s21+$0x4B0];
	v53 =	vmul.f32 v44, v37;
	[tilespmem:s21+$0x440] =	vst v49  }
0x5f: {  	v57 =	vld [tilespmem:s21+$0x4C0];
	v56 =	vmul.f32 v46, v37;
	[tilespmem:s21+$0x450] =	vst v51  }
0x60: {  	v59 =	vld [tilespmem:s21+$0x4D0];
	v58 =	vmul.f32 v48, v54;
	[tilespmem:s21+$0x460] =	vst v53  }
0x61: {  	v61 =	vld [tilespmem:s21+$0x4E0];
	v60 =	vmul.f32 v50, v54;
	[tilespmem:s21+$0x470] =	vst v56  }
0x62: {  	v63 =	vld [tilespmem:s21+$0x4F0];
	v62 =	vmul.f32 v52, v54;
	[tilespmem:s21+$0x480] =	vst v58  }
0x63: {  	v22 =	vld [tilespmem:s21+$0x540];
	v12 =	vmul.f32 v55, v54;
	[tilespmem:s21+$0x490] =	vst v60  }
0x64: {  	v13 =	vld [tilespmem:s21+$0x500];
	v14 =	vmul.f32 v57, v54;
	[tilespmem:s21+$0x4A0] =	vst v62  }
0x65: {  	v15 =	vld [tilespmem:s21+$0x510];
	v16 =	vmul.f32 v59, v54;
	[tilespmem:s21+$0x4B0] =	vst v12  }
0x66: {  	v17 =	vld [tilespmem:s21+$0x520];
	v19 =	vbroadcast v0, $0x7;
	v18 =	vmul.f32 v61, v54;
	[tilespmem:s21+$0x4C0] =	vst v14  }
0x67: {  	v20 =	vld [tilespmem:s21+$0x530];
	v21 =	vmul.f32 v63, v54;
	[tilespmem:s21+$0x4D0] =	vst v16  }
0x68: {  	v24 =	vld [tilespmem:s21+$0x550];
	v31 =	vmul.f32 v22, v19;
	[tilespmem:s21+$0x4E0] =	vst v18  }
0x69: {  	v26 =	vld [tilespmem:s21+$0x560];
	v23 =	vmul.f32 v13, v19;
	[tilespmem:s21+$0x4F0] =	vst v21  }
0x6a: {  	v28 =	vld [tilespmem:s21+$0x570];
	v25 =	vmul.f32 v15, v19;
	[tilespmem:s21+$0x540] =	vst v31  }
0x6b: {  	v37 =	vld [tilespmem:s21+$0x5B0];
	v27 =	vmul.f32 v17, v19;
	[tilespmem:s21+$0x500] =	vst v23  }
0x6c: {  	v47 =	vld [tilespmem:s21+$0x600];
	[tilespmem:s21+$0x510] =	vst v25;
	v29 =	vmul.f32 v20, v19  }
0x6d: {  	v54 =	vld [tilespmem:s21+$0x630];
	[tilespmem:s21+$0x520] =	vst v27;
	v33 =	vmul.f32 v24, v19  }
0x6e: {  	v30 =	vld [tilespmem:s21+$0x580];
	v36 =	vbroadcast v0, $0x8;
	v35 =	vmul.f32 v26, v19;
	[tilespmem:s21+$0x530] =	vst v29  }
0x6f: {  	v32 =	vld [tilespmem:s21+$0x590];
	v53 =	vbroadcast v0, $0x9;
	v38 =	vmul.f32 v28, v19;
	[tilespmem:s21+$0x550] =	vst v33  }
0x70: {  	v34 =	vld [tilespmem:s21+$0x5A0];
	v46 =	vmul.f32 v37, v36;
	[tilespmem:s21+$0x560] =	vst v35  }
0x71: {  	v39 =	vld [tilespmem:s21+$0x5C0];
	v57 =	vmul.f32 v47, v53;
	[tilespmem:s21+$0x570] =	vst v38  }
0x72: {  	v41 =	vld [tilespmem:s21+$0x5D0];
	v63 =	vmul.f32 v54, v53;
	[tilespmem:s21+$0x5B0] =	vst v46  }
0x73: {  	v43 =	vld [tilespmem:s21+$0x5E0];
	v40 =	vmul.f32 v30, v36;
	[tilespmem:s21+$0x600] =	vst v57  }
0x74: {  	v45 =	vld [tilespmem:s21+$0x5F0];
	v42 =	vmul.f32 v32, v36;
	[tilespmem:s21+$0x630] =	vst v63  }
0x75: {  	v49 =	vld [tilespmem:s21+$0x610];
	v44 =	vmul.f32 v34, v36;
	[tilespmem:s21+$0x580] =	vst v40  }
0x76: {  	v51 =	vld [tilespmem:s21+$0x620];
	v48 =	vmul.f32 v39, v36;
	[tilespmem:s21+$0x590] =	vst v42  }
0x77: {  	v56 =	vld [tilespmem:s21+$0x640];
	v50 =	vmul.f32 v41, v36;
	[tilespmem:s21+$0x5A0] =	vst v44  }
0x78: {  	v58 =	vld [tilespmem:s21+$0x650];
	v52 =	vmul.f32 v43, v36;
	[tilespmem:s21+$0x5C0] =	vst v48  }
0x79: {  	v60 =	vld [tilespmem:s21+$0x660];
	v55 =	vmul.f32 v45, v36;
	[tilespmem:s21+$0x5D0] =	vst v50  }
0x7a: {  	v62 =	vld [tilespmem:s21+$0x670];
	v59 =	vmul.f32 v49, v53;
	[tilespmem:s21+$0x5E0] =	vst v52  }
0x7b: {  	v12 =	vld [tilespmem:s21+$0x680];
	v61 =	vmul.f32 v51, v53;
	[tilespmem:s21+$0x5F0] =	vst v55  }
0x7c: {  	v14 =	vld [tilespmem:s21+$0x690];
	v13 =	vmul.f32 v56, v53;
	[tilespmem:s21+$0x610] =	vst v59  }
0x7d: {  	v16 =	vld [tilespmem:s21+$0x6A0];
	v15 =	vmul.f32 v58, v53;
	[tilespmem:s21+$0x620] =	vst v61  }
0x7e: {  	v18 =	vbroadcast v0, $0xA;
	v21 =	vld [tilespmem:s21+$0x6C0];
	v17 =	vmul.f32 v60, v53;
	[tilespmem:s21+$0x640] =	vst v13  }
0x7f: {  	v23 =	vld [tilespmem:s21+$0x6D0];
	v20 =	vmul.f32 v62, v53;
	[tilespmem:s21+$0x650] =	vst v15  }
0x80: {  	v25 =	vld [tilespmem:s21+$0x6E0];
	v22 =	vmul.f32 v12, v18;
	[tilespmem:s21+$0x660] =	vst v17  }
0x81: {  	v27 =	vld [tilespmem:s21+$0x6F0];
	v24 =	vmul.f32 v14, v18;
	[tilespmem:s21+$0x670] =	vst v20  }
0x82: {  	v31 =	vld [tilespmem:s21+$0x710];
	v26 =	vmul.f32 v16, v18;
	[tilespmem:s21+$0x680] =	vst v22  }
0x83: {  	v19 =	vld [tilespmem:s21+$0x6B0];
	v30 =	vmul.f32 v21, v18;
	[tilespmem:s21+$0x690] =	vst v24  }
0x84: {  	v29 =	vld [tilespmem:s21+$0x700];
	[tilespmem:s21+$0x6A0] =	vst v26;
	v32 =	vmul.f32 v23, v18  }
0x85: {  	v33 =	vld [tilespmem:s21+$0x720];
	v35 =	vbroadcast v0, $0xB;
	[tilespmem:s21+$0x6C0] =	vst v30;
	v34 =	vmul.f32 v25, v18  }
0x86: {  	v36 =	vld [tilespmem:s21+$0x730];
	v37 =	vmul.f32 v27, v18;
	[tilespmem:s21+$0x6D0] =	vst v32  }
0x87: {  	v38 =	vld [tilespmem:s21+$0x740];
	v41 =	vmul.f32 v31, v35;
	[tilespmem:s21+$0x6E0] =	vst v34  }
0x88: {  	v46 =	vld [tilespmem:s21+$0x780];
	v28 =	vmul.f32 v19, v18;
	[tilespmem:s21+$0x6F0] =	vst v37  }
0x89: {  	v53 =	vld [tilespmem:s21+$0x7B0];
	[tilespmem:s21+$0x710] =	vst v41;
	v39 =	vmul.f32 v29, v35  }
0x8a: {  	v57 =	vld [tilespmem:s21+$0x7D0];
	[tilespmem:s21+$0x6B0] =	vst v28;
	v43 =	vmul.f32 v33, v35  }
0x8b: {  	v63 =	vld [tilespmem:s21+$0x800];
	v52 =	vbroadcast v0, $0xC;
	v45 =	vmul.f32 v36, v35;
	[tilespmem:s21+$0x700] =	vst v39  }
0x8c: {  	v40 =	vld [tilespmem:s21+$0x750];
	v47 =	vmul.f32 v38, v35;
	[tilespmem:s21+$0x720] =	vst v43  }
0x8d: {  	v42 =	vld [tilespmem:s21+$0x760];
	v56 =	vmul.f32 v46, v52;
	[tilespmem:s21+$0x730] =	vst v45  }
0x8e: {  	v44 =	vld [tilespmem:s21+$0x770];
	v17 =	vbroadcast v0, $0xD;
	v62 =	vmul.f32 v53, v52;
	[tilespmem:s21+$0x740] =	vst v47  }
0x8f: {  	v48 =	vld [tilespmem:s21+$0x790];
	v14 =	vmul.f32 v57, v52;
	[tilespmem:s21+$0x780] =	vst v56  }
0x90: {  	v50 =	vld [tilespmem:s21+$0x7A0];
	v21 =	vmul.f32 v63, v17;
	[tilespmem:s21+$0x7B0] =	vst v62  }
0x91: {  	v55 =	vld [tilespmem:s21+$0x7C0];
	v49 =	vmul.f32 v40, v35;
	[tilespmem:s21+$0x7D0] =	vst v14  }
0x92: {  	v59 =	vld [tilespmem:s21+$0x7E0];
	v51 =	vmul.f32 v42, v35;
	[tilespmem:s21+$0x800] =	vst v21  }
0x93: {  	v61 =	vld [tilespmem:s21+$0x7F0];
	v54 =	vmul.f32 v44, v35;
	[tilespmem:s21+$0x750] =	vst v49  }
0x94: {  	v13 =	vld [tilespmem:s21+$0x810];
	v58 =	vmul.f32 v48, v52;
	[tilespmem:s21+$0x760] =	vst v51  }
0x95: {  	v15 =	vld [tilespmem:s21+$0x820];
	v60 =	vmul.f32 v50, v52;
	[tilespmem:s21+$0x770] =	vst v54  }
0x96: {  	v20 =	vld [tilespmem:s21+$0x840];
	v12 =	vmul.f32 v55, v52;
	[tilespmem:s21+$0x790] =	vst v58  }
0x97: {  	v22 =	vld [tilespmem:s21+$0x850];
	v16 =	vmul.f32 v59, v52;
	[tilespmem:s21+$0x7A0] =	vst v60  }
0x98: {  	v24 =	vld [tilespmem:s21+$0x860];
	v19 =	vmul.f32 v61, v52;
	[tilespmem:s21+$0x7C0] =	vst v12  }
0x99: {  	v26 =	vld [tilespmem:s21+$0x870];
	v23 =	vmul.f32 v13, v17;
	[tilespmem:s21+$0x7E0] =	vst v16  }
0x9a: {  	v30 =	vld [tilespmem:s21+$0x890];
	v25 =	vmul.f32 v15, v17;
	[tilespmem:s21+$0x7F0] =	vst v19  }
0x9b: {  	v18 =	vld [tilespmem:s21+$0x830];
	v29 =	vmul.f32 v20, v17;
	[tilespmem:s21+$0x810] =	vst v23  }
0x9c: {  	v32 =	vld [tilespmem:s21+$0x8A0];
	v31 =	vmul.f32 v22, v17;
	[tilespmem:s21+$0x820] =	vst v25  }
0x9d: {  	v34 =	vbroadcast v0, $0xE;
	v37 =	vld [tilespmem:s21+$0x8C0];
	v33 =	vmul.f32 v24, v17;
	[tilespmem:s21+$0x840] =	vst v29  }
0x9e: {  	v41 =	vld [tilespmem:s21+$0x8E0];
	v36 =	vmul.f32 v26, v17;
	[tilespmem:s21+$0x850] =	vst v31  }
0x9f: {  	v28 =	vld [tilespmem:s21+$0x880];
	v40 =	vmul.f32 v30, v34;
	[tilespmem:s21+$0x860] =	vst v33  }
0xa0: {  	v53 =	vld [tilespmem:s21+$0x940];
	v27 =	vmul.f32 v18, v17;
	[tilespmem:s21+$0x870] =	vst v36  }
0xa1: {  	v57 =	vld [tilespmem:s21+$0x960];
	v42 =	vmul.f32 v32, v34;
	[tilespmem:s21+$0x890] =	vst v40  }
0xa2: {  	v35 =	vld [tilespmem:s21+$0x8B0];
	v46 =	vmul.f32 v37, v34;
	[tilespmem:s21+$0x830] =	vst v27  }
0xa3: {  	v0 =	vbroadcast v0, $0xF;
	v39 =	vld [tilespmem:s21+$0x8D0];
	v50 =	vmul.f32 v41, v34;
	[tilespmem:s21+$0x8A0] =	vst v42  }
0xa4: {  	v43 =	vld [tilespmem:s21+$0x8F0];
	v38 =	vmul.f32 v28, v34;
	[tilespmem:s21+$0x8C0] =	vst v46  }
0xa5: {  	v45 =	vld [tilespmem:s21+$0x900];
	v61 =	vmul.f32 v53, v0;
	[tilespmem:s21+$0x8E0] =	vst v50  }
0xa6: {  	v47 =	vld [tilespmem:s21+$0x910];
	v63 =	vmul.f32 v57, v0;
	[tilespmem:s21+$0x880] =	vst v38  }
0xa7: {  	v55 =	vld [tilespmem:s21+$0x950];
	v44 =	vmul.f32 v35, v34;
	[tilespmem:s21+$0x940] =	vst v61  }
0xa8: {  	v49 =	vld [tilespmem:s21+$0x920];
	v48 =	vmul.f32 v39, v34;
	[tilespmem:s21+$0x960] =	vst v63  }
0xa9: {  	v51 =	vld [tilespmem:s21+$0x930];
	v52 =	vmul.f32 v43, v34;
	[tilespmem:s21+$0x8B0] =	vst v44  }
0xaa: {  	v59 =	vld [tilespmem:s21+$0x970];
	v54 =	vmul.f32 v45, v0;
	[tilespmem:s21+$0x8D0] =	vst v48  }
0xab: {  	v56 =	vmul.f32 v47, v0;
	[tilespmem:s21+$0x8F0] =	vst v52  }
0xac: {  	p0 =	sne.s32 s20, $0x7;
	v62 =	vmul.f32 v55, v0;
	[tilespmem:s21+$0x900] =	vst v54  }
.Ltmp0:
0xad: {  	v58 =	vmul.f32 v49, v0;
	[tilespmem:s21+$0x910] =	vst v56;
	(pc) =	sbr.rel @p0 .LBB2_3-.Ltmp0, $4  }
0xae: {  	v60 =	vmul.f32 v51, v0;
	[tilespmem:s21+$0x950] =	vst v62  }
0xaf: {  	v0 =	vmul.f32 v59, v0;
	[tilespmem:s21+$0x920] =	vst v58  }
0xb0: {  	[tilespmem:s21+$0x930] =	vst v60  }
0xb1: {  	s20 =	sadd.s32 $0x1, s20;
	[tilespmem:s21+$0x970] =	vst v0  }
0xb2: {  	s19 =	sadd.s32 $0x1, s19  }
0xb3: {  	p0 =	sne.s32 s19, s11  }
.Ltmp1:
0xb4: {  	_ = 	snop;
	(pc) =	sbr.rel @p0 .LBB2_2-.Ltmp1, $4  }
0xb5: {  	[spmem:s4] =	stream.indirect.scatter.add.f32 [tilespmem:s17], [sflag:$0x2], $0x80, s16, s16, $0xb8;
	[tilespmem:$0x17D80] =	vst v63  }
0xb6: {  	_ =	swait.ge [sflag:s14], $0x4000  }
0xb7: {  	[sflag:s14] =	ssyncset.done $0x0  }
0xb8: {  	[sflag:s14] =	ssyncadd.s32 $0xFFFFC000  }
0xb9: {  	s6 =	sadd.s32 $0x1, s6  }
0xba: {  	p0 =	sne.s32 s6, s12  }
.Ltmp2:
0xbb: {  	[bflag:$0x0] =	sbarrier.arrive $0xFFFF;
	(pc) =	sbr.rel @p0 .LBB2_1-.Ltmp2, $4  }
0xbc: {  	[hbm:s10], [sflag:s9] =	dma.local [spmem:s13], $0x2780  }
0xbd: {  	_ =	swait.ge [sflag:s14], $0x2780  }
0xbe: {  	[sflag:s14] =	ssyncset.done $0x0  }
0xbf: {  	[sflag:s14] =	ssyncadd.s32 $0xFFFFD880  }
0xc0: {  	_ =	sfence.sel $0x180000  }
0xc1: {  	[bflag:$0x0] =	sbarrier.arrive $0xFFFF  }
0xc2: {  	p0 =	sne.s32 s5, $0x0;
	_ =	strace $0x90000047  }
0xc3: {  	s0 =	sadd.s32 @!p0 $0x100000, s0;
	[bflag:$0x2] =	sbarrier.arrive $0xFFFF  }
0xc4: {  	[sflag:s0] =	ssyncadd.tile.s32 @!p0 $0x1;
	_ =	shalt  }
.Lfunc_end2:
_tile_overlayer_lowered:
.L_overlay_start_2:
0xc5: {  	(tag) =	ssettag $0x2  }
0xc6: {  	s0 =	rddreg [dreg:$0x0];
	s2 =	stileid.u32  }
0xc7: {  	s1 =	rddreg [dreg:$0x1];
	p0 =	sne.s32 s2, $0x0  }
0xc8: {  	s3 =	rddreg [dreg:$0x2];
	[bflag:$0x3] =	sbarrier.arrive $0xFFFF;
	s2 =	simm.s32 @!p0 $0x1C02  }
0xc9: {  	[timem:s3], [sflag:s2] =	dma.local @!p0 [hbm:s0], s1  }
0xca: {  	s0 =	simm.s32 @!p0 $0x2  }
0xcb: {  	_ =	swait.ge @!p0 [sflag:s0], s1  }
0xcc: {  	s1 =	ssub.s32 @!p0 $0x0, s1;
	[sflag:s0] =	ssyncset.done @!p0 $0x0  }
0xcd: {  	[sflag:s0] =	ssyncadd.s32 @!p0 s1  }
0xce: {  	[bflag:$0x3] =	sbarrier.arrive $0xFFFF  }
0xcf: {  	_ =	shalt  }

</sc_bundles>
